<compile_context>
chip_gen: v7x
topology: tpu7x:2x2x1
jax: 0.10.2.dev20260603
libtpu: 0.0.44.dev20260713+nightly
codegen_flags: <defaults>
</compile_context>

<pallas_src>
import jax
import jax.numpy as jnp
from jax import lax
from jax.experimental import pallas as pl
from jax.experimental.pallas import tpu as pltpu
from jax.experimental.pallas import tpu_sc as plsc

N_NODES = 100000
D = 32
E = 1280000

NC, NS = 2, 16
W = NC * NS
EW = E // W
GE = 320
NG = EW // GE
SPG = 4
SR = GE // SPG

FOLD = 4
RB = 1000


def _normalize(emb128):
    def body(x_ref, o_ref):
        x = x_ref[...]
        r = lax.broadcasted_iota(jnp.int32, (FOLD * D, FOLD * D), 0) // D
        c = lax.broadcasted_iota(jnp.int32, (FOLD * D, FOLD * D), 1) // D
        m = (r == c).astype(jnp.float32)
        s = lax.dot_general(x * x, m, (((1,), (0,)), ((), ())),
                            preferred_element_type=jnp.float32)
        o_ref[...] = (x / jnp.maximum(jnp.sqrt(s), 1e-12)).reshape(RB * FOLD * D)

    n128 = N_NODES // FOLD
    return pl.pallas_call(
        body,
        grid=(n128 // RB,),
        in_specs=[pl.BlockSpec((RB, FOLD * D), lambda i: (i, 0))],
        out_specs=pl.BlockSpec((RB * FOLD * D,), lambda i: (i,)),
        out_shape=jax.ShapeDtypeStruct((N_NODES * D,), jnp.float32),
    )(emb128)


def _sc_body(table, sidx, didx, out, idx_v, src_v, dst_v, out_v, sem, isem):
    wid = lax.axis_index("s") * NC + lax.axis_index("c")
    ebase = wid * EW

    def idx_copy(g, slot):
        base = ebase + g * GE
        pltpu.async_copy(sidx.at[pl.ds(base, GE)], idx_v.at[slot, 0],
                         isem.at[slot])
        pltpu.async_copy(didx.at[pl.ds(base, GE)], idx_v.at[slot, 1],
                         isem.at[slot])

    def idx_wait(slot):
        pltpu.make_async_copy(sidx.at[pl.ds(0, GE)], idx_v.at[slot, 0],
                              isem.at[slot]).wait()
        pltpu.make_async_copy(didx.at[pl.ds(0, GE)], idx_v.at[slot, 1],
                              isem.at[slot]).wait()

    def fire(g, slot, buf):
        for j in range(SPG):
            pltpu.async_copy(table.at[idx_v.at[slot, 0, pl.ds(j * SR, SR)]],
                             src_v.at[buf, pl.ds(j * SR, SR)], sem.at[buf, j])
            pltpu.async_copy(table.at[idx_v.at[slot, 1, pl.ds(j * SR, SR)]],
                             dst_v.at[buf, pl.ds(j * SR, SR)], sem.at[buf, j])

    idx_copy(0, 0)
    idx_copy(1, 1)
    idx_wait(0)
    fire(0, 0, 0)
    lanes = lax.iota(jnp.int32, 16)
    cols = [(lanes + d) & 31 for d in range(D)]

    def group_body(g, carry):
        cur = lax.rem(g, 2)
        nxt = 1 - cur

        @pl.when(g < NG - 1)
        def _():
            idx_wait(lax.rem(g + 1, 3))
            fire(g + 1, lax.rem(g + 1, 3), nxt)

        @pl.when(g < NG - 2)
        def _():
            idx_copy(g + 2, lax.rem(g + 2, 3))

        sref = src_v.at[cur]
        dref = dst_v.at[cur]

        def batch_body(b, c):
            row = lanes + 16 * b
            acc = [jnp.zeros((16,), jnp.float32) for _ in range(4)]
            for d in range(D):
                col = cols[d]
                sv = plsc.load_gather(sref, [row, col])
                dv = plsc.load_gather(dref, [row, col])
                acc[d % 4] = acc[d % 4] + sv * dv
            out_v[cur, pl.ds(16 * b, 16)] = (acc[0] + acc[1]) + (acc[2] + acc[3])
            return c

        for j in range(SPG):
            for _ in range(2):
                pltpu.make_async_copy(table.at[pl.ds(0, SR)],
                                      src_v.at[cur, pl.ds(j * SR, SR)],
                                      sem.at[cur, j]).wait()
            lax.fori_loop(j * SR // 16, (j + 1) * SR // 16, batch_body, 0)
        pltpu.sync_copy(out_v.at[cur], out.at[pl.ds(ebase + g * GE, GE)])
        return carry

    lax.fori_loop(0, NG, group_body, 0)


def kernel(embeddings, pos_edges, neg_edges):
    emb_n = _normalize(embeddings.reshape(N_NODES // FOLD, FOLD * D))
    sidx = jnp.concatenate([pos_edges[:, 0], neg_edges[:, 0]])
    didx = jnp.concatenate([pos_edges[:, 1], neg_edges[:, 1]])
    sc = pl.kernel(
        _sc_body,
        out_type=jax.ShapeDtypeStruct((E,), jnp.float32),
        mesh=plsc.VectorSubcoreMesh(core_axis_name="c", subcore_axis_name="s"),
        scratch_types=[
            pltpu.VMEM((3, 2, GE), jnp.int32),
            pltpu.VMEM((2, GE, D), jnp.float32),
            pltpu.VMEM((2, GE, D), jnp.float32),
            pltpu.VMEM((2, GE), jnp.float32),
            pltpu.SemaphoreType.DMA((2, SPG)),
            pltpu.SemaphoreType.DMA((3,)),
        ],
        compiler_params=pltpu.CompilerParams(
            needs_layout_passes=False, use_tc_tiling_on_sc=False),
    )
    return sc(emb_n.reshape(N_NODES, D), sidx, didx)

# --- scband reference (transcript-rebuilt; emitter-appended) ---
"""Pipeline reference for scband-model-link-prediction-86535001080511 (READ-ONLY COPY).

The authoritative reference and input builder live on the scoring server;
editing this copy changes nothing except your own understanding.
"""

import jax, jax.numpy as jnp
import numpy as np

N_NODES = 100000
EMB_DIM = 32
N_POS = 640000
N_NEG = 640000


def setup_inputs(seed: int = 0) -> dict:
    key = jax.random.key(seed)
    k1, k2, k3 = jax.random.split(key, 3)
    embeddings = jax.random.normal(k1, (N_NODES, EMB_DIM), dtype=jnp.float32)
    pos_edges = jax.random.randint(k2, (N_POS, 2), 0, N_NODES, dtype=jnp.int32)
    neg_edges = jax.random.randint(k3, (N_NEG, 2), 0, N_NODES, dtype=jnp.int32)
    return {"embeddings": embeddings, "pos_edges": pos_edges, "neg_edges": neg_edges}


def reference(embeddings, pos_edges, neg_edges):
    # torch.nn.functional.normalize: row-wise L2 normalize with eps clamp
    norms = jnp.linalg.norm(embeddings, axis=1, keepdims=True)
    emb_norm = embeddings / jnp.maximum(norms, 1e-12)
    # predict(): dot(emb_norm[edge[0]], emb_norm[edge[1]]) for positive test edges
    src_p = jnp.take(emb_norm, pos_edges[:, 0], axis=0)
    dst_p = jnp.take(emb_norm, pos_edges[:, 1], axis=0)
    pred_pos = jnp.sum(src_p * dst_p, axis=1)
    # ... then for negative sampled edges
    src_n = jnp.take(emb_norm, neg_edges[:, 0], axis=0)
    dst_n = jnp.take(emb_norm, neg_edges[:, 1], axis=0)
    pred_neg = jnp.sum(src_n * dst_n, axis=1)
    preds = jnp.concatenate([pred_pos, pred_neg], axis=0)
    return preds

if __name__ == "__main__":
    import jax
    _d = setup_inputs()
    print(jax.jit(kernel)(*tuple(_d.values())))

</pallas_src>

<mosaic_0001>
#map = affine_map<(d0, d1) -> (0, 0)>
#map1 = affine_map<(d0, d1) -> (0)>
module attributes {stable_mosaic.version = 14 : i64} {
  func.func @_sc_body(%arg0: i32, %arg1: i32, %arg2: memref<100000x32xf32, #tpu.memory_space<hbm>>, %arg3: memref<1280000xi32, #tpu.memory_space<hbm>>, %arg4: memref<1280000xi32, #tpu.memory_space<hbm>>, %arg5: memref<1280000xf32, #tpu.memory_space<hbm>>, %arg6: memref<3x2x320xi32, #tpu.memory_space<vmem>>, %arg7: memref<2x320x32xf32, #tpu.memory_space<vmem>>, %arg8: memref<2x320x32xf32, #tpu.memory_space<vmem>>, %arg9: memref<2x320xf32, #tpu.memory_space<vmem>>, %arg10: memref<2x4x!tpu.dma_semaphore, #tpu.memory_space<semaphore_mem>>, %arg11: memref<3x!tpu.dma_semaphore, #tpu.memory_space<semaphore_mem>>) attributes {dimension_semantics = [#tpu.dimension_semantics<core_parallel>, #tpu.dimension_semantics<subcore_parallel>], iteration_bounds = array<i64: 2, 16>, scalar_prefetch = 0 : i64, scratch_operands = 6 : i64, tpu.core_type = #tpu.core_type<sc_vector_subcore>, window_params = [{transform_indices = #map}, {transform_indices = #map1}, {transform_indices = #map1}, {transform_indices = #map1}]} {
    %mul3A = arith.constant 2 : i32
    %mul3A_0 = arith.muli %arg1, %mul3A : i32
    %add3A = arith.addi %mul3A_0, %arg0 : i32
    %mul3A_1 = arith.constant 40000 : i32
    %mul3A_2 = arith.muli %add3A, %mul3A_1 : i32
    %add3A_3 = arith.constant 0 : i32
    %add3A_4 = arith.addi %mul3A_2, %add3A_3 : i32
    %dma_start3A = arith.constant 0 : i32
    %dma_start3A_5 = arith.constant 0 : i32
    %dma_start3A_6 = arith.constant 0 : i32
    %dma_start3A_7 = arith.constant 0 : i32
    %dma_start3A_8 = tpu.memref_slice %arg6[%dma_start3A, %dma_start3A_5, %dma_start3A_7] : memref<3x2x320xi32, #tpu.memory_space<vmem>> -> memref<1x1x320xi32, #tpu.memory_space<vmem>>
    %dma_start3A_9 = tpu.memref_squeeze %dma_start3A_8 : memref<1x1x320xi32, #tpu.memory_space<vmem>> -> memref<320xi32, #tpu.memory_space<vmem>>
    %dma_start3A_10 = tpu.memref_slice %arg3[%add3A_4] : memref<1280000xi32, #tpu.memory_space<hbm>> -> memref<320xi32, #tpu.memory_space<hbm>>
    %dma_start3A_11 = tpu.memref_slice %arg11[%dma_start3A_6] : memref<3x!tpu.dma_semaphore, #tpu.memory_space<semaphore_mem>> -> memref<1x!tpu.dma_semaphore, #tpu.memory_space<semaphore_mem>>
    %dma_start3A_12 = tpu.memref_squeeze %dma_start3A_11 : memref<1x!tpu.dma_semaphore, #tpu.memory_space<semaphore_mem>> -> memref<!tpu.dma_semaphore, #tpu.memory_space<semaphore_mem>>
    %dma_start3A_13 = arith.constant 0 : i32
    %dma_start3A_14 = tpu.memref_slice %arg6[%dma_start3A, %dma_start3A_5, %dma_start3A_13] : memref<3x2x320xi32, #tpu.memory_space<vmem>> -> memref<1x1x320xi32, #tpu.memory_space<vmem>>
    %dma_start3A_15 = tpu.memref_squeeze %dma_start3A_14 : memref<1x1x320xi32, #tpu.memory_space<vmem>> -> memref<320xi32, #tpu.memory_space<vmem>>
    %dma_start3A_16 = tpu.memref_slice %arg3[%add3A_4] : memref<1280000xi32, #tpu.memory_space<hbm>> -> memref<320xi32, #tpu.memory_space<hbm>>
    tpu.enqueue_dma source(%dma_start3A_16 : memref<320xi32, #tpu.memory_space<hbm>>) target(%dma_start3A_15 : memref<320xi32, #tpu.memory_space<vmem>>) target_semaphore(%dma_start3A_12 : memref<!tpu.dma_semaphore, #tpu.memory_space<semaphore_mem>>)
    %dma_start3A_17 = arith.constant 0 : i32
    %dma_start3A_18 = arith.constant 1 : i32
    %dma_start3A_19 = arith.constant 0 : i32
    %dma_start3A_20 = arith.constant 0 : i32
    %dma_start3A_21 = tpu.memref_slice %arg6[%dma_start3A_17, %dma_start3A_18, %dma_start3A_20] : memref<3x2x320xi32, #tpu.memory_space<vmem>> -> memref<1x1x320xi32, #tpu.memory_space<vmem>>
    %dma_start3A_22 = tpu.memref_squeeze %dma_start3A_21 : memref<1x1x320xi32, #tpu.memory_space<vmem>> -> memref<320xi32, #tpu.memory_space<vmem>>
    %dma_start3A_23 = tpu.memref_slice %arg4[%add3A_4] : memref<1280000xi32, #tpu.memory_space<hbm>> -> memref<320xi32, #tpu.memory_space<hbm>>
    %dma_start3A_24 = tpu.memref_slice %arg11[%dma_start3A_19] : memref<3x!tpu.dma_semaphore, #tpu.memory_space<semaphore_mem>> -> memref<1x!tpu.dma_semaphore, #tpu.memory_space<semaphore_mem>>
    %dma_start3A_25 = tpu.memref_squeeze %dma_start3A_24 : memref<1x!tpu.dma_semaphore, #tpu.memory_space<semaphore_mem>> -> memref<!tpu.dma_semaphore, #tpu.memory_space<semaphore_mem>>
    %dma_start3A_26 = arith.constant 0 : i32
    %dma_start3A_27 = tpu.memref_slice %arg6[%dma_start3A_17, %dma_start3A_18, %dma_start3A_26] : memref<3x2x320xi32, #tpu.memory_space<vmem>> -> memref<1x1x320xi32, #tpu.memory_space<vmem>>
    %dma_start3A_28 = tpu.memref_squeeze %dma_start3A_27 : memref<1x1x320xi32, #tpu.memory_space<vmem>> -> memref<320xi32, #tpu.memory_space<vmem>>
    %dma_start3A_29 = tpu.memref_slice %arg4[%add3A_4] : memref<1280000xi32, #tpu.memory_space<hbm>> -> memref<320xi32, #tpu.memory_space<hbm>>
    tpu.enqueue_dma source(%dma_start3A_29 : memref<320xi32, #tpu.memory_space<hbm>>) target(%dma_start3A_28 : memref<320xi32, #tpu.memory_space<vmem>>) target_semaphore(%dma_start3A_25 : memref<!tpu.dma_semaphore, #tpu.memory_space<semaphore_mem>>)
    %add3A_30 = arith.constant 320 : i32
    %add3A_31 = arith.addi %mul3A_2, %add3A_30 : i32
    %dma_start3A_32 = arith.constant 1 : i32
    %dma_start3A_33 = arith.constant 0 : i32
    %dma_start3A_34 = arith.constant 1 : i32
    %dma_start3A_35 = arith.constant 0 : i32
    %dma_start3A_36 = tpu.memref_slice %arg6[%dma_start3A_32, %dma_start3A_33, %dma_start3A_35] : memref<3x2x320xi32, #tpu.memory_space<vmem>> -> memref<1x1x320xi32, #tpu.memory_space<vmem>>
    %dma_start3A_37 = tpu.memref_squeeze %dma_start3A_36 : memref<1x1x320xi32, #tpu.memory_space<vmem>> -> memref<320xi32, #tpu.memory_space<vmem>>
    %dma_start3A_38 = tpu.memref_slice %arg3[%add3A_31] : memref<1280000xi32, #tpu.memory_space<hbm>> -> memref<320xi32, #tpu.memory_space<hbm>>
    %dma_start3A_39 = tpu.memref_slice %arg11[%dma_start3A_34] : memref<3x!tpu.dma_semaphore, #tpu.memory_space<semaphore_mem>> -> memref<1x!tpu.dma_semaphore, #tpu.memory_space<semaphore_mem>>
    %dma_start3A_40 = tpu.memref_squeeze %dma_start3A_39 : memref<1x!tpu.dma_semaphore, #tpu.memory_space<semaphore_mem>> -> memref<!tpu.dma_semaphore, #tpu.memory_space<semaphore_mem>>
    %dma_start3A_41 = arith.constant 0 : i32
    %dma_start3A_42 = tpu.memref_slice %arg6[%dma_start3A_32, %dma_start3A_33, %dma_start3A_41] : memref<3x2x320xi32, #tpu.memory_space<vmem>> -> memref<1x1x320xi32, #tpu.memory_space<vmem>>
    %dma_start3A_43 = tpu.memref_squeeze %dma_start3A_42 : memref<1x1x320xi32, #tpu.memory_space<vmem>> -> memref<320xi32, #tpu.memory_space<vmem>>
    %dma_start3A_44 = tpu.memref_slice %arg3[%add3A_31] : memref<1280000xi32, #tpu.memory_space<hbm>> -> memref<320xi32, #tpu.memory_space<hbm>>
    tpu.enqueue_dma source(%dma_start3A_44 : memref<320xi32, #tpu.memory_space<hbm>>) target(%dma_start3A_43 : memref<320xi32, #tpu.memory_space<vmem>>) target_semaphore(%dma_start3A_40 : memref<!tpu.dma_semaphore, #tpu.memory_space<semaphore_mem>>)
    %dma_start3A_45 = arith.constant 1 : i32
    %dma_start3A_46 = arith.constant 1 : i32
    %dma_start3A_47 = arith.constant 1 : i32
    %dma_start3A_48 = arith.constant 0 : i32
    %dma_start3A_49 = tpu.memref_slice %arg6[%dma_start3A_45, %dma_start3A_46, %dma_start3A_48] : memref<3x2x320xi32, #tpu.memory_space<vmem>> -> memref<1x1x320xi32, #tpu.memory_space<vmem>>
    %dma_start3A_50 = tpu.memref_squeeze %dma_start3A_49 : memref<1x1x320xi32, #tpu.memory_space<vmem>> -> memref<320xi32, #tpu.memory_space<vmem>>
    %dma_start3A_51 = tpu.memref_slice %arg4[%add3A_31] : memref<1280000xi32, #tpu.memory_space<hbm>> -> memref<320xi32, #tpu.memory_space<hbm>>
    %dma_start3A_52 = tpu.memref_slice %arg11[%dma_start3A_47] : memref<3x!tpu.dma_semaphore, #tpu.memory_space<semaphore_mem>> -> memref<1x!tpu.dma_semaphore, #tpu.memory_space<semaphore_mem>>
    %dma_start3A_53 = tpu.memref_squeeze %dma_start3A_52 : memref<1x!tpu.dma_semaphore, #tpu.memory_space<semaphore_mem>> -> memref<!tpu.dma_semaphore, #tpu.memory_space<semaphore_mem>>
    %dma_start3A_54 = arith.constant 0 : i32
    %dma_start3A_55 = tpu.memref_slice %arg6[%dma_start3A_45, %dma_start3A_46, %dma_start3A_54] : memref<3x2x320xi32, #tpu.memory_space<vmem>> -> memref<1x1x320xi32, #tpu.memory_space<vmem>>
    %dma_start3A_56 = tpu.memref_squeeze %dma_start3A_55 : memref<1x1x320xi32, #tpu.memory_space<vmem>> -> memref<320xi32, #tpu.memory_space<vmem>>
    %dma_start3A_57 = tpu.memref_slice %arg4[%add3A_31] : memref<1280000xi32, #tpu.memory_space<hbm>> -> memref<320xi32, #tpu.memory_space<hbm>>
    tpu.enqueue_dma source(%dma_start3A_57 : memref<320xi32, #tpu.memory_space<hbm>>) target(%dma_start3A_56 : memref<320xi32, #tpu.memory_space<vmem>>) target_semaphore(%dma_start3A_53 : memref<!tpu.dma_semaphore, #tpu.memory_space<semaphore_mem>>)
    %dma_wait3A = arith.constant 0 : i32
    %dma_wait3A_58 = arith.constant 0 : i32
    %dma_wait3A_59 = arith.constant 0 : i32
    %dma_wait3A_60 = arith.constant 0 : i32
    %dma_wait3A_61 = tpu.memref_slice %arg6[%dma_wait3A, %dma_wait3A_58, %dma_wait3A_60] : memref<3x2x320xi32, #tpu.memory_space<vmem>> -> memref<1x1x320xi32, #tpu.memory_space<vmem>>
    %dma_wait3A_62 = tpu.memref_squeeze %dma_wait3A_61 : memref<1x1x320xi32, #tpu.memory_space<vmem>> -> memref<320xi32, #tpu.memory_space<vmem>>
    %dma_wait3A_63 = arith.constant 0 : i32
    %dma_wait3A_64 = tpu.memref_slice %arg3[%dma_wait3A_63] : memref<1280000xi32, #tpu.memory_space<hbm>> -> memref<320xi32, #tpu.memory_space<hbm>>
    %dma_wait3A_65 = tpu.memref_slice %arg11[%dma_wait3A_59] : memref<3x!tpu.dma_semaphore, #tpu.memory_space<semaphore_mem>> -> memref<1x!tpu.dma_semaphore, #tpu.memory_space<semaphore_mem>>
    %dma_wait3A_66 = tpu.memref_squeeze %dma_wait3A_65 : memref<1x!tpu.dma_semaphore, #tpu.memory_space<semaphore_mem>> -> memref<!tpu.dma_semaphore, #tpu.memory_space<semaphore_mem>>
    %dma_wait3A_67 = arith.constant 0 : i32
    %dma_wait3A_68 = tpu.memref_slice %arg6[%dma_wait3A, %dma_wait3A_58, %dma_wait3A_67] : memref<3x2x320xi32, #tpu.memory_space<vmem>> -> memref<1x1x320xi32, #tpu.memory_space<vmem>>
    %dma_wait3A_69 = tpu.memref_squeeze %dma_wait3A_68 : memref<1x1x320xi32, #tpu.memory_space<vmem>> -> memref<320xi32, #tpu.memory_space<vmem>>
    %dma_wait3A_70 = arith.constant 0 : i32
    %dma_wait3A_71 = tpu.memref_slice %arg3[%dma_wait3A_70] : memref<1280000xi32, #tpu.memory_space<hbm>> -> memref<320xi32, #tpu.memory_space<hbm>>
    tpu.wait_dma2 semaphore(%dma_wait3A_66 : memref<!tpu.dma_semaphore, #tpu.memory_space<semaphore_mem>>) src(%dma_wait3A_71 : memref<320xi32, #tpu.memory_space<hbm>>) dst(%dma_wait3A_69 : memref<320xi32, #tpu.memory_space<vmem>>)
    %dma_wait3A_72 = arith.constant 0 : i32
    %dma_wait3A_73 = arith.constant 1 : i32
    %dma_wait3A_74 = arith.constant 0 : i32
    %dma_wait3A_75 = arith.constant 0 : i32
    %dma_wait3A_76 = tpu.memref_slice %arg6[%dma_wait3A_72, %dma_wait3A_73, %dma_wait3A_75] : memref<3x2x320xi32, #tpu.memory_space<vmem>> -> memref<1x1x320xi32, #tpu.memory_space<vmem>>
    %dma_wait3A_77 = tpu.memref_squeeze %dma_wait3A_76 : memref<1x1x320xi32, #tpu.memory_space<vmem>> -> memref<320xi32, #tpu.memory_space<vmem>>
    %dma_wait3A_78 = arith.constant 0 : i32
    %dma_wait3A_79 = tpu.memref_slice %arg4[%dma_wait3A_78] : memref<1280000xi32, #tpu.memory_space<hbm>> -> memref<320xi32, #tpu.memory_space<hbm>>
    %dma_wait3A_80 = tpu.memref_slice %arg11[%dma_wait3A_74] : memref<3x!tpu.dma_semaphore, #tpu.memory_space<semaphore_mem>> -> memref<1x!tpu.dma_semaphore, #tpu.memory_space<semaphore_mem>>
    %dma_wait3A_81 = tpu.memref_squeeze %dma_wait3A_80 : memref<1x!tpu.dma_semaphore, #tpu.memory_space<semaphore_mem>> -> memref<!tpu.dma_semaphore, #tpu.memory_space<semaphore_mem>>
    %dma_wait3A_82 = arith.constant 0 : i32
    %dma_wait3A_83 = tpu.memref_slice %arg6[%dma_wait3A_72, %dma_wait3A_73, %dma_wait3A_82] : memref<3x2x320xi32, #tpu.memory_space<vmem>> -> memref<1x1x320xi32, #tpu.memory_space<vmem>>
    %dma_wait3A_84 = tpu.memref_squeeze %dma_wait3A_83 : memref<1x1x320xi32, #tpu.memory_space<vmem>> -> memref<320xi32, #tpu.memory_space<vmem>>
    %dma_wait3A_85 = arith.constant 0 : i32
    %dma_wait3A_86 = tpu.memref_slice %arg4[%dma_wait3A_85] : memref<1280000xi32, #tpu.memory_space<hbm>> -> memref<320xi32, #tpu.memory_space<hbm>>
    tpu.wait_dma2 semaphore(%dma_wait3A_81 : memref<!tpu.dma_semaphore, #tpu.memory_space<semaphore_mem>>) src(%dma_wait3A_86 : memref<320xi32, #tpu.memory_space<hbm>>) dst(%dma_wait3A_84 : memref<320xi32, #tpu.memory_space<vmem>>)
    %dma_start3A_87 = arith.constant 0 : i32
    %dma_start3A_88 = arith.constant 0 : i32
    %dma_start3A_89 = arith.constant 0 : i32
    %dma_start3A_90 = arith.constant 0 : i32
    %dma_start3A_91 = arith.constant 0 : i32
    %dma_start3A_92 = arith.constant 0 : i32
    %dma_start3A_93 = arith.constant 0 : i32
    %dma_start3A_94 = tpu.memref_slice %arg7[%dma_start3A_89, %dma_start3A_92, %dma_start3A_93] : memref<2x320x32xf32, #tpu.memory_space<vmem>> -> memref<1x80x32xf32, #tpu.memory_space<vmem>>
    %dma_start3A_95 = tpu.memref_squeeze %dma_start3A_94 : memref<1x80x32xf32, #tpu.memory_space<vmem>> -> memref<80x32xf32, #tpu.memory_space<vmem>>
    %dma_start3A_96 = arith.constant 0 : i32
    %dma_start3A_97 = tpu.memref_slice %arg6[%dma_start3A_87, %dma_start3A_88, %dma_start3A_96] : memref<3x2x320xi32, #tpu.memory_space<vmem>> -> memref<1x1x80xi32, #tpu.memory_space<vmem>>
    %dma_start3A_98 = tpu.memref_squeeze %dma_start3A_97 : memref<1x1x80xi32, #tpu.memory_space<vmem>> -> memref<80xi32, #tpu.memory_space<vmem>>
    %dma_start3A_99 = arith.constant 0 : i32
    %dma_start3A_100 = arith.constant 0 : i32
    %dma_start3A_101 = tpu.memref_slice %arg2[%dma_start3A_99, %dma_start3A_100] : memref<100000x32xf32, #tpu.memory_space<hbm>> -> memref<100000x32xf32, #tpu.memory_space<hbm>>
    %dma_start3A_102 = tpu.memref_slice %arg10[%dma_start3A_90, %dma_start3A_91] : memref<2x4x!tpu.dma_semaphore, #tpu.memory_space<semaphore_mem>> -> memref<1x1x!tpu.dma_semaphore, #tpu.memory_space<semaphore_mem>>
    %dma_start3A_103 = tpu.memref_squeeze %dma_start3A_102 : memref<1x1x!tpu.dma_semaphore, #tpu.memory_space<semaphore_mem>> -> memref<!tpu.dma_semaphore, #tpu.memory_space<semaphore_mem>>
    tpu.enqueue_indirect_dma source(%dma_start3A_101 : memref<100000x32xf32, #tpu.memory_space<hbm>>) target(%dma_start3A_95 : memref<80x32xf32, #tpu.memory_space<vmem>>) offsets(%dma_start3A_98 : memref<80xi32, #tpu.memory_space<vmem>>) semaphore(%dma_start3A_103 : memref<!tpu.dma_semaphore, #tpu.memory_space<semaphore_mem>>)
    %dma_start3A_104 = arith.constant 0 : i32
    %dma_start3A_105 = arith.constant 1 : i32
    %dma_start3A_106 = arith.constant 0 : i32
    %dma_start3A_107 = arith.constant 0 : i32
    %dma_start3A_108 = arith.constant 0 : i32
    %dma_start3A_109 = arith.constant 0 : i32
    %dma_start3A_110 = arith.constant 0 : i32
    %dma_start3A_111 = tpu.memref_slice %arg8[%dma_start3A_106, %dma_start3A_109, %dma_start3A_110] : memref<2x320x32xf32, #tpu.memory_space<vmem>> -> memref<1x80x32xf32, #tpu.memory_space<vmem>>
    %dma_start3A_112 = tpu.memref_squeeze %dma_start3A_111 : memref<1x80x32xf32, #tpu.memory_space<vmem>> -> memref<80x32xf32, #tpu.memory_space<vmem>>
    %dma_start3A_113 = arith.constant 0 : i32
    %dma_start3A_114 = tpu.memref_slice %arg6[%dma_start3A_104, %dma_start3A_105, %dma_start3A_113] : memref<3x2x320xi32, #tpu.memory_space<vmem>> -> memref<1x1x80xi32, #tpu.memory_space<vmem>>
    %dma_start3A_115 = tpu.memref_squeeze %dma_start3A_114 : memref<1x1x80xi32, #tpu.memory_space<vmem>> -> memref<80xi32, #tpu.memory_space<vmem>>
    %dma_start3A_116 = arith.constant 0 : i32
    %dma_start3A_117 = arith.constant 0 : i32
    %dma_start3A_118 = tpu.memref_slice %arg2[%dma_start3A_116, %dma_start3A_117] : memref<100000x32xf32, #tpu.memory_space<hbm>> -> memref<100000x32xf32, #tpu.memory_space<hbm>>
    %dma_start3A_119 = tpu.memref_slice %arg10[%dma_start3A_107, %dma_start3A_108] : memref<2x4x!tpu.dma_semaphore, #tpu.memory_space<semaphore_mem>> -> memref<1x1x!tpu.dma_semaphore, #tpu.memory_space<semaphore_mem>>
    %dma_start3A_120 = tpu.memref_squeeze %dma_start3A_119 : memref<1x1x!tpu.dma_semaphore, #tpu.memory_space<semaphore_mem>> -> memref<!tpu.dma_semaphore, #tpu.memory_space<semaphore_mem>>
    tpu.enqueue_indirect_dma source(%dma_start3A_118 : memref<100000x32xf32, #tpu.memory_space<hbm>>) target(%dma_start3A_112 : memref<80x32xf32, #tpu.memory_space<vmem>>) offsets(%dma_start3A_115 : memref<80xi32, #tpu.memory_space<vmem>>) semaphore(%dma_start3A_120 : memref<!tpu.dma_semaphore, #tpu.memory_space<semaphore_mem>>)
    %dma_start3A_121 = arith.constant 0 : i32
    %dma_start3A_122 = arith.constant 0 : i32
    %dma_start3A_123 = arith.constant 0 : i32
    %dma_start3A_124 = arith.constant 0 : i32
    %dma_start3A_125 = arith.constant 1 : i32
    %dma_start3A_126 = arith.constant 80 : i32
    %dma_start3A_127 = arith.constant 0 : i32
    %dma_start3A_128 = tpu.memref_slice %arg7[%dma_start3A_123, %dma_start3A_126, %dma_start3A_127] : memref<2x320x32xf32, #tpu.memory_space<vmem>> -> memref<1x80x32xf32, #tpu.memory_space<vmem>>
    %dma_start3A_129 = tpu.memref_squeeze %dma_start3A_128 : memref<1x80x32xf32, #tpu.memory_space<vmem>> -> memref<80x32xf32, #tpu.memory_space<vmem>>
    %dma_start3A_130 = arith.constant 80 : i32
    %dma_start3A_131 = tpu.memref_slice %arg6[%dma_start3A_121, %dma_start3A_122, %dma_start3A_130] : memref<3x2x320xi32, #tpu.memory_space<vmem>> -> memref<1x1x80xi32, #tpu.memory_space<vmem>>
    %dma_start3A_132 = tpu.memref_squeeze %dma_start3A_131 : memref<1x1x80xi32, #tpu.memory_space<vmem>> -> memref<80xi32, #tpu.memory_space<vmem>>
    %dma_start3A_133 = arith.constant 0 : i32
    %dma_start3A_134 = arith.constant 0 : i32
    %dma_start3A_135 = tpu.memref_slice %arg2[%dma_start3A_133, %dma_start3A_134] : memref<100000x32xf32, #tpu.memory_space<hbm>> -> memref<100000x32xf32, #tpu.memory_space<hbm>>
    %dma_start3A_136 = tpu.memref_slice %arg10[%dma_start3A_124, %dma_start3A_125] : memref<2x4x!tpu.dma_semaphore, #tpu.memory_space<semaphore_mem>> -> memref<1x1x!tpu.dma_semaphore, #tpu.memory_space<semaphore_mem>>
    %dma_start3A_137 = tpu.memref_squeeze %dma_start3A_136 : memref<1x1x!tpu.dma_semaphore, #tpu.memory_space<semaphore_mem>> -> memref<!tpu.dma_semaphore, #tpu.memory_space<semaphore_mem>>
    tpu.enqueue_indirect_dma source(%dma_start3A_135 : memref<100000x32xf32, #tpu.memory_space<hbm>>) target(%dma_start3A_129 : memref<80x32xf32, #tpu.memory_space<vmem>>) offsets(%dma_start3A_132 : memref<80xi32, #tpu.memory_space<vmem>>) semaphore(%dma_start3A_137 : memref<!tpu.dma_semaphore, #tpu.memory_space<semaphore_mem>>)
    %dma_start3A_138 = arith.constant 0 : i32
    %dma_start3A_139 = arith.constant 1 : i32
    %dma_start3A_140 = arith.constant 0 : i32
    %dma_start3A_141 = arith.constant 0 : i32
    %dma_start3A_142 = arith.constant 1 : i32
    %dma_start3A_143 = arith.constant 80 : i32
    %dma_start3A_144 = arith.constant 0 : i32
    %dma_start3A_145 = tpu.memref_slice %arg8[%dma_start3A_140, %dma_start3A_143, %dma_start3A_144] : memref<2x320x32xf32, #tpu.memory_space<vmem>> -> memref<1x80x32xf32, #tpu.memory_space<vmem>>
    %dma_start3A_146 = tpu.memref_squeeze %dma_start3A_145 : memref<1x80x32xf32, #tpu.memory_space<vmem>> -> memref<80x32xf32, #tpu.memory_space<vmem>>
    %dma_start3A_147 = arith.constant 80 : i32
    %dma_start3A_148 = tpu.memref_slice %arg6[%dma_start3A_138, %dma_start3A_139, %dma_start3A_147] : memref<3x2x320xi32, #tpu.memory_space<vmem>> -> memref<1x1x80xi32, #tpu.memory_space<vmem>>
    %dma_start3A_149 = tpu.memref_squeeze %dma_start3A_148 : memref<1x1x80xi32, #tpu.memory_space<vmem>> -> memref<80xi32, #tpu.memory_space<vmem>>
    %dma_start3A_150 = arith.constant 0 : i32
    %dma_start3A_151 = arith.constant 0 : i32
    %dma_start3A_152 = tpu.memref_slice %arg2[%dma_start3A_150, %dma_start3A_151] : memref<100000x32xf32, #tpu.memory_space<hbm>> -> memref<100000x32xf32, #tpu.memory_space<hbm>>
    %dma_start3A_153 = tpu.memref_slice %arg10[%dma_start3A_141, %dma_start3A_142] : memref<2x4x!tpu.dma_semaphore, #tpu.memory_space<semaphore_mem>> -> memref<1x1x!tpu.dma_semaphore, #tpu.memory_space<semaphore_mem>>
    %dma_start3A_154 = tpu.memref_squeeze %dma_start3A_153 : memref<1x1x!tpu.dma_semaphore, #tpu.memory_space<semaphore_mem>> -> memref<!tpu.dma_semaphore, #tpu.memory_space<semaphore_mem>>
    tpu.enqueue_indirect_dma source(%dma_start3A_152 : memref<100000x32xf32, #tpu.memory_space<hbm>>) target(%dma_start3A_146 : memref<80x32xf32, #tpu.memory_space<vmem>>) offsets(%dma_start3A_149 : memref<80xi32, #tpu.memory_space<vmem>>) semaphore(%dma_start3A_154 : memref<!tpu.dma_semaphore, #tpu.memory_space<semaphore_mem>>)
    %dma_start3A_155 = arith.constant 0 : i32
    %dma_start3A_156 = arith.constant 0 : i32
    %dma_start3A_157 = arith.constant 0 : i32
    %dma_start3A_158 = arith.constant 0 : i32
    %dma_start3A_159 = arith.constant 2 : i32
    %dma_start3A_160 = arith.constant 160 : i32
    %dma_start3A_161 = arith.constant 0 : i32
    %dma_start3A_162 = tpu.memref_slice %arg7[%dma_start3A_157, %dma_start3A_160, %dma_start3A_161] : memref<2x320x32xf32, #tpu.memory_space<vmem>> -> memref<1x80x32xf32, #tpu.memory_space<vmem>>
    %dma_start3A_163 = tpu.memref_squeeze %dma_start3A_162 : memref<1x80x32xf32, #tpu.memory_space<vmem>> -> memref<80x32xf32, #tpu.memory_space<vmem>>
    %dma_start3A_164 = arith.constant 160 : i32
    %dma_start3A_165 = tpu.memref_slice %arg6[%dma_start3A_155, %dma_start3A_156, %dma_start3A_164] : memref<3x2x320xi32, #tpu.memory_space<vmem>> -> memref<1x1x80xi32, #tpu.memory_space<vmem>>
    %dma_start3A_166 = tpu.memref_squeeze %dma_start3A_165 : memref<1x1x80xi32, #tpu.memory_space<vmem>> -> memref<80xi32, #tpu.memory_space<vmem>>
    %dma_start3A_167 = arith.constant 0 : i32
    %dma_start3A_168 = arith.constant 0 : i32
    %dma_start3A_169 = tpu.memref_slice %arg2[%dma_start3A_167, %dma_start3A_168] : memref<100000x32xf32, #tpu.memory_space<hbm>> -> memref<100000x32xf32, #tpu.memory_space<hbm>>
    %dma_start3A_170 = tpu.memref_slice %arg10[%dma_start3A_158, %dma_start3A_159] : memref<2x4x!tpu.dma_semaphore, #tpu.memory_space<semaphore_mem>> -> memref<1x1x!tpu.dma_semaphore, #tpu.memory_space<semaphore_mem>>
    %dma_start3A_171 = tpu.memref_squeeze %dma_start3A_170 : memref<1x1x!tpu.dma_semaphore, #tpu.memory_space<semaphore_mem>> -> memref<!tpu.dma_semaphore, #tpu.memory_space<semaphore_mem>>
    tpu.enqueue_indirect_dma source(%dma_start3A_169 : memref<100000x32xf32, #tpu.memory_space<hbm>>) target(%dma_start3A_163 : memref<80x32xf32, #tpu.memory_space<vmem>>) offsets(%dma_start3A_166 : memref<80xi32, #tpu.memory_space<vmem>>) semaphore(%dma_start3A_171 : memref<!tpu.dma_semaphore, #tpu.memory_space<semaphore_mem>>)
    %dma_start3A_172 = arith.constant 0 : i32
    %dma_start3A_173 = arith.constant 1 : i32
    %dma_start3A_174 = arith.constant 0 : i32
    %dma_start3A_175 = arith.constant 0 : i32
    %dma_start3A_176 = arith.constant 2 : i32
    %dma_start3A_177 = arith.constant 160 : i32
    %dma_start3A_178 = arith.constant 0 : i32
    %dma_start3A_179 = tpu.memref_slice %arg8[%dma_start3A_174, %dma_start3A_177, %dma_start3A_178] : memref<2x320x32xf32, #tpu.memory_space<vmem>> -> memref<1x80x32xf32, #tpu.memory_space<vmem>>
    %dma_start3A_180 = tpu.memref_squeeze %dma_start3A_179 : memref<1x80x32xf32, #tpu.memory_space<vmem>> -> memref<80x32xf32, #tpu.memory_space<vmem>>
    %dma_start3A_181 = arith.constant 160 : i32
    %dma_start3A_182 = tpu.memref_slice %arg6[%dma_start3A_172, %dma_start3A_173, %dma_start3A_181] : memref<3x2x320xi32, #tpu.memory_space<vmem>> -> memref<1x1x80xi32, #tpu.memory_space<vmem>>
    %dma_start3A_183 = tpu.memref_squeeze %dma_start3A_182 : memref<1x1x80xi32, #tpu.memory_space<vmem>> -> memref<80xi32, #tpu.memory_space<vmem>>
    %dma_start3A_184 = arith.constant 0 : i32
    %dma_start3A_185 = arith.constant 0 : i32
    %dma_start3A_186 = tpu.memref_slice %arg2[%dma_start3A_184, %dma_start3A_185] : memref<100000x32xf32, #tpu.memory_space<hbm>> -> memref<100000x32xf32, #tpu.memory_space<hbm>>
    %dma_start3A_187 = tpu.memref_slice %arg10[%dma_start3A_175, %dma_start3A_176] : memref<2x4x!tpu.dma_semaphore, #tpu.memory_space<semaphore_mem>> -> memref<1x1x!tpu.dma_semaphore, #tpu.memory_space<semaphore_mem>>
    %dma_start3A_188 = tpu.memref_squeeze %dma_start3A_187 : memref<1x1x!tpu.dma_semaphore, #tpu.memory_space<semaphore_mem>> -> memref<!tpu.dma_semaphore, #tpu.memory_space<semaphore_mem>>
    tpu.enqueue_indirect_dma source(%dma_start3A_186 : memref<100000x32xf32, #tpu.memory_space<hbm>>) target(%dma_start3A_180 : memref<80x32xf32, #tpu.memory_space<vmem>>) offsets(%dma_start3A_183 : memref<80xi32, #tpu.memory_space<vmem>>) semaphore(%dma_start3A_188 : memref<!tpu.dma_semaphore, #tpu.memory_space<semaphore_mem>>)
    %dma_start3A_189 = arith.constant 0 : i32
    %dma_start3A_190 = arith.constant 0 : i32
    %dma_start3A_191 = arith.constant 0 : i32
    %dma_start3A_192 = arith.constant 0 : i32
    %dma_start3A_193 = arith.constant 3 : i32
    %dma_start3A_194 = arith.constant 240 : i32
    %dma_start3A_195 = arith.constant 0 : i32
    %dma_start3A_196 = tpu.memref_slice %arg7[%dma_start3A_191, %dma_start3A_194, %dma_start3A_195] : memref<2x320x32xf32, #tpu.memory_space<vmem>> -> memref<1x80x32xf32, #tpu.memory_space<vmem>>
    %dma_start3A_197 = tpu.memref_squeeze %dma_start3A_196 : memref<1x80x32xf32, #tpu.memory_space<vmem>> -> memref<80x32xf32, #tpu.memory_space<vmem>>
    %dma_start3A_198 = arith.constant 240 : i32
    %dma_start3A_199 = tpu.memref_slice %arg6[%dma_start3A_189, %dma_start3A_190, %dma_start3A_198] : memref<3x2x320xi32, #tpu.memory_space<vmem>> -> memref<1x1x80xi32, #tpu.memory_space<vmem>>
    %dma_start3A_200 = tpu.memref_squeeze %dma_start3A_199 : memref<1x1x80xi32, #tpu.memory_space<vmem>> -> memref<80xi32, #tpu.memory_space<vmem>>
    %dma_start3A_201 = arith.constant 0 : i32
    %dma_start3A_202 = arith.constant 0 : i32
    %dma_start3A_203 = tpu.memref_slice %arg2[%dma_start3A_201, %dma_start3A_202] : memref<100000x32xf32, #tpu.memory_space<hbm>> -> memref<100000x32xf32, #tpu.memory_space<hbm>>
    %dma_start3A_204 = tpu.memref_slice %arg10[%dma_start3A_192, %dma_start3A_193] : memref<2x4x!tpu.dma_semaphore, #tpu.memory_space<semaphore_mem>> -> memref<1x1x!tpu.dma_semaphore, #tpu.memory_space<semaphore_mem>>
    %dma_start3A_205 = tpu.memref_squeeze %dma_start3A_204 : memref<1x1x!tpu.dma_semaphore, #tpu.memory_space<semaphore_mem>> -> memref<!tpu.dma_semaphore, #tpu.memory_space<semaphore_mem>>
    tpu.enqueue_indirect_dma source(%dma_start3A_203 : memref<100000x32xf32, #tpu.memory_space<hbm>>) target(%dma_start3A_197 : memref<80x32xf32, #tpu.memory_space<vmem>>) offsets(%dma_start3A_200 : memref<80xi32, #tpu.memory_space<vmem>>) semaphore(%dma_start3A_205 : memref<!tpu.dma_semaphore, #tpu.memory_space<semaphore_mem>>)
    %dma_start3A_206 = arith.constant 0 : i32
    %dma_start3A_207 = arith.constant 1 : i32
    %dma_start3A_208 = arith.constant 0 : i32
    %dma_start3A_209 = arith.constant 0 : i32
    %dma_start3A_210 = arith.constant 3 : i32
    %dma_start3A_211 = arith.constant 240 : i32
    %dma_start3A_212 = arith.constant 0 : i32
    %dma_start3A_213 = tpu.memref_slice %arg8[%dma_start3A_208, %dma_start3A_211, %dma_start3A_212] : memref<2x320x32xf32, #tpu.memory_space<vmem>> -> memref<1x80x32xf32, #tpu.memory_space<vmem>>
    %dma_start3A_214 = tpu.memref_squeeze %dma_start3A_213 : memref<1x80x32xf32, #tpu.memory_space<vmem>> -> memref<80x32xf32, #tpu.memory_space<vmem>>
    %dma_start3A_215 = arith.constant 240 : i32
    %dma_start3A_216 = tpu.memref_slice %arg6[%dma_start3A_206, %dma_start3A_207, %dma_start3A_215] : memref<3x2x320xi32, #tpu.memory_space<vmem>> -> memref<1x1x80xi32, #tpu.memory_space<vmem>>
    %dma_start3A_217 = tpu.memref_squeeze %dma_start3A_216 : memref<1x1x80xi32, #tpu.memory_space<vmem>> -> memref<80xi32, #tpu.memory_space<vmem>>
    %dma_start3A_218 = arith.constant 0 : i32
    %dma_start3A_219 = arith.constant 0 : i32
    %dma_start3A_220 = tpu.memref_slice %arg2[%dma_start3A_218, %dma_start3A_219] : memref<100000x32xf32, #tpu.memory_space<hbm>> -> memref<100000x32xf32, #tpu.memory_space<hbm>>
    %dma_start3A_221 = tpu.memref_slice %arg10[%dma_start3A_209, %dma_start3A_210] : memref<2x4x!tpu.dma_semaphore, #tpu.memory_space<semaphore_mem>> -> memref<1x1x!tpu.dma_semaphore, #tpu.memory_space<semaphore_mem>>
    %dma_start3A_222 = tpu.memref_squeeze %dma_start3A_221 : memref<1x1x!tpu.dma_semaphore, #tpu.memory_space<semaphore_mem>> -> memref<!tpu.dma_semaphore, #tpu.memory_space<semaphore_mem>>
    tpu.enqueue_indirect_dma source(%dma_start3A_220 : memref<100000x32xf32, #tpu.memory_space<hbm>>) target(%dma_start3A_214 : memref<80x32xf32, #tpu.memory_space<vmem>>) offsets(%dma_start3A_217 : memref<80xi32, #tpu.memory_space<vmem>>) semaphore(%dma_start3A_222 : memref<!tpu.dma_semaphore, #tpu.memory_space<semaphore_mem>>)
    %iota3A = tpu.iota {dimensions = array<i32: 0>} : vector<16xi32>
    %add3A_223 = arith.constant 0 : i32
    %add3A_224 = vector.broadcast %add3A_223 : i32 to vector<16xi32>
    %add3A_225 = arith.addi %iota3A, %add3A_224 : vector<16xi32>
    %and3A = arith.constant 31 : i32
    %and3A_226 = vector.broadcast %and3A : i32 to vector<16xi32>
    %and3A_227 = arith.andi %add3A_225, %and3A_226 : vector<16xi32>
    %add3A_228 = arith.constant 1 : i32
    %add3A_229 = vector.broadcast %add3A_228 : i32 to vector<16xi32>
    %add3A_230 = arith.addi %iota3A, %add3A_229 : vector<16xi32>
    %and3A_231 = arith.constant 31 : i32
    %and3A_232 = vector.broadcast %and3A_231 : i32 to vector<16xi32>
    %and3A_233 = arith.andi %add3A_230, %and3A_232 : vector<16xi32>
    %add3A_234 = arith.constant 2 : i32
    %add3A_235 = vector.broadcast %add3A_234 : i32 to vector<16xi32>
    %add3A_236 = arith.addi %iota3A, %add3A_235 : vector<16xi32>
    %and3A_237 = arith.constant 31 : i32
    %and3A_238 = vector.broadcast %and3A_237 : i32 to vector<16xi32>
    %and3A_239 = arith.andi %add3A_236, %and3A_238 : vector<16xi32>
    %add3A_240 = arith.constant 3 : i32
    %add3A_241 = vector.broadcast %add3A_240 : i32 to vector<16xi32>
    %add3A_242 = arith.addi %iota3A, %add3A_241 : vector<16xi32>
    %and3A_243 = arith.constant 31 : i32
    %and3A_244 = vector.broadcast %and3A_243 : i32 to vector<16xi32>
    %and3A_245 = arith.andi %add3A_242, %and3A_244 : vector<16xi32>
    %add3A_246 = arith.constant 4 : i32
    %add3A_247 = vector.broadcast %add3A_246 : i32 to vector<16xi32>
    %add3A_248 = arith.addi %iota3A, %add3A_247 : vector<16xi32>
    %and3A_249 = arith.constant 31 : i32
    %and3A_250 = vector.broadcast %and3A_249 : i32 to vector<16xi32>
    %and3A_251 = arith.andi %add3A_248, %and3A_250 : vector<16xi32>
    %add3A_252 = arith.constant 5 : i32
    %add3A_253 = vector.broadcast %add3A_252 : i32 to vector<16xi32>
    %add3A_254 = arith.addi %iota3A, %add3A_253 : vector<16xi32>
    %and3A_255 = arith.constant 31 : i32
    %and3A_256 = vector.broadcast %and3A_255 : i32 to vector<16xi32>
    %and3A_257 = arith.andi %add3A_254, %and3A_256 : vector<16xi32>
    %add3A_258 = arith.constant 6 : i32
    %add3A_259 = vector.broadcast %add3A_258 : i32 to vector<16xi32>
    %add3A_260 = arith.addi %iota3A, %add3A_259 : vector<16xi32>
    %and3A_261 = arith.constant 31 : i32
    %and3A_262 = vector.broadcast %and3A_261 : i32 to vector<16xi32>
    %and3A_263 = arith.andi %add3A_260, %and3A_262 : vector<16xi32>
    %add3A_264 = arith.constant 7 : i32
    %add3A_265 = vector.broadcast %add3A_264 : i32 to vector<16xi32>
    %add3A_266 = arith.addi %iota3A, %add3A_265 : vector<16xi32>
    %and3A_267 = arith.constant 31 : i32
    %and3A_268 = vector.broadcast %and3A_267 : i32 to vector<16xi32>
    %and3A_269 = arith.andi %add3A_266, %and3A_268 : vector<16xi32>
    %add3A_270 = arith.constant 8 : i32
    %add3A_271 = vector.broadcast %add3A_270 : i32 to vector<16xi32>
    %add3A_272 = arith.addi %iota3A, %add3A_271 : vector<16xi32>
    %and3A_273 = arith.constant 31 : i32
    %and3A_274 = vector.broadcast %and3A_273 : i32 to vector<16xi32>
    %and3A_275 = arith.andi %add3A_272, %and3A_274 : vector<16xi32>
    %add3A_276 = arith.constant 9 : i32
    %add3A_277 = vector.broadcast %add3A_276 : i32 to vector<16xi32>
    %add3A_278 = arith.addi %iota3A, %add3A_277 : vector<16xi32>
    %and3A_279 = arith.constant 31 : i32
    %and3A_280 = vector.broadcast %and3A_279 : i32 to vector<16xi32>
    %and3A_281 = arith.andi %add3A_278, %and3A_280 : vector<16xi32>
    %add3A_282 = arith.constant 10 : i32
    %add3A_283 = vector.broadcast %add3A_282 : i32 to vector<16xi32>
    %add3A_284 = arith.addi %iota3A, %add3A_283 : vector<16xi32>
    %and3A_285 = arith.constant 31 : i32
    %and3A_286 = vector.broadcast %and3A_285 : i32 to vector<16xi32>
    %and3A_287 = arith.andi %add3A_284, %and3A_286 : vector<16xi32>
    %add3A_288 = arith.constant 11 : i32
    %add3A_289 = vector.broadcast %add3A_288 : i32 to vector<16xi32>
    %add3A_290 = arith.addi %iota3A, %add3A_289 : vector<16xi32>
    %and3A_291 = arith.constant 31 : i32
    %and3A_292 = vector.broadcast %and3A_291 : i32 to vector<16xi32>
    %and3A_293 = arith.andi %add3A_290, %and3A_292 : vector<16xi32>
    %add3A_294 = arith.constant 12 : i32
    %add3A_295 = vector.broadcast %add3A_294 : i32 to vector<16xi32>
    %add3A_296 = arith.addi %iota3A, %add3A_295 : vector<16xi32>
    %and3A_297 = arith.constant 31 : i32
    %and3A_298 = vector.broadcast %and3A_297 : i32 to vector<16xi32>
    %and3A_299 = arith.andi %add3A_296, %and3A_298 : vector<16xi32>
    %add3A_300 = arith.constant 13 : i32
    %add3A_301 = vector.broadcast %add3A_300 : i32 to vector<16xi32>
    %add3A_302 = arith.addi %iota3A, %add3A_301 : vector<16xi32>
    %and3A_303 = arith.constant 31 : i32
    %and3A_304 = vector.broadcast %and3A_303 : i32 to vector<16xi32>
    %and3A_305 = arith.andi %add3A_302, %and3A_304 : vector<16xi32>
    %add3A_306 = arith.constant 14 : i32
    %add3A_307 = vector.broadcast %add3A_306 : i32 to vector<16xi32>
    %add3A_308 = arith.addi %iota3A, %add3A_307 : vector<16xi32>
    %and3A_309 = arith.constant 31 : i32
    %and3A_310 = vector.broadcast %and3A_309 : i32 to vector<16xi32>
    %and3A_311 = arith.andi %add3A_308, %and3A_310 : vector<16xi32>
    %add3A_312 = arith.constant 15 : i32
    %add3A_313 = vector.broadcast %add3A_312 : i32 to vector<16xi32>
    %add3A_314 = arith.addi %iota3A, %add3A_313 : vector<16xi32>
    %and3A_315 = arith.constant 31 : i32
    %and3A_316 = vector.broadcast %and3A_315 : i32 to vector<16xi32>
    %and3A_317 = arith.andi %add3A_314, %and3A_316 : vector<16xi32>
    %add3A_318 = arith.constant 16 : i32
    %add3A_319 = vector.broadcast %add3A_318 : i32 to vector<16xi32>
    %add3A_320 = arith.addi %iota3A, %add3A_319 : vector<16xi32>
    %and3A_321 = arith.constant 31 : i32
    %and3A_322 = vector.broadcast %and3A_321 : i32 to vector<16xi32>
    %and3A_323 = arith.andi %add3A_320, %and3A_322 : vector<16xi32>
    %add3A_324 = arith.constant 17 : i32
    %add3A_325 = vector.broadcast %add3A_324 : i32 to vector<16xi32>
    %add3A_326 = arith.addi %iota3A, %add3A_325 : vector<16xi32>
    %and3A_327 = arith.constant 31 : i32
    %and3A_328 = vector.broadcast %and3A_327 : i32 to vector<16xi32>
    %and3A_329 = arith.andi %add3A_326, %and3A_328 : vector<16xi32>
    %add3A_330 = arith.constant 18 : i32
    %add3A_331 = vector.broadcast %add3A_330 : i32 to vector<16xi32>
    %add3A_332 = arith.addi %iota3A, %add3A_331 : vector<16xi32>
    %and3A_333 = arith.constant 31 : i32
    %and3A_334 = vector.broadcast %and3A_333 : i32 to vector<16xi32>
    %and3A_335 = arith.andi %add3A_332, %and3A_334 : vector<16xi32>
    %add3A_336 = arith.constant 19 : i32
    %add3A_337 = vector.broadcast %add3A_336 : i32 to vector<16xi32>
    %add3A_338 = arith.addi %iota3A, %add3A_337 : vector<16xi32>
    %and3A_339 = arith.constant 31 : i32
    %and3A_340 = vector.broadcast %and3A_339 : i32 to vector<16xi32>
    %and3A_341 = arith.andi %add3A_338, %and3A_340 : vector<16xi32>
    %add3A_342 = arith.constant 20 : i32
    %add3A_343 = vector.broadcast %add3A_342 : i32 to vector<16xi32>
    %add3A_344 = arith.addi %iota3A, %add3A_343 : vector<16xi32>
    %and3A_345 = arith.constant 31 : i32
    %and3A_346 = vector.broadcast %and3A_345 : i32 to vector<16xi32>
    %and3A_347 = arith.andi %add3A_344, %and3A_346 : vector<16xi32>
    %add3A_348 = arith.constant 21 : i32
    %add3A_349 = vector.broadcast %add3A_348 : i32 to vector<16xi32>
    %add3A_350 = arith.addi %iota3A, %add3A_349 : vector<16xi32>
    %and3A_351 = arith.constant 31 : i32
    %and3A_352 = vector.broadcast %and3A_351 : i32 to vector<16xi32>
    %and3A_353 = arith.andi %add3A_350, %and3A_352 : vector<16xi32>
    %add3A_354 = arith.constant 22 : i32
    %add3A_355 = vector.broadcast %add3A_354 : i32 to vector<16xi32>
    %add3A_356 = arith.addi %iota3A, %add3A_355 : vector<16xi32>
    %and3A_357 = arith.constant 31 : i32
    %and3A_358 = vector.broadcast %and3A_357 : i32 to vector<16xi32>
    %and3A_359 = arith.andi %add3A_356, %and3A_358 : vector<16xi32>
    %add3A_360 = arith.constant 23 : i32
    %add3A_361 = vector.broadcast %add3A_360 : i32 to vector<16xi32>
    %add3A_362 = arith.addi %iota3A, %add3A_361 : vector<16xi32>
    %and3A_363 = arith.constant 31 : i32
    %and3A_364 = vector.broadcast %and3A_363 : i32 to vector<16xi32>
    %and3A_365 = arith.andi %add3A_362, %and3A_364 : vector<16xi32>
    %add3A_366 = arith.constant 24 : i32
    %add3A_367 = vector.broadcast %add3A_366 : i32 to vector<16xi32>
    %add3A_368 = arith.addi %iota3A, %add3A_367 : vector<16xi32>
    %and3A_369 = arith.constant 31 : i32
    %and3A_370 = vector.broadcast %and3A_369 : i32 to vector<16xi32>
    %and3A_371 = arith.andi %add3A_368, %and3A_370 : vector<16xi32>
    %add3A_372 = arith.constant 25 : i32
    %add3A_373 = vector.broadcast %add3A_372 : i32 to vector<16xi32>
    %add3A_374 = arith.addi %iota3A, %add3A_373 : vector<16xi32>
    %and3A_375 = arith.constant 31 : i32
    %and3A_376 = vector.broadcast %and3A_375 : i32 to vector<16xi32>
    %and3A_377 = arith.andi %add3A_374, %and3A_376 : vector<16xi32>
    %add3A_378 = arith.constant 26 : i32
    %add3A_379 = vector.broadcast %add3A_378 : i32 to vector<16xi32>
    %add3A_380 = arith.addi %iota3A, %add3A_379 : vector<16xi32>
    %and3A_381 = arith.constant 31 : i32
    %and3A_382 = vector.broadcast %and3A_381 : i32 to vector<16xi32>
    %and3A_383 = arith.andi %add3A_380, %and3A_382 : vector<16xi32>
    %add3A_384 = arith.constant 27 : i32
    %add3A_385 = vector.broadcast %add3A_384 : i32 to vector<16xi32>
    %add3A_386 = arith.addi %iota3A, %add3A_385 : vector<16xi32>
    %and3A_387 = arith.constant 31 : i32
    %and3A_388 = vector.broadcast %and3A_387 : i32 to vector<16xi32>
    %and3A_389 = arith.andi %add3A_386, %and3A_388 : vector<16xi32>
    %add3A_390 = arith.constant 28 : i32
    %add3A_391 = vector.broadcast %add3A_390 : i32 to vector<16xi32>
    %add3A_392 = arith.addi %iota3A, %add3A_391 : vector<16xi32>
    %and3A_393 = arith.constant 31 : i32
    %and3A_394 = vector.broadcast %and3A_393 : i32 to vector<16xi32>
    %and3A_395 = arith.andi %add3A_392, %and3A_394 : vector<16xi32>
    %add3A_396 = arith.constant 29 : i32
    %add3A_397 = vector.broadcast %add3A_396 : i32 to vector<16xi32>
    %add3A_398 = arith.addi %iota3A, %add3A_397 : vector<16xi32>
    %and3A_399 = arith.constant 31 : i32
    %and3A_400 = vector.broadcast %and3A_399 : i32 to vector<16xi32>
    %and3A_401 = arith.andi %add3A_398, %and3A_400 : vector<16xi32>
    %add3A_402 = arith.constant 30 : i32
    %add3A_403 = vector.broadcast %add3A_402 : i32 to vector<16xi32>
    %add3A_404 = arith.addi %iota3A, %add3A_403 : vector<16xi32>
    %and3A_405 = arith.constant 31 : i32
    %and3A_406 = vector.broadcast %and3A_405 : i32 to vector<16xi32>
    %and3A_407 = arith.andi %add3A_404, %and3A_406 : vector<16xi32>
    %add3A_408 = arith.constant 31 : i32
    %add3A_409 = vector.broadcast %add3A_408 : i32 to vector<16xi32>
    %add3A_410 = arith.addi %iota3A, %add3A_409 : vector<16xi32>
    %and3A_411 = arith.constant 31 : i32
    %and3A_412 = vector.broadcast %and3A_411 : i32 to vector<16xi32>
    %and3A_413 = arith.andi %add3A_410, %and3A_412 : vector<16xi32>
    %scan3A = arith.constant 0 : i32
    %scan3A_414 = arith.constant 0 : i32
    %scan3A_415 = arith.constant 125 : i32
    %scan3A_416 = arith.addi %scan3A_414, %scan3A_415 : i32
    %scan3A_417 = arith.constant 1 : i32
    scf.for %scan3A_419 = %scan3A_414 to %scan3A_416 step %scan3A_417  : i32 {
      %rem3A = arith.constant 2 : i32
      %rem3A_420 = arith.remsi %scan3A_419, %rem3A : i32
      %sub3A = arith.constant 1 : i32
      %sub3A_421 = arith.subi %sub3A, %rem3A_420 : i32
      %lt3A = arith.constant 124 : i32
      %lt3A_422 = arith.cmpi slt, %scan3A_419, %lt3A : i32
      %convert_element_type3A = arith.extui %lt3A_422 : i1 to i32
      %cond3A = arith.constant 0 : i32
      %cond3A_423 = arith.cmpi ne, %convert_element_type3A, %cond3A : i32
      scf.if %cond3A_423 {
        %add3A_592 = arith.constant 1 : i32
        %add3A_593 = arith.addi %scan3A_419, %add3A_592 : i32
        %rem3A_594 = arith.constant 3 : i32
        %rem3A_595 = arith.remsi %add3A_593, %rem3A_594 : i32
        %dma_wait3A_596 = arith.constant 0 : i32
        %dma_wait3A_597 = arith.constant 0 : i32
        %dma_wait3A_598 = tpu.memref_slice %arg6[%rem3A_595, %dma_wait3A_596, %dma_wait3A_597] : memref<3x2x320xi32, #tpu.memory_space<vmem>> -> memref<1x1x320xi32, #tpu.memory_space<vmem>>
        %dma_wait3A_599 = tpu.memref_squeeze %dma_wait3A_598 : memref<1x1x320xi32, #tpu.memory_space<vmem>> -> memref<320xi32, #tpu.memory_space<vmem>>
        %dma_wait3A_600 = arith.constant 0 : i32
        %dma_wait3A_601 = tpu.memref_slice %arg3[%dma_wait3A_600] : memref<1280000xi32, #tpu.memory_space<hbm>> -> memref<320xi32, #tpu.memory_space<hbm>>
        %dma_wait3A_602 = tpu.memref_slice %arg11[%rem3A_595] : memref<3x!tpu.dma_semaphore, #tpu.memory_space<semaphore_mem>> -> memref<1x!tpu.dma_semaphore, #tpu.memory_space<semaphore_mem>>
        %dma_wait3A_603 = tpu.memref_squeeze %dma_wait3A_602 : memref<1x!tpu.dma_semaphore, #tpu.memory_space<semaphore_mem>> -> memref<!tpu.dma_semaphore, #tpu.memory_space<semaphore_mem>>
        %dma_wait3A_604 = arith.constant 0 : i32
        %dma_wait3A_605 = tpu.memref_slice %arg6[%rem3A_595, %dma_wait3A_596, %dma_wait3A_604] : memref<3x2x320xi32, #tpu.memory_space<vmem>> -> memref<1x1x320xi32, #tpu.memory_space<vmem>>
        %dma_wait3A_606 = tpu.memref_squeeze %dma_wait3A_605 : memref<1x1x320xi32, #tpu.memory_space<vmem>> -> memref<320xi32, #tpu.memory_space<vmem>>
        %dma_wait3A_607 = arith.constant 0 : i32
        %dma_wait3A_608 = tpu.memref_slice %arg3[%dma_wait3A_607] : memref<1280000xi32, #tpu.memory_space<hbm>> -> memref<320xi32, #tpu.memory_space<hbm>>
        tpu.wait_dma2 semaphore(%dma_wait3A_603 : memref<!tpu.dma_semaphore, #tpu.memory_space<semaphore_mem>>) src(%dma_wait3A_608 : memref<320xi32, #tpu.memory_space<hbm>>) dst(%dma_wait3A_606 : memref<320xi32, #tpu.memory_space<vmem>>)
        %dma_wait3A_609 = arith.constant 1 : i32
        %dma_wait3A_610 = arith.constant 0 : i32
        %dma_wait3A_611 = tpu.memref_slice %arg6[%rem3A_595, %dma_wait3A_609, %dma_wait3A_610] : memref<3x2x320xi32, #tpu.memory_space<vmem>> -> memref<1x1x320xi32, #tpu.memory_space<vmem>>
        %dma_wait3A_612 = tpu.memref_squeeze %dma_wait3A_611 : memref<1x1x320xi32, #tpu.memory_space<vmem>> -> memref<320xi32, #tpu.memory_space<vmem>>
        %dma_wait3A_613 = arith.constant 0 : i32
        %dma_wait3A_614 = tpu.memref_slice %arg4[%dma_wait3A_613] : memref<1280000xi32, #tpu.memory_space<hbm>> -> memref<320xi32, #tpu.memory_space<hbm>>
        %dma_wait3A_615 = tpu.memref_slice %arg11[%rem3A_595] : memref<3x!tpu.dma_semaphore, #tpu.memory_space<semaphore_mem>> -> memref<1x!tpu.dma_semaphore, #tpu.memory_space<semaphore_mem>>
        %dma_wait3A_616 = tpu.memref_squeeze %dma_wait3A_615 : memref<1x!tpu.dma_semaphore, #tpu.memory_space<semaphore_mem>> -> memref<!tpu.dma_semaphore, #tpu.memory_space<semaphore_mem>>
        %dma_wait3A_617 = arith.constant 0 : i32
        %dma_wait3A_618 = tpu.memref_slice %arg6[%rem3A_595, %dma_wait3A_609, %dma_wait3A_617] : memref<3x2x320xi32, #tpu.memory_space<vmem>> -> memref<1x1x320xi32, #tpu.memory_space<vmem>>
        %dma_wait3A_619 = tpu.memref_squeeze %dma_wait3A_618 : memref<1x1x320xi32, #tpu.memory_space<vmem>> -> memref<320xi32, #tpu.memory_space<vmem>>
        %dma_wait3A_620 = arith.constant 0 : i32
        %dma_wait3A_621 = tpu.memref_slice %arg4[%dma_wait3A_620] : memref<1280000xi32, #tpu.memory_space<hbm>> -> memref<320xi32, #tpu.memory_space<hbm>>
        tpu.wait_dma2 semaphore(%dma_wait3A_616 : memref<!tpu.dma_semaphore, #tpu.memory_space<semaphore_mem>>) src(%dma_wait3A_621 : memref<320xi32, #tpu.memory_space<hbm>>) dst(%dma_wait3A_619 : memref<320xi32, #tpu.memory_space<vmem>>)
        %add3A_622 = arith.constant 1 : i32
        %add3A_623 = arith.addi %scan3A_419, %add3A_622 : i32
        %add3A_624 = arith.constant 1 : i32
        %add3A_625 = arith.addi %scan3A_419, %add3A_624 : i32
        %rem3A_626 = arith.constant 3 : i32
        %rem3A_627 = arith.remsi %add3A_625, %rem3A_626 : i32
        %dma_start3A_628 = arith.constant 0 : i32
        %dma_start3A_629 = arith.constant 0 : i32
        %dma_start3A_630 = arith.constant 0 : i32
        %dma_start3A_631 = arith.constant 0 : i32
        %dma_start3A_632 = tpu.memref_slice %arg7[%sub3A_421, %dma_start3A_630, %dma_start3A_631] : memref<2x320x32xf32, #tpu.memory_space<vmem>> -> memref<1x80x32xf32, #tpu.memory_space<vmem>>
        %dma_start3A_633 = tpu.memref_squeeze %dma_start3A_632 : memref<1x80x32xf32, #tpu.memory_space<vmem>> -> memref<80x32xf32, #tpu.memory_space<vmem>>
        %dma_start3A_634 = arith.constant 0 : i32
        %dma_start3A_635 = tpu.memref_slice %arg6[%rem3A_627, %dma_start3A_628, %dma_start3A_634] : memref<3x2x320xi32, #tpu.memory_space<vmem>> -> memref<1x1x80xi32, #tpu.memory_space<vmem>>
        %dma_start3A_636 = tpu.memref_squeeze %dma_start3A_635 : memref<1x1x80xi32, #tpu.memory_space<vmem>> -> memref<80xi32, #tpu.memory_space<vmem>>
        %dma_start3A_637 = arith.constant 0 : i32
        %dma_start3A_638 = arith.constant 0 : i32
        %dma_start3A_639 = tpu.memref_slice %arg2[%dma_start3A_637, %dma_start3A_638] : memref<100000x32xf32, #tpu.memory_space<hbm>> -> memref<100000x32xf32, #tpu.memory_space<hbm>>
        %dma_start3A_640 = tpu.memref_slice %arg10[%sub3A_421, %dma_start3A_629] : memref<2x4x!tpu.dma_semaphore, #tpu.memory_space<semaphore_mem>> -> memref<1x1x!tpu.dma_semaphore, #tpu.memory_space<semaphore_mem>>
        %dma_start3A_641 = tpu.memref_squeeze %dma_start3A_640 : memref<1x1x!tpu.dma_semaphore, #tpu.memory_space<semaphore_mem>> -> memref<!tpu.dma_semaphore, #tpu.memory_space<semaphore_mem>>
        tpu.enqueue_indirect_dma source(%dma_start3A_639 : memref<100000x32xf32, #tpu.memory_space<hbm>>) target(%dma_start3A_633 : memref<80x32xf32, #tpu.memory_space<vmem>>) offsets(%dma_start3A_636 : memref<80xi32, #tpu.memory_space<vmem>>) semaphore(%dma_start3A_641 : memref<!tpu.dma_semaphore, #tpu.memory_space<semaphore_mem>>)
        %dma_start3A_642 = arith.constant 1 : i32
        %dma_start3A_643 = arith.constant 0 : i32
        %dma_start3A_644 = arith.constant 0 : i32
        %dma_start3A_645 = arith.constant 0 : i32
        %dma_start3A_646 = tpu.memref_slice %arg8[%sub3A_421, %dma_start3A_644, %dma_start3A_645] : memref<2x320x32xf32, #tpu.memory_space<vmem>> -> memref<1x80x32xf32, #tpu.memory_space<vmem>>
        %dma_start3A_647 = tpu.memref_squeeze %dma_start3A_646 : memref<1x80x32xf32, #tpu.memory_space<vmem>> -> memref<80x32xf32, #tpu.memory_space<vmem>>
        %dma_start3A_648 = arith.constant 0 : i32
        %dma_start3A_649 = tpu.memref_slice %arg6[%rem3A_627, %dma_start3A_642, %dma_start3A_648] : memref<3x2x320xi32, #tpu.memory_space<vmem>> -> memref<1x1x80xi32, #tpu.memory_space<vmem>>
        %dma_start3A_650 = tpu.memref_squeeze %dma_start3A_649 : memref<1x1x80xi32, #tpu.memory_space<vmem>> -> memref<80xi32, #tpu.memory_space<vmem>>
        %dma_start3A_651 = arith.constant 0 : i32
        %dma_start3A_652 = arith.constant 0 : i32
        %dma_start3A_653 = tpu.memref_slice %arg2[%dma_start3A_651, %dma_start3A_652] : memref<100000x32xf32, #tpu.memory_space<hbm>> -> memref<100000x32xf32, #tpu.memory_space<hbm>>
        %dma_start3A_654 = tpu.memref_slice %arg10[%sub3A_421, %dma_start3A_643] : memref<2x4x!tpu.dma_semaphore, #tpu.memory_space<semaphore_mem>> -> memref<1x1x!tpu.dma_semaphore, #tpu.memory_space<semaphore_mem>>
        %dma_start3A_655 = tpu.memref_squeeze %dma_start3A_654 : memref<1x1x!tpu.dma_semaphore, #tpu.memory_space<semaphore_mem>> -> memref<!tpu.dma_semaphore, #tpu.memory_space<semaphore_mem>>
        tpu.enqueue_indirect_dma source(%dma_start3A_653 : memref<100000x32xf32, #tpu.memory_space<hbm>>) target(%dma_start3A_647 : memref<80x32xf32, #tpu.memory_space<vmem>>) offsets(%dma_start3A_650 : memref<80xi32, #tpu.memory_space<vmem>>) semaphore(%dma_start3A_655 : memref<!tpu.dma_semaphore, #tpu.memory_space<semaphore_mem>>)
        %dma_start3A_656 = arith.constant 0 : i32
        %dma_start3A_657 = arith.constant 1 : i32
        %dma_start3A_658 = arith.constant 80 : i32
        %dma_start3A_659 = arith.constant 0 : i32
        %dma_start3A_660 = tpu.memref_slice %arg7[%sub3A_421, %dma_start3A_658, %dma_start3A_659] : memref<2x320x32xf32, #tpu.memory_space<vmem>> -> memref<1x80x32xf32, #tpu.memory_space<vmem>>
        %dma_start3A_661 = tpu.memref_squeeze %dma_start3A_660 : memref<1x80x32xf32, #tpu.memory_space<vmem>> -> memref<80x32xf32, #tpu.memory_space<vmem>>
        %dma_start3A_662 = arith.constant 80 : i32
        %dma_start3A_663 = tpu.memref_slice %arg6[%rem3A_627, %dma_start3A_656, %dma_start3A_662] : memref<3x2x320xi32, #tpu.memory_space<vmem>> -> memref<1x1x80xi32, #tpu.memory_space<vmem>>
        %dma_start3A_664 = tpu.memref_squeeze %dma_start3A_663 : memref<1x1x80xi32, #tpu.memory_space<vmem>> -> memref<80xi32, #tpu.memory_space<vmem>>
        %dma_start3A_665 = arith.constant 0 : i32
        %dma_start3A_666 = arith.constant 0 : i32
        %dma_start3A_667 = tpu.memref_slice %arg2[%dma_start3A_665, %dma_start3A_666] : memref<100000x32xf32, #tpu.memory_space<hbm>> -> memref<100000x32xf32, #tpu.memory_space<hbm>>
        %dma_start3A_668 = tpu.memref_slice %arg10[%sub3A_421, %dma_start3A_657] : memref<2x4x!tpu.dma_semaphore, #tpu.memory_space<semaphore_mem>> -> memref<1x1x!tpu.dma_semaphore, #tpu.memory_space<semaphore_mem>>
        %dma_start3A_669 = tpu.memref_squeeze %dma_start3A_668 : memref<1x1x!tpu.dma_semaphore, #tpu.memory_space<semaphore_mem>> -> memref<!tpu.dma_semaphore, #tpu.memory_space<semaphore_mem>>
        tpu.enqueue_indirect_dma source(%dma_start3A_667 : memref<100000x32xf32, #tpu.memory_space<hbm>>) target(%dma_start3A_661 : memref<80x32xf32, #tpu.memory_space<vmem>>) offsets(%dma_start3A_664 : memref<80xi32, #tpu.memory_space<vmem>>) semaphore(%dma_start3A_669 : memref<!tpu.dma_semaphore, #tpu.memory_space<semaphore_mem>>)
        %dma_start3A_670 = arith.constant 1 : i32
        %dma_start3A_671 = arith.constant 1 : i32
        %dma_start3A_672 = arith.constant 80 : i32
        %dma_start3A_673 = arith.constant 0 : i32
        %dma_start3A_674 = tpu.memref_slice %arg8[%sub3A_421, %dma_start3A_672, %dma_start3A_673] : memref<2x320x32xf32, #tpu.memory_space<vmem>> -> memref<1x80x32xf32, #tpu.memory_space<vmem>>
        %dma_start3A_675 = tpu.memref_squeeze %dma_start3A_674 : memref<1x80x32xf32, #tpu.memory_space<vmem>> -> memref<80x32xf32, #tpu.memory_space<vmem>>
        %dma_start3A_676 = arith.constant 80 : i32
        %dma_start3A_677 = tpu.memref_slice %arg6[%rem3A_627, %dma_start3A_670, %dma_start3A_676] : memref<3x2x320xi32, #tpu.memory_space<vmem>> -> memref<1x1x80xi32, #tpu.memory_space<vmem>>
        %dma_start3A_678 = tpu.memref_squeeze %dma_start3A_677 : memref<1x1x80xi32, #tpu.memory_space<vmem>> -> memref<80xi32, #tpu.memory_space<vmem>>
        %dma_start3A_679 = arith.constant 0 : i32
        %dma_start3A_680 = arith.constant 0 : i32
        %dma_start3A_681 = tpu.memref_slice %arg2[%dma_start3A_679, %dma_start3A_680] : memref<100000x32xf32, #tpu.memory_space<hbm>> -> memref<100000x32xf32, #tpu.memory_space<hbm>>
        %dma_start3A_682 = tpu.memref_slice %arg10[%sub3A_421, %dma_start3A_671] : memref<2x4x!tpu.dma_semaphore, #tpu.memory_space<semaphore_mem>> -> memref<1x1x!tpu.dma_semaphore, #tpu.memory_space<semaphore_mem>>
        %dma_start3A_683 = tpu.memref_squeeze %dma_start3A_682 : memref<1x1x!tpu.dma_semaphore, #tpu.memory_space<semaphore_mem>> -> memref<!tpu.dma_semaphore, #tpu.memory_space<semaphore_mem>>
        tpu.enqueue_indirect_dma source(%dma_start3A_681 : memref<100000x32xf32, #tpu.memory_space<hbm>>) target(%dma_start3A_675 : memref<80x32xf32, #tpu.memory_space<vmem>>) offsets(%dma_start3A_678 : memref<80xi32, #tpu.memory_space<vmem>>) semaphore(%dma_start3A_683 : memref<!tpu.dma_semaphore, #tpu.memory_space<semaphore_mem>>)
        %dma_start3A_684 = arith.constant 0 : i32
        %dma_start3A_685 = arith.constant 2 : i32
        %dma_start3A_686 = arith.constant 160 : i32
        %dma_start3A_687 = arith.constant 0 : i32
        %dma_start3A_688 = tpu.memref_slice %arg7[%sub3A_421, %dma_start3A_686, %dma_start3A_687] : memref<2x320x32xf32, #tpu.memory_space<vmem>> -> memref<1x80x32xf32, #tpu.memory_space<vmem>>
        %dma_start3A_689 = tpu.memref_squeeze %dma_start3A_688 : memref<1x80x32xf32, #tpu.memory_space<vmem>> -> memref<80x32xf32, #tpu.memory_space<vmem>>
        %dma_start3A_690 = arith.constant 160 : i32
        %dma_start3A_691 = tpu.memref_slice %arg6[%rem3A_627, %dma_start3A_684, %dma_start3A_690] : memref<3x2x320xi32, #tpu.memory_space<vmem>> -> memref<1x1x80xi32, #tpu.memory_space<vmem>>
        %dma_start3A_692 = tpu.memref_squeeze %dma_start3A_691 : memref<1x1x80xi32, #tpu.memory_space<vmem>> -> memref<80xi32, #tpu.memory_space<vmem>>
        %dma_start3A_693 = arith.constant 0 : i32
        %dma_start3A_694 = arith.constant 0 : i32
        %dma_start3A_695 = tpu.memref_slice %arg2[%dma_start3A_693, %dma_start3A_694] : memref<100000x32xf32, #tpu.memory_space<hbm>> -> memref<100000x32xf32, #tpu.memory_space<hbm>>
        %dma_start3A_696 = tpu.memref_slice %arg10[%sub3A_421, %dma_start3A_685] : memref<2x4x!tpu.dma_semaphore, #tpu.memory_space<semaphore_mem>> -> memref<1x1x!tpu.dma_semaphore, #tpu.memory_space<semaphore_mem>>
        %dma_start3A_697 = tpu.memref_squeeze %dma_start3A_696 : memref<1x1x!tpu.dma_semaphore, #tpu.memory_space<semaphore_mem>> -> memref<!tpu.dma_semaphore, #tpu.memory_space<semaphore_mem>>
        tpu.enqueue_indirect_dma source(%dma_start3A_695 : memref<100000x32xf32, #tpu.memory_space<hbm>>) target(%dma_start3A_689 : memref<80x32xf32, #tpu.memory_space<vmem>>) offsets(%dma_start3A_692 : memref<80xi32, #tpu.memory_space<vmem>>) semaphore(%dma_start3A_697 : memref<!tpu.dma_semaphore, #tpu.memory_space<semaphore_mem>>)
        %dma_start3A_698 = arith.constant 1 : i32
        %dma_start3A_699 = arith.constant 2 : i32
        %dma_start3A_700 = arith.constant 160 : i32
        %dma_start3A_701 = arith.constant 0 : i32
        %dma_start3A_702 = tpu.memref_slice %arg8[%sub3A_421, %dma_start3A_700, %dma_start3A_701] : memref<2x320x32xf32, #tpu.memory_space<vmem>> -> memref<1x80x32xf32, #tpu.memory_space<vmem>>
        %dma_start3A_703 = tpu.memref_squeeze %dma_start3A_702 : memref<1x80x32xf32, #tpu.memory_space<vmem>> -> memref<80x32xf32, #tpu.memory_space<vmem>>
        %dma_start3A_704 = arith.constant 160 : i32
        %dma_start3A_705 = tpu.memref_slice %arg6[%rem3A_627, %dma_start3A_698, %dma_start3A_704] : memref<3x2x320xi32, #tpu.memory_space<vmem>> -> memref<1x1x80xi32, #tpu.memory_space<vmem>>
        %dma_start3A_706 = tpu.memref_squeeze %dma_start3A_705 : memref<1x1x80xi32, #tpu.memory_space<vmem>> -> memref<80xi32, #tpu.memory_space<vmem>>
        %dma_start3A_707 = arith.constant 0 : i32
        %dma_start3A_708 = arith.constant 0 : i32
        %dma_start3A_709 = tpu.memref_slice %arg2[%dma_start3A_707, %dma_start3A_708] : memref<100000x32xf32, #tpu.memory_space<hbm>> -> memref<100000x32xf32, #tpu.memory_space<hbm>>
        %dma_start3A_710 = tpu.memref_slice %arg10[%sub3A_421, %dma_start3A_699] : memref<2x4x!tpu.dma_semaphore, #tpu.memory_space<semaphore_mem>> -> memref<1x1x!tpu.dma_semaphore, #tpu.memory_space<semaphore_mem>>
        %dma_start3A_711 = tpu.memref_squeeze %dma_start3A_710 : memref<1x1x!tpu.dma_semaphore, #tpu.memory_space<semaphore_mem>> -> memref<!tpu.dma_semaphore, #tpu.memory_space<semaphore_mem>>
        tpu.enqueue_indirect_dma source(%dma_start3A_709 : memref<100000x32xf32, #tpu.memory_space<hbm>>) target(%dma_start3A_703 : memref<80x32xf32, #tpu.memory_space<vmem>>) offsets(%dma_start3A_706 : memref<80xi32, #tpu.memory_space<vmem>>) semaphore(%dma_start3A_711 : memref<!tpu.dma_semaphore, #tpu.memory_space<semaphore_mem>>)
        %dma_start3A_712 = arith.constant 0 : i32
        %dma_start3A_713 = arith.constant 3 : i32
        %dma_start3A_714 = arith.constant 240 : i32
        %dma_start3A_715 = arith.constant 0 : i32
        %dma_start3A_716 = tpu.memref_slice %arg7[%sub3A_421, %dma_start3A_714, %dma_start3A_715] : memref<2x320x32xf32, #tpu.memory_space<vmem>> -> memref<1x80x32xf32, #tpu.memory_space<vmem>>
        %dma_start3A_717 = tpu.memref_squeeze %dma_start3A_716 : memref<1x80x32xf32, #tpu.memory_space<vmem>> -> memref<80x32xf32, #tpu.memory_space<vmem>>
        %dma_start3A_718 = arith.constant 240 : i32
        %dma_start3A_719 = tpu.memref_slice %arg6[%rem3A_627, %dma_start3A_712, %dma_start3A_718] : memref<3x2x320xi32, #tpu.memory_space<vmem>> -> memref<1x1x80xi32, #tpu.memory_space<vmem>>
        %dma_start3A_720 = tpu.memref_squeeze %dma_start3A_719 : memref<1x1x80xi32, #tpu.memory_space<vmem>> -> memref<80xi32, #tpu.memory_space<vmem>>
        %dma_start3A_721 = arith.constant 0 : i32
        %dma_start3A_722 = arith.constant 0 : i32
        %dma_start3A_723 = tpu.memref_slice %arg2[%dma_start3A_721, %dma_start3A_722] : memref<100000x32xf32, #tpu.memory_space<hbm>> -> memref<100000x32xf32, #tpu.memory_space<hbm>>
        %dma_start3A_724 = tpu.memref_slice %arg10[%sub3A_421, %dma_start3A_713] : memref<2x4x!tpu.dma_semaphore, #tpu.memory_space<semaphore_mem>> -> memref<1x1x!tpu.dma_semaphore, #tpu.memory_space<semaphore_mem>>
        %dma_start3A_725 = tpu.memref_squeeze %dma_start3A_724 : memref<1x1x!tpu.dma_semaphore, #tpu.memory_space<semaphore_mem>> -> memref<!tpu.dma_semaphore, #tpu.memory_space<semaphore_mem>>
        tpu.enqueue_indirect_dma source(%dma_start3A_723 : memref<100000x32xf32, #tpu.memory_space<hbm>>) target(%dma_start3A_717 : memref<80x32xf32, #tpu.memory_space<vmem>>) offsets(%dma_start3A_720 : memref<80xi32, #tpu.memory_space<vmem>>) semaphore(%dma_start3A_725 : memref<!tpu.dma_semaphore, #tpu.memory_space<semaphore_mem>>)
        %dma_start3A_726 = arith.constant 1 : i32
        %dma_start3A_727 = arith.constant 3 : i32
        %dma_start3A_728 = arith.constant 240 : i32
        %dma_start3A_729 = arith.constant 0 : i32
        %dma_start3A_730 = tpu.memref_slice %arg8[%sub3A_421, %dma_start3A_728, %dma_start3A_729] : memref<2x320x32xf32, #tpu.memory_space<vmem>> -> memref<1x80x32xf32, #tpu.memory_space<vmem>>
        %dma_start3A_731 = tpu.memref_squeeze %dma_start3A_730 : memref<1x80x32xf32, #tpu.memory_space<vmem>> -> memref<80x32xf32, #tpu.memory_space<vmem>>
        %dma_start3A_732 = arith.constant 240 : i32
        %dma_start3A_733 = tpu.memref_slice %arg6[%rem3A_627, %dma_start3A_726, %dma_start3A_732] : memref<3x2x320xi32, #tpu.memory_space<vmem>> -> memref<1x1x80xi32, #tpu.memory_space<vmem>>
        %dma_start3A_734 = tpu.memref_squeeze %dma_start3A_733 : memref<1x1x80xi32, #tpu.memory_space<vmem>> -> memref<80xi32, #tpu.memory_space<vmem>>
        %dma_start3A_735 = arith.constant 0 : i32
        %dma_start3A_736 = arith.constant 0 : i32
        %dma_start3A_737 = tpu.memref_slice %arg2[%dma_start3A_735, %dma_start3A_736] : memref<100000x32xf32, #tpu.memory_space<hbm>> -> memref<100000x32xf32, #tpu.memory_space<hbm>>
        %dma_start3A_738 = tpu.memref_slice %arg10[%sub3A_421, %dma_start3A_727] : memref<2x4x!tpu.dma_semaphore, #tpu.memory_space<semaphore_mem>> -> memref<1x1x!tpu.dma_semaphore, #tpu.memory_space<semaphore_mem>>
        %dma_start3A_739 = tpu.memref_squeeze %dma_start3A_738 : memref<1x1x!tpu.dma_semaphore, #tpu.memory_space<semaphore_mem>> -> memref<!tpu.dma_semaphore, #tpu.memory_space<semaphore_mem>>
        tpu.enqueue_indirect_dma source(%dma_start3A_737 : memref<100000x32xf32, #tpu.memory_space<hbm>>) target(%dma_start3A_731 : memref<80x32xf32, #tpu.memory_space<vmem>>) offsets(%dma_start3A_734 : memref<80xi32, #tpu.memory_space<vmem>>) semaphore(%dma_start3A_739 : memref<!tpu.dma_semaphore, #tpu.memory_space<semaphore_mem>>)
      } else {
      }
      %lt3A_424 = arith.constant 123 : i32
      %lt3A_425 = arith.cmpi slt, %scan3A_419, %lt3A_424 : i32
      %convert_element_type3A_426 = arith.extui %lt3A_425 : i1 to i32
      %cond3A_427 = arith.constant 0 : i32
      %cond3A_428 = arith.cmpi ne, %convert_element_type3A_426, %cond3A_427 : i32
      scf.if %cond3A_428 {
        %add3A_592 = arith.constant 2 : i32
        %add3A_593 = arith.addi %scan3A_419, %add3A_592 : i32
        %add3A_594 = arith.constant 2 : i32
        %add3A_595 = arith.addi %scan3A_419, %add3A_594 : i32
        %rem3A_596 = arith.constant 3 : i32
        %rem3A_597 = arith.remsi %add3A_595, %rem3A_596 : i32
        %mul3A_598 = arith.constant 320 : i32
        %mul3A_599 = arith.muli %add3A_593, %mul3A_598 : i32
        %add3A_600 = arith.addi %mul3A_2, %mul3A_599 : i32
        %dma_start3A_601 = arith.constant 0 : i32
        %dma_start3A_602 = arith.constant 0 : i32
        %dma_start3A_603 = tpu.memref_slice %arg6[%rem3A_597, %dma_start3A_601, %dma_start3A_602] : memref<3x2x320xi32, #tpu.memory_space<vmem>> -> memref<1x1x320xi32, #tpu.memory_space<vmem>>
        %dma_start3A_604 = tpu.memref_squeeze %dma_start3A_603 : memref<1x1x320xi32, #tpu.memory_space<vmem>> -> memref<320xi32, #tpu.memory_space<vmem>>
        %dma_start3A_605 = tpu.memref_slice %arg3[%add3A_600] : memref<1280000xi32, #tpu.memory_space<hbm>> -> memref<320xi32, #tpu.memory_space<hbm>>
        %dma_start3A_606 = tpu.memref_slice %arg11[%rem3A_597] : memref<3x!tpu.dma_semaphore, #tpu.memory_space<semaphore_mem>> -> memref<1x!tpu.dma_semaphore, #tpu.memory_space<semaphore_mem>>
        %dma_start3A_607 = tpu.memref_squeeze %dma_start3A_606 : memref<1x!tpu.dma_semaphore, #tpu.memory_space<semaphore_mem>> -> memref<!tpu.dma_semaphore, #tpu.memory_space<semaphore_mem>>
        %dma_start3A_608 = arith.constant 0 : i32
        %dma_start3A_609 = tpu.memref_slice %arg6[%rem3A_597, %dma_start3A_601, %dma_start3A_608] : memref<3x2x320xi32, #tpu.memory_space<vmem>> -> memref<1x1x320xi32, #tpu.memory_space<vmem>>
        %dma_start3A_610 = tpu.memref_squeeze %dma_start3A_609 : memref<1x1x320xi32, #tpu.memory_space<vmem>> -> memref<320xi32, #tpu.memory_space<vmem>>
        %dma_start3A_611 = tpu.memref_slice %arg3[%add3A_600] : memref<1280000xi32, #tpu.memory_space<hbm>> -> memref<320xi32, #tpu.memory_space<hbm>>
        tpu.enqueue_dma source(%dma_start3A_611 : memref<320xi32, #tpu.memory_space<hbm>>) target(%dma_start3A_610 : memref<320xi32, #tpu.memory_space<vmem>>) target_semaphore(%dma_start3A_607 : memref<!tpu.dma_semaphore, #tpu.memory_space<semaphore_mem>>)
        %dma_start3A_612 = arith.constant 1 : i32
        %dma_start3A_613 = arith.constant 0 : i32
        %dma_start3A_614 = tpu.memref_slice %arg6[%rem3A_597, %dma_start3A_612, %dma_start3A_613] : memref<3x2x320xi32, #tpu.memory_space<vmem>> -> memref<1x1x320xi32, #tpu.memory_space<vmem>>
        %dma_start3A_615 = tpu.memref_squeeze %dma_start3A_614 : memref<1x1x320xi32, #tpu.memory_space<vmem>> -> memref<320xi32, #tpu.memory_space<vmem>>
        %dma_start3A_616 = tpu.memref_slice %arg4[%add3A_600] : memref<1280000xi32, #tpu.memory_space<hbm>> -> memref<320xi32, #tpu.memory_space<hbm>>
        %dma_start3A_617 = tpu.memref_slice %arg11[%rem3A_597] : memref<3x!tpu.dma_semaphore, #tpu.memory_space<semaphore_mem>> -> memref<1x!tpu.dma_semaphore, #tpu.memory_space<semaphore_mem>>
        %dma_start3A_618 = tpu.memref_squeeze %dma_start3A_617 : memref<1x!tpu.dma_semaphore, #tpu.memory_space<semaphore_mem>> -> memref<!tpu.dma_semaphore, #tpu.memory_space<semaphore_mem>>
        %dma_start3A_619 = arith.constant 0 : i32
        %dma_start3A_620 = tpu.memref_slice %arg6[%rem3A_597, %dma_start3A_612, %dma_start3A_619] : memref<3x2x320xi32, #tpu.memory_space<vmem>> -> memref<1x1x320xi32, #tpu.memory_space<vmem>>
        %dma_start3A_621 = tpu.memref_squeeze %dma_start3A_620 : memref<1x1x320xi32, #tpu.memory_space<vmem>> -> memref<320xi32, #tpu.memory_space<vmem>>
        %dma_start3A_622 = tpu.memref_slice %arg4[%add3A_600] : memref<1280000xi32, #tpu.memory_space<hbm>> -> memref<320xi32, #tpu.memory_space<hbm>>
        tpu.enqueue_dma source(%dma_start3A_622 : memref<320xi32, #tpu.memory_space<hbm>>) target(%dma_start3A_621 : memref<320xi32, #tpu.memory_space<vmem>>) target_semaphore(%dma_start3A_618 : memref<!tpu.dma_semaphore, #tpu.memory_space<semaphore_mem>>)
      } else {
      }
      %dma_wait3A_429 = arith.constant 0 : i32
      %dma_wait3A_430 = arith.constant 0 : i32
      %dma_wait3A_431 = arith.constant 0 : i32
      %dma_wait3A_432 = tpu.memref_slice %arg7[%rem3A_420, %dma_wait3A_430, %dma_wait3A_431] : memref<2x320x32xf32, #tpu.memory_space<vmem>> -> memref<1x80x32xf32, #tpu.memory_space<vmem>>
      %dma_wait3A_433 = tpu.memref_squeeze %dma_wait3A_432 : memref<1x80x32xf32, #tpu.memory_space<vmem>> -> memref<80x32xf32, #tpu.memory_space<vmem>>
      %dma_wait3A_434 = arith.constant 0 : i32
      %dma_wait3A_435 = arith.constant 0 : i32
      %dma_wait3A_436 = tpu.memref_slice %arg2[%dma_wait3A_434, %dma_wait3A_435] : memref<100000x32xf32, #tpu.memory_space<hbm>> -> memref<80x32xf32, #tpu.memory_space<hbm>>
      %dma_wait3A_437 = tpu.memref_slice %arg10[%rem3A_420, %dma_wait3A_429] : memref<2x4x!tpu.dma_semaphore, #tpu.memory_space<semaphore_mem>> -> memref<1x1x!tpu.dma_semaphore, #tpu.memory_space<semaphore_mem>>
      %dma_wait3A_438 = tpu.memref_squeeze %dma_wait3A_437 : memref<1x1x!tpu.dma_semaphore, #tpu.memory_space<semaphore_mem>> -> memref<!tpu.dma_semaphore, #tpu.memory_space<semaphore_mem>>
      %dma_wait3A_439 = arith.constant 0 : i32
      %dma_wait3A_440 = arith.constant 0 : i32
      %dma_wait3A_441 = tpu.memref_slice %arg7[%rem3A_420, %dma_wait3A_439, %dma_wait3A_440] : memref<2x320x32xf32, #tpu.memory_space<vmem>> -> memref<1x80x32xf32, #tpu.memory_space<vmem>>
      %dma_wait3A_442 = tpu.memref_squeeze %dma_wait3A_441 : memref<1x80x32xf32, #tpu.memory_space<vmem>> -> memref<80x32xf32, #tpu.memory_space<vmem>>
      %dma_wait3A_443 = arith.constant 0 : i32
      %dma_wait3A_444 = arith.constant 0 : i32
      %dma_wait3A_445 = tpu.memref_slice %arg2[%dma_wait3A_443, %dma_wait3A_444] : memref<100000x32xf32, #tpu.memory_space<hbm>> -> memref<80x32xf32, #tpu.memory_space<hbm>>
      tpu.wait_dma2 semaphore(%dma_wait3A_438 : memref<!tpu.dma_semaphore, #tpu.memory_space<semaphore_mem>>) src(%dma_wait3A_445 : memref<80x32xf32, #tpu.memory_space<hbm>>) dst(%dma_wait3A_442 : memref<80x32xf32, #tpu.memory_space<vmem>>)
      %dma_wait3A_446 = arith.constant 0 : i32
      %dma_wait3A_447 = arith.constant 0 : i32
      %dma_wait3A_448 = arith.constant 0 : i32
      %dma_wait3A_449 = tpu.memref_slice %arg7[%rem3A_420, %dma_wait3A_447, %dma_wait3A_448] : memref<2x320x32xf32, #tpu.memory_space<vmem>> -> memref<1x80x32xf32, #tpu.memory_space<vmem>>
      %dma_wait3A_450 = tpu.memref_squeeze %dma_wait3A_449 : memref<1x80x32xf32, #tpu.memory_space<vmem>> -> memref<80x32xf32, #tpu.memory_space<vmem>>
      %dma_wait3A_451 = arith.constant 0 : i32
      %dma_wait3A_452 = arith.constant 0 : i32
      %dma_wait3A_453 = tpu.memref_slice %arg2[%dma_wait3A_451, %dma_wait3A_452] : memref<100000x32xf32, #tpu.memory_space<hbm>> -> memref<80x32xf32, #tpu.memory_space<hbm>>
      %dma_wait3A_454 = tpu.memref_slice %arg10[%rem3A_420, %dma_wait3A_446] : memref<2x4x!tpu.dma_semaphore, #tpu.memory_space<semaphore_mem>> -> memref<1x1x!tpu.dma_semaphore, #tpu.memory_space<semaphore_mem>>
      %dma_wait3A_455 = tpu.memref_squeeze %dma_wait3A_454 : memref<1x1x!tpu.dma_semaphore, #tpu.memory_space<semaphore_mem>> -> memref<!tpu.dma_semaphore, #tpu.memory_space<semaphore_mem>>
      %dma_wait3A_456 = arith.constant 0 : i32
      %dma_wait3A_457 = arith.constant 0 : i32
      %dma_wait3A_458 = tpu.memref_slice %arg7[%rem3A_420, %dma_wait3A_456, %dma_wait3A_457] : memref<2x320x32xf32, #tpu.memory_space<vmem>> -> memref<1x80x32xf32, #tpu.memory_space<vmem>>
      %dma_wait3A_459 = tpu.memref_squeeze %dma_wait3A_458 : memref<1x80x32xf32, #tpu.memory_space<vmem>> -> memref<80x32xf32, #tpu.memory_space<vmem>>
      %dma_wait3A_460 = arith.constant 0 : i32
      %dma_wait3A_461 = arith.constant 0 : i32
      %dma_wait3A_462 = tpu.memref_slice %arg2[%dma_wait3A_460, %dma_wait3A_461] : memref<100000x32xf32, #tpu.memory_space<hbm>> -> memref<80x32xf32, #tpu.memory_space<hbm>>
      tpu.wait_dma2 semaphore(%dma_wait3A_455 : memref<!tpu.dma_semaphore, #tpu.memory_space<semaphore_mem>>) src(%dma_wait3A_462 : memref<80x32xf32, #tpu.memory_space<hbm>>) dst(%dma_wait3A_459 : memref<80x32xf32, #tpu.memory_space<vmem>>)
      %scan3A_463 = arith.constant 0 : i32
      %scan3A_464 = arith.constant 0 : i32
      %scan3A_465 = arith.constant 5 : i32
      %scan3A_466 = arith.addi %scan3A_464, %scan3A_465 : i32
      %scan3A_467 = arith.constant 1 : i32
      scf.for %scan3A_592 = %scan3A_464 to %scan3A_466 step %scan3A_467  : i32 {
        %mul3A_593 = arith.constant 16 : i32
        %mul3A_594 = arith.muli %mul3A_593, %scan3A_592 : i32
        %add3A_595 = vector.broadcast %mul3A_594 : i32 to vector<16xi32>
        %add3A_596 = arith.addi %iota3A, %add3A_595 : vector<16xi32>
        %broadcast_in_dim3A = arith.constant 0.000000e+00 : f32
        %broadcast_in_dim3A_597 = vector.broadcast %broadcast_in_dim3A : f32 to vector<16xf32>
        %broadcast_in_dim3A_598 = arith.constant 0.000000e+00 : f32
        %broadcast_in_dim3A_599 = vector.broadcast %broadcast_in_dim3A_598 : f32 to vector<16xf32>
        %broadcast_in_dim3A_600 = arith.constant 0.000000e+00 : f32
        %broadcast_in_dim3A_601 = vector.broadcast %broadcast_in_dim3A_600 : f32 to vector<16xf32>
        %broadcast_in_dim3A_602 = arith.constant 0.000000e+00 : f32
        %broadcast_in_dim3A_603 = vector.broadcast %broadcast_in_dim3A_602 : f32 to vector<16xf32>
        %gather3A = arith.constant 0 : i32
        %gather3A_604 = arith.constant 0 : i32
        %gather3A_605 = tpu.memref_slice %arg7[%rem3A_420, %gather3A, %gather3A_604] : memref<2x320x32xf32, #tpu.memory_space<vmem>> -> memref<1x320x32xf32, #tpu.memory_space<vmem>>
        %gather3A_606 = tpu.memref_squeeze %gather3A_605 : memref<1x320x32xf32, #tpu.memory_space<vmem>> -> memref<320x32xf32, #tpu.memory_space<vmem>>
        %gather3A_607 = tpu.vector_load_idx %gather3A_606[%add3A_596, %and3A_227] : memref<320x32xf32, #tpu.memory_space<vmem>>[vector<16xi32>, vector<16xi32>], vector<16xf32>,
        %gather3A_608 = arith.constant 0 : i32
        %gather3A_609 = arith.constant 0 : i32
        %gather3A_610 = tpu.memref_slice %arg8[%rem3A_420, %gather3A_608, %gather3A_609] : memref<2x320x32xf32, #tpu.memory_space<vmem>> -> memref<1x320x32xf32, #tpu.memory_space<vmem>>
        %gather3A_611 = tpu.memref_squeeze %gather3A_610 : memref<1x320x32xf32, #tpu.memory_space<vmem>> -> memref<320x32xf32, #tpu.memory_space<vmem>>
        %gather3A_612 = tpu.vector_load_idx %gather3A_611[%add3A_596, %and3A_227] : memref<320x32xf32, #tpu.memory_space<vmem>>[vector<16xi32>, vector<16xi32>], vector<16xf32>,
        %mul3A_613 = arith.mulf %gather3A_607, %gather3A_612 : vector<16xf32>
        %add3A_614 = arith.addf %broadcast_in_dim3A_597, %mul3A_613 : vector<16xf32>
        %gather3A_615 = arith.constant 0 : i32
        %gather3A_616 = arith.constant 0 : i32
        %gather3A_617 = tpu.memref_slice %arg7[%rem3A_420, %gather3A_615, %gather3A_616] : memref<2x320x32xf32, #tpu.memory_space<vmem>> -> memref<1x320x32xf32, #tpu.memory_space<vmem>>
        %gather3A_618 = tpu.memref_squeeze %gather3A_617 : memref<1x320x32xf32, #tpu.memory_space<vmem>> -> memref<320x32xf32, #tpu.memory_space<vmem>>
        %gather3A_619 = tpu.vector_load_idx %gather3A_618[%add3A_596, %and3A_233] : memref<320x32xf32, #tpu.memory_space<vmem>>[vector<16xi32>, vector<16xi32>], vector<16xf32>,
        %gather3A_620 = arith.constant 0 : i32
        %gather3A_621 = arith.constant 0 : i32
        %gather3A_622 = tpu.memref_slice %arg8[%rem3A_420, %gather3A_620, %gather3A_621] : memref<2x320x32xf32, #tpu.memory_space<vmem>> -> memref<1x320x32xf32, #tpu.memory_space<vmem>>
        %gather3A_623 = tpu.memref_squeeze %gather3A_622 : memref<1x320x32xf32, #tpu.memory_space<vmem>> -> memref<320x32xf32, #tpu.memory_space<vmem>>
        %gather3A_624 = tpu.vector_load_idx %gather3A_623[%add3A_596, %and3A_233] : memref<320x32xf32, #tpu.memory_space<vmem>>[vector<16xi32>, vector<16xi32>], vector<16xf32>,
        %mul3A_625 = arith.mulf %gather3A_619, %gather3A_624 : vector<16xf32>
        %add3A_626 = arith.addf %broadcast_in_dim3A_599, %mul3A_625 : vector<16xf32>
        %gather3A_627 = arith.constant 0 : i32
        %gather3A_628 = arith.constant 0 : i32
        %gather3A_629 = tpu.memref_slice %arg7[%rem3A_420, %gather3A_627, %gather3A_628] : memref<2x320x32xf32, #tpu.memory_space<vmem>> -> memref<1x320x32xf32, #tpu.memory_space<vmem>>
        %gather3A_630 = tpu.memref_squeeze %gather3A_629 : memref<1x320x32xf32, #tpu.memory_space<vmem>> -> memref<320x32xf32, #tpu.memory_space<vmem>>
        %gather3A_631 = tpu.vector_load_idx %gather3A_630[%add3A_596, %and3A_239] : memref<320x32xf32, #tpu.memory_space<vmem>>[vector<16xi32>, vector<16xi32>], vector<16xf32>,
        %gather3A_632 = arith.constant 0 : i32
        %gather3A_633 = arith.constant 0 : i32
        %gather3A_634 = tpu.memref_slice %arg8[%rem3A_420, %gather3A_632, %gather3A_633] : memref<2x320x32xf32, #tpu.memory_space<vmem>> -> memref<1x320x32xf32, #tpu.memory_space<vmem>>
        %gather3A_635 = tpu.memref_squeeze %gather3A_634 : memref<1x320x32xf32, #tpu.memory_space<vmem>> -> memref<320x32xf32, #tpu.memory_space<vmem>>
        %gather3A_636 = tpu.vector_load_idx %gather3A_635[%add3A_596, %and3A_239] : memref<320x32xf32, #tpu.memory_space<vmem>>[vector<16xi32>, vector<16xi32>], vector<16xf32>,
        %mul3A_637 = arith.mulf %gather3A_631, %gather3A_636 : vector<16xf32>
        %add3A_638 = arith.addf %broadcast_in_dim3A_601, %mul3A_637 : vector<16xf32>
        %gather3A_639 = arith.constant 0 : i32
        %gather3A_640 = arith.constant 0 : i32
        %gather3A_641 = tpu.memref_slice %arg7[%rem3A_420, %gather3A_639, %gather3A_640] : memref<2x320x32xf32, #tpu.memory_space<vmem>> -> memref<1x320x32xf32, #tpu.memory_space<vmem>>
        %gather3A_642 = tpu.memref_squeeze %gather3A_641 : memref<1x320x32xf32, #tpu.memory_space<vmem>> -> memref<320x32xf32, #tpu.memory_space<vmem>>
        %gather3A_643 = tpu.vector_load_idx %gather3A_642[%add3A_596, %and3A_245] : memref<320x32xf32, #tpu.memory_space<vmem>>[vector<16xi32>, vector<16xi32>], vector<16xf32>,
        %gather3A_644 = arith.constant 0 : i32
        %gather3A_645 = arith.constant 0 : i32
        %gather3A_646 = tpu.memref_slice %arg8[%rem3A_420, %gather3A_644, %gather3A_645] : memref<2x320x32xf32, #tpu.memory_space<vmem>> -> memref<1x320x32xf32, #tpu.memory_space<vmem>>
        %gather3A_647 = tpu.memref_squeeze %gather3A_646 : memref<1x320x32xf32, #tpu.memory_space<vmem>> -> memref<320x32xf32, #tpu.memory_space<vmem>>
        %gather3A_648 = tpu.vector_load_idx %gather3A_647[%add3A_596, %and3A_245] : memref<320x32xf32, #tpu.memory_space<vmem>>[vector<16xi32>, vector<16xi32>], vector<16xf32>,
        %mul3A_649 = arith.mulf %gather3A_643, %gather3A_648 : vector<16xf32>
        %add3A_650 = arith.addf %broadcast_in_dim3A_603, %mul3A_649 : vector<16xf32>
        %gather3A_651 = arith.constant 0 : i32
        %gather3A_652 = arith.constant 0 : i32
        %gather3A_653 = tpu.memref_slice %arg7[%rem3A_420, %gather3A_651, %gather3A_652] : memref<2x320x32xf32, #tpu.memory_space<vmem>> -> memref<1x320x32xf32, #tpu.memory_space<vmem>>
        %gather3A_654 = tpu.memref_squeeze %gather3A_653 : memref<1x320x32xf32, #tpu.memory_space<vmem>> -> memref<320x32xf32, #tpu.memory_space<vmem>>
        %gather3A_655 = tpu.vector_load_idx %gather3A_654[%add3A_596, %and3A_251] : memref<320x32xf32, #tpu.memory_space<vmem>>[vector<16xi32>, vector<16xi32>], vector<16xf32>,
        %gather3A_656 = arith.constant 0 : i32
        %gather3A_657 = arith.constant 0 : i32
        %gather3A_658 = tpu.memref_slice %arg8[%rem3A_420, %gather3A_656, %gather3A_657] : memref<2x320x32xf32, #tpu.memory_space<vmem>> -> memref<1x320x32xf32, #tpu.memory_space<vmem>>
        %gather3A_659 = tpu.memref_squeeze %gather3A_658 : memref<1x320x32xf32, #tpu.memory_space<vmem>> -> memref<320x32xf32, #tpu.memory_space<vmem>>
        %gather3A_660 = tpu.vector_load_idx %gather3A_659[%add3A_596, %and3A_251] : memref<320x32xf32, #tpu.memory_space<vmem>>[vector<16xi32>, vector<16xi32>], vector<16xf32>,
        %mul3A_661 = arith.mulf %gather3A_655, %gather3A_660 : vector<16xf32>
        %add3A_662 = arith.addf %add3A_614, %mul3A_661 : vector<16xf32>
        %gather3A_663 = arith.constant 0 : i32
        %gather3A_664 = arith.constant 0 : i32
        %gather3A_665 = tpu.memref_slice %arg7[%rem3A_420, %gather3A_663, %gather3A_664] : memref<2x320x32xf32, #tpu.memory_space<vmem>> -> memref<1x320x32xf32, #tpu.memory_space<vmem>>
        %gather3A_666 = tpu.memref_squeeze %gather3A_665 : memref<1x320x32xf32, #tpu.memory_space<vmem>> -> memref<320x32xf32, #tpu.memory_space<vmem>>
        %gather3A_667 = tpu.vector_load_idx %gather3A_666[%add3A_596, %and3A_257] : memref<320x32xf32, #tpu.memory_space<vmem>>[vector<16xi32>, vector<16xi32>], vector<16xf32>,
        %gather3A_668 = arith.constant 0 : i32
        %gather3A_669 = arith.constant 0 : i32
        %gather3A_670 = tpu.memref_slice %arg8[%rem3A_420, %gather3A_668, %gather3A_669] : memref<2x320x32xf32, #tpu.memory_space<vmem>> -> memref<1x320x32xf32, #tpu.memory_space<vmem>>
        %gather3A_671 = tpu.memref_squeeze %gather3A_670 : memref<1x320x32xf32, #tpu.memory_space<vmem>> -> memref<320x32xf32, #tpu.memory_space<vmem>>
        %gather3A_672 = tpu.vector_load_idx %gather3A_671[%add3A_596, %and3A_257] : memref<320x32xf32, #tpu.memory_space<vmem>>[vector<16xi32>, vector<16xi32>], vector<16xf32>,
        %mul3A_673 = arith.mulf %gather3A_667, %gather3A_672 : vector<16xf32>
        %add3A_674 = arith.addf %add3A_626, %mul3A_673 : vector<16xf32>
        %gather3A_675 = arith.constant 0 : i32
        %gather3A_676 = arith.constant 0 : i32
        %gather3A_677 = tpu.memref_slice %arg7[%rem3A_420, %gather3A_675, %gather3A_676] : memref<2x320x32xf32, #tpu.memory_space<vmem>> -> memref<1x320x32xf32, #tpu.memory_space<vmem>>
        %gather3A_678 = tpu.memref_squeeze %gather3A_677 : memref<1x320x32xf32, #tpu.memory_space<vmem>> -> memref<320x32xf32, #tpu.memory_space<vmem>>
        %gather3A_679 = tpu.vector_load_idx %gather3A_678[%add3A_596, %and3A_263] : memref<320x32xf32, #tpu.memory_space<vmem>>[vector<16xi32>, vector<16xi32>], vector<16xf32>,
        %gather3A_680 = arith.constant 0 : i32
        %gather3A_681 = arith.constant 0 : i32
        %gather3A_682 = tpu.memref_slice %arg8[%rem3A_420, %gather3A_680, %gather3A_681] : memref<2x320x32xf32, #tpu.memory_space<vmem>> -> memref<1x320x32xf32, #tpu.memory_space<vmem>>
        %gather3A_683 = tpu.memref_squeeze %gather3A_682 : memref<1x320x32xf32, #tpu.memory_space<vmem>> -> memref<320x32xf32, #tpu.memory_space<vmem>>
        %gather3A_684 = tpu.vector_load_idx %gather3A_683[%add3A_596, %and3A_263] : memref<320x32xf32, #tpu.memory_space<vmem>>[vector<16xi32>, vector<16xi32>], vector<16xf32>,
        %mul3A_685 = arith.mulf %gather3A_679, %gather3A_684 : vector<16xf32>
        %add3A_686 = arith.addf %add3A_638, %mul3A_685 : vector<16xf32>
        %gather3A_687 = arith.constant 0 : i32
        %gather3A_688 = arith.constant 0 : i32
        %gather3A_689 = tpu.memref_slice %arg7[%rem3A_420, %gather3A_687, %gather3A_688] : memref<2x320x32xf32, #tpu.memory_space<vmem>> -> memref<1x320x32xf32, #tpu.memory_space<vmem>>
        %gather3A_690 = tpu.memref_squeeze %gather3A_689 : memref<1x320x32xf32, #tpu.memory_space<vmem>> -> memref<320x32xf32, #tpu.memory_space<vmem>>
        %gather3A_691 = tpu.vector_load_idx %gather3A_690[%add3A_596, %and3A_269] : memref<320x32xf32, #tpu.memory_space<vmem>>[vector<16xi32>, vector<16xi32>], vector<16xf32>,
        %gather3A_692 = arith.constant 0 : i32
        %gather3A_693 = arith.constant 0 : i32
        %gather3A_694 = tpu.memref_slice %arg8[%rem3A_420, %gather3A_692, %gather3A_693] : memref<2x320x32xf32, #tpu.memory_space<vmem>> -> memref<1x320x32xf32, #tpu.memory_space<vmem>>
        %gather3A_695 = tpu.memref_squeeze %gather3A_694 : memref<1x320x32xf32, #tpu.memory_space<vmem>> -> memref<320x32xf32, #tpu.memory_space<vmem>>
        %gather3A_696 = tpu.vector_load_idx %gather3A_695[%add3A_596, %and3A_269] : memref<320x32xf32, #tpu.memory_space<vmem>>[vector<16xi32>, vector<16xi32>], vector<16xf32>,
        %mul3A_697 = arith.mulf %gather3A_691, %gather3A_696 : vector<16xf32>
        %add3A_698 = arith.addf %add3A_650, %mul3A_697 : vector<16xf32>
        %gather3A_699 = arith.constant 0 : i32
        %gather3A_700 = arith.constant 0 : i32
        %gather3A_701 = tpu.memref_slice %arg7[%rem3A_420, %gather3A_699, %gather3A_700] : memref<2x320x32xf32, #tpu.memory_space<vmem>> -> memref<1x320x32xf32, #tpu.memory_space<vmem>>
        %gather3A_702 = tpu.memref_squeeze %gather3A_701 : memref<1x320x32xf32, #tpu.memory_space<vmem>> -> memref<320x32xf32, #tpu.memory_space<vmem>>
        %gather3A_703 = tpu.vector_load_idx %gather3A_702[%add3A_596, %and3A_275] : memref<320x32xf32, #tpu.memory_space<vmem>>[vector<16xi32>, vector<16xi32>], vector<16xf32>,
        %gather3A_704 = arith.constant 0 : i32
        %gather3A_705 = arith.constant 0 : i32
        %gather3A_706 = tpu.memref_slice %arg8[%rem3A_420, %gather3A_704, %gather3A_705] : memref<2x320x32xf32, #tpu.memory_space<vmem>> -> memref<1x320x32xf32, #tpu.memory_space<vmem>>
        %gather3A_707 = tpu.memref_squeeze %gather3A_706 : memref<1x320x32xf32, #tpu.memory_space<vmem>> -> memref<320x32xf32, #tpu.memory_space<vmem>>
        %gather3A_708 = tpu.vector_load_idx %gather3A_707[%add3A_596, %and3A_275] : memref<320x32xf32, #tpu.memory_space<vmem>>[vector<16xi32>, vector<16xi32>], vector<16xf32>,
        %mul3A_709 = arith.mulf %gather3A_703, %gather3A_708 : vector<16xf32>
        %add3A_710 = arith.addf %add3A_662, %mul3A_709 : vector<16xf32>
        %gather3A_711 = arith.constant 0 : i32
        %gather3A_712 = arith.constant 0 : i32
        %gather3A_713 = tpu.memref_slice %arg7[%rem3A_420, %gather3A_711, %gather3A_712] : memref<2x320x32xf32, #tpu.memory_space<vmem>> -> memref<1x320x32xf32, #tpu.memory_space<vmem>>
        %gather3A_714 = tpu.memref_squeeze %gather3A_713 : memref<1x320x32xf32, #tpu.memory_space<vmem>> -> memref<320x32xf32, #tpu.memory_space<vmem>>
        %gather3A_715 = tpu.vector_load_idx %gather3A_714[%add3A_596, %and3A_281] : memref<320x32xf32, #tpu.memory_space<vmem>>[vector<16xi32>, vector<16xi32>], vector<16xf32>,
        %gather3A_716 = arith.constant 0 : i32
        %gather3A_717 = arith.constant 0 : i32
        %gather3A_718 = tpu.memref_slice %arg8[%rem3A_420, %gather3A_716, %gather3A_717] : memref<2x320x32xf32, #tpu.memory_space<vmem>> -> memref<1x320x32xf32, #tpu.memory_space<vmem>>
        %gather3A_719 = tpu.memref_squeeze %gather3A_718 : memref<1x320x32xf32, #tpu.memory_space<vmem>> -> memref<320x32xf32, #tpu.memory_space<vmem>>
        %gather3A_720 = tpu.vector_load_idx %gather3A_719[%add3A_596, %and3A_281] : memref<320x32xf32, #tpu.memory_space<vmem>>[vector<16xi32>, vector<16xi32>], vector<16xf32>,
        %mul3A_721 = arith.mulf %gather3A_715, %gather3A_720 : vector<16xf32>
        %add3A_722 = arith.addf %add3A_674, %mul3A_721 : vector<16xf32>
        %gather3A_723 = arith.constant 0 : i32
        %gather3A_724 = arith.constant 0 : i32
        %gather3A_725 = tpu.memref_slice %arg7[%rem3A_420, %gather3A_723, %gather3A_724] : memref<2x320x32xf32, #tpu.memory_space<vmem>> -> memref<1x320x32xf32, #tpu.memory_space<vmem>>
        %gather3A_726 = tpu.memref_squeeze %gather3A_725 : memref<1x320x32xf32, #tpu.memory_space<vmem>> -> memref<320x32xf32, #tpu.memory_space<vmem>>
        %gather3A_727 = tpu.vector_load_idx %gather3A_726[%add3A_596, %and3A_287] : memref<320x32xf32, #tpu.memory_space<vmem>>[vector<16xi32>, vector<16xi32>], vector<16xf32>,
        %gather3A_728 = arith.constant 0 : i32
        %gather3A_729 = arith.constant 0 : i32
        %gather3A_730 = tpu.memref_slice %arg8[%rem3A_420, %gather3A_728, %gather3A_729] : memref<2x320x32xf32, #tpu.memory_space<vmem>> -> memref<1x320x32xf32, #tpu.memory_space<vmem>>
        %gather3A_731 = tpu.memref_squeeze %gather3A_730 : memref<1x320x32xf32, #tpu.memory_space<vmem>> -> memref<320x32xf32, #tpu.memory_space<vmem>>
        %gather3A_732 = tpu.vector_load_idx %gather3A_731[%add3A_596, %and3A_287] : memref<320x32xf32, #tpu.memory_space<vmem>>[vector<16xi32>, vector<16xi32>], vector<16xf32>,
        %mul3A_733 = arith.mulf %gather3A_727, %gather3A_732 : vector<16xf32>
        %add3A_734 = arith.addf %add3A_686, %mul3A_733 : vector<16xf32>
        %gather3A_735 = arith.constant 0 : i32
        %gather3A_736 = arith.constant 0 : i32
        %gather3A_737 = tpu.memref_slice %arg7[%rem3A_420, %gather3A_735, %gather3A_736] : memref<2x320x32xf32, #tpu.memory_space<vmem>> -> memref<1x320x32xf32, #tpu.memory_space<vmem>>
        %gather3A_738 = tpu.memref_squeeze %gather3A_737 : memref<1x320x32xf32, #tpu.memory_space<vmem>> -> memref<320x32xf32, #tpu.memory_space<vmem>>
        %gather3A_739 = tpu.vector_load_idx %gather3A_738[%add3A_596, %and3A_293] : memref<320x32xf32, #tpu.memory_space<vmem>>[vector<16xi32>, vector<16xi32>], vector<16xf32>,
        %gather3A_740 = arith.constant 0 : i32
        %gather3A_741 = arith.constant 0 : i32
        %gather3A_742 = tpu.memref_slice %arg8[%rem3A_420, %gather3A_740, %gather3A_741] : memref<2x320x32xf32, #tpu.memory_space<vmem>> -> memref<1x320x32xf32, #tpu.memory_space<vmem>>
        %gather3A_743 = tpu.memref_squeeze %gather3A_742 : memref<1x320x32xf32, #tpu.memory_space<vmem>> -> memref<320x32xf32, #tpu.memory_space<vmem>>
        %gather3A_744 = tpu.vector_load_idx %gather3A_743[%add3A_596, %and3A_293] : memref<320x32xf32, #tpu.memory_space<vmem>>[vector<16xi32>, vector<16xi32>], vector<16xf32>,
        %mul3A_745 = arith.mulf %gather3A_739, %gather3A_744 : vector<16xf32>
        %add3A_746 = arith.addf %add3A_698, %mul3A_745 : vector<16xf32>
        %gather3A_747 = arith.constant 0 : i32
        %gather3A_748 = arith.constant 0 : i32
        %gather3A_749 = tpu.memref_slice %arg7[%rem3A_420, %gather3A_747, %gather3A_748] : memref<2x320x32xf32, #tpu.memory_space<vmem>> -> memref<1x320x32xf32, #tpu.memory_space<vmem>>
        %gather3A_750 = tpu.memref_squeeze %gather3A_749 : memref<1x320x32xf32, #tpu.memory_space<vmem>> -> memref<320x32xf32, #tpu.memory_space<vmem>>
        %gather3A_751 = tpu.vector_load_idx %gather3A_750[%add3A_596, %and3A_299] : memref<320x32xf32, #tpu.memory_space<vmem>>[vector<16xi32>, vector<16xi32>], vector<16xf32>,
        %gather3A_752 = arith.constant 0 : i32
        %gather3A_753 = arith.constant 0 : i32
        %gather3A_754 = tpu.memref_slice %arg8[%rem3A_420, %gather3A_752, %gather3A_753] : memref<2x320x32xf32, #tpu.memory_space<vmem>> -> memref<1x320x32xf32, #tpu.memory_space<vmem>>
        %gather3A_755 = tpu.memref_squeeze %gather3A_754 : memref<1x320x32xf32, #tpu.memory_space<vmem>> -> memref<320x32xf32, #tpu.memory_space<vmem>>
        %gather3A_756 = tpu.vector_load_idx %gather3A_755[%add3A_596, %and3A_299] : memref<320x32xf32, #tpu.memory_space<vmem>>[vector<16xi32>, vector<16xi32>], vector<16xf32>,
        %mul3A_757 = arith.mulf %gather3A_751, %gather3A_756 : vector<16xf32>
        %add3A_758 = arith.addf %add3A_710, %mul3A_757 : vector<16xf32>
        %gather3A_759 = arith.constant 0 : i32
        %gather3A_760 = arith.constant 0 : i32
        %gather3A_761 = tpu.memref_slice %arg7[%rem3A_420, %gather3A_759, %gather3A_760] : memref<2x320x32xf32, #tpu.memory_space<vmem>> -> memref<1x320x32xf32, #tpu.memory_space<vmem>>
        %gather3A_762 = tpu.memref_squeeze %gather3A_761 : memref<1x320x32xf32, #tpu.memory_space<vmem>> -> memref<320x32xf32, #tpu.memory_space<vmem>>
        %gather3A_763 = tpu.vector_load_idx %gather3A_762[%add3A_596, %and3A_305] : memref<320x32xf32, #tpu.memory_space<vmem>>[vector<16xi32>, vector<16xi32>], vector<16xf32>,
        %gather3A_764 = arith.constant 0 : i32
        %gather3A_765 = arith.constant 0 : i32
        %gather3A_766 = tpu.memref_slice %arg8[%rem3A_420, %gather3A_764, %gather3A_765] : memref<2x320x32xf32, #tpu.memory_space<vmem>> -> memref<1x320x32xf32, #tpu.memory_space<vmem>>
        %gather3A_767 = tpu.memref_squeeze %gather3A_766 : memref<1x320x32xf32, #tpu.memory_space<vmem>> -> memref<320x32xf32, #tpu.memory_space<vmem>>
        %gather3A_768 = tpu.vector_load_idx %gather3A_767[%add3A_596, %and3A_305] : memref<320x32xf32, #tpu.memory_space<vmem>>[vector<16xi32>, vector<16xi32>], vector<16xf32>,
        %mul3A_769 = arith.mulf %gather3A_763, %gather3A_768 : vector<16xf32>
        %add3A_770 = arith.addf %add3A_722, %mul3A_769 : vector<16xf32>
        %gather3A_771 = arith.constant 0 : i32
        %gather3A_772 = arith.constant 0 : i32
        %gather3A_773 = tpu.memref_slice %arg7[%rem3A_420, %gather3A_771, %gather3A_772] : memref<2x320x32xf32, #tpu.memory_space<vmem>> -> memref<1x320x32xf32, #tpu.memory_space<vmem>>
        %gather3A_774 = tpu.memref_squeeze %gather3A_773 : memref<1x320x32xf32, #tpu.memory_space<vmem>> -> memref<320x32xf32, #tpu.memory_space<vmem>>
        %gather3A_775 = tpu.vector_load_idx %gather3A_774[%add3A_596, %and3A_311] : memref<320x32xf32, #tpu.memory_space<vmem>>[vector<16xi32>, vector<16xi32>], vector<16xf32>,
        %gather3A_776 = arith.constant 0 : i32
        %gather3A_777 = arith.constant 0 : i32
        %gather3A_778 = tpu.memref_slice %arg8[%rem3A_420, %gather3A_776, %gather3A_777] : memref<2x320x32xf32, #tpu.memory_space<vmem>> -> memref<1x320x32xf32, #tpu.memory_space<vmem>>
        %gather3A_779 = tpu.memref_squeeze %gather3A_778 : memref<1x320x32xf32, #tpu.memory_space<vmem>> -> memref<320x32xf32, #tpu.memory_space<vmem>>
        %gather3A_780 = tpu.vector_load_idx %gather3A_779[%add3A_596, %and3A_311] : memref<320x32xf32, #tpu.memory_space<vmem>>[vector<16xi32>, vector<16xi32>], vector<16xf32>,
        %mul3A_781 = arith.mulf %gather3A_775, %gather3A_780 : vector<16xf32>
        %add3A_782 = arith.addf %add3A_734, %mul3A_781 : vector<16xf32>
        %gather3A_783 = arith.constant 0 : i32
        %gather3A_784 = arith.constant 0 : i32
        %gather3A_785 = tpu.memref_slice %arg7[%rem3A_420, %gather3A_783, %gather3A_784] : memref<2x320x32xf32, #tpu.memory_space<vmem>> -> memref<1x320x32xf32, #tpu.memory_space<vmem>>
        %gather3A_786 = tpu.memref_squeeze %gather3A_785 : memref<1x320x32xf32, #tpu.memory_space<vmem>> -> memref<320x32xf32, #tpu.memory_space<vmem>>
        %gather3A_787 = tpu.vector_load_idx %gather3A_786[%add3A_596, %and3A_317] : memref<320x32xf32, #tpu.memory_space<vmem>>[vector<16xi32>, vector<16xi32>], vector<16xf32>,
        %gather3A_788 = arith.constant 0 : i32
        %gather3A_789 = arith.constant 0 : i32
        %gather3A_790 = tpu.memref_slice %arg8[%rem3A_420, %gather3A_788, %gather3A_789] : memref<2x320x32xf32, #tpu.memory_space<vmem>> -> memref<1x320x32xf32, #tpu.memory_space<vmem>>
        %gather3A_791 = tpu.memref_squeeze %gather3A_790 : memref<1x320x32xf32, #tpu.memory_space<vmem>> -> memref<320x32xf32, #tpu.memory_space<vmem>>
        %gather3A_792 = tpu.vector_load_idx %gather3A_791[%add3A_596, %and3A_317] : memref<320x32xf32, #tpu.memory_space<vmem>>[vector<16xi32>, vector<16xi32>], vector<16xf32>,
        %mul3A_793 = arith.mulf %gather3A_787, %gather3A_792 : vector<16xf32>
        %add3A_794 = arith.addf %add3A_746, %mul3A_793 : vector<16xf32>
        %gather3A_795 = arith.constant 0 : i32
        %gather3A_796 = arith.constant 0 : i32
        %gather3A_797 = tpu.memref_slice %arg7[%rem3A_420, %gather3A_795, %gather3A_796] : memref<2x320x32xf32, #tpu.memory_space<vmem>> -> memref<1x320x32xf32, #tpu.memory_space<vmem>>
        %gather3A_798 = tpu.memref_squeeze %gather3A_797 : memref<1x320x32xf32, #tpu.memory_space<vmem>> -> memref<320x32xf32, #tpu.memory_space<vmem>>
        %gather3A_799 = tpu.vector_load_idx %gather3A_798[%add3A_596, %and3A_323] : memref<320x32xf32, #tpu.memory_space<vmem>>[vector<16xi32>, vector<16xi32>], vector<16xf32>,
        %gather3A_800 = arith.constant 0 : i32
        %gather3A_801 = arith.constant 0 : i32
        %gather3A_802 = tpu.memref_slice %arg8[%rem3A_420, %gather3A_800, %gather3A_801] : memref<2x320x32xf32, #tpu.memory_space<vmem>> -> memref<1x320x32xf32, #tpu.memory_space<vmem>>
        %gather3A_803 = tpu.memref_squeeze %gather3A_802 : memref<1x320x32xf32, #tpu.memory_space<vmem>> -> memref<320x32xf32, #tpu.memory_space<vmem>>
        %gather3A_804 = tpu.vector_load_idx %gather3A_803[%add3A_596, %and3A_323] : memref<320x32xf32, #tpu.memory_space<vmem>>[vector<16xi32>, vector<16xi32>], vector<16xf32>,
        %mul3A_805 = arith.mulf %gather3A_799, %gather3A_804 : vector<16xf32>
        %add3A_806 = arith.addf %add3A_758, %mul3A_805 : vector<16xf32>
        %gather3A_807 = arith.constant 0 : i32
        %gather3A_808 = arith.constant 0 : i32
        %gather3A_809 = tpu.memref_slice %arg7[%rem3A_420, %gather3A_807, %gather3A_808] : memref<2x320x32xf32, #tpu.memory_space<vmem>> -> memref<1x320x32xf32, #tpu.memory_space<vmem>>
        %gather3A_810 = tpu.memref_squeeze %gather3A_809 : memref<1x320x32xf32, #tpu.memory_space<vmem>> -> memref<320x32xf32, #tpu.memory_space<vmem>>
        %gather3A_811 = tpu.vector_load_idx %gather3A_810[%add3A_596, %and3A_329] : memref<320x32xf32, #tpu.memory_space<vmem>>[vector<16xi32>, vector<16xi32>], vector<16xf32>,
        %gather3A_812 = arith.constant 0 : i32
        %gather3A_813 = arith.constant 0 : i32
        %gather3A_814 = tpu.memref_slice %arg8[%rem3A_420, %gather3A_812, %gather3A_813] : memref<2x320x32xf32, #tpu.memory_space<vmem>> -> memref<1x320x32xf32, #tpu.memory_space<vmem>>
        %gather3A_815 = tpu.memref_squeeze %gather3A_814 : memref<1x320x32xf32, #tpu.memory_space<vmem>> -> memref<320x32xf32, #tpu.memory_space<vmem>>
        %gather3A_816 = tpu.vector_load_idx %gather3A_815[%add3A_596, %and3A_329] : memref<320x32xf32, #tpu.memory_space<vmem>>[vector<16xi32>, vector<16xi32>], vector<16xf32>,
        %mul3A_817 = arith.mulf %gather3A_811, %gather3A_816 : vector<16xf32>
        %add3A_818 = arith.addf %add3A_770, %mul3A_817 : vector<16xf32>
        %gather3A_819 = arith.constant 0 : i32
        %gather3A_820 = arith.constant 0 : i32
        %gather3A_821 = tpu.memref_slice %arg7[%rem3A_420, %gather3A_819, %gather3A_820] : memref<2x320x32xf32, #tpu.memory_space<vmem>> -> memref<1x320x32xf32, #tpu.memory_space<vmem>>
        %gather3A_822 = tpu.memref_squeeze %gather3A_821 : memref<1x320x32xf32, #tpu.memory_space<vmem>> -> memref<320x32xf32, #tpu.memory_space<vmem>>
        %gather3A_823 = tpu.vector_load_idx %gather3A_822[%add3A_596, %and3A_335] : memref<320x32xf32, #tpu.memory_space<vmem>>[vector<16xi32>, vector<16xi32>], vector<16xf32>,
        %gather3A_824 = arith.constant 0 : i32
        %gather3A_825 = arith.constant 0 : i32
        %gather3A_826 = tpu.memref_slice %arg8[%rem3A_420, %gather3A_824, %gather3A_825] : memref<2x320x32xf32, #tpu.memory_space<vmem>> -> memref<1x320x32xf32, #tpu.memory_space<vmem>>
        %gather3A_827 = tpu.memref_squeeze %gather3A_826 : memref<1x320x32xf32, #tpu.memory_space<vmem>> -> memref<320x32xf32, #tpu.memory_space<vmem>>
        %gather3A_828 = tpu.vector_load_idx %gather3A_827[%add3A_596, %and3A_335] : memref<320x32xf32, #tpu.memory_space<vmem>>[vector<16xi32>, vector<16xi32>], vector<16xf32>,
        %mul3A_829 = arith.mulf %gather3A_823, %gather3A_828 : vector<16xf32>
        %add3A_830 = arith.addf %add3A_782, %mul3A_829 : vector<16xf32>
        %gather3A_831 = arith.constant 0 : i32
        %gather3A_832 = arith.constant 0 : i32
        %gather3A_833 = tpu.memref_slice %arg7[%rem3A_420, %gather3A_831, %gather3A_832] : memref<2x320x32xf32, #tpu.memory_space<vmem>> -> memref<1x320x32xf32, #tpu.memory_space<vmem>>
        %gather3A_834 = tpu.memref_squeeze %gather3A_833 : memref<1x320x32xf32, #tpu.memory_space<vmem>> -> memref<320x32xf32, #tpu.memory_space<vmem>>
        %gather3A_835 = tpu.vector_load_idx %gather3A_834[%add3A_596, %and3A_341] : memref<320x32xf32, #tpu.memory_space<vmem>>[vector<16xi32>, vector<16xi32>], vector<16xf32>,
        %gather3A_836 = arith.constant 0 : i32
        %gather3A_837 = arith.constant 0 : i32
        %gather3A_838 = tpu.memref_slice %arg8[%rem3A_420, %gather3A_836, %gather3A_837] : memref<2x320x32xf32, #tpu.memory_space<vmem>> -> memref<1x320x32xf32, #tpu.memory_space<vmem>>
        %gather3A_839 = tpu.memref_squeeze %gather3A_838 : memref<1x320x32xf32, #tpu.memory_space<vmem>> -> memref<320x32xf32, #tpu.memory_space<vmem>>
        %gather3A_840 = tpu.vector_load_idx %gather3A_839[%add3A_596, %and3A_341] : memref<320x32xf32, #tpu.memory_space<vmem>>[vector<16xi32>, vector<16xi32>], vector<16xf32>,
        %mul3A_841 = arith.mulf %gather3A_835, %gather3A_840 : vector<16xf32>
        %add3A_842 = arith.addf %add3A_794, %mul3A_841 : vector<16xf32>
        %gather3A_843 = arith.constant 0 : i32
        %gather3A_844 = arith.constant 0 : i32
        %gather3A_845 = tpu.memref_slice %arg7[%rem3A_420, %gather3A_843, %gather3A_844] : memref<2x320x32xf32, #tpu.memory_space<vmem>> -> memref<1x320x32xf32, #tpu.memory_space<vmem>>
        %gather3A_846 = tpu.memref_squeeze %gather3A_845 : memref<1x320x32xf32, #tpu.memory_space<vmem>> -> memref<320x32xf32, #tpu.memory_space<vmem>>
        %gather3A_847 = tpu.vector_load_idx %gather3A_846[%add3A_596, %and3A_347] : memref<320x32xf32, #tpu.memory_space<vmem>>[vector<16xi32>, vector<16xi32>], vector<16xf32>,
        %gather3A_848 = arith.constant 0 : i32
        %gather3A_849 = arith.constant 0 : i32
        %gather3A_850 = tpu.memref_slice %arg8[%rem3A_420, %gather3A_848, %gather3A_849] : memref<2x320x32xf32, #tpu.memory_space<vmem>> -> memref<1x320x32xf32, #tpu.memory_space<vmem>>
        %gather3A_851 = tpu.memref_squeeze %gather3A_850 : memref<1x320x32xf32, #tpu.memory_space<vmem>> -> memref<320x32xf32, #tpu.memory_space<vmem>>
        %gather3A_852 = tpu.vector_load_idx %gather3A_851[%add3A_596, %and3A_347] : memref<320x32xf32, #tpu.memory_space<vmem>>[vector<16xi32>, vector<16xi32>], vector<16xf32>,
        %mul3A_853 = arith.mulf %gather3A_847, %gather3A_852 : vector<16xf32>
        %add3A_854 = arith.addf %add3A_806, %mul3A_853 : vector<16xf32>
        %gather3A_855 = arith.constant 0 : i32
        %gather3A_856 = arith.constant 0 : i32
        %gather3A_857 = tpu.memref_slice %arg7[%rem3A_420, %gather3A_855, %gather3A_856] : memref<2x320x32xf32, #tpu.memory_space<vmem>> -> memref<1x320x32xf32, #tpu.memory_space<vmem>>
        %gather3A_858 = tpu.memref_squeeze %gather3A_857 : memref<1x320x32xf32, #tpu.memory_space<vmem>> -> memref<320x32xf32, #tpu.memory_space<vmem>>
        %gather3A_859 = tpu.vector_load_idx %gather3A_858[%add3A_596, %and3A_353] : memref<320x32xf32, #tpu.memory_space<vmem>>[vector<16xi32>, vector<16xi32>], vector<16xf32>,
        %gather3A_860 = arith.constant 0 : i32
        %gather3A_861 = arith.constant 0 : i32
        %gather3A_862 = tpu.memref_slice %arg8[%rem3A_420, %gather3A_860, %gather3A_861] : memref<2x320x32xf32, #tpu.memory_space<vmem>> -> memref<1x320x32xf32, #tpu.memory_space<vmem>>
        %gather3A_863 = tpu.memref_squeeze %gather3A_862 : memref<1x320x32xf32, #tpu.memory_space<vmem>> -> memref<320x32xf32, #tpu.memory_space<vmem>>
        %gather3A_864 = tpu.vector_load_idx %gather3A_863[%add3A_596, %and3A_353] : memref<320x32xf32, #tpu.memory_space<vmem>>[vector<16xi32>, vector<16xi32>], vector<16xf32>,
        %mul3A_865 = arith.mulf %gather3A_859, %gather3A_864 : vector<16xf32>
        %add3A_866 = arith.addf %add3A_818, %mul3A_865 : vector<16xf32>
        %gather3A_867 = arith.constant 0 : i32
        %gather3A_868 = arith.constant 0 : i32
        %gather3A_869 = tpu.memref_slice %arg7[%rem3A_420, %gather3A_867, %gather3A_868] : memref<2x320x32xf32, #tpu.memory_space<vmem>> -> memref<1x320x32xf32, #tpu.memory_space<vmem>>
        %gather3A_870 = tpu.memref_squeeze %gather3A_869 : memref<1x320x32xf32, #tpu.memory_space<vmem>> -> memref<320x32xf32, #tpu.memory_space<vmem>>
        %gather3A_871 = tpu.vector_load_idx %gather3A_870[%add3A_596, %and3A_359] : memref<320x32xf32, #tpu.memory_space<vmem>>[vector<16xi32>, vector<16xi32>], vector<16xf32>,
        %gather3A_872 = arith.constant 0 : i32
        %gather3A_873 = arith.constant 0 : i32
        %gather3A_874 = tpu.memref_slice %arg8[%rem3A_420, %gather3A_872, %gather3A_873] : memref<2x320x32xf32, #tpu.memory_space<vmem>> -> memref<1x320x32xf32, #tpu.memory_space<vmem>>
        %gather3A_875 = tpu.memref_squeeze %gather3A_874 : memref<1x320x32xf32, #tpu.memory_space<vmem>> -> memref<320x32xf32, #tpu.memory_space<vmem>>
        %gather3A_876 = tpu.vector_load_idx %gather3A_875[%add3A_596, %and3A_359] : memref<320x32xf32, #tpu.memory_space<vmem>>[vector<16xi32>, vector<16xi32>], vector<16xf32>,
        %mul3A_877 = arith.mulf %gather3A_871, %gather3A_876 : vector<16xf32>
        %add3A_878 = arith.addf %add3A_830, %mul3A_877 : vector<16xf32>
        %gather3A_879 = arith.constant 0 : i32
        %gather3A_880 = arith.constant 0 : i32
        %gather3A_881 = tpu.memref_slice %arg7[%rem3A_420, %gather3A_879, %gather3A_880] : memref<2x320x32xf32, #tpu.memory_space<vmem>> -> memref<1x320x32xf32, #tpu.memory_space<vmem>>
        %gather3A_882 = tpu.memref_squeeze %gather3A_881 : memref<1x320x32xf32, #tpu.memory_space<vmem>> -> memref<320x32xf32, #tpu.memory_space<vmem>>
        %gather3A_883 = tpu.vector_load_idx %gather3A_882[%add3A_596, %and3A_365] : memref<320x32xf32, #tpu.memory_space<vmem>>[vector<16xi32>, vector<16xi32>], vector<16xf32>,
        %gather3A_884 = arith.constant 0 : i32
        %gather3A_885 = arith.constant 0 : i32
        %gather3A_886 = tpu.memref_slice %arg8[%rem3A_420, %gather3A_884, %gather3A_885] : memref<2x320x32xf32, #tpu.memory_space<vmem>> -> memref<1x320x32xf32, #tpu.memory_space<vmem>>
        %gather3A_887 = tpu.memref_squeeze %gather3A_886 : memref<1x320x32xf32, #tpu.memory_space<vmem>> -> memref<320x32xf32, #tpu.memory_space<vmem>>
        %gather3A_888 = tpu.vector_load_idx %gather3A_887[%add3A_596, %and3A_365] : memref<320x32xf32, #tpu.memory_space<vmem>>[vector<16xi32>, vector<16xi32>], vector<16xf32>,
        %mul3A_889 = arith.mulf %gather3A_883, %gather3A_888 : vector<16xf32>
        %add3A_890 = arith.addf %add3A_842, %mul3A_889 : vector<16xf32>
        %gather3A_891 = arith.constant 0 : i32
        %gather3A_892 = arith.constant 0 : i32
        %gather3A_893 = tpu.memref_slice %arg7[%rem3A_420, %gather3A_891, %gather3A_892] : memref<2x320x32xf32, #tpu.memory_space<vmem>> -> memref<1x320x32xf32, #tpu.memory_space<vmem>>
        %gather3A_894 = tpu.memref_squeeze %gather3A_893 : memref<1x320x32xf32, #tpu.memory_space<vmem>> -> memref<320x32xf32, #tpu.memory_space<vmem>>
        %gather3A_895 = tpu.vector_load_idx %gather3A_894[%add3A_596, %and3A_371] : memref<320x32xf32, #tpu.memory_space<vmem>>[vector<16xi32>, vector<16xi32>], vector<16xf32>,
        %gather3A_896 = arith.constant 0 : i32
        %gather3A_897 = arith.constant 0 : i32
        %gather3A_898 = tpu.memref_slice %arg8[%rem3A_420, %gather3A_896, %gather3A_897] : memref<2x320x32xf32, #tpu.memory_space<vmem>> -> memref<1x320x32xf32, #tpu.memory_space<vmem>>
        %gather3A_899 = tpu.memref_squeeze %gather3A_898 : memref<1x320x32xf32, #tpu.memory_space<vmem>> -> memref<320x32xf32, #tpu.memory_space<vmem>>
        %gather3A_900 = tpu.vector_load_idx %gather3A_899[%add3A_596, %and3A_371] : memref<320x32xf32, #tpu.memory_space<vmem>>[vector<16xi32>, vector<16xi32>], vector<16xf32>,
        %mul3A_901 = arith.mulf %gather3A_895, %gather3A_900 : vector<16xf32>
        %add3A_902 = arith.addf %add3A_854, %mul3A_901 : vector<16xf32>
        %gather3A_903 = arith.constant 0 : i32
        %gather3A_904 = arith.constant 0 : i32
        %gather3A_905 = tpu.memref_slice %arg7[%rem3A_420, %gather3A_903, %gather3A_904] : memref<2x320x32xf32, #tpu.memory_space<vmem>> -> memref<1x320x32xf32, #tpu.memory_space<vmem>>
        %gather3A_906 = tpu.memref_squeeze %gather3A_905 : memref<1x320x32xf32, #tpu.memory_space<vmem>> -> memref<320x32xf32, #tpu.memory_space<vmem>>
        %gather3A_907 = tpu.vector_load_idx %gather3A_906[%add3A_596, %and3A_377] : memref<320x32xf32, #tpu.memory_space<vmem>>[vector<16xi32>, vector<16xi32>], vector<16xf32>,
        %gather3A_908 = arith.constant 0 : i32
        %gather3A_909 = arith.constant 0 : i32
        %gather3A_910 = tpu.memref_slice %arg8[%rem3A_420, %gather3A_908, %gather3A_909] : memref<2x320x32xf32, #tpu.memory_space<vmem>> -> memref<1x320x32xf32, #tpu.memory_space<vmem>>
        %gather3A_911 = tpu.memref_squeeze %gather3A_910 : memref<1x320x32xf32, #tpu.memory_space<vmem>> -> memref<320x32xf32, #tpu.memory_space<vmem>>
        %gather3A_912 = tpu.vector_load_idx %gather3A_911[%add3A_596, %and3A_377] : memref<320x32xf32, #tpu.memory_space<vmem>>[vector<16xi32>, vector<16xi32>], vector<16xf32>,
        %mul3A_913 = arith.mulf %gather3A_907, %gather3A_912 : vector<16xf32>
        %add3A_914 = arith.addf %add3A_866, %mul3A_913 : vector<16xf32>
        %gather3A_915 = arith.constant 0 : i32
        %gather3A_916 = arith.constant 0 : i32
        %gather3A_917 = tpu.memref_slice %arg7[%rem3A_420, %gather3A_915, %gather3A_916] : memref<2x320x32xf32, #tpu.memory_space<vmem>> -> memref<1x320x32xf32, #tpu.memory_space<vmem>>
        %gather3A_918 = tpu.memref_squeeze %gather3A_917 : memref<1x320x32xf32, #tpu.memory_space<vmem>> -> memref<320x32xf32, #tpu.memory_space<vmem>>
        %gather3A_919 = tpu.vector_load_idx %gather3A_918[%add3A_596, %and3A_383] : memref<320x32xf32, #tpu.memory_space<vmem>>[vector<16xi32>, vector<16xi32>], vector<16xf32>,
        %gather3A_920 = arith.constant 0 : i32
        %gather3A_921 = arith.constant 0 : i32
        %gather3A_922 = tpu.memref_slice %arg8[%rem3A_420, %gather3A_920, %gather3A_921] : memref<2x320x32xf32, #tpu.memory_space<vmem>> -> memref<1x320x32xf32, #tpu.memory_space<vmem>>
        %gather3A_923 = tpu.memref_squeeze %gather3A_922 : memref<1x320x32xf32, #tpu.memory_space<vmem>> -> memref<320x32xf32, #tpu.memory_space<vmem>>
        %gather3A_924 = tpu.vector_load_idx %gather3A_923[%add3A_596, %and3A_383] : memref<320x32xf32, #tpu.memory_space<vmem>>[vector<16xi32>, vector<16xi32>], vector<16xf32>,
        %mul3A_925 = arith.mulf %gather3A_919, %gather3A_924 : vector<16xf32>
        %add3A_926 = arith.addf %add3A_878, %mul3A_925 : vector<16xf32>
        %gather3A_927 = arith.constant 0 : i32
        %gather3A_928 = arith.constant 0 : i32
        %gather3A_929 = tpu.memref_slice %arg7[%rem3A_420, %gather3A_927, %gather3A_928] : memref<2x320x32xf32, #tpu.memory_space<vmem>> -> memref<1x320x32xf32, #tpu.memory_space<vmem>>
        %gather3A_930 = tpu.memref_squeeze %gather3A_929 : memref<1x320x32xf32, #tpu.memory_space<vmem>> -> memref<320x32xf32, #tpu.memory_space<vmem>>
        %gather3A_931 = tpu.vector_load_idx %gather3A_930[%add3A_596, %and3A_389] : memref<320x32xf32, #tpu.memory_space<vmem>>[vector<16xi32>, vector<16xi32>], vector<16xf32>,
        %gather3A_932 = arith.constant 0 : i32
        %gather3A_933 = arith.constant 0 : i32
        %gather3A_934 = tpu.memref_slice %arg8[%rem3A_420, %gather3A_932, %gather3A_933] : memref<2x320x32xf32, #tpu.memory_space<vmem>> -> memref<1x320x32xf32, #tpu.memory_space<vmem>>
        %gather3A_935 = tpu.memref_squeeze %gather3A_934 : memref<1x320x32xf32, #tpu.memory_space<vmem>> -> memref<320x32xf32, #tpu.memory_space<vmem>>
        %gather3A_936 = tpu.vector_load_idx %gather3A_935[%add3A_596, %and3A_389] : memref<320x32xf32, #tpu.memory_space<vmem>>[vector<16xi32>, vector<16xi32>], vector<16xf32>,
        %mul3A_937 = arith.mulf %gather3A_931, %gather3A_936 : vector<16xf32>
        %add3A_938 = arith.addf %add3A_890, %mul3A_937 : vector<16xf32>
        %gather3A_939 = arith.constant 0 : i32
        %gather3A_940 = arith.constant 0 : i32
        %gather3A_941 = tpu.memref_slice %arg7[%rem3A_420, %gather3A_939, %gather3A_940] : memref<2x320x32xf32, #tpu.memory_space<vmem>> -> memref<1x320x32xf32, #tpu.memory_space<vmem>>
        %gather3A_942 = tpu.memref_squeeze %gather3A_941 : memref<1x320x32xf32, #tpu.memory_space<vmem>> -> memref<320x32xf32, #tpu.memory_space<vmem>>
        %gather3A_943 = tpu.vector_load_idx %gather3A_942[%add3A_596, %and3A_395] : memref<320x32xf32, #tpu.memory_space<vmem>>[vector<16xi32>, vector<16xi32>], vector<16xf32>,
        %gather3A_944 = arith.constant 0 : i32
        %gather3A_945 = arith.constant 0 : i32
        %gather3A_946 = tpu.memref_slice %arg8[%rem3A_420, %gather3A_944, %gather3A_945] : memref<2x320x32xf32, #tpu.memory_space<vmem>> -> memref<1x320x32xf32, #tpu.memory_space<vmem>>
        %gather3A_947 = tpu.memref_squeeze %gather3A_946 : memref<1x320x32xf32, #tpu.memory_space<vmem>> -> memref<320x32xf32, #tpu.memory_space<vmem>>
        %gather3A_948 = tpu.vector_load_idx %gather3A_947[%add3A_596, %and3A_395] : memref<320x32xf32, #tpu.memory_space<vmem>>[vector<16xi32>, vector<16xi32>], vector<16xf32>,
        %mul3A_949 = arith.mulf %gather3A_943, %gather3A_948 : vector<16xf32>
        %add3A_950 = arith.addf %add3A_902, %mul3A_949 : vector<16xf32>
        %gather3A_951 = arith.constant 0 : i32
        %gather3A_952 = arith.constant 0 : i32
        %gather3A_953 = tpu.memref_slice %arg7[%rem3A_420, %gather3A_951, %gather3A_952] : memref<2x320x32xf32, #tpu.memory_space<vmem>> -> memref<1x320x32xf32, #tpu.memory_space<vmem>>
        %gather3A_954 = tpu.memref_squeeze %gather3A_953 : memref<1x320x32xf32, #tpu.memory_space<vmem>> -> memref<320x32xf32, #tpu.memory_space<vmem>>
        %gather3A_955 = tpu.vector_load_idx %gather3A_954[%add3A_596, %and3A_401] : memref<320x32xf32, #tpu.memory_space<vmem>>[vector<16xi32>, vector<16xi32>], vector<16xf32>,
        %gather3A_956 = arith.constant 0 : i32
        %gather3A_957 = arith.constant 0 : i32
        %gather3A_958 = tpu.memref_slice %arg8[%rem3A_420, %gather3A_956, %gather3A_957] : memref<2x320x32xf32, #tpu.memory_space<vmem>> -> memref<1x320x32xf32, #tpu.memory_space<vmem>>
        %gather3A_959 = tpu.memref_squeeze %gather3A_958 : memref<1x320x32xf32, #tpu.memory_space<vmem>> -> memref<320x32xf32, #tpu.memory_space<vmem>>
        %gather3A_960 = tpu.vector_load_idx %gather3A_959[%add3A_596, %and3A_401] : memref<320x32xf32, #tpu.memory_space<vmem>>[vector<16xi32>, vector<16xi32>], vector<16xf32>,
        %mul3A_961 = arith.mulf %gather3A_955, %gather3A_960 : vector<16xf32>
        %add3A_962 = arith.addf %add3A_914, %mul3A_961 : vector<16xf32>
        %gather3A_963 = arith.constant 0 : i32
        %gather3A_964 = arith.constant 0 : i32
        %gather3A_965 = tpu.memref_slice %arg7[%rem3A_420, %gather3A_963, %gather3A_964] : memref<2x320x32xf32, #tpu.memory_space<vmem>> -> memref<1x320x32xf32, #tpu.memory_space<vmem>>
        %gather3A_966 = tpu.memref_squeeze %gather3A_965 : memref<1x320x32xf32, #tpu.memory_space<vmem>> -> memref<320x32xf32, #tpu.memory_space<vmem>>
        %gather3A_967 = tpu.vector_load_idx %gather3A_966[%add3A_596, %and3A_407] : memref<320x32xf32, #tpu.memory_space<vmem>>[vector<16xi32>, vector<16xi32>], vector<16xf32>,
        %gather3A_968 = arith.constant 0 : i32
        %gather3A_969 = arith.constant 0 : i32
        %gather3A_970 = tpu.memref_slice %arg8[%rem3A_420, %gather3A_968, %gather3A_969] : memref<2x320x32xf32, #tpu.memory_space<vmem>> -> memref<1x320x32xf32, #tpu.memory_space<vmem>>
        %gather3A_971 = tpu.memref_squeeze %gather3A_970 : memref<1x320x32xf32, #tpu.memory_space<vmem>> -> memref<320x32xf32, #tpu.memory_space<vmem>>
        %gather3A_972 = tpu.vector_load_idx %gather3A_971[%add3A_596, %and3A_407] : memref<320x32xf32, #tpu.memory_space<vmem>>[vector<16xi32>, vector<16xi32>], vector<16xf32>,
        %mul3A_973 = arith.mulf %gather3A_967, %gather3A_972 : vector<16xf32>
        %add3A_974 = arith.addf %add3A_926, %mul3A_973 : vector<16xf32>
        %gather3A_975 = arith.constant 0 : i32
        %gather3A_976 = arith.constant 0 : i32
        %gather3A_977 = tpu.memref_slice %arg7[%rem3A_420, %gather3A_975, %gather3A_976] : memref<2x320x32xf32, #tpu.memory_space<vmem>> -> memref<1x320x32xf32, #tpu.memory_space<vmem>>
        %gather3A_978 = tpu.memref_squeeze %gather3A_977 : memref<1x320x32xf32, #tpu.memory_space<vmem>> -> memref<320x32xf32, #tpu.memory_space<vmem>>
        %gather3A_979 = tpu.vector_load_idx %gather3A_978[%add3A_596, %and3A_413] : memref<320x32xf32, #tpu.memory_space<vmem>>[vector<16xi32>, vector<16xi32>], vector<16xf32>,
        %gather3A_980 = arith.constant 0 : i32
        %gather3A_981 = arith.constant 0 : i32
        %gather3A_982 = tpu.memref_slice %arg8[%rem3A_420, %gather3A_980, %gather3A_981] : memref<2x320x32xf32, #tpu.memory_space<vmem>> -> memref<1x320x32xf32, #tpu.memory_space<vmem>>
        %gather3A_983 = tpu.memref_squeeze %gather3A_982 : memref<1x320x32xf32, #tpu.memory_space<vmem>> -> memref<320x32xf32, #tpu.memory_space<vmem>>
        %gather3A_984 = tpu.vector_load_idx %gather3A_983[%add3A_596, %and3A_413] : memref<320x32xf32, #tpu.memory_space<vmem>>[vector<16xi32>, vector<16xi32>], vector<16xf32>,
        %mul3A_985 = arith.mulf %gather3A_979, %gather3A_984 : vector<16xf32>
        %add3A_986 = arith.addf %add3A_938, %mul3A_985 : vector<16xf32>
        %add3A_987 = arith.addf %add3A_950, %add3A_962 : vector<16xf32>
        %add3A_988 = arith.addf %add3A_974, %add3A_986 : vector<16xf32>
        %add3A_989 = arith.addf %add3A_987, %add3A_988 : vector<16xf32>
        %mul3A_990 = arith.constant 16 : i32
        %mul3A_991 = arith.muli %mul3A_990, %scan3A_592 : i32
        %swap3A = arith.index_cast %rem3A_420 : i32 to index
        %swap3A_992 = arith.index_cast %mul3A_991 : i32 to index
        %swap3A_993 = tpu.vector_load %arg9[%swap3A, %swap3A_992] {strides = array<i32>} : memref<2x320xf32, #tpu.memory_space<vmem>>, vector<16xf32>,
        tpu.vector_store %arg9[%swap3A, %swap3A_992], %add3A_989 {strides = array<i32>} : memref<2x320xf32, #tpu.memory_space<vmem>>, vector<16xf32>,
      }
      %scan3A_468 = arith.constant 5 : i32
      %dma_wait3A_469 = arith.constant 1 : i32
      %dma_wait3A_470 = arith.constant 80 : i32
      %dma_wait3A_471 = arith.constant 0 : i32
      %dma_wait3A_472 = tpu.memref_slice %arg7[%rem3A_420, %dma_wait3A_470, %dma_wait3A_471] : memref<2x320x32xf32, #tpu.memory_space<vmem>> -> memref<1x80x32xf32, #tpu.memory_space<vmem>>
      %dma_wait3A_473 = tpu.memref_squeeze %dma_wait3A_472 : memref<1x80x32xf32, #tpu.memory_space<vmem>> -> memref<80x32xf32, #tpu.memory_space<vmem>>
      %dma_wait3A_474 = arith.constant 0 : i32
      %dma_wait3A_475 = arith.constant 0 : i32
      %dma_wait3A_476 = tpu.memref_slice %arg2[%dma_wait3A_474, %dma_wait3A_475] : memref<100000x32xf32, #tpu.memory_space<hbm>> -> memref<80x32xf32, #tpu.memory_space<hbm>>
      %dma_wait3A_477 = tpu.memref_slice %arg10[%rem3A_420, %dma_wait3A_469] : memref<2x4x!tpu.dma_semaphore, #tpu.memory_space<semaphore_mem>> -> memref<1x1x!tpu.dma_semaphore, #tpu.memory_space<semaphore_mem>>
      %dma_wait3A_478 = tpu.memref_squeeze %dma_wait3A_477 : memref<1x1x!tpu.dma_semaphore, #tpu.memory_space<semaphore_mem>> -> memref<!tpu.dma_semaphore, #tpu.memory_space<semaphore_mem>>
      %dma_wait3A_479 = arith.constant 80 : i32
      %dma_wait3A_480 = arith.constant 0 : i32
      %dma_wait3A_481 = tpu.memref_slice %arg7[%rem3A_420, %dma_wait3A_479, %dma_wait3A_480] : memref<2x320x32xf32, #tpu.memory_space<vmem>> -> memref<1x80x32xf32, #tpu.memory_space<vmem>>
      %dma_wait3A_482 = tpu.memref_squeeze %dma_wait3A_481 : memref<1x80x32xf32, #tpu.memory_space<vmem>> -> memref<80x32xf32, #tpu.memory_space<vmem>>
      %dma_wait3A_483 = arith.constant 0 : i32
      %dma_wait3A_484 = arith.constant 0 : i32
      %dma_wait3A_485 = tpu.memref_slice %arg2[%dma_wait3A_483, %dma_wait3A_484] : memref<100000x32xf32, #tpu.memory_space<hbm>> -> memref<80x32xf32, #tpu.memory_space<hbm>>
      tpu.wait_dma2 semaphore(%dma_wait3A_478 : memref<!tpu.dma_semaphore, #tpu.memory_space<semaphore_mem>>) src(%dma_wait3A_485 : memref<80x32xf32, #tpu.memory_space<hbm>>) dst(%dma_wait3A_482 : memref<80x32xf32, #tpu.memory_space<vmem>>)
      %dma_wait3A_486 = arith.constant 1 : i32
      %dma_wait3A_487 = arith.constant 80 : i32
      %dma_wait3A_488 = arith.constant 0 : i32
      %dma_wait3A_489 = tpu.memref_slice %arg7[%rem3A_420, %dma_wait3A_487, %dma_wait3A_488] : memref<2x320x32xf32, #tpu.memory_space<vmem>> -> memref<1x80x32xf32, #tpu.memory_space<vmem>>
      %dma_wait3A_490 = tpu.memref_squeeze %dma_wait3A_489 : memref<1x80x32xf32, #tpu.memory_space<vmem>> -> memref<80x32xf32, #tpu.memory_space<vmem>>
      %dma_wait3A_491 = arith.constant 0 : i32
      %dma_wait3A_492 = arith.constant 0 : i32
      %dma_wait3A_493 = tpu.memref_slice %arg2[%dma_wait3A_491, %dma_wait3A_492] : memref<100000x32xf32, #tpu.memory_space<hbm>> -> memref<80x32xf32, #tpu.memory_space<hbm>>
      %dma_wait3A_494 = tpu.memref_slice %arg10[%rem3A_420, %dma_wait3A_486] : memref<2x4x!tpu.dma_semaphore, #tpu.memory_space<semaphore_mem>> -> memref<1x1x!tpu.dma_semaphore, #tpu.memory_space<semaphore_mem>>
      %dma_wait3A_495 = tpu.memref_squeeze %dma_wait3A_494 : memref<1x1x!tpu.dma_semaphore, #tpu.memory_space<semaphore_mem>> -> memref<!tpu.dma_semaphore, #tpu.memory_space<semaphore_mem>>
      %dma_wait3A_496 = arith.constant 80 : i32
      %dma_wait3A_497 = arith.constant 0 : i32
      %dma_wait3A_498 = tpu.memref_slice %arg7[%rem3A_420, %dma_wait3A_496, %dma_wait3A_497] : memref<2x320x32xf32, #tpu.memory_space<vmem>> -> memref<1x80x32xf32, #tpu.memory_space<vmem>>
      %dma_wait3A_499 = tpu.memref_squeeze %dma_wait3A_498 : memref<1x80x32xf32, #tpu.memory_space<vmem>> -> memref<80x32xf32, #tpu.memory_space<vmem>>
      %dma_wait3A_500 = arith.constant 0 : i32
      %dma_wait3A_501 = arith.constant 0 : i32
      %dma_wait3A_502 = tpu.memref_slice %arg2[%dma_wait3A_500, %dma_wait3A_501] : memref<100000x32xf32, #tpu.memory_space<hbm>> -> memref<80x32xf32, #tpu.memory_space<hbm>>
      tpu.wait_dma2 semaphore(%dma_wait3A_495 : memref<!tpu.dma_semaphore, #tpu.memory_space<semaphore_mem>>) src(%dma_wait3A_502 : memref<80x32xf32, #tpu.memory_space<hbm>>) dst(%dma_wait3A_499 : memref<80x32xf32, #tpu.memory_space<vmem>>)
      %scan3A_503 = arith.constant 0 : i32
      %scan3A_504 = arith.constant 5 : i32
      %scan3A_505 = arith.constant 5 : i32
      %scan3A_506 = arith.addi %scan3A_504, %scan3A_505 : i32
      %scan3A_507 = arith.constant 1 : i32
      scf.for %scan3A_592 = %scan3A_504 to %scan3A_506 step %scan3A_507  : i32 {
        %mul3A_593 = arith.constant 16 : i32
        %mul3A_594 = arith.muli %mul3A_593, %scan3A_592 : i32
        %add3A_595 = vector.broadcast %mul3A_594 : i32 to vector<16xi32>
        %add3A_596 = arith.addi %iota3A, %add3A_595 : vector<16xi32>
        %broadcast_in_dim3A = arith.constant 0.000000e+00 : f32
        %broadcast_in_dim3A_597 = vector.broadcast %broadcast_in_dim3A : f32 to vector<16xf32>
        %broadcast_in_dim3A_598 = arith.constant 0.000000e+00 : f32
        %broadcast_in_dim3A_599 = vector.broadcast %broadcast_in_dim3A_598 : f32 to vector<16xf32>
        %broadcast_in_dim3A_600 = arith.constant 0.000000e+00 : f32
        %broadcast_in_dim3A_601 = vector.broadcast %broadcast_in_dim3A_600 : f32 to vector<16xf32>
        %broadcast_in_dim3A_602 = arith.constant 0.000000e+00 : f32
        %broadcast_in_dim3A_603 = vector.broadcast %broadcast_in_dim3A_602 : f32 to vector<16xf32>
        %gather3A = arith.constant 0 : i32
        %gather3A_604 = arith.constant 0 : i32
        %gather3A_605 = tpu.memref_slice %arg7[%rem3A_420, %gather3A, %gather3A_604] : memref<2x320x32xf32, #tpu.memory_space<vmem>> -> memref<1x320x32xf32, #tpu.memory_space<vmem>>
        %gather3A_606 = tpu.memref_squeeze %gather3A_605 : memref<1x320x32xf32, #tpu.memory_space<vmem>> -> memref<320x32xf32, #tpu.memory_space<vmem>>
        %gather3A_607 = tpu.vector_load_idx %gather3A_606[%add3A_596, %and3A_227] : memref<320x32xf32, #tpu.memory_space<vmem>>[vector<16xi32>, vector<16xi32>], vector<16xf32>,
        %gather3A_608 = arith.constant 0 : i32
        %gather3A_609 = arith.constant 0 : i32
        %gather3A_610 = tpu.memref_slice %arg8[%rem3A_420, %gather3A_608, %gather3A_609] : memref<2x320x32xf32, #tpu.memory_space<vmem>> -> memref<1x320x32xf32, #tpu.memory_space<vmem>>
        %gather3A_611 = tpu.memref_squeeze %gather3A_610 : memref<1x320x32xf32, #tpu.memory_space<vmem>> -> memref<320x32xf32, #tpu.memory_space<vmem>>
        %gather3A_612 = tpu.vector_load_idx %gather3A_611[%add3A_596, %and3A_227] : memref<320x32xf32, #tpu.memory_space<vmem>>[vector<16xi32>, vector<16xi32>], vector<16xf32>,
        %mul3A_613 = arith.mulf %gather3A_607, %gather3A_612 : vector<16xf32>
        %add3A_614 = arith.addf %broadcast_in_dim3A_597, %mul3A_613 : vector<16xf32>
        %gather3A_615 = arith.constant 0 : i32
        %gather3A_616 = arith.constant 0 : i32
        %gather3A_617 = tpu.memref_slice %arg7[%rem3A_420, %gather3A_615, %gather3A_616] : memref<2x320x32xf32, #tpu.memory_space<vmem>> -> memref<1x320x32xf32, #tpu.memory_space<vmem>>
        %gather3A_618 = tpu.memref_squeeze %gather3A_617 : memref<1x320x32xf32, #tpu.memory_space<vmem>> -> memref<320x32xf32, #tpu.memory_space<vmem>>
        %gather3A_619 = tpu.vector_load_idx %gather3A_618[%add3A_596, %and3A_233] : memref<320x32xf32, #tpu.memory_space<vmem>>[vector<16xi32>, vector<16xi32>], vector<16xf32>,
        %gather3A_620 = arith.constant 0 : i32
        %gather3A_621 = arith.constant 0 : i32
        %gather3A_622 = tpu.memref_slice %arg8[%rem3A_420, %gather3A_620, %gather3A_621] : memref<2x320x32xf32, #tpu.memory_space<vmem>> -> memref<1x320x32xf32, #tpu.memory_space<vmem>>
        %gather3A_623 = tpu.memref_squeeze %gather3A_622 : memref<1x320x32xf32, #tpu.memory_space<vmem>> -> memref<320x32xf32, #tpu.memory_space<vmem>>
        %gather3A_624 = tpu.vector_load_idx %gather3A_623[%add3A_596, %and3A_233] : memref<320x32xf32, #tpu.memory_space<vmem>>[vector<16xi32>, vector<16xi32>], vector<16xf32>,
        %mul3A_625 = arith.mulf %gather3A_619, %gather3A_624 : vector<16xf32>
        %add3A_626 = arith.addf %broadcast_in_dim3A_599, %mul3A_625 : vector<16xf32>
        %gather3A_627 = arith.constant 0 : i32
        %gather3A_628 = arith.constant 0 : i32
        %gather3A_629 = tpu.memref_slice %arg7[%rem3A_420, %gather3A_627, %gather3A_628] : memref<2x320x32xf32, #tpu.memory_space<vmem>> -> memref<1x320x32xf32, #tpu.memory_space<vmem>>
        %gather3A_630 = tpu.memref_squeeze %gather3A_629 : memref<1x320x32xf32, #tpu.memory_space<vmem>> -> memref<320x32xf32, #tpu.memory_space<vmem>>
        %gather3A_631 = tpu.vector_load_idx %gather3A_630[%add3A_596, %and3A_239] : memref<320x32xf32, #tpu.memory_space<vmem>>[vector<16xi32>, vector<16xi32>], vector<16xf32>,
        %gather3A_632 = arith.constant 0 : i32
        %gather3A_633 = arith.constant 0 : i32
        %gather3A_634 = tpu.memref_slice %arg8[%rem3A_420, %gather3A_632, %gather3A_633] : memref<2x320x32xf32, #tpu.memory_space<vmem>> -> memref<1x320x32xf32, #tpu.memory_space<vmem>>
        %gather3A_635 = tpu.memref_squeeze %gather3A_634 : memref<1x320x32xf32, #tpu.memory_space<vmem>> -> memref<320x32xf32, #tpu.memory_space<vmem>>
        %gather3A_636 = tpu.vector_load_idx %gather3A_635[%add3A_596, %and3A_239] : memref<320x32xf32, #tpu.memory_space<vmem>>[vector<16xi32>, vector<16xi32>], vector<16xf32>,
        %mul3A_637 = arith.mulf %gather3A_631, %gather3A_636 : vector<16xf32>
        %add3A_638 = arith.addf %broadcast_in_dim3A_601, %mul3A_637 : vector<16xf32>
        %gather3A_639 = arith.constant 0 : i32
        %gather3A_640 = arith.constant 0 : i32
        %gather3A_641 = tpu.memref_slice %arg7[%rem3A_420, %gather3A_639, %gather3A_640] : memref<2x320x32xf32, #tpu.memory_space<vmem>> -> memref<1x320x32xf32, #tpu.memory_space<vmem>>
        %gather3A_642 = tpu.memref_squeeze %gather3A_641 : memref<1x320x32xf32, #tpu.memory_space<vmem>> -> memref<320x32xf32, #tpu.memory_space<vmem>>
        %gather3A_643 = tpu.vector_load_idx %gather3A_642[%add3A_596, %and3A_245] : memref<320x32xf32, #tpu.memory_space<vmem>>[vector<16xi32>, vector<16xi32>], vector<16xf32>,
        %gather3A_644 = arith.constant 0 : i32
        %gather3A_645 = arith.constant 0 : i32
        %gather3A_646 = tpu.memref_slice %arg8[%rem3A_420, %gather3A_644, %gather3A_645] : memref<2x320x32xf32, #tpu.memory_space<vmem>> -> memref<1x320x32xf32, #tpu.memory_space<vmem>>
        %gather3A_647 = tpu.memref_squeeze %gather3A_646 : memref<1x320x32xf32, #tpu.memory_space<vmem>> -> memref<320x32xf32, #tpu.memory_space<vmem>>
        %gather3A_648 = tpu.vector_load_idx %gather3A_647[%add3A_596, %and3A_245] : memref<320x32xf32, #tpu.memory_space<vmem>>[vector<16xi32>, vector<16xi32>], vector<16xf32>,
        %mul3A_649 = arith.mulf %gather3A_643, %gather3A_648 : vector<16xf32>
        %add3A_650 = arith.addf %broadcast_in_dim3A_603, %mul3A_649 : vector<16xf32>
        %gather3A_651 = arith.constant 0 : i32
        %gather3A_652 = arith.constant 0 : i32
        %gather3A_653 = tpu.memref_slice %arg7[%rem3A_420, %gather3A_651, %gather3A_652] : memref<2x320x32xf32, #tpu.memory_space<vmem>> -> memref<1x320x32xf32, #tpu.memory_space<vmem>>
        %gather3A_654 = tpu.memref_squeeze %gather3A_653 : memref<1x320x32xf32, #tpu.memory_space<vmem>> -> memref<320x32xf32, #tpu.memory_space<vmem>>
        %gather3A_655 = tpu.vector_load_idx %gather3A_654[%add3A_596, %and3A_251] : memref<320x32xf32, #tpu.memory_space<vmem>>[vector<16xi32>, vector<16xi32>], vector<16xf32>,
        %gather3A_656 = arith.constant 0 : i32
        %gather3A_657 = arith.constant 0 : i32
        %gather3A_658 = tpu.memref_slice %arg8[%rem3A_420, %gather3A_656, %gather3A_657] : memref<2x320x32xf32, #tpu.memory_space<vmem>> -> memref<1x320x32xf32, #tpu.memory_space<vmem>>
        %gather3A_659 = tpu.memref_squeeze %gather3A_658 : memref<1x320x32xf32, #tpu.memory_space<vmem>> -> memref<320x32xf32, #tpu.memory_space<vmem>>
        %gather3A_660 = tpu.vector_load_idx %gather3A_659[%add3A_596, %and3A_251] : memref<320x32xf32, #tpu.memory_space<vmem>>[vector<16xi32>, vector<16xi32>], vector<16xf32>,
        %mul3A_661 = arith.mulf %gather3A_655, %gather3A_660 : vector<16xf32>
        %add3A_662 = arith.addf %add3A_614, %mul3A_661 : vector<16xf32>
        %gather3A_663 = arith.constant 0 : i32
        %gather3A_664 = arith.constant 0 : i32
        %gather3A_665 = tpu.memref_slice %arg7[%rem3A_420, %gather3A_663, %gather3A_664] : memref<2x320x32xf32, #tpu.memory_space<vmem>> -> memref<1x320x32xf32, #tpu.memory_space<vmem>>
        %gather3A_666 = tpu.memref_squeeze %gather3A_665 : memref<1x320x32xf32, #tpu.memory_space<vmem>> -> memref<320x32xf32, #tpu.memory_space<vmem>>
        %gather3A_667 = tpu.vector_load_idx %gather3A_666[%add3A_596, %and3A_257] : memref<320x32xf32, #tpu.memory_space<vmem>>[vector<16xi32>, vector<16xi32>], vector<16xf32>,
        %gather3A_668 = arith.constant 0 : i32
        %gather3A_669 = arith.constant 0 : i32
        %gather3A_670 = tpu.memref_slice %arg8[%rem3A_420, %gather3A_668, %gather3A_669] : memref<2x320x32xf32, #tpu.memory_space<vmem>> -> memref<1x320x32xf32, #tpu.memory_space<vmem>>
        %gather3A_671 = tpu.memref_squeeze %gather3A_670 : memref<1x320x32xf32, #tpu.memory_space<vmem>> -> memref<320x32xf32, #tpu.memory_space<vmem>>
        %gather3A_672 = tpu.vector_load_idx %gather3A_671[%add3A_596, %and3A_257] : memref<320x32xf32, #tpu.memory_space<vmem>>[vector<16xi32>, vector<16xi32>], vector<16xf32>,
        %mul3A_673 = arith.mulf %gather3A_667, %gather3A_672 : vector<16xf32>
        %add3A_674 = arith.addf %add3A_626, %mul3A_673 : vector<16xf32>
        %gather3A_675 = arith.constant 0 : i32
        %gather3A_676 = arith.constant 0 : i32
        %gather3A_677 = tpu.memref_slice %arg7[%rem3A_420, %gather3A_675, %gather3A_676] : memref<2x320x32xf32, #tpu.memory_space<vmem>> -> memref<1x320x32xf32, #tpu.memory_space<vmem>>
        %gather3A_678 = tpu.memref_squeeze %gather3A_677 : memref<1x320x32xf32, #tpu.memory_space<vmem>> -> memref<320x32xf32, #tpu.memory_space<vmem>>
        %gather3A_679 = tpu.vector_load_idx %gather3A_678[%add3A_596, %and3A_263] : memref<320x32xf32, #tpu.memory_space<vmem>>[vector<16xi32>, vector<16xi32>], vector<16xf32>,
        %gather3A_680 = arith.constant 0 : i32
        %gather3A_681 = arith.constant 0 : i32
        %gather3A_682 = tpu.memref_slice %arg8[%rem3A_420, %gather3A_680, %gather3A_681] : memref<2x320x32xf32, #tpu.memory_space<vmem>> -> memref<1x320x32xf32, #tpu.memory_space<vmem>>
        %gather3A_683 = tpu.memref_squeeze %gather3A_682 : memref<1x320x32xf32, #tpu.memory_space<vmem>> -> memref<320x32xf32, #tpu.memory_space<vmem>>
        %gather3A_684 = tpu.vector_load_idx %gather3A_683[%add3A_596, %and3A_263] : memref<320x32xf32, #tpu.memory_space<vmem>>[vector<16xi32>, vector<16xi32>], vector<16xf32>,
        %mul3A_685 = arith.mulf %gather3A_679, %gather3A_684 : vector<16xf32>
        %add3A_686 = arith.addf %add3A_638, %mul3A_685 : vector<16xf32>
        %gather3A_687 = arith.constant 0 : i32
        %gather3A_688 = arith.constant 0 : i32
        %gather3A_689 = tpu.memref_slice %arg7[%rem3A_420, %gather3A_687, %gather3A_688] : memref<2x320x32xf32, #tpu.memory_space<vmem>> -> memref<1x320x32xf32, #tpu.memory_space<vmem>>
        %gather3A_690 = tpu.memref_squeeze %gather3A_689 : memref<1x320x32xf32, #tpu.memory_space<vmem>> -> memref<320x32xf32, #tpu.memory_space<vmem>>
        %gather3A_691 = tpu.vector_load_idx %gather3A_690[%add3A_596, %and3A_269] : memref<320x32xf32, #tpu.memory_space<vmem>>[vector<16xi32>, vector<16xi32>], vector<16xf32>,
        %gather3A_692 = arith.constant 0 : i32
        %gather3A_693 = arith.constant 0 : i32
        %gather3A_694 = tpu.memref_slice %arg8[%rem3A_420, %gather3A_692, %gather3A_693] : memref<2x320x32xf32, #tpu.memory_space<vmem>> -> memref<1x320x32xf32, #tpu.memory_space<vmem>>
        %gather3A_695 = tpu.memref_squeeze %gather3A_694 : memref<1x320x32xf32, #tpu.memory_space<vmem>> -> memref<320x32xf32, #tpu.memory_space<vmem>>
        %gather3A_696 = tpu.vector_load_idx %gather3A_695[%add3A_596, %and3A_269] : memref<320x32xf32, #tpu.memory_space<vmem>>[vector<16xi32>, vector<16xi32>], vector<16xf32>,
        %mul3A_697 = arith.mulf %gather3A_691, %gather3A_696 : vector<16xf32>
        %add3A_698 = arith.addf %add3A_650, %mul3A_697 : vector<16xf32>
        %gather3A_699 = arith.constant 0 : i32
        %gather3A_700 = arith.constant 0 : i32
        %gather3A_701 = tpu.memref_slice %arg7[%rem3A_420, %gather3A_699, %gather3A_700] : memref<2x320x32xf32, #tpu.memory_space<vmem>> -> memref<1x320x32xf32, #tpu.memory_space<vmem>>
        %gather3A_702 = tpu.memref_squeeze %gather3A_701 : memref<1x320x32xf32, #tpu.memory_space<vmem>> -> memref<320x32xf32, #tpu.memory_space<vmem>>
        %gather3A_703 = tpu.vector_load_idx %gather3A_702[%add3A_596, %and3A_275] : memref<320x32xf32, #tpu.memory_space<vmem>>[vector<16xi32>, vector<16xi32>], vector<16xf32>,
        %gather3A_704 = arith.constant 0 : i32
        %gather3A_705 = arith.constant 0 : i32
        %gather3A_706 = tpu.memref_slice %arg8[%rem3A_420, %gather3A_704, %gather3A_705] : memref<2x320x32xf32, #tpu.memory_space<vmem>> -> memref<1x320x32xf32, #tpu.memory_space<vmem>>
        %gather3A_707 = tpu.memref_squeeze %gather3A_706 : memref<1x320x32xf32, #tpu.memory_space<vmem>> -> memref<320x32xf32, #tpu.memory_space<vmem>>
        %gather3A_708 = tpu.vector_load_idx %gather3A_707[%add3A_596, %and3A_275] : memref<320x32xf32, #tpu.memory_space<vmem>>[vector<16xi32>, vector<16xi32>], vector<16xf32>,
        %mul3A_709 = arith.mulf %gather3A_703, %gather3A_708 : vector<16xf32>
        %add3A_710 = arith.addf %add3A_662, %mul3A_709 : vector<16xf32>
        %gather3A_711 = arith.constant 0 : i32
        %gather3A_712 = arith.constant 0 : i32
        %gather3A_713 = tpu.memref_slice %arg7[%rem3A_420, %gather3A_711, %gather3A_712] : memref<2x320x32xf32, #tpu.memory_space<vmem>> -> memref<1x320x32xf32, #tpu.memory_space<vmem>>
        %gather3A_714 = tpu.memref_squeeze %gather3A_713 : memref<1x320x32xf32, #tpu.memory_space<vmem>> -> memref<320x32xf32, #tpu.memory_space<vmem>>
        %gather3A_715 = tpu.vector_load_idx %gather3A_714[%add3A_596, %and3A_281] : memref<320x32xf32, #tpu.memory_space<vmem>>[vector<16xi32>, vector<16xi32>], vector<16xf32>,
        %gather3A_716 = arith.constant 0 : i32
        %gather3A_717 = arith.constant 0 : i32
        %gather3A_718 = tpu.memref_slice %arg8[%rem3A_420, %gather3A_716, %gather3A_717] : memref<2x320x32xf32, #tpu.memory_space<vmem>> -> memref<1x320x32xf32, #tpu.memory_space<vmem>>
        %gather3A_719 = tpu.memref_squeeze %gather3A_718 : memref<1x320x32xf32, #tpu.memory_space<vmem>> -> memref<320x32xf32, #tpu.memory_space<vmem>>
        %gather3A_720 = tpu.vector_load_idx %gather3A_719[%add3A_596, %and3A_281] : memref<320x32xf32, #tpu.memory_space<vmem>>[vector<16xi32>, vector<16xi32>], vector<16xf32>,
        %mul3A_721 = arith.mulf %gather3A_715, %gather3A_720 : vector<16xf32>
        %add3A_722 = arith.addf %add3A_674, %mul3A_721 : vector<16xf32>
        %gather3A_723 = arith.constant 0 : i32
        %gather3A_724 = arith.constant 0 : i32
        %gather3A_725 = tpu.memref_slice %arg7[%rem3A_420, %gather3A_723, %gather3A_724] : memref<2x320x32xf32, #tpu.memory_space<vmem>> -> memref<1x320x32xf32, #tpu.memory_space<vmem>>
        %gather3A_726 = tpu.memref_squeeze %gather3A_725 : memref<1x320x32xf32, #tpu.memory_space<vmem>> -> memref<320x32xf32, #tpu.memory_space<vmem>>
        %gather3A_727 = tpu.vector_load_idx %gather3A_726[%add3A_596, %and3A_287] : memref<320x32xf32, #tpu.memory_space<vmem>>[vector<16xi32>, vector<16xi32>], vector<16xf32>,
        %gather3A_728 = arith.constant 0 : i32
        %gather3A_729 = arith.constant 0 : i32
        %gather3A_730 = tpu.memref_slice %arg8[%rem3A_420, %gather3A_728, %gather3A_729] : memref<2x320x32xf32, #tpu.memory_space<vmem>> -> memref<1x320x32xf32, #tpu.memory_space<vmem>>
        %gather3A_731 = tpu.memref_squeeze %gather3A_730 : memref<1x320x32xf32, #tpu.memory_space<vmem>> -> memref<320x32xf32, #tpu.memory_space<vmem>>
        %gather3A_732 = tpu.vector_load_idx %gather3A_731[%add3A_596, %and3A_287] : memref<320x32xf32, #tpu.memory_space<vmem>>[vector<16xi32>, vector<16xi32>], vector<16xf32>,
        %mul3A_733 = arith.mulf %gather3A_727, %gather3A_732 : vector<16xf32>
        %add3A_734 = arith.addf %add3A_686, %mul3A_733 : vector<16xf32>
        %gather3A_735 = arith.constant 0 : i32
        %gather3A_736 = arith.constant 0 : i32
        %gather3A_737 = tpu.memref_slice %arg7[%rem3A_420, %gather3A_735, %gather3A_736] : memref<2x320x32xf32, #tpu.memory_space<vmem>> -> memref<1x320x32xf32, #tpu.memory_space<vmem>>
        %gather3A_738 = tpu.memref_squeeze %gather3A_737 : memref<1x320x32xf32, #tpu.memory_space<vmem>> -> memref<320x32xf32, #tpu.memory_space<vmem>>
        %gather3A_739 = tpu.vector_load_idx %gather3A_738[%add3A_596, %and3A_293] : memref<320x32xf32, #tpu.memory_space<vmem>>[vector<16xi32>, vector<16xi32>], vector<16xf32>,
        %gather3A_740 = arith.constant 0 : i32
        %gather3A_741 = arith.constant 0 : i32
        %gather3A_742 = tpu.memref_slice %arg8[%rem3A_420, %gather3A_740, %gather3A_741] : memref<2x320x32xf32, #tpu.memory_space<vmem>> -> memref<1x320x32xf32, #tpu.memory_space<vmem>>
        %gather3A_743 = tpu.memref_squeeze %gather3A_742 : memref<1x320x32xf32, #tpu.memory_space<vmem>> -> memref<320x32xf32, #tpu.memory_space<vmem>>
        %gather3A_744 = tpu.vector_load_idx %gather3A_743[%add3A_596, %and3A_293] : memref<320x32xf32, #tpu.memory_space<vmem>>[vector<16xi32>, vector<16xi32>], vector<16xf32>,
        %mul3A_745 = arith.mulf %gather3A_739, %gather3A_744 : vector<16xf32>
        %add3A_746 = arith.addf %add3A_698, %mul3A_745 : vector<16xf32>
        %gather3A_747 = arith.constant 0 : i32
        %gather3A_748 = arith.constant 0 : i32
        %gather3A_749 = tpu.memref_slice %arg7[%rem3A_420, %gather3A_747, %gather3A_748] : memref<2x320x32xf32, #tpu.memory_space<vmem>> -> memref<1x320x32xf32, #tpu.memory_space<vmem>>
        %gather3A_750 = tpu.memref_squeeze %gather3A_749 : memref<1x320x32xf32, #tpu.memory_space<vmem>> -> memref<320x32xf32, #tpu.memory_space<vmem>>
        %gather3A_751 = tpu.vector_load_idx %gather3A_750[%add3A_596, %and3A_299] : memref<320x32xf32, #tpu.memory_space<vmem>>[vector<16xi32>, vector<16xi32>], vector<16xf32>,
        %gather3A_752 = arith.constant 0 : i32
        %gather3A_753 = arith.constant 0 : i32
        %gather3A_754 = tpu.memref_slice %arg8[%rem3A_420, %gather3A_752, %gather3A_753] : memref<2x320x32xf32, #tpu.memory_space<vmem>> -> memref<1x320x32xf32, #tpu.memory_space<vmem>>
        %gather3A_755 = tpu.memref_squeeze %gather3A_754 : memref<1x320x32xf32, #tpu.memory_space<vmem>> -> memref<320x32xf32, #tpu.memory_space<vmem>>
        %gather3A_756 = tpu.vector_load_idx %gather3A_755[%add3A_596, %and3A_299] : memref<320x32xf32, #tpu.memory_space<vmem>>[vector<16xi32>, vector<16xi32>], vector<16xf32>,
        %mul3A_757 = arith.mulf %gather3A_751, %gather3A_756 : vector<16xf32>
        %add3A_758 = arith.addf %add3A_710, %mul3A_757 : vector<16xf32>
        %gather3A_759 = arith.constant 0 : i32
        %gather3A_760 = arith.constant 0 : i32
        %gather3A_761 = tpu.memref_slice %arg7[%rem3A_420, %gather3A_759, %gather3A_760] : memref<2x320x32xf32, #tpu.memory_space<vmem>> -> memref<1x320x32xf32, #tpu.memory_space<vmem>>
        %gather3A_762 = tpu.memref_squeeze %gather3A_761 : memref<1x320x32xf32, #tpu.memory_space<vmem>> -> memref<320x32xf32, #tpu.memory_space<vmem>>
        %gather3A_763 = tpu.vector_load_idx %gather3A_762[%add3A_596, %and3A_305] : memref<320x32xf32, #tpu.memory_space<vmem>>[vector<16xi32>, vector<16xi32>], vector<16xf32>,
        %gather3A_764 = arith.constant 0 : i32
        %gather3A_765 = arith.constant 0 : i32
        %gather3A_766 = tpu.memref_slice %arg8[%rem3A_420, %gather3A_764, %gather3A_765] : memref<2x320x32xf32, #tpu.memory_space<vmem>> -> memref<1x320x32xf32, #tpu.memory_space<vmem>>
        %gather3A_767 = tpu.memref_squeeze %gather3A_766 : memref<1x320x32xf32, #tpu.memory_space<vmem>> -> memref<320x32xf32, #tpu.memory_space<vmem>>
        %gather3A_768 = tpu.vector_load_idx %gather3A_767[%add3A_596, %and3A_305] : memref<320x32xf32, #tpu.memory_space<vmem>>[vector<16xi32>, vector<16xi32>], vector<16xf32>,
        %mul3A_769 = arith.mulf %gather3A_763, %gather3A_768 : vector<16xf32>
        %add3A_770 = arith.addf %add3A_722, %mul3A_769 : vector<16xf32>
        %gather3A_771 = arith.constant 0 : i32
        %gather3A_772 = arith.constant 0 : i32
        %gather3A_773 = tpu.memref_slice %arg7[%rem3A_420, %gather3A_771, %gather3A_772] : memref<2x320x32xf32, #tpu.memory_space<vmem>> -> memref<1x320x32xf32, #tpu.memory_space<vmem>>
        %gather3A_774 = tpu.memref_squeeze %gather3A_773 : memref<1x320x32xf32, #tpu.memory_space<vmem>> -> memref<320x32xf32, #tpu.memory_space<vmem>>
        %gather3A_775 = tpu.vector_load_idx %gather3A_774[%add3A_596, %and3A_311] : memref<320x32xf32, #tpu.memory_space<vmem>>[vector<16xi32>, vector<16xi32>], vector<16xf32>,
        %gather3A_776 = arith.constant 0 : i32
        %gather3A_777 = arith.constant 0 : i32
        %gather3A_778 = tpu.memref_slice %arg8[%rem3A_420, %gather3A_776, %gather3A_777] : memref<2x320x32xf32, #tpu.memory_space<vmem>> -> memref<1x320x32xf32, #tpu.memory_space<vmem>>
        %gather3A_779 = tpu.memref_squeeze %gather3A_778 : memref<1x320x32xf32, #tpu.memory_space<vmem>> -> memref<320x32xf32, #tpu.memory_space<vmem>>
        %gather3A_780 = tpu.vector_load_idx %gather3A_779[%add3A_596, %and3A_311] : memref<320x32xf32, #tpu.memory_space<vmem>>[vector<16xi32>, vector<16xi32>], vector<16xf32>,
        %mul3A_781 = arith.mulf %gather3A_775, %gather3A_780 : vector<16xf32>
        %add3A_782 = arith.addf %add3A_734, %mul3A_781 : vector<16xf32>
        %gather3A_783 = arith.constant 0 : i32
        %gather3A_784 = arith.constant 0 : i32
        %gather3A_785 = tpu.memref_slice %arg7[%rem3A_420, %gather3A_783, %gather3A_784] : memref<2x320x32xf32, #tpu.memory_space<vmem>> -> memref<1x320x32xf32, #tpu.memory_space<vmem>>
        %gather3A_786 = tpu.memref_squeeze %gather3A_785 : memref<1x320x32xf32, #tpu.memory_space<vmem>> -> memref<320x32xf32, #tpu.memory_space<vmem>>
        %gather3A_787 = tpu.vector_load_idx %gather3A_786[%add3A_596, %and3A_317] : memref<320x32xf32, #tpu.memory_space<vmem>>[vector<16xi32>, vector<16xi32>], vector<16xf32>,
        %gather3A_788 = arith.constant 0 : i32
        %gather3A_789 = arith.constant 0 : i32
        %gather3A_790 = tpu.memref_slice %arg8[%rem3A_420, %gather3A_788, %gather3A_789] : memref<2x320x32xf32, #tpu.memory_space<vmem>> -> memref<1x320x32xf32, #tpu.memory_space<vmem>>
        %gather3A_791 = tpu.memref_squeeze %gather3A_790 : memref<1x320x32xf32, #tpu.memory_space<vmem>> -> memref<320x32xf32, #tpu.memory_space<vmem>>
        %gather3A_792 = tpu.vector_load_idx %gather3A_791[%add3A_596, %and3A_317] : memref<320x32xf32, #tpu.memory_space<vmem>>[vector<16xi32>, vector<16xi32>], vector<16xf32>,
        %mul3A_793 = arith.mulf %gather3A_787, %gather3A_792 : vector<16xf32>
        %add3A_794 = arith.addf %add3A_746, %mul3A_793 : vector<16xf32>
        %gather3A_795 = arith.constant 0 : i32
        %gather3A_796 = arith.constant 0 : i32
        %gather3A_797 = tpu.memref_slice %arg7[%rem3A_420, %gather3A_795, %gather3A_796] : memref<2x320x32xf32, #tpu.memory_space<vmem>> -> memref<1x320x32xf32, #tpu.memory_space<vmem>>
        %gather3A_798 = tpu.memref_squeeze %gather3A_797 : memref<1x320x32xf32, #tpu.memory_space<vmem>> -> memref<320x32xf32, #tpu.memory_space<vmem>>
        %gather3A_799 = tpu.vector_load_idx %gather3A_798[%add3A_596, %and3A_323] : memref<320x32xf32, #tpu.memory_space<vmem>>[vector<16xi32>, vector<16xi32>], vector<16xf32>,
        %gather3A_800 = arith.constant 0 : i32
        %gather3A_801 = arith.constant 0 : i32
        %gather3A_802 = tpu.memref_slice %arg8[%rem3A_420, %gather3A_800, %gather3A_801] : memref<2x320x32xf32, #tpu.memory_space<vmem>> -> memref<1x320x32xf32, #tpu.memory_space<vmem>>
        %gather3A_803 = tpu.memref_squeeze %gather3A_802 : memref<1x320x32xf32, #tpu.memory_space<vmem>> -> memref<320x32xf32, #tpu.memory_space<vmem>>
        %gather3A_804 = tpu.vector_load_idx %gather3A_803[%add3A_596, %and3A_323] : memref<320x32xf32, #tpu.memory_space<vmem>>[vector<16xi32>, vector<16xi32>], vector<16xf32>,
        %mul3A_805 = arith.mulf %gather3A_799, %gather3A_804 : vector<16xf32>
        %add3A_806 = arith.addf %add3A_758, %mul3A_805 : vector<16xf32>
        %gather3A_807 = arith.constant 0 : i32
        %gather3A_808 = arith.constant 0 : i32
        %gather3A_809 = tpu.memref_slice %arg7[%rem3A_420, %gather3A_807, %gather3A_808] : memref<2x320x32xf32, #tpu.memory_space<vmem>> -> memref<1x320x32xf32, #tpu.memory_space<vmem>>
        %gather3A_810 = tpu.memref_squeeze %gather3A_809 : memref<1x320x32xf32, #tpu.memory_space<vmem>> -> memref<320x32xf32, #tpu.memory_space<vmem>>
        %gather3A_811 = tpu.vector_load_idx %gather3A_810[%add3A_596, %and3A_329] : memref<320x32xf32, #tpu.memory_space<vmem>>[vector<16xi32>, vector<16xi32>], vector<16xf32>,
        %gather3A_812 = arith.constant 0 : i32
        %gather3A_813 = arith.constant 0 : i32
        %gather3A_814 = tpu.memref_slice %arg8[%rem3A_420, %gather3A_812, %gather3A_813] : memref<2x320x32xf32, #tpu.memory_space<vmem>> -> memref<1x320x32xf32, #tpu.memory_space<vmem>>
        %gather3A_815 = tpu.memref_squeeze %gather3A_814 : memref<1x320x32xf32, #tpu.memory_space<vmem>> -> memref<320x32xf32, #tpu.memory_space<vmem>>
        %gather3A_816 = tpu.vector_load_idx %gather3A_815[%add3A_596, %and3A_329] : memref<320x32xf32, #tpu.memory_space<vmem>>[vector<16xi32>, vector<16xi32>], vector<16xf32>,
        %mul3A_817 = arith.mulf %gather3A_811, %gather3A_816 : vector<16xf32>
        %add3A_818 = arith.addf %add3A_770, %mul3A_817 : vector<16xf32>
        %gather3A_819 = arith.constant 0 : i32
        %gather3A_820 = arith.constant 0 : i32
        %gather3A_821 = tpu.memref_slice %arg7[%rem3A_420, %gather3A_819, %gather3A_820] : memref<2x320x32xf32, #tpu.memory_space<vmem>> -> memref<1x320x32xf32, #tpu.memory_space<vmem>>
        %gather3A_822 = tpu.memref_squeeze %gather3A_821 : memref<1x320x32xf32, #tpu.memory_space<vmem>> -> memref<320x32xf32, #tpu.memory_space<vmem>>
        %gather3A_823 = tpu.vector_load_idx %gather3A_822[%add3A_596, %and3A_335] : memref<320x32xf32, #tpu.memory_space<vmem>>[vector<16xi32>, vector<16xi32>], vector<16xf32>,
        %gather3A_824 = arith.constant 0 : i32
        %gather3A_825 = arith.constant 0 : i32
        %gather3A_826 = tpu.memref_slice %arg8[%rem3A_420, %gather3A_824, %gather3A_825] : memref<2x320x32xf32, #tpu.memory_space<vmem>> -> memref<1x320x32xf32, #tpu.memory_space<vmem>>
        %gather3A_827 = tpu.memref_squeeze %gather3A_826 : memref<1x320x32xf32, #tpu.memory_space<vmem>> -> memref<320x32xf32, #tpu.memory_space<vmem>>
        %gather3A_828 = tpu.vector_load_idx %gather3A_827[%add3A_596, %and3A_335] : memref<320x32xf32, #tpu.memory_space<vmem>>[vector<16xi32>, vector<16xi32>], vector<16xf32>,
        %mul3A_829 = arith.mulf %gather3A_823, %gather3A_828 : vector<16xf32>
        %add3A_830 = arith.addf %add3A_782, %mul3A_829 : vector<16xf32>
        %gather3A_831 = arith.constant 0 : i32
        %gather3A_832 = arith.constant 0 : i32
        %gather3A_833 = tpu.memref_slice %arg7[%rem3A_420, %gather3A_831, %gather3A_832] : memref<2x320x32xf32, #tpu.memory_space<vmem>> -> memref<1x320x32xf32, #tpu.memory_space<vmem>>
        %gather3A_834 = tpu.memref_squeeze %gather3A_833 : memref<1x320x32xf32, #tpu.memory_space<vmem>> -> memref<320x32xf32, #tpu.memory_space<vmem>>
        %gather3A_835 = tpu.vector_load_idx %gather3A_834[%add3A_596, %and3A_341] : memref<320x32xf32, #tpu.memory_space<vmem>>[vector<16xi32>, vector<16xi32>], vector<16xf32>,
        %gather3A_836 = arith.constant 0 : i32
        %gather3A_837 = arith.constant 0 : i32
        %gather3A_838 = tpu.memref_slice %arg8[%rem3A_420, %gather3A_836, %gather3A_837] : memref<2x320x32xf32, #tpu.memory_space<vmem>> -> memref<1x320x32xf32, #tpu.memory_space<vmem>>
        %gather3A_839 = tpu.memref_squeeze %gather3A_838 : memref<1x320x32xf32, #tpu.memory_space<vmem>> -> memref<320x32xf32, #tpu.memory_space<vmem>>
        %gather3A_840 = tpu.vector_load_idx %gather3A_839[%add3A_596, %and3A_341] : memref<320x32xf32, #tpu.memory_space<vmem>>[vector<16xi32>, vector<16xi32>], vector<16xf32>,
        %mul3A_841 = arith.mulf %gather3A_835, %gather3A_840 : vector<16xf32>
        %add3A_842 = arith.addf %add3A_794, %mul3A_841 : vector<16xf32>
        %gather3A_843 = arith.constant 0 : i32
        %gather3A_844 = arith.constant 0 : i32
        %gather3A_845 = tpu.memref_slice %arg7[%rem3A_420, %gather3A_843, %gather3A_844] : memref<2x320x32xf32, #tpu.memory_space<vmem>> -> memref<1x320x32xf32, #tpu.memory_space<vmem>>
        %gather3A_846 = tpu.memref_squeeze %gather3A_845 : memref<1x320x32xf32, #tpu.memory_space<vmem>> -> memref<320x32xf32, #tpu.memory_space<vmem>>
        %gather3A_847 = tpu.vector_load_idx %gather3A_846[%add3A_596, %and3A_347] : memref<320x32xf32, #tpu.memory_space<vmem>>[vector<16xi32>, vector<16xi32>], vector<16xf32>,
        %gather3A_848 = arith.constant 0 : i32
        %gather3A_849 = arith.constant 0 : i32
        %gather3A_850 = tpu.memref_slice %arg8[%rem3A_420, %gather3A_848, %gather3A_849] : memref<2x320x32xf32, #tpu.memory_space<vmem>> -> memref<1x320x32xf32, #tpu.memory_space<vmem>>
        %gather3A_851 = tpu.memref_squeeze %gather3A_850 : memref<1x320x32xf32, #tpu.memory_space<vmem>> -> memref<320x32xf32, #tpu.memory_space<vmem>>
        %gather3A_852 = tpu.vector_load_idx %gather3A_851[%add3A_596, %and3A_347] : memref<320x32xf32, #tpu.memory_space<vmem>>[vector<16xi32>, vector<16xi32>], vector<16xf32>,
        %mul3A_853 = arith.mulf %gather3A_847, %gather3A_852 : vector<16xf32>
        %add3A_854 = arith.addf %add3A_806, %mul3A_853 : vector<16xf32>
        %gather3A_855 = arith.constant 0 : i32
        %gather3A_856 = arith.constant 0 : i32
        %gather3A_857 = tpu.memref_slice %arg7[%rem3A_420, %gather3A_855, %gather3A_856] : memref<2x320x32xf32, #tpu.memory_space<vmem>> -> memref<1x320x32xf32, #tpu.memory_space<vmem>>
        %gather3A_858 = tpu.memref_squeeze %gather3A_857 : memref<1x320x32xf32, #tpu.memory_space<vmem>> -> memref<320x32xf32, #tpu.memory_space<vmem>>
        %gather3A_859 = tpu.vector_load_idx %gather3A_858[%add3A_596, %and3A_353] : memref<320x32xf32, #tpu.memory_space<vmem>>[vector<16xi32>, vector<16xi32>], vector<16xf32>,
        %gather3A_860 = arith.constant 0 : i32
        %gather3A_861 = arith.constant 0 : i32
        %gather3A_862 = tpu.memref_slice %arg8[%rem3A_420, %gather3A_860, %gather3A_861] : memref<2x320x32xf32, #tpu.memory_space<vmem>> -> memref<1x320x32xf32, #tpu.memory_space<vmem>>
        %gather3A_863 = tpu.memref_squeeze %gather3A_862 : memref<1x320x32xf32, #tpu.memory_space<vmem>> -> memref<320x32xf32, #tpu.memory_space<vmem>>
        %gather3A_864 = tpu.vector_load_idx %gather3A_863[%add3A_596, %and3A_353] : memref<320x32xf32, #tpu.memory_space<vmem>>[vector<16xi32>, vector<16xi32>], vector<16xf32>,
        %mul3A_865 = arith.mulf %gather3A_859, %gather3A_864 : vector<16xf32>
        %add3A_866 = arith.addf %add3A_818, %mul3A_865 : vector<16xf32>
        %gather3A_867 = arith.constant 0 : i32
        %gather3A_868 = arith.constant 0 : i32
        %gather3A_869 = tpu.memref_slice %arg7[%rem3A_420, %gather3A_867, %gather3A_868] : memref<2x320x32xf32, #tpu.memory_space<vmem>> -> memref<1x320x32xf32, #tpu.memory_space<vmem>>
        %gather3A_870 = tpu.memref_squeeze %gather3A_869 : memref<1x320x32xf32, #tpu.memory_space<vmem>> -> memref<320x32xf32, #tpu.memory_space<vmem>>
        %gather3A_871 = tpu.vector_load_idx %gather3A_870[%add3A_596, %and3A_359] : memref<320x32xf32, #tpu.memory_space<vmem>>[vector<16xi32>, vector<16xi32>], vector<16xf32>,
        %gather3A_872 = arith.constant 0 : i32
        %gather3A_873 = arith.constant 0 : i32
        %gather3A_874 = tpu.memref_slice %arg8[%rem3A_420, %gather3A_872, %gather3A_873] : memref<2x320x32xf32, #tpu.memory_space<vmem>> -> memref<1x320x32xf32, #tpu.memory_space<vmem>>
        %gather3A_875 = tpu.memref_squeeze %gather3A_874 : memref<1x320x32xf32, #tpu.memory_space<vmem>> -> memref<320x32xf32, #tpu.memory_space<vmem>>
        %gather3A_876 = tpu.vector_load_idx %gather3A_875[%add3A_596, %and3A_359] : memref<320x32xf32, #tpu.memory_space<vmem>>[vector<16xi32>, vector<16xi32>], vector<16xf32>,
        %mul3A_877 = arith.mulf %gather3A_871, %gather3A_876 : vector<16xf32>
        %add3A_878 = arith.addf %add3A_830, %mul3A_877 : vector<16xf32>
        %gather3A_879 = arith.constant 0 : i32
        %gather3A_880 = arith.constant 0 : i32
        %gather3A_881 = tpu.memref_slice %arg7[%rem3A_420, %gather3A_879, %gather3A_880] : memref<2x320x32xf32, #tpu.memory_space<vmem>> -> memref<1x320x32xf32, #tpu.memory_space<vmem>>
        %gather3A_882 = tpu.memref_squeeze %gather3A_881 : memref<1x320x32xf32, #tpu.memory_space<vmem>> -> memref<320x32xf32, #tpu.memory_space<vmem>>
        %gather3A_883 = tpu.vector_load_idx %gather3A_882[%add3A_596, %and3A_365] : memref<320x32xf32, #tpu.memory_space<vmem>>[vector<16xi32>, vector<16xi32>], vector<16xf32>,
        %gather3A_884 = arith.constant 0 : i32
        %gather3A_885 = arith.constant 0 : i32
        %gather3A_886 = tpu.memref_slice %arg8[%rem3A_420, %gather3A_884, %gather3A_885] : memref<2x320x32xf32, #tpu.memory_space<vmem>> -> memref<1x320x32xf32, #tpu.memory_space<vmem>>
        %gather3A_887 = tpu.memref_squeeze %gather3A_886 : memref<1x320x32xf32, #tpu.memory_space<vmem>> -> memref<320x32xf32, #tpu.memory_space<vmem>>
        %gather3A_888 = tpu.vector_load_idx %gather3A_887[%add3A_596, %and3A_365] : memref<320x32xf32, #tpu.memory_space<vmem>>[vector<16xi32>, vector<16xi32>], vector<16xf32>,
        %mul3A_889 = arith.mulf %gather3A_883, %gather3A_888 : vector<16xf32>
        %add3A_890 = arith.addf %add3A_842, %mul3A_889 : vector<16xf32>
        %gather3A_891 = arith.constant 0 : i32
        %gather3A_892 = arith.constant 0 : i32
        %gather3A_893 = tpu.memref_slice %arg7[%rem3A_420, %gather3A_891, %gather3A_892] : memref<2x320x32xf32, #tpu.memory_space<vmem>> -> memref<1x320x32xf32, #tpu.memory_space<vmem>>
        %gather3A_894 = tpu.memref_squeeze %gather3A_893 : memref<1x320x32xf32, #tpu.memory_space<vmem>> -> memref<320x32xf32, #tpu.memory_space<vmem>>
        %gather3A_895 = tpu.vector_load_idx %gather3A_894[%add3A_596, %and3A_371] : memref<320x32xf32, #tpu.memory_space<vmem>>[vector<16xi32>, vector<16xi32>], vector<16xf32>,
        %gather3A_896 = arith.constant 0 : i32
        %gather3A_897 = arith.constant 0 : i32
        %gather3A_898 = tpu.memref_slice %arg8[%rem3A_420, %gather3A_896, %gather3A_897] : memref<2x320x32xf32, #tpu.memory_space<vmem>> -> memref<1x320x32xf32, #tpu.memory_space<vmem>>
        %gather3A_899 = tpu.memref_squeeze %gather3A_898 : memref<1x320x32xf32, #tpu.memory_space<vmem>> -> memref<320x32xf32, #tpu.memory_space<vmem>>
        %gather3A_900 = tpu.vector_load_idx %gather3A_899[%add3A_596, %and3A_371] : memref<320x32xf32, #tpu.memory_space<vmem>>[vector<16xi32>, vector<16xi32>], vector<16xf32>,
        %mul3A_901 = arith.mulf %gather3A_895, %gather3A_900 : vector<16xf32>
        %add3A_902 = arith.addf %add3A_854, %mul3A_901 : vector<16xf32>
        %gather3A_903 = arith.constant 0 : i32
        %gather3A_904 = arith.constant 0 : i32
        %gather3A_905 = tpu.memref_slice %arg7[%rem3A_420, %gather3A_903, %gather3A_904] : memref<2x320x32xf32, #tpu.memory_space<vmem>> -> memref<1x320x32xf32, #tpu.memory_space<vmem>>
        %gather3A_906 = tpu.memref_squeeze %gather3A_905 : memref<1x320x32xf32, #tpu.memory_space<vmem>> -> memref<320x32xf32, #tpu.memory_space<vmem>>
        %gather3A_907 = tpu.vector_load_idx %gather3A_906[%add3A_596, %and3A_377] : memref<320x32xf32, #tpu.memory_space<vmem>>[vector<16xi32>, vector<16xi32>], vector<16xf32>,
        %gather3A_908 = arith.constant 0 : i32
        %gather3A_909 = arith.constant 0 : i32
        %gather3A_910 = tpu.memref_slice %arg8[%rem3A_420, %gather3A_908, %gather3A_909] : memref<2x320x32xf32, #tpu.memory_space<vmem>> -> memref<1x320x32xf32, #tpu.memory_space<vmem>>
        %gather3A_911 = tpu.memref_squeeze %gather3A_910 : memref<1x320x32xf32, #tpu.memory_space<vmem>> -> memref<320x32xf32, #tpu.memory_space<vmem>>
        %gather3A_912 = tpu.vector_load_idx %gather3A_911[%add3A_596, %and3A_377] : memref<320x32xf32, #tpu.memory_space<vmem>>[vector<16xi32>, vector<16xi32>], vector<16xf32>,
        %mul3A_913 = arith.mulf %gather3A_907, %gather3A_912 : vector<16xf32>
        %add3A_914 = arith.addf %add3A_866, %mul3A_913 : vector<16xf32>
        %gather3A_915 = arith.constant 0 : i32
        %gather3A_916 = arith.constant 0 : i32
        %gather3A_917 = tpu.memref_slice %arg7[%rem3A_420, %gather3A_915, %gather3A_916] : memref<2x320x32xf32, #tpu.memory_space<vmem>> -> memref<1x320x32xf32, #tpu.memory_space<vmem>>
        %gather3A_918 = tpu.memref_squeeze %gather3A_917 : memref<1x320x32xf32, #tpu.memory_space<vmem>> -> memref<320x32xf32, #tpu.memory_space<vmem>>
        %gather3A_919 = tpu.vector_load_idx %gather3A_918[%add3A_596, %and3A_383] : memref<320x32xf32, #tpu.memory_space<vmem>>[vector<16xi32>, vector<16xi32>], vector<16xf32>,
        %gather3A_920 = arith.constant 0 : i32
        %gather3A_921 = arith.constant 0 : i32
        %gather3A_922 = tpu.memref_slice %arg8[%rem3A_420, %gather3A_920, %gather3A_921] : memref<2x320x32xf32, #tpu.memory_space<vmem>> -> memref<1x320x32xf32, #tpu.memory_space<vmem>>
        %gather3A_923 = tpu.memref_squeeze %gather3A_922 : memref<1x320x32xf32, #tpu.memory_space<vmem>> -> memref<320x32xf32, #tpu.memory_space<vmem>>
        %gather3A_924 = tpu.vector_load_idx %gather3A_923[%add3A_596, %and3A_383] : memref<320x32xf32, #tpu.memory_space<vmem>>[vector<16xi32>, vector<16xi32>], vector<16xf32>,
        %mul3A_925 = arith.mulf %gather3A_919, %gather3A_924 : vector<16xf32>
        %add3A_926 = arith.addf %add3A_878, %mul3A_925 : vector<16xf32>
        %gather3A_927 = arith.constant 0 : i32
        %gather3A_928 = arith.constant 0 : i32
        %gather3A_929 = tpu.memref_slice %arg7[%rem3A_420, %gather3A_927, %gather3A_928] : memref<2x320x32xf32, #tpu.memory_space<vmem>> -> memref<1x320x32xf32, #tpu.memory_space<vmem>>
        %gather3A_930 = tpu.memref_squeeze %gather3A_929 : memref<1x320x32xf32, #tpu.memory_space<vmem>> -> memref<320x32xf32, #tpu.memory_space<vmem>>
        %gather3A_931 = tpu.vector_load_idx %gather3A_930[%add3A_596, %and3A_389] : memref<320x32xf32, #tpu.memory_space<vmem>>[vector<16xi32>, vector<16xi32>], vector<16xf32>,
        %gather3A_932 = arith.constant 0 : i32
        %gather3A_933 = arith.constant 0 : i32
        %gather3A_934 = tpu.memref_slice %arg8[%rem3A_420, %gather3A_932, %gather3A_933] : memref<2x320x32xf32, #tpu.memory_space<vmem>> -> memref<1x320x32xf32, #tpu.memory_space<vmem>>
        %gather3A_935 = tpu.memref_squeeze %gather3A_934 : memref<1x320x32xf32, #tpu.memory_space<vmem>> -> memref<320x32xf32, #tpu.memory_space<vmem>>
        %gather3A_936 = tpu.vector_load_idx %gather3A_935[%add3A_596, %and3A_389] : memref<320x32xf32, #tpu.memory_space<vmem>>[vector<16xi32>, vector<16xi32>], vector<16xf32>,
        %mul3A_937 = arith.mulf %gather3A_931, %gather3A_936 : vector<16xf32>
        %add3A_938 = arith.addf %add3A_890, %mul3A_937 : vector<16xf32>
        %gather3A_939 = arith.constant 0 : i32
        %gather3A_940 = arith.constant 0 : i32
        %gather3A_941 = tpu.memref_slice %arg7[%rem3A_420, %gather3A_939, %gather3A_940] : memref<2x320x32xf32, #tpu.memory_space<vmem>> -> memref<1x320x32xf32, #tpu.memory_space<vmem>>
        %gather3A_942 = tpu.memref_squeeze %gather3A_941 : memref<1x320x32xf32, #tpu.memory_space<vmem>> -> memref<320x32xf32, #tpu.memory_space<vmem>>
        %gather3A_943 = tpu.vector_load_idx %gather3A_942[%add3A_596, %and3A_395] : memref<320x32xf32, #tpu.memory_space<vmem>>[vector<16xi32>, vector<16xi32>], vector<16xf32>,
        %gather3A_944 = arith.constant 0 : i32
        %gather3A_945 = arith.constant 0 : i32
        %gather3A_946 = tpu.memref_slice %arg8[%rem3A_420, %gather3A_944, %gather3A_945] : memref<2x320x32xf32, #tpu.memory_space<vmem>> -> memref<1x320x32xf32, #tpu.memory_space<vmem>>
        %gather3A_947 = tpu.memref_squeeze %gather3A_946 : memref<1x320x32xf32, #tpu.memory_space<vmem>> -> memref<320x32xf32, #tpu.memory_space<vmem>>
        %gather3A_948 = tpu.vector_load_idx %gather3A_947[%add3A_596, %and3A_395] : memref<320x32xf32, #tpu.memory_space<vmem>>[vector<16xi32>, vector<16xi32>], vector<16xf32>,
        %mul3A_949 = arith.mulf %gather3A_943, %gather3A_948 : vector<16xf32>
        %add3A_950 = arith.addf %add3A_902, %mul3A_949 : vector<16xf32>
        %gather3A_951 = arith.constant 0 : i32
        %gather3A_952 = arith.constant 0 : i32
        %gather3A_953 = tpu.memref_slice %arg7[%rem3A_420, %gather3A_951, %gather3A_952] : memref<2x320x32xf32, #tpu.memory_space<vmem>> -> memref<1x320x32xf32, #tpu.memory_space<vmem>>
        %gather3A_954 = tpu.memref_squeeze %gather3A_953 : memref<1x320x32xf32, #tpu.memory_space<vmem>> -> memref<320x32xf32, #tpu.memory_space<vmem>>
        %gather3A_955 = tpu.vector_load_idx %gather3A_954[%add3A_596, %and3A_401] : memref<320x32xf32, #tpu.memory_space<vmem>>[vector<16xi32>, vector<16xi32>], vector<16xf32>,
        %gather3A_956 = arith.constant 0 : i32
        %gather3A_957 = arith.constant 0 : i32
        %gather3A_958 = tpu.memref_slice %arg8[%rem3A_420, %gather3A_956, %gather3A_957] : memref<2x320x32xf32, #tpu.memory_space<vmem>> -> memref<1x320x32xf32, #tpu.memory_space<vmem>>
        %gather3A_959 = tpu.memref_squeeze %gather3A_958 : memref<1x320x32xf32, #tpu.memory_space<vmem>> -> memref<320x32xf32, #tpu.memory_space<vmem>>
        %gather3A_960 = tpu.vector_load_idx %gather3A_959[%add3A_596, %and3A_401] : memref<320x32xf32, #tpu.memory_space<vmem>>[vector<16xi32>, vector<16xi32>], vector<16xf32>,
        %mul3A_961 = arith.mulf %gather3A_955, %gather3A_960 : vector<16xf32>
        %add3A_962 = arith.addf %add3A_914, %mul3A_961 : vector<16xf32>
        %gather3A_963 = arith.constant 0 : i32
        %gather3A_964 = arith.constant 0 : i32
        %gather3A_965 = tpu.memref_slice %arg7[%rem3A_420, %gather3A_963, %gather3A_964] : memref<2x320x32xf32, #tpu.memory_space<vmem>> -> memref<1x320x32xf32, #tpu.memory_space<vmem>>
        %gather3A_966 = tpu.memref_squeeze %gather3A_965 : memref<1x320x32xf32, #tpu.memory_space<vmem>> -> memref<320x32xf32, #tpu.memory_space<vmem>>
        %gather3A_967 = tpu.vector_load_idx %gather3A_966[%add3A_596, %and3A_407] : memref<320x32xf32, #tpu.memory_space<vmem>>[vector<16xi32>, vector<16xi32>], vector<16xf32>,
        %gather3A_968 = arith.constant 0 : i32
        %gather3A_969 = arith.constant 0 : i32
        %gather3A_970 = tpu.memref_slice %arg8[%rem3A_420, %gather3A_968, %gather3A_969] : memref<2x320x32xf32, #tpu.memory_space<vmem>> -> memref<1x320x32xf32, #tpu.memory_space<vmem>>
        %gather3A_971 = tpu.memref_squeeze %gather3A_970 : memref<1x320x32xf32, #tpu.memory_space<vmem>> -> memref<320x32xf32, #tpu.memory_space<vmem>>
        %gather3A_972 = tpu.vector_load_idx %gather3A_971[%add3A_596, %and3A_407] : memref<320x32xf32, #tpu.memory_space<vmem>>[vector<16xi32>, vector<16xi32>], vector<16xf32>,
        %mul3A_973 = arith.mulf %gather3A_967, %gather3A_972 : vector<16xf32>
        %add3A_974 = arith.addf %add3A_926, %mul3A_973 : vector<16xf32>
        %gather3A_975 = arith.constant 0 : i32
        %gather3A_976 = arith.constant 0 : i32
        %gather3A_977 = tpu.memref_slice %arg7[%rem3A_420, %gather3A_975, %gather3A_976] : memref<2x320x32xf32, #tpu.memory_space<vmem>> -> memref<1x320x32xf32, #tpu.memory_space<vmem>>
        %gather3A_978 = tpu.memref_squeeze %gather3A_977 : memref<1x320x32xf32, #tpu.memory_space<vmem>> -> memref<320x32xf32, #tpu.memory_space<vmem>>
        %gather3A_979 = tpu.vector_load_idx %gather3A_978[%add3A_596, %and3A_413] : memref<320x32xf32, #tpu.memory_space<vmem>>[vector<16xi32>, vector<16xi32>], vector<16xf32>,
        %gather3A_980 = arith.constant 0 : i32
        %gather3A_981 = arith.constant 0 : i32
        %gather3A_982 = tpu.memref_slice %arg8[%rem3A_420, %gather3A_980, %gather3A_981] : memref<2x320x32xf32, #tpu.memory_space<vmem>> -> memref<1x320x32xf32, #tpu.memory_space<vmem>>
        %gather3A_983 = tpu.memref_squeeze %gather3A_982 : memref<1x320x32xf32, #tpu.memory_space<vmem>> -> memref<320x32xf32, #tpu.memory_space<vmem>>
        %gather3A_984 = tpu.vector_load_idx %gather3A_983[%add3A_596, %and3A_413] : memref<320x32xf32, #tpu.memory_space<vmem>>[vector<16xi32>, vector<16xi32>], vector<16xf32>,
        %mul3A_985 = arith.mulf %gather3A_979, %gather3A_984 : vector<16xf32>
        %add3A_986 = arith.addf %add3A_938, %mul3A_985 : vector<16xf32>
        %add3A_987 = arith.addf %add3A_950, %add3A_962 : vector<16xf32>
        %add3A_988 = arith.addf %add3A_974, %add3A_986 : vector<16xf32>
        %add3A_989 = arith.addf %add3A_987, %add3A_988 : vector<16xf32>
        %mul3A_990 = arith.constant 16 : i32
        %mul3A_991 = arith.muli %mul3A_990, %scan3A_592 : i32
        %swap3A = arith.index_cast %rem3A_420 : i32 to index
        %swap3A_992 = arith.index_cast %mul3A_991 : i32 to index
        %swap3A_993 = tpu.vector_load %arg9[%swap3A, %swap3A_992] {strides = array<i32>} : memref<2x320xf32, #tpu.memory_space<vmem>>, vector<16xf32>,
        tpu.vector_store %arg9[%swap3A, %swap3A_992], %add3A_989 {strides = array<i32>} : memref<2x320xf32, #tpu.memory_space<vmem>>, vector<16xf32>,
      }
      %scan3A_508 = arith.constant 5 : i32
      %dma_wait3A_509 = arith.constant 2 : i32
      %dma_wait3A_510 = arith.constant 160 : i32
      %dma_wait3A_511 = arith.constant 0 : i32
      %dma_wait3A_512 = tpu.memref_slice %arg7[%rem3A_420, %dma_wait3A_510, %dma_wait3A_511] : memref<2x320x32xf32, #tpu.memory_space<vmem>> -> memref<1x80x32xf32, #tpu.memory_space<vmem>>
      %dma_wait3A_513 = tpu.memref_squeeze %dma_wait3A_512 : memref<1x80x32xf32, #tpu.memory_space<vmem>> -> memref<80x32xf32, #tpu.memory_space<vmem>>
      %dma_wait3A_514 = arith.constant 0 : i32
      %dma_wait3A_515 = arith.constant 0 : i32
      %dma_wait3A_516 = tpu.memref_slice %arg2[%dma_wait3A_514, %dma_wait3A_515] : memref<100000x32xf32, #tpu.memory_space<hbm>> -> memref<80x32xf32, #tpu.memory_space<hbm>>
      %dma_wait3A_517 = tpu.memref_slice %arg10[%rem3A_420, %dma_wait3A_509] : memref<2x4x!tpu.dma_semaphore, #tpu.memory_space<semaphore_mem>> -> memref<1x1x!tpu.dma_semaphore, #tpu.memory_space<semaphore_mem>>
      %dma_wait3A_518 = tpu.memref_squeeze %dma_wait3A_517 : memref<1x1x!tpu.dma_semaphore, #tpu.memory_space<semaphore_mem>> -> memref<!tpu.dma_semaphore, #tpu.memory_space<semaphore_mem>>
      %dma_wait3A_519 = arith.constant 160 : i32
      %dma_wait3A_520 = arith.constant 0 : i32
      %dma_wait3A_521 = tpu.memref_slice %arg7[%rem3A_420, %dma_wait3A_519, %dma_wait3A_520] : memref<2x320x32xf32, #tpu.memory_space<vmem>> -> memref<1x80x32xf32, #tpu.memory_space<vmem>>
      %dma_wait3A_522 = tpu.memref_squeeze %dma_wait3A_521 : memref<1x80x32xf32, #tpu.memory_space<vmem>> -> memref<80x32xf32, #tpu.memory_space<vmem>>
      %dma_wait3A_523 = arith.constant 0 : i32
      %dma_wait3A_524 = arith.constant 0 : i32
      %dma_wait3A_525 = tpu.memref_slice %arg2[%dma_wait3A_523, %dma_wait3A_524] : memref<100000x32xf32, #tpu.memory_space<hbm>> -> memref<80x32xf32, #tpu.memory_space<hbm>>
      tpu.wait_dma2 semaphore(%dma_wait3A_518 : memref<!tpu.dma_semaphore, #tpu.memory_space<semaphore_mem>>) src(%dma_wait3A_525 : memref<80x32xf32, #tpu.memory_space<hbm>>) dst(%dma_wait3A_522 : memref<80x32xf32, #tpu.memory_space<vmem>>)
      %dma_wait3A_526 = arith.constant 2 : i32
      %dma_wait3A_527 = arith.constant 160 : i32
      %dma_wait3A_528 = arith.constant 0 : i32
      %dma_wait3A_529 = tpu.memref_slice %arg7[%rem3A_420, %dma_wait3A_527, %dma_wait3A_528] : memref<2x320x32xf32, #tpu.memory_space<vmem>> -> memref<1x80x32xf32, #tpu.memory_space<vmem>>
      %dma_wait3A_530 = tpu.memref_squeeze %dma_wait3A_529 : memref<1x80x32xf32, #tpu.memory_space<vmem>> -> memref<80x32xf32, #tpu.memory_space<vmem>>
      %dma_wait3A_531 = arith.constant 0 : i32
      %dma_wait3A_532 = arith.constant 0 : i32
      %dma_wait3A_533 = tpu.memref_slice %arg2[%dma_wait3A_531, %dma_wait3A_532] : memref<100000x32xf32, #tpu.memory_space<hbm>> -> memref<80x32xf32, #tpu.memory_space<hbm>>
      %dma_wait3A_534 = tpu.memref_slice %arg10[%rem3A_420, %dma_wait3A_526] : memref<2x4x!tpu.dma_semaphore, #tpu.memory_space<semaphore_mem>> -> memref<1x1x!tpu.dma_semaphore, #tpu.memory_space<semaphore_mem>>
      %dma_wait3A_535 = tpu.memref_squeeze %dma_wait3A_534 : memref<1x1x!tpu.dma_semaphore, #tpu.memory_space<semaphore_mem>> -> memref<!tpu.dma_semaphore, #tpu.memory_space<semaphore_mem>>
      %dma_wait3A_536 = arith.constant 160 : i32
      %dma_wait3A_537 = arith.constant 0 : i32
      %dma_wait3A_538 = tpu.memref_slice %arg7[%rem3A_420, %dma_wait3A_536, %dma_wait3A_537] : memref<2x320x32xf32, #tpu.memory_space<vmem>> -> memref<1x80x32xf32, #tpu.memory_space<vmem>>
      %dma_wait3A_539 = tpu.memref_squeeze %dma_wait3A_538 : memref<1x80x32xf32, #tpu.memory_space<vmem>> -> memref<80x32xf32, #tpu.memory_space<vmem>>
      %dma_wait3A_540 = arith.constant 0 : i32
      %dma_wait3A_541 = arith.constant 0 : i32
      %dma_wait3A_542 = tpu.memref_slice %arg2[%dma_wait3A_540, %dma_wait3A_541] : memref<100000x32xf32, #tpu.memory_space<hbm>> -> memref<80x32xf32, #tpu.memory_space<hbm>>
      tpu.wait_dma2 semaphore(%dma_wait3A_535 : memref<!tpu.dma_semaphore, #tpu.memory_space<semaphore_mem>>) src(%dma_wait3A_542 : memref<80x32xf32, #tpu.memory_space<hbm>>) dst(%dma_wait3A_539 : memref<80x32xf32, #tpu.memory_space<vmem>>)
      %scan3A_543 = arith.constant 0 : i32
      %scan3A_544 = arith.constant 10 : i32
      %scan3A_545 = arith.constant 5 : i32
      %scan3A_546 = arith.addi %scan3A_544, %scan3A_545 : i32
      %scan3A_547 = arith.constant 1 : i32
      scf.for %scan3A_592 = %scan3A_544 to %scan3A_546 step %scan3A_547  : i32 {
        %mul3A_593 = arith.constant 16 : i32
        %mul3A_594 = arith.muli %mul3A_593, %scan3A_592 : i32
        %add3A_595 = vector.broadcast %mul3A_594 : i32 to vector<16xi32>
        %add3A_596 = arith.addi %iota3A, %add3A_595 : vector<16xi32>
        %broadcast_in_dim3A = arith.constant 0.000000e+00 : f32
        %broadcast_in_dim3A_597 = vector.broadcast %broadcast_in_dim3A : f32 to vector<16xf32>
        %broadcast_in_dim3A_598 = arith.constant 0.000000e+00 : f32
        %broadcast_in_dim3A_599 = vector.broadcast %broadcast_in_dim3A_598 : f32 to vector<16xf32>
        %broadcast_in_dim3A_600 = arith.constant 0.000000e+00 : f32
        %broadcast_in_dim3A_601 = vector.broadcast %broadcast_in_dim3A_600 : f32 to vector<16xf32>
        %broadcast_in_dim3A_602 = arith.constant 0.000000e+00 : f32
        %broadcast_in_dim3A_603 = vector.broadcast %broadcast_in_dim3A_602 : f32 to vector<16xf32>
        %gather3A = arith.constant 0 : i32
        %gather3A_604 = arith.constant 0 : i32
        %gather3A_605 = tpu.memref_slice %arg7[%rem3A_420, %gather3A, %gather3A_604] : memref<2x320x32xf32, #tpu.memory_space<vmem>> -> memref<1x320x32xf32, #tpu.memory_space<vmem>>
        %gather3A_606 = tpu.memref_squeeze %gather3A_605 : memref<1x320x32xf32, #tpu.memory_space<vmem>> -> memref<320x32xf32, #tpu.memory_space<vmem>>
        %gather3A_607 = tpu.vector_load_idx %gather3A_606[%add3A_596, %and3A_227] : memref<320x32xf32, #tpu.memory_space<vmem>>[vector<16xi32>, vector<16xi32>], vector<16xf32>,
        %gather3A_608 = arith.constant 0 : i32
        %gather3A_609 = arith.constant 0 : i32
        %gather3A_610 = tpu.memref_slice %arg8[%rem3A_420, %gather3A_608, %gather3A_609] : memref<2x320x32xf32, #tpu.memory_space<vmem>> -> memref<1x320x32xf32, #tpu.memory_space<vmem>>
        %gather3A_611 = tpu.memref_squeeze %gather3A_610 : memref<1x320x32xf32, #tpu.memory_space<vmem>> -> memref<320x32xf32, #tpu.memory_space<vmem>>
        %gather3A_612 = tpu.vector_load_idx %gather3A_611[%add3A_596, %and3A_227] : memref<320x32xf32, #tpu.memory_space<vmem>>[vector<16xi32>, vector<16xi32>], vector<16xf32>,
        %mul3A_613 = arith.mulf %gather3A_607, %gather3A_612 : vector<16xf32>
        %add3A_614 = arith.addf %broadcast_in_dim3A_597, %mul3A_613 : vector<16xf32>
        %gather3A_615 = arith.constant 0 : i32
        %gather3A_616 = arith.constant 0 : i32
        %gather3A_617 = tpu.memref_slice %arg7[%rem3A_420, %gather3A_615, %gather3A_616] : memref<2x320x32xf32, #tpu.memory_space<vmem>> -> memref<1x320x32xf32, #tpu.memory_space<vmem>>
        %gather3A_618 = tpu.memref_squeeze %gather3A_617 : memref<1x320x32xf32, #tpu.memory_space<vmem>> -> memref<320x32xf32, #tpu.memory_space<vmem>>
        %gather3A_619 = tpu.vector_load_idx %gather3A_618[%add3A_596, %and3A_233] : memref<320x32xf32, #tpu.memory_space<vmem>>[vector<16xi32>, vector<16xi32>], vector<16xf32>,
        %gather3A_620 = arith.constant 0 : i32
        %gather3A_621 = arith.constant 0 : i32
        %gather3A_622 = tpu.memref_slice %arg8[%rem3A_420, %gather3A_620, %gather3A_621] : memref<2x320x32xf32, #tpu.memory_space<vmem>> -> memref<1x320x32xf32, #tpu.memory_space<vmem>>
        %gather3A_623 = tpu.memref_squeeze %gather3A_622 : memref<1x320x32xf32, #tpu.memory_space<vmem>> -> memref<320x32xf32, #tpu.memory_space<vmem>>
        %gather3A_624 = tpu.vector_load_idx %gather3A_623[%add3A_596, %and3A_233] : memref<320x32xf32, #tpu.memory_space<vmem>>[vector<16xi32>, vector<16xi32>], vector<16xf32>,
        %mul3A_625 = arith.mulf %gather3A_619, %gather3A_624 : vector<16xf32>
        %add3A_626 = arith.addf %broadcast_in_dim3A_599, %mul3A_625 : vector<16xf32>
        %gather3A_627 = arith.constant 0 : i32
        %gather3A_628 = arith.constant 0 : i32
        %gather3A_629 = tpu.memref_slice %arg7[%rem3A_420, %gather3A_627, %gather3A_628] : memref<2x320x32xf32, #tpu.memory_space<vmem>> -> memref<1x320x32xf32, #tpu.memory_space<vmem>>
        %gather3A_630 = tpu.memref_squeeze %gather3A_629 : memref<1x320x32xf32, #tpu.memory_space<vmem>> -> memref<320x32xf32, #tpu.memory_space<vmem>>
        %gather3A_631 = tpu.vector_load_idx %gather3A_630[%add3A_596, %and3A_239] : memref<320x32xf32, #tpu.memory_space<vmem>>[vector<16xi32>, vector<16xi32>], vector<16xf32>,
        %gather3A_632 = arith.constant 0 : i32
        %gather3A_633 = arith.constant 0 : i32
        %gather3A_634 = tpu.memref_slice %arg8[%rem3A_420, %gather3A_632, %gather3A_633] : memref<2x320x32xf32, #tpu.memory_space<vmem>> -> memref<1x320x32xf32, #tpu.memory_space<vmem>>
        %gather3A_635 = tpu.memref_squeeze %gather3A_634 : memref<1x320x32xf32, #tpu.memory_space<vmem>> -> memref<320x32xf32, #tpu.memory_space<vmem>>
        %gather3A_636 = tpu.vector_load_idx %gather3A_635[%add3A_596, %and3A_239] : memref<320x32xf32, #tpu.memory_space<vmem>>[vector<16xi32>, vector<16xi32>], vector<16xf32>,
        %mul3A_637 = arith.mulf %gather3A_631, %gather3A_636 : vector<16xf32>
        %add3A_638 = arith.addf %broadcast_in_dim3A_601, %mul3A_637 : vector<16xf32>
        %gather3A_639 = arith.constant 0 : i32
        %gather3A_640 = arith.constant 0 : i32
        %gather3A_641 = tpu.memref_slice %arg7[%rem3A_420, %gather3A_639, %gather3A_640] : memref<2x320x32xf32, #tpu.memory_space<vmem>> -> memref<1x320x32xf32, #tpu.memory_space<vmem>>
        %gather3A_642 = tpu.memref_squeeze %gather3A_641 : memref<1x320x32xf32, #tpu.memory_space<vmem>> -> memref<320x32xf32, #tpu.memory_space<vmem>>
        %gather3A_643 = tpu.vector_load_idx %gather3A_642[%add3A_596, %and3A_245] : memref<320x32xf32, #tpu.memory_space<vmem>>[vector<16xi32>, vector<16xi32>], vector<16xf32>,
        %gather3A_644 = arith.constant 0 : i32
        %gather3A_645 = arith.constant 0 : i32
        %gather3A_646 = tpu.memref_slice %arg8[%rem3A_420, %gather3A_644, %gather3A_645] : memref<2x320x32xf32, #tpu.memory_space<vmem>> -> memref<1x320x32xf32, #tpu.memory_space<vmem>>
        %gather3A_647 = tpu.memref_squeeze %gather3A_646 : memref<1x320x32xf32, #tpu.memory_space<vmem>> -> memref<320x32xf32, #tpu.memory_space<vmem>>
        %gather3A_648 = tpu.vector_load_idx %gather3A_647[%add3A_596, %and3A_245] : memref<320x32xf32, #tpu.memory_space<vmem>>[vector<16xi32>, vector<16xi32>], vector<16xf32>,
        %mul3A_649 = arith.mulf %gather3A_643, %gather3A_648 : vector<16xf32>
        %add3A_650 = arith.addf %broadcast_in_dim3A_603, %mul3A_649 : vector<16xf32>
        %gather3A_651 = arith.constant 0 : i32
        %gather3A_652 = arith.constant 0 : i32
        %gather3A_653 = tpu.memref_slice %arg7[%rem3A_420, %gather3A_651, %gather3A_652] : memref<2x320x32xf32, #tpu.memory_space<vmem>> -> memref<1x320x32xf32, #tpu.memory_space<vmem>>
        %gather3A_654 = tpu.memref_squeeze %gather3A_653 : memref<1x320x32xf32, #tpu.memory_space<vmem>> -> memref<320x32xf32, #tpu.memory_space<vmem>>
        %gather3A_655 = tpu.vector_load_idx %gather3A_654[%add3A_596, %and3A_251] : memref<320x32xf32, #tpu.memory_space<vmem>>[vector<16xi32>, vector<16xi32>], vector<16xf32>,
        %gather3A_656 = arith.constant 0 : i32
        %gather3A_657 = arith.constant 0 : i32
        %gather3A_658 = tpu.memref_slice %arg8[%rem3A_420, %gather3A_656, %gather3A_657] : memref<2x320x32xf32, #tpu.memory_space<vmem>> -> memref<1x320x32xf32, #tpu.memory_space<vmem>>
        %gather3A_659 = tpu.memref_squeeze %gather3A_658 : memref<1x320x32xf32, #tpu.memory_space<vmem>> -> memref<320x32xf32, #tpu.memory_space<vmem>>
        %gather3A_660 = tpu.vector_load_idx %gather3A_659[%add3A_596, %and3A_251] : memref<320x32xf32, #tpu.memory_space<vmem>>[vector<16xi32>, vector<16xi32>], vector<16xf32>,
        %mul3A_661 = arith.mulf %gather3A_655, %gather3A_660 : vector<16xf32>
        %add3A_662 = arith.addf %add3A_614, %mul3A_661 : vector<16xf32>
        %gather3A_663 = arith.constant 0 : i32
        %gather3A_664 = arith.constant 0 : i32
        %gather3A_665 = tpu.memref_slice %arg7[%rem3A_420, %gather3A_663, %gather3A_664] : memref<2x320x32xf32, #tpu.memory_space<vmem>> -> memref<1x320x32xf32, #tpu.memory_space<vmem>>
        %gather3A_666 = tpu.memref_squeeze %gather3A_665 : memref<1x320x32xf32, #tpu.memory_space<vmem>> -> memref<320x32xf32, #tpu.memory_space<vmem>>
        %gather3A_667 = tpu.vector_load_idx %gather3A_666[%add3A_596, %and3A_257] : memref<320x32xf32, #tpu.memory_space<vmem>>[vector<16xi32>, vector<16xi32>], vector<16xf32>,
        %gather3A_668 = arith.constant 0 : i32
        %gather3A_669 = arith.constant 0 : i32
        %gather3A_670 = tpu.memref_slice %arg8[%rem3A_420, %gather3A_668, %gather3A_669] : memref<2x320x32xf32, #tpu.memory_space<vmem>> -> memref<1x320x32xf32, #tpu.memory_space<vmem>>
        %gather3A_671 = tpu.memref_squeeze %gather3A_670 : memref<1x320x32xf32, #tpu.memory_space<vmem>> -> memref<320x32xf32, #tpu.memory_space<vmem>>
        %gather3A_672 = tpu.vector_load_idx %gather3A_671[%add3A_596, %and3A_257] : memref<320x32xf32, #tpu.memory_space<vmem>>[vector<16xi32>, vector<16xi32>], vector<16xf32>,
        %mul3A_673 = arith.mulf %gather3A_667, %gather3A_672 : vector<16xf32>
        %add3A_674 = arith.addf %add3A_626, %mul3A_673 : vector<16xf32>
        %gather3A_675 = arith.constant 0 : i32
        %gather3A_676 = arith.constant 0 : i32
        %gather3A_677 = tpu.memref_slice %arg7[%rem3A_420, %gather3A_675, %gather3A_676] : memref<2x320x32xf32, #tpu.memory_space<vmem>> -> memref<1x320x32xf32, #tpu.memory_space<vmem>>
        %gather3A_678 = tpu.memref_squeeze %gather3A_677 : memref<1x320x32xf32, #tpu.memory_space<vmem>> -> memref<320x32xf32, #tpu.memory_space<vmem>>
        %gather3A_679 = tpu.vector_load_idx %gather3A_678[%add3A_596, %and3A_263] : memref<320x32xf32, #tpu.memory_space<vmem>>[vector<16xi32>, vector<16xi32>], vector<16xf32>,
        %gather3A_680 = arith.constant 0 : i32
        %gather3A_681 = arith.constant 0 : i32
        %gather3A_682 = tpu.memref_slice %arg8[%rem3A_420, %gather3A_680, %gather3A_681] : memref<2x320x32xf32, #tpu.memory_space<vmem>> -> memref<1x320x32xf32, #tpu.memory_space<vmem>>
        %gather3A_683 = tpu.memref_squeeze %gather3A_682 : memref<1x320x32xf32, #tpu.memory_space<vmem>> -> memref<320x32xf32, #tpu.memory_space<vmem>>
        %gather3A_684 = tpu.vector_load_idx %gather3A_683[%add3A_596, %and3A_263] : memref<320x32xf32, #tpu.memory_space<vmem>>[vector<16xi32>, vector<16xi32>], vector<16xf32>,
        %mul3A_685 = arith.mulf %gather3A_679, %gather3A_684 : vector<16xf32>
        %add3A_686 = arith.addf %add3A_638, %mul3A_685 : vector<16xf32>
        %gather3A_687 = arith.constant 0 : i32
        %gather3A_688 = arith.constant 0 : i32
        %gather3A_689 = tpu.memref_slice %arg7[%rem3A_420, %gather3A_687, %gather3A_688] : memref<2x320x32xf32, #tpu.memory_space<vmem>> -> memref<1x320x32xf32, #tpu.memory_space<vmem>>
        %gather3A_690 = tpu.memref_squeeze %gather3A_689 : memref<1x320x32xf32, #tpu.memory_space<vmem>> -> memref<320x32xf32, #tpu.memory_space<vmem>>
        %gather3A_691 = tpu.vector_load_idx %gather3A_690[%add3A_596, %and3A_269] : memref<320x32xf32, #tpu.memory_space<vmem>>[vector<16xi32>, vector<16xi32>], vector<16xf32>,
        %gather3A_692 = arith.constant 0 : i32
        %gather3A_693 = arith.constant 0 : i32
        %gather3A_694 = tpu.memref_slice %arg8[%rem3A_420, %gather3A_692, %gather3A_693] : memref<2x320x32xf32, #tpu.memory_space<vmem>> -> memref<1x320x32xf32, #tpu.memory_space<vmem>>
        %gather3A_695 = tpu.memref_squeeze %gather3A_694 : memref<1x320x32xf32, #tpu.memory_space<vmem>> -> memref<320x32xf32, #tpu.memory_space<vmem>>
        %gather3A_696 = tpu.vector_load_idx %gather3A_695[%add3A_596, %and3A_269] : memref<320x32xf32, #tpu.memory_space<vmem>>[vector<16xi32>, vector<16xi32>], vector<16xf32>,
        %mul3A_697 = arith.mulf %gather3A_691, %gather3A_696 : vector<16xf32>
        %add3A_698 = arith.addf %add3A_650, %mul3A_697 : vector<16xf32>
        %gather3A_699 = arith.constant 0 : i32
        %gather3A_700 = arith.constant 0 : i32
        %gather3A_701 = tpu.memref_slice %arg7[%rem3A_420, %gather3A_699, %gather3A_700] : memref<2x320x32xf32, #tpu.memory_space<vmem>> -> memref<1x320x32xf32, #tpu.memory_space<vmem>>
        %gather3A_702 = tpu.memref_squeeze %gather3A_701 : memref<1x320x32xf32, #tpu.memory_space<vmem>> -> memref<320x32xf32, #tpu.memory_space<vmem>>
        %gather3A_703 = tpu.vector_load_idx %gather3A_702[%add3A_596, %and3A_275] : memref<320x32xf32, #tpu.memory_space<vmem>>[vector<16xi32>, vector<16xi32>], vector<16xf32>,
        %gather3A_704 = arith.constant 0 : i32
        %gather3A_705 = arith.constant 0 : i32
        %gather3A_706 = tpu.memref_slice %arg8[%rem3A_420, %gather3A_704, %gather3A_705] : memref<2x320x32xf32, #tpu.memory_space<vmem>> -> memref<1x320x32xf32, #tpu.memory_space<vmem>>
        %gather3A_707 = tpu.memref_squeeze %gather3A_706 : memref<1x320x32xf32, #tpu.memory_space<vmem>> -> memref<320x32xf32, #tpu.memory_space<vmem>>
        %gather3A_708 = tpu.vector_load_idx %gather3A_707[%add3A_596, %and3A_275] : memref<320x32xf32, #tpu.memory_space<vmem>>[vector<16xi32>, vector<16xi32>], vector<16xf32>,
        %mul3A_709 = arith.mulf %gather3A_703, %gather3A_708 : vector<16xf32>
        %add3A_710 = arith.addf %add3A_662, %mul3A_709 : vector<16xf32>
        %gather3A_711 = arith.constant 0 : i32
        %gather3A_712 = arith.constant 0 : i32
        %gather3A_713 = tpu.memref_slice %arg7[%rem3A_420, %gather3A_711, %gather3A_712] : memref<2x320x32xf32, #tpu.memory_space<vmem>> -> memref<1x320x32xf32, #tpu.memory_space<vmem>>
        %gather3A_714 = tpu.memref_squeeze %gather3A_713 : memref<1x320x32xf32, #tpu.memory_space<vmem>> -> memref<320x32xf32, #tpu.memory_space<vmem>>
        %gather3A_715 = tpu.vector_load_idx %gather3A_714[%add3A_596, %and3A_281] : memref<320x32xf32, #tpu.memory_space<vmem>>[vector<16xi32>, vector<16xi32>], vector<16xf32>,
        %gather3A_716 = arith.constant 0 : i32
        %gather3A_717 = arith.constant 0 : i32
        %gather3A_718 = tpu.memref_slice %arg8[%rem3A_420, %gather3A_716, %gather3A_717] : memref<2x320x32xf32, #tpu.memory_space<vmem>> -> memref<1x320x32xf32, #tpu.memory_space<vmem>>
        %gather3A_719 = tpu.memref_squeeze %gather3A_718 : memref<1x320x32xf32, #tpu.memory_space<vmem>> -> memref<320x32xf32, #tpu.memory_space<vmem>>
        %gather3A_720 = tpu.vector_load_idx %gather3A_719[%add3A_596, %and3A_281] : memref<320x32xf32, #tpu.memory_space<vmem>>[vector<16xi32>, vector<16xi32>], vector<16xf32>,
        %mul3A_721 = arith.mulf %gather3A_715, %gather3A_720 : vector<16xf32>
        %add3A_722 = arith.addf %add3A_674, %mul3A_721 : vector<16xf32>
        %gather3A_723 = arith.constant 0 : i32
        %gather3A_724 = arith.constant 0 : i32
        %gather3A_725 = tpu.memref_slice %arg7[%rem3A_420, %gather3A_723, %gather3A_724] : memref<2x320x32xf32, #tpu.memory_space<vmem>> -> memref<1x320x32xf32, #tpu.memory_space<vmem>>
        %gather3A_726 = tpu.memref_squeeze %gather3A_725 : memref<1x320x32xf32, #tpu.memory_space<vmem>> -> memref<320x32xf32, #tpu.memory_space<vmem>>
        %gather3A_727 = tpu.vector_load_idx %gather3A_726[%add3A_596, %and3A_287] : memref<320x32xf32, #tpu.memory_space<vmem>>[vector<16xi32>, vector<16xi32>], vector<16xf32>,
        %gather3A_728 = arith.constant 0 : i32
        %gather3A_729 = arith.constant 0 : i32
        %gather3A_730 = tpu.memref_slice %arg8[%rem3A_420, %gather3A_728, %gather3A_729] : memref<2x320x32xf32, #tpu.memory_space<vmem>> -> memref<1x320x32xf32, #tpu.memory_space<vmem>>
        %gather3A_731 = tpu.memref_squeeze %gather3A_730 : memref<1x320x32xf32, #tpu.memory_space<vmem>> -> memref<320x32xf32, #tpu.memory_space<vmem>>
        %gather3A_732 = tpu.vector_load_idx %gather3A_731[%add3A_596, %and3A_287] : memref<320x32xf32, #tpu.memory_space<vmem>>[vector<16xi32>, vector<16xi32>], vector<16xf32>,
        %mul3A_733 = arith.mulf %gather3A_727, %gather3A_732 : vector<16xf32>
        %add3A_734 = arith.addf %add3A_686, %mul3A_733 : vector<16xf32>
        %gather3A_735 = arith.constant 0 : i32
        %gather3A_736 = arith.constant 0 : i32
        %gather3A_737 = tpu.memref_slice %arg7[%rem3A_420, %gather3A_735, %gather3A_736] : memref<2x320x32xf32, #tpu.memory_space<vmem>> -> memref<1x320x32xf32, #tpu.memory_space<vmem>>
        %gather3A_738 = tpu.memref_squeeze %gather3A_737 : memref<1x320x32xf32, #tpu.memory_space<vmem>> -> memref<320x32xf32, #tpu.memory_space<vmem>>
        %gather3A_739 = tpu.vector_load_idx %gather3A_738[%add3A_596, %and3A_293] : memref<320x32xf32, #tpu.memory_space<vmem>>[vector<16xi32>, vector<16xi32>], vector<16xf32>,
        %gather3A_740 = arith.constant 0 : i32
        %gather3A_741 = arith.constant 0 : i32
        %gather3A_742 = tpu.memref_slice %arg8[%rem3A_420, %gather3A_740, %gather3A_741] : memref<2x320x32xf32, #tpu.memory_space<vmem>> -> memref<1x320x32xf32, #tpu.memory_space<vmem>>
        %gather3A_743 = tpu.memref_squeeze %gather3A_742 : memref<1x320x32xf32, #tpu.memory_space<vmem>> -> memref<320x32xf32, #tpu.memory_space<vmem>>
        %gather3A_744 = tpu.vector_load_idx %gather3A_743[%add3A_596, %and3A_293] : memref<320x32xf32, #tpu.memory_space<vmem>>[vector<16xi32>, vector<16xi32>], vector<16xf32>,
        %mul3A_745 = arith.mulf %gather3A_739, %gather3A_744 : vector<16xf32>
        %add3A_746 = arith.addf %add3A_698, %mul3A_745 : vector<16xf32>
        %gather3A_747 = arith.constant 0 : i32
        %gather3A_748 = arith.constant 0 : i32
        %gather3A_749 = tpu.memref_slice %arg7[%rem3A_420, %gather3A_747, %gather3A_748] : memref<2x320x32xf32, #tpu.memory_space<vmem>> -> memref<1x320x32xf32, #tpu.memory_space<vmem>>
        %gather3A_750 = tpu.memref_squeeze %gather3A_749 : memref<1x320x32xf32, #tpu.memory_space<vmem>> -> memref<320x32xf32, #tpu.memory_space<vmem>>
        %gather3A_751 = tpu.vector_load_idx %gather3A_750[%add3A_596, %and3A_299] : memref<320x32xf32, #tpu.memory_space<vmem>>[vector<16xi32>, vector<16xi32>], vector<16xf32>,
        %gather3A_752 = arith.constant 0 : i32
        %gather3A_753 = arith.constant 0 : i32
        %gather3A_754 = tpu.memref_slice %arg8[%rem3A_420, %gather3A_752, %gather3A_753] : memref<2x320x32xf32, #tpu.memory_space<vmem>> -> memref<1x320x32xf32, #tpu.memory_space<vmem>>
        %gather3A_755 = tpu.memref_squeeze %gather3A_754 : memref<1x320x32xf32, #tpu.memory_space<vmem>> -> memref<320x32xf32, #tpu.memory_space<vmem>>
        %gather3A_756 = tpu.vector_load_idx %gather3A_755[%add3A_596, %and3A_299] : memref<320x32xf32, #tpu.memory_space<vmem>>[vector<16xi32>, vector<16xi32>], vector<16xf32>,
        %mul3A_757 = arith.mulf %gather3A_751, %gather3A_756 : vector<16xf32>
        %add3A_758 = arith.addf %add3A_710, %mul3A_757 : vector<16xf32>
        %gather3A_759 = arith.constant 0 : i32
        %gather3A_760 = arith.constant 0 : i32
        %gather3A_761 = tpu.memref_slice %arg7[%rem3A_420, %gather3A_759, %gather3A_760] : memref<2x320x32xf32, #tpu.memory_space<vmem>> -> memref<1x320x32xf32, #tpu.memory_space<vmem>>
        %gather3A_762 = tpu.memref_squeeze %gather3A_761 : memref<1x320x32xf32, #tpu.memory_space<vmem>> -> memref<320x32xf32, #tpu.memory_space<vmem>>
        %gather3A_763 = tpu.vector_load_idx %gather3A_762[%add3A_596, %and3A_305] : memref<320x32xf32, #tpu.memory_space<vmem>>[vector<16xi32>, vector<16xi32>], vector<16xf32>,
        %gather3A_764 = arith.constant 0 : i32
        %gather3A_765 = arith.constant 0 : i32
        %gather3A_766 = tpu.memref_slice %arg8[%rem3A_420, %gather3A_764, %gather3A_765] : memref<2x320x32xf32, #tpu.memory_space<vmem>> -> memref<1x320x32xf32, #tpu.memory_space<vmem>>
        %gather3A_767 = tpu.memref_squeeze %gather3A_766 : memref<1x320x32xf32, #tpu.memory_space<vmem>> -> memref<320x32xf32, #tpu.memory_space<vmem>>
        %gather3A_768 = tpu.vector_load_idx %gather3A_767[%add3A_596, %and3A_305] : memref<320x32xf32, #tpu.memory_space<vmem>>[vector<16xi32>, vector<16xi32>], vector<16xf32>,
        %mul3A_769 = arith.mulf %gather3A_763, %gather3A_768 : vector<16xf32>
        %add3A_770 = arith.addf %add3A_722, %mul3A_769 : vector<16xf32>
        %gather3A_771 = arith.constant 0 : i32
        %gather3A_772 = arith.constant 0 : i32
        %gather3A_773 = tpu.memref_slice %arg7[%rem3A_420, %gather3A_771, %gather3A_772] : memref<2x320x32xf32, #tpu.memory_space<vmem>> -> memref<1x320x32xf32, #tpu.memory_space<vmem>>
        %gather3A_774 = tpu.memref_squeeze %gather3A_773 : memref<1x320x32xf32, #tpu.memory_space<vmem>> -> memref<320x32xf32, #tpu.memory_space<vmem>>
        %gather3A_775 = tpu.vector_load_idx %gather3A_774[%add3A_596, %and3A_311] : memref<320x32xf32, #tpu.memory_space<vmem>>[vector<16xi32>, vector<16xi32>], vector<16xf32>,
        %gather3A_776 = arith.constant 0 : i32
        %gather3A_777 = arith.constant 0 : i32
        %gather3A_778 = tpu.memref_slice %arg8[%rem3A_420, %gather3A_776, %gather3A_777] : memref<2x320x32xf32, #tpu.memory_space<vmem>> -> memref<1x320x32xf32, #tpu.memory_space<vmem>>
        %gather3A_779 = tpu.memref_squeeze %gather3A_778 : memref<1x320x32xf32, #tpu.memory_space<vmem>> -> memref<320x32xf32, #tpu.memory_space<vmem>>
        %gather3A_780 = tpu.vector_load_idx %gather3A_779[%add3A_596, %and3A_311] : memref<320x32xf32, #tpu.memory_space<vmem>>[vector<16xi32>, vector<16xi32>], vector<16xf32>,
        %mul3A_781 = arith.mulf %gather3A_775, %gather3A_780 : vector<16xf32>
        %add3A_782 = arith.addf %add3A_734, %mul3A_781 : vector<16xf32>
        %gather3A_783 = arith.constant 0 : i32
        %gather3A_784 = arith.constant 0 : i32
        %gather3A_785 = tpu.memref_slice %arg7[%rem3A_420, %gather3A_783, %gather3A_784] : memref<2x320x32xf32, #tpu.memory_space<vmem>> -> memref<1x320x32xf32, #tpu.memory_space<vmem>>
        %gather3A_786 = tpu.memref_squeeze %gather3A_785 : memref<1x320x32xf32, #tpu.memory_space<vmem>> -> memref<320x32xf32, #tpu.memory_space<vmem>>
        %gather3A_787 = tpu.vector_load_idx %gather3A_786[%add3A_596, %and3A_317] : memref<320x32xf32, #tpu.memory_space<vmem>>[vector<16xi32>, vector<16xi32>], vector<16xf32>,
        %gather3A_788 = arith.constant 0 : i32
        %gather3A_789 = arith.constant 0 : i32
        %gather3A_790 = tpu.memref_slice %arg8[%rem3A_420, %gather3A_788, %gather3A_789] : memref<2x320x32xf32, #tpu.memory_space<vmem>> -> memref<1x320x32xf32, #tpu.memory_space<vmem>>
        %gather3A_791 = tpu.memref_squeeze %gather3A_790 : memref<1x320x32xf32, #tpu.memory_space<vmem>> -> memref<320x32xf32, #tpu.memory_space<vmem>>
        %gather3A_792 = tpu.vector_load_idx %gather3A_791[%add3A_596, %and3A_317] : memref<320x32xf32, #tpu.memory_space<vmem>>[vector<16xi32>, vector<16xi32>], vector<16xf32>,
        %mul3A_793 = arith.mulf %gather3A_787, %gather3A_792 : vector<16xf32>
        %add3A_794 = arith.addf %add3A_746, %mul3A_793 : vector<16xf32>
        %gather3A_795 = arith.constant 0 : i32
        %gather3A_796 = arith.constant 0 : i32
        %gather3A_797 = tpu.memref_slice %arg7[%rem3A_420, %gather3A_795, %gather3A_796] : memref<2x320x32xf32, #tpu.memory_space<vmem>> -> memref<1x320x32xf32, #tpu.memory_space<vmem>>
        %gather3A_798 = tpu.memref_squeeze %gather3A_797 : memref<1x320x32xf32, #tpu.memory_space<vmem>> -> memref<320x32xf32, #tpu.memory_space<vmem>>
        %gather3A_799 = tpu.vector_load_idx %gather3A_798[%add3A_596, %and3A_323] : memref<320x32xf32, #tpu.memory_space<vmem>>[vector<16xi32>, vector<16xi32>], vector<16xf32>,
        %gather3A_800 = arith.constant 0 : i32
        %gather3A_801 = arith.constant 0 : i32
        %gather3A_802 = tpu.memref_slice %arg8[%rem3A_420, %gather3A_800, %gather3A_801] : memref<2x320x32xf32, #tpu.memory_space<vmem>> -> memref<1x320x32xf32, #tpu.memory_space<vmem>>
        %gather3A_803 = tpu.memref_squeeze %gather3A_802 : memref<1x320x32xf32, #tpu.memory_space<vmem>> -> memref<320x32xf32, #tpu.memory_space<vmem>>
        %gather3A_804 = tpu.vector_load_idx %gather3A_803[%add3A_596, %and3A_323] : memref<320x32xf32, #tpu.memory_space<vmem>>[vector<16xi32>, vector<16xi32>], vector<16xf32>,
        %mul3A_805 = arith.mulf %gather3A_799, %gather3A_804 : vector<16xf32>
        %add3A_806 = arith.addf %add3A_758, %mul3A_805 : vector<16xf32>
        %gather3A_807 = arith.constant 0 : i32
        %gather3A_808 = arith.constant 0 : i32
        %gather3A_809 = tpu.memref_slice %arg7[%rem3A_420, %gather3A_807, %gather3A_808] : memref<2x320x32xf32, #tpu.memory_space<vmem>> -> memref<1x320x32xf32, #tpu.memory_space<vmem>>
        %gather3A_810 = tpu.memref_squeeze %gather3A_809 : memref<1x320x32xf32, #tpu.memory_space<vmem>> -> memref<320x32xf32, #tpu.memory_space<vmem>>
        %gather3A_811 = tpu.vector_load_idx %gather3A_810[%add3A_596, %and3A_329] : memref<320x32xf32, #tpu.memory_space<vmem>>[vector<16xi32>, vector<16xi32>], vector<16xf32>,
        %gather3A_812 = arith.constant 0 : i32
        %gather3A_813 = arith.constant 0 : i32
        %gather3A_814 = tpu.memref_slice %arg8[%rem3A_420, %gather3A_812, %gather3A_813] : memref<2x320x32xf32, #tpu.memory_space<vmem>> -> memref<1x320x32xf32, #tpu.memory_space<vmem>>
        %gather3A_815 = tpu.memref_squeeze %gather3A_814 : memref<1x320x32xf32, #tpu.memory_space<vmem>> -> memref<320x32xf32, #tpu.memory_space<vmem>>
        %gather3A_816 = tpu.vector_load_idx %gather3A_815[%add3A_596, %and3A_329] : memref<320x32xf32, #tpu.memory_space<vmem>>[vector<16xi32>, vector<16xi32>], vector<16xf32>,
        %mul3A_817 = arith.mulf %gather3A_811, %gather3A_816 : vector<16xf32>
        %add3A_818 = arith.addf %add3A_770, %mul3A_817 : vector<16xf32>
        %gather3A_819 = arith.constant 0 : i32
        %gather3A_820 = arith.constant 0 : i32
        %gather3A_821 = tpu.memref_slice %arg7[%rem3A_420, %gather3A_819, %gather3A_820] : memref<2x320x32xf32, #tpu.memory_space<vmem>> -> memref<1x320x32xf32, #tpu.memory_space<vmem>>
        %gather3A_822 = tpu.memref_squeeze %gather3A_821 : memref<1x320x32xf32, #tpu.memory_space<vmem>> -> memref<320x32xf32, #tpu.memory_space<vmem>>
        %gather3A_823 = tpu.vector_load_idx %gather3A_822[%add3A_596, %and3A_335] : memref<320x32xf32, #tpu.memory_space<vmem>>[vector<16xi32>, vector<16xi32>], vector<16xf32>,
        %gather3A_824 = arith.constant 0 : i32
        %gather3A_825 = arith.constant 0 : i32
        %gather3A_826 = tpu.memref_slice %arg8[%rem3A_420, %gather3A_824, %gather3A_825] : memref<2x320x32xf32, #tpu.memory_space<vmem>> -> memref<1x320x32xf32, #tpu.memory_space<vmem>>
        %gather3A_827 = tpu.memref_squeeze %gather3A_826 : memref<1x320x32xf32, #tpu.memory_space<vmem>> -> memref<320x32xf32, #tpu.memory_space<vmem>>
        %gather3A_828 = tpu.vector_load_idx %gather3A_827[%add3A_596, %and3A_335] : memref<320x32xf32, #tpu.memory_space<vmem>>[vector<16xi32>, vector<16xi32>], vector<16xf32>,
        %mul3A_829 = arith.mulf %gather3A_823, %gather3A_828 : vector<16xf32>
        %add3A_830 = arith.addf %add3A_782, %mul3A_829 : vector<16xf32>
        %gather3A_831 = arith.constant 0 : i32
        %gather3A_832 = arith.constant 0 : i32
        %gather3A_833 = tpu.memref_slice %arg7[%rem3A_420, %gather3A_831, %gather3A_832] : memref<2x320x32xf32, #tpu.memory_space<vmem>> -> memref<1x320x32xf32, #tpu.memory_space<vmem>>
        %gather3A_834 = tpu.memref_squeeze %gather3A_833 : memref<1x320x32xf32, #tpu.memory_space<vmem>> -> memref<320x32xf32, #tpu.memory_space<vmem>>
        %gather3A_835 = tpu.vector_load_idx %gather3A_834[%add3A_596, %and3A_341] : memref<320x32xf32, #tpu.memory_space<vmem>>[vector<16xi32>, vector<16xi32>], vector<16xf32>,
        %gather3A_836 = arith.constant 0 : i32
        %gather3A_837 = arith.constant 0 : i32
        %gather3A_838 = tpu.memref_slice %arg8[%rem3A_420, %gather3A_836, %gather3A_837] : memref<2x320x32xf32, #tpu.memory_space<vmem>> -> memref<1x320x32xf32, #tpu.memory_space<vmem>>
        %gather3A_839 = tpu.memref_squeeze %gather3A_838 : memref<1x320x32xf32, #tpu.memory_space<vmem>> -> memref<320x32xf32, #tpu.memory_space<vmem>>
        %gather3A_840 = tpu.vector_load_idx %gather3A_839[%add3A_596, %and3A_341] : memref<320x32xf32, #tpu.memory_space<vmem>>[vector<16xi32>, vector<16xi32>], vector<16xf32>,
        %mul3A_841 = arith.mulf %gather3A_835, %gather3A_840 : vector<16xf32>
        %add3A_842 = arith.addf %add3A_794, %mul3A_841 : vector<16xf32>
        %gather3A_843 = arith.constant 0 : i32
        %gather3A_844 = arith.constant 0 : i32
        %gather3A_845 = tpu.memref_slice %arg7[%rem3A_420, %gather3A_843, %gather3A_844] : memref<2x320x32xf32, #tpu.memory_space<vmem>> -> memref<1x320x32xf32, #tpu.memory_space<vmem>>
        %gather3A_846 = tpu.memref_squeeze %gather3A_845 : memref<1x320x32xf32, #tpu.memory_space<vmem>> -> memref<320x32xf32, #tpu.memory_space<vmem>>
        %gather3A_847 = tpu.vector_load_idx %gather3A_846[%add3A_596, %and3A_347] : memref<320x32xf32, #tpu.memory_space<vmem>>[vector<16xi32>, vector<16xi32>], vector<16xf32>,
        %gather3A_848 = arith.constant 0 : i32
        %gather3A_849 = arith.constant 0 : i32
        %gather3A_850 = tpu.memref_slice %arg8[%rem3A_420, %gather3A_848, %gather3A_849] : memref<2x320x32xf32, #tpu.memory_space<vmem>> -> memref<1x320x32xf32, #tpu.memory_space<vmem>>
        %gather3A_851 = tpu.memref_squeeze %gather3A_850 : memref<1x320x32xf32, #tpu.memory_space<vmem>> -> memref<320x32xf32, #tpu.memory_space<vmem>>
        %gather3A_852 = tpu.vector_load_idx %gather3A_851[%add3A_596, %and3A_347] : memref<320x32xf32, #tpu.memory_space<vmem>>[vector<16xi32>, vector<16xi32>], vector<16xf32>,
        %mul3A_853 = arith.mulf %gather3A_847, %gather3A_852 : vector<16xf32>
        %add3A_854 = arith.addf %add3A_806, %mul3A_853 : vector<16xf32>
        %gather3A_855 = arith.constant 0 : i32
        %gather3A_856 = arith.constant 0 : i32
        %gather3A_857 = tpu.memref_slice %arg7[%rem3A_420, %gather3A_855, %gather3A_856] : memref<2x320x32xf32, #tpu.memory_space<vmem>> -> memref<1x320x32xf32, #tpu.memory_space<vmem>>
        %gather3A_858 = tpu.memref_squeeze %gather3A_857 : memref<1x320x32xf32, #tpu.memory_space<vmem>> -> memref<320x32xf32, #tpu.memory_space<vmem>>
        %gather3A_859 = tpu.vector_load_idx %gather3A_858[%add3A_596, %and3A_353] : memref<320x32xf32, #tpu.memory_space<vmem>>[vector<16xi32>, vector<16xi32>], vector<16xf32>,
        %gather3A_860 = arith.constant 0 : i32
        %gather3A_861 = arith.constant 0 : i32
        %gather3A_862 = tpu.memref_slice %arg8[%rem3A_420, %gather3A_860, %gather3A_861] : memref<2x320x32xf32, #tpu.memory_space<vmem>> -> memref<1x320x32xf32, #tpu.memory_space<vmem>>
        %gather3A_863 = tpu.memref_squeeze %gather3A_862 : memref<1x320x32xf32, #tpu.memory_space<vmem>> -> memref<320x32xf32, #tpu.memory_space<vmem>>
        %gather3A_864 = tpu.vector_load_idx %gather3A_863[%add3A_596, %and3A_353] : memref<320x32xf32, #tpu.memory_space<vmem>>[vector<16xi32>, vector<16xi32>], vector<16xf32>,
        %mul3A_865 = arith.mulf %gather3A_859, %gather3A_864 : vector<16xf32>
        %add3A_866 = arith.addf %add3A_818, %mul3A_865 : vector<16xf32>
        %gather3A_867 = arith.constant 0 : i32
        %gather3A_868 = arith.constant 0 : i32
        %gather3A_869 = tpu.memref_slice %arg7[%rem3A_420, %gather3A_867, %gather3A_868] : memref<2x320x32xf32, #tpu.memory_space<vmem>> -> memref<1x320x32xf32, #tpu.memory_space<vmem>>
        %gather3A_870 = tpu.memref_squeeze %gather3A_869 : memref<1x320x32xf32, #tpu.memory_space<vmem>> -> memref<320x32xf32, #tpu.memory_space<vmem>>
        %gather3A_871 = tpu.vector_load_idx %gather3A_870[%add3A_596, %and3A_359] : memref<320x32xf32, #tpu.memory_space<vmem>>[vector<16xi32>, vector<16xi32>], vector<16xf32>,
        %gather3A_872 = arith.constant 0 : i32
        %gather3A_873 = arith.constant 0 : i32
        %gather3A_874 = tpu.memref_slice %arg8[%rem3A_420, %gather3A_872, %gather3A_873] : memref<2x320x32xf32, #tpu.memory_space<vmem>> -> memref<1x320x32xf32, #tpu.memory_space<vmem>>
        %gather3A_875 = tpu.memref_squeeze %gather3A_874 : memref<1x320x32xf32, #tpu.memory_space<vmem>> -> memref<320x32xf32, #tpu.memory_space<vmem>>
        %gather3A_876 = tpu.vector_load_idx %gather3A_875[%add3A_596, %and3A_359] : memref<320x32xf32, #tpu.memory_space<vmem>>[vector<16xi32>, vector<16xi32>], vector<16xf32>,
        %mul3A_877 = arith.mulf %gather3A_871, %gather3A_876 : vector<16xf32>
        %add3A_878 = arith.addf %add3A_830, %mul3A_877 : vector<16xf32>
        %gather3A_879 = arith.constant 0 : i32
        %gather3A_880 = arith.constant 0 : i32
        %gather3A_881 = tpu.memref_slice %arg7[%rem3A_420, %gather3A_879, %gather3A_880] : memref<2x320x32xf32, #tpu.memory_space<vmem>> -> memref<1x320x32xf32, #tpu.memory_space<vmem>>
        %gather3A_882 = tpu.memref_squeeze %gather3A_881 : memref<1x320x32xf32, #tpu.memory_space<vmem>> -> memref<320x32xf32, #tpu.memory_space<vmem>>
        %gather3A_883 = tpu.vector_load_idx %gather3A_882[%add3A_596, %and3A_365] : memref<320x32xf32, #tpu.memory_space<vmem>>[vector<16xi32>, vector<16xi32>], vector<16xf32>,
        %gather3A_884 = arith.constant 0 : i32
        %gather3A_885 = arith.constant 0 : i32
        %gather3A_886 = tpu.memref_slice %arg8[%rem3A_420, %gather3A_884, %gather3A_885] : memref<2x320x32xf32, #tpu.memory_space<vmem>> -> memref<1x320x32xf32, #tpu.memory_space<vmem>>
        %gather3A_887 = tpu.memref_squeeze %gather3A_886 : memref<1x320x32xf32, #tpu.memory_space<vmem>> -> memref<320x32xf32, #tpu.memory_space<vmem>>
        %gather3A_888 = tpu.vector_load_idx %gather3A_887[%add3A_596, %and3A_365] : memref<320x32xf32, #tpu.memory_space<vmem>>[vector<16xi32>, vector<16xi32>], vector<16xf32>,
        %mul3A_889 = arith.mulf %gather3A_883, %gather3A_888 : vector<16xf32>
        %add3A_890 = arith.addf %add3A_842, %mul3A_889 : vector<16xf32>
        %gather3A_891 = arith.constant 0 : i32
        %gather3A_892 = arith.constant 0 : i32
        %gather3A_893 = tpu.memref_slice %arg7[%rem3A_420, %gather3A_891, %gather3A_892] : memref<2x320x32xf32, #tpu.memory_space<vmem>> -> memref<1x320x32xf32, #tpu.memory_space<vmem>>
        %gather3A_894 = tpu.memref_squeeze %gather3A_893 : memref<1x320x32xf32, #tpu.memory_space<vmem>> -> memref<320x32xf32, #tpu.memory_space<vmem>>
        %gather3A_895 = tpu.vector_load_idx %gather3A_894[%add3A_596, %and3A_371] : memref<320x32xf32, #tpu.memory_space<vmem>>[vector<16xi32>, vector<16xi32>], vector<16xf32>,
        %gather3A_896 = arith.constant 0 : i32
        %gather3A_897 = arith.constant 0 : i32
        %gather3A_898 = tpu.memref_slice %arg8[%rem3A_420, %gather3A_896, %gather3A_897] : memref<2x320x32xf32, #tpu.memory_space<vmem>> -> memref<1x320x32xf32, #tpu.memory_space<vmem>>
        %gather3A_899 = tpu.memref_squeeze %gather3A_898 : memref<1x320x32xf32, #tpu.memory_space<vmem>> -> memref<320x32xf32, #tpu.memory_space<vmem>>
        %gather3A_900 = tpu.vector_load_idx %gather3A_899[%add3A_596, %and3A_371] : memref<320x32xf32, #tpu.memory_space<vmem>>[vector<16xi32>, vector<16xi32>], vector<16xf32>,
        %mul3A_901 = arith.mulf %gather3A_895, %gather3A_900 : vector<16xf32>
        %add3A_902 = arith.addf %add3A_854, %mul3A_901 : vector<16xf32>
        %gather3A_903 = arith.constant 0 : i32
        %gather3A_904 = arith.constant 0 : i32
        %gather3A_905 = tpu.memref_slice %arg7[%rem3A_420, %gather3A_903, %gather3A_904] : memref<2x320x32xf32, #tpu.memory_space<vmem>> -> memref<1x320x32xf32, #tpu.memory_space<vmem>>
        %gather3A_906 = tpu.memref_squeeze %gather3A_905 : memref<1x320x32xf32, #tpu.memory_space<vmem>> -> memref<320x32xf32, #tpu.memory_space<vmem>>
        %gather3A_907 = tpu.vector_load_idx %gather3A_906[%add3A_596, %and3A_377] : memref<320x32xf32, #tpu.memory_space<vmem>>[vector<16xi32>, vector<16xi32>], vector<16xf32>,
        %gather3A_908 = arith.constant 0 : i32
        %gather3A_909 = arith.constant 0 : i32
        %gather3A_910 = tpu.memref_slice %arg8[%rem3A_420, %gather3A_908, %gather3A_909] : memref<2x320x32xf32, #tpu.memory_space<vmem>> -> memref<1x320x32xf32, #tpu.memory_space<vmem>>
        %gather3A_911 = tpu.memref_squeeze %gather3A_910 : memref<1x320x32xf32, #tpu.memory_space<vmem>> -> memref<320x32xf32, #tpu.memory_space<vmem>>
        %gather3A_912 = tpu.vector_load_idx %gather3A_911[%add3A_596, %and3A_377] : memref<320x32xf32, #tpu.memory_space<vmem>>[vector<16xi32>, vector<16xi32>], vector<16xf32>,
        %mul3A_913 = arith.mulf %gather3A_907, %gather3A_912 : vector<16xf32>
        %add3A_914 = arith.addf %add3A_866, %mul3A_913 : vector<16xf32>
        %gather3A_915 = arith.constant 0 : i32
        %gather3A_916 = arith.constant 0 : i32
        %gather3A_917 = tpu.memref_slice %arg7[%rem3A_420, %gather3A_915, %gather3A_916] : memref<2x320x32xf32, #tpu.memory_space<vmem>> -> memref<1x320x32xf32, #tpu.memory_space<vmem>>
        %gather3A_918 = tpu.memref_squeeze %gather3A_917 : memref<1x320x32xf32, #tpu.memory_space<vmem>> -> memref<320x32xf32, #tpu.memory_space<vmem>>
        %gather3A_919 = tpu.vector_load_idx %gather3A_918[%add3A_596, %and3A_383] : memref<320x32xf32, #tpu.memory_space<vmem>>[vector<16xi32>, vector<16xi32>], vector<16xf32>,
        %gather3A_920 = arith.constant 0 : i32
        %gather3A_921 = arith.constant 0 : i32
        %gather3A_922 = tpu.memref_slice %arg8[%rem3A_420, %gather3A_920, %gather3A_921] : memref<2x320x32xf32, #tpu.memory_space<vmem>> -> memref<1x320x32xf32, #tpu.memory_space<vmem>>
        %gather3A_923 = tpu.memref_squeeze %gather3A_922 : memref<1x320x32xf32, #tpu.memory_space<vmem>> -> memref<320x32xf32, #tpu.memory_space<vmem>>
        %gather3A_924 = tpu.vector_load_idx %gather3A_923[%add3A_596, %and3A_383] : memref<320x32xf32, #tpu.memory_space<vmem>>[vector<16xi32>, vector<16xi32>], vector<16xf32>,
        %mul3A_925 = arith.mulf %gather3A_919, %gather3A_924 : vector<16xf32>
        %add3A_926 = arith.addf %add3A_878, %mul3A_925 : vector<16xf32>
        %gather3A_927 = arith.constant 0 : i32
        %gather3A_928 = arith.constant 0 : i32
        %gather3A_929 = tpu.memref_slice %arg7[%rem3A_420, %gather3A_927, %gather3A_928] : memref<2x320x32xf32, #tpu.memory_space<vmem>> -> memref<1x320x32xf32, #tpu.memory_space<vmem>>
        %gather3A_930 = tpu.memref_squeeze %gather3A_929 : memref<1x320x32xf32, #tpu.memory_space<vmem>> -> memref<320x32xf32, #tpu.memory_space<vmem>>
        %gather3A_931 = tpu.vector_load_idx %gather3A_930[%add3A_596, %and3A_389] : memref<320x32xf32, #tpu.memory_space<vmem>>[vector<16xi32>, vector<16xi32>], vector<16xf32>,
        %gather3A_932 = arith.constant 0 : i32
        %gather3A_933 = arith.constant 0 : i32
        %gather3A_934 = tpu.memref_slice %arg8[%rem3A_420, %gather3A_932, %gather3A_933] : memref<2x320x32xf32, #tpu.memory_space<vmem>> -> memref<1x320x32xf32, #tpu.memory_space<vmem>>
        %gather3A_935 = tpu.memref_squeeze %gather3A_934 : memref<1x320x32xf32, #tpu.memory_space<vmem>> -> memref<320x32xf32, #tpu.memory_space<vmem>>
        %gather3A_936 = tpu.vector_load_idx %gather3A_935[%add3A_596, %and3A_389] : memref<320x32xf32, #tpu.memory_space<vmem>>[vector<16xi32>, vector<16xi32>], vector<16xf32>,
        %mul3A_937 = arith.mulf %gather3A_931, %gather3A_936 : vector<16xf32>
        %add3A_938 = arith.addf %add3A_890, %mul3A_937 : vector<16xf32>
        %gather3A_939 = arith.constant 0 : i32
        %gather3A_940 = arith.constant 0 : i32
        %gather3A_941 = tpu.memref_slice %arg7[%rem3A_420, %gather3A_939, %gather3A_940] : memref<2x320x32xf32, #tpu.memory_space<vmem>> -> memref<1x320x32xf32, #tpu.memory_space<vmem>>
        %gather3A_942 = tpu.memref_squeeze %gather3A_941 : memref<1x320x32xf32, #tpu.memory_space<vmem>> -> memref<320x32xf32, #tpu.memory_space<vmem>>
        %gather3A_943 = tpu.vector_load_idx %gather3A_942[%add3A_596, %and3A_395] : memref<320x32xf32, #tpu.memory_space<vmem>>[vector<16xi32>, vector<16xi32>], vector<16xf32>,
        %gather3A_944 = arith.constant 0 : i32
        %gather3A_945 = arith.constant 0 : i32
        %gather3A_946 = tpu.memref_slice %arg8[%rem3A_420, %gather3A_944, %gather3A_945] : memref<2x320x32xf32, #tpu.memory_space<vmem>> -> memref<1x320x32xf32, #tpu.memory_space<vmem>>
        %gather3A_947 = tpu.memref_squeeze %gather3A_946 : memref<1x320x32xf32, #tpu.memory_space<vmem>> -> memref<320x32xf32, #tpu.memory_space<vmem>>
        %gather3A_948 = tpu.vector_load_idx %gather3A_947[%add3A_596, %and3A_395] : memref<320x32xf32, #tpu.memory_space<vmem>>[vector<16xi32>, vector<16xi32>], vector<16xf32>,
        %mul3A_949 = arith.mulf %gather3A_943, %gather3A_948 : vector<16xf32>
        %add3A_950 = arith.addf %add3A_902, %mul3A_949 : vector<16xf32>
        %gather3A_951 = arith.constant 0 : i32
        %gather3A_952 = arith.constant 0 : i32
        %gather3A_953 = tpu.memref_slice %arg7[%rem3A_420, %gather3A_951, %gather3A_952] : memref<2x320x32xf32, #tpu.memory_space<vmem>> -> memref<1x320x32xf32, #tpu.memory_space<vmem>>
        %gather3A_954 = tpu.memref_squeeze %gather3A_953 : memref<1x320x32xf32, #tpu.memory_space<vmem>> -> memref<320x32xf32, #tpu.memory_space<vmem>>
        %gather3A_955 = tpu.vector_load_idx %gather3A_954[%add3A_596, %and3A_401] : memref<320x32xf32, #tpu.memory_space<vmem>>[vector<16xi32>, vector<16xi32>], vector<16xf32>,
        %gather3A_956 = arith.constant 0 : i32
        %gather3A_957 = arith.constant 0 : i32
        %gather3A_958 = tpu.memref_slice %arg8[%rem3A_420, %gather3A_956, %gather3A_957] : memref<2x320x32xf32, #tpu.memory_space<vmem>> -> memref<1x320x32xf32, #tpu.memory_space<vmem>>
        %gather3A_959 = tpu.memref_squeeze %gather3A_958 : memref<1x320x32xf32, #tpu.memory_space<vmem>> -> memref<320x32xf32, #tpu.memory_space<vmem>>
        %gather3A_960 = tpu.vector_load_idx %gather3A_959[%add3A_596, %and3A_401] : memref<320x32xf32, #tpu.memory_space<vmem>>[vector<16xi32>, vector<16xi32>], vector<16xf32>,
        %mul3A_961 = arith.mulf %gather3A_955, %gather3A_960 : vector<16xf32>
        %add3A_962 = arith.addf %add3A_914, %mul3A_961 : vector<16xf32>
        %gather3A_963 = arith.constant 0 : i32
        %gather3A_964 = arith.constant 0 : i32
        %gather3A_965 = tpu.memref_slice %arg7[%rem3A_420, %gather3A_963, %gather3A_964] : memref<2x320x32xf32, #tpu.memory_space<vmem>> -> memref<1x320x32xf32, #tpu.memory_space<vmem>>
        %gather3A_966 = tpu.memref_squeeze %gather3A_965 : memref<1x320x32xf32, #tpu.memory_space<vmem>> -> memref<320x32xf32, #tpu.memory_space<vmem>>
        %gather3A_967 = tpu.vector_load_idx %gather3A_966[%add3A_596, %and3A_407] : memref<320x32xf32, #tpu.memory_space<vmem>>[vector<16xi32>, vector<16xi32>], vector<16xf32>,
        %gather3A_968 = arith.constant 0 : i32
        %gather3A_969 = arith.constant 0 : i32
        %gather3A_970 = tpu.memref_slice %arg8[%rem3A_420, %gather3A_968, %gather3A_969] : memref<2x320x32xf32, #tpu.memory_space<vmem>> -> memref<1x320x32xf32, #tpu.memory_space<vmem>>
        %gather3A_971 = tpu.memref_squeeze %gather3A_970 : memref<1x320x32xf32, #tpu.memory_space<vmem>> -> memref<320x32xf32, #tpu.memory_space<vmem>>
        %gather3A_972 = tpu.vector_load_idx %gather3A_971[%add3A_596, %and3A_407] : memref<320x32xf32, #tpu.memory_space<vmem>>[vector<16xi32>, vector<16xi32>], vector<16xf32>,
        %mul3A_973 = arith.mulf %gather3A_967, %gather3A_972 : vector<16xf32>
        %add3A_974 = arith.addf %add3A_926, %mul3A_973 : vector<16xf32>
        %gather3A_975 = arith.constant 0 : i32
        %gather3A_976 = arith.constant 0 : i32
        %gather3A_977 = tpu.memref_slice %arg7[%rem3A_420, %gather3A_975, %gather3A_976] : memref<2x320x32xf32, #tpu.memory_space<vmem>> -> memref<1x320x32xf32, #tpu.memory_space<vmem>>
        %gather3A_978 = tpu.memref_squeeze %gather3A_977 : memref<1x320x32xf32, #tpu.memory_space<vmem>> -> memref<320x32xf32, #tpu.memory_space<vmem>>
        %gather3A_979 = tpu.vector_load_idx %gather3A_978[%add3A_596, %and3A_413] : memref<320x32xf32, #tpu.memory_space<vmem>>[vector<16xi32>, vector<16xi32>], vector<16xf32>,
        %gather3A_980 = arith.constant 0 : i32
        %gather3A_981 = arith.constant 0 : i32
        %gather3A_982 = tpu.memref_slice %arg8[%rem3A_420, %gather3A_980, %gather3A_981] : memref<2x320x32xf32, #tpu.memory_space<vmem>> -> memref<1x320x32xf32, #tpu.memory_space<vmem>>
        %gather3A_983 = tpu.memref_squeeze %gather3A_982 : memref<1x320x32xf32, #tpu.memory_space<vmem>> -> memref<320x32xf32, #tpu.memory_space<vmem>>
        %gather3A_984 = tpu.vector_load_idx %gather3A_983[%add3A_596, %and3A_413] : memref<320x32xf32, #tpu.memory_space<vmem>>[vector<16xi32>, vector<16xi32>], vector<16xf32>,
        %mul3A_985 = arith.mulf %gather3A_979, %gather3A_984 : vector<16xf32>
        %add3A_986 = arith.addf %add3A_938, %mul3A_985 : vector<16xf32>
        %add3A_987 = arith.addf %add3A_950, %add3A_962 : vector<16xf32>
        %add3A_988 = arith.addf %add3A_974, %add3A_986 : vector<16xf32>
        %add3A_989 = arith.addf %add3A_987, %add3A_988 : vector<16xf32>
        %mul3A_990 = arith.constant 16 : i32
        %mul3A_991 = arith.muli %mul3A_990, %scan3A_592 : i32
        %swap3A = arith.index_cast %rem3A_420 : i32 to index
        %swap3A_992 = arith.index_cast %mul3A_991 : i32 to index
        %swap3A_993 = tpu.vector_load %arg9[%swap3A, %swap3A_992] {strides = array<i32>} : memref<2x320xf32, #tpu.memory_space<vmem>>, vector<16xf32>,
        tpu.vector_store %arg9[%swap3A, %swap3A_992], %add3A_989 {strides = array<i32>} : memref<2x320xf32, #tpu.memory_space<vmem>>, vector<16xf32>,
      }
      %scan3A_548 = arith.constant 5 : i32
      %dma_wait3A_549 = arith.constant 3 : i32
      %dma_wait3A_550 = arith.constant 240 : i32
      %dma_wait3A_551 = arith.constant 0 : i32
      %dma_wait3A_552 = tpu.memref_slice %arg7[%rem3A_420, %dma_wait3A_550, %dma_wait3A_551] : memref<2x320x32xf32, #tpu.memory_space<vmem>> -> memref<1x80x32xf32, #tpu.memory_space<vmem>>
      %dma_wait3A_553 = tpu.memref_squeeze %dma_wait3A_552 : memref<1x80x32xf32, #tpu.memory_space<vmem>> -> memref<80x32xf32, #tpu.memory_space<vmem>>
      %dma_wait3A_554 = arith.constant 0 : i32
      %dma_wait3A_555 = arith.constant 0 : i32
      %dma_wait3A_556 = tpu.memref_slice %arg2[%dma_wait3A_554, %dma_wait3A_555] : memref<100000x32xf32, #tpu.memory_space<hbm>> -> memref<80x32xf32, #tpu.memory_space<hbm>>
      %dma_wait3A_557 = tpu.memref_slice %arg10[%rem3A_420, %dma_wait3A_549] : memref<2x4x!tpu.dma_semaphore, #tpu.memory_space<semaphore_mem>> -> memref<1x1x!tpu.dma_semaphore, #tpu.memory_space<semaphore_mem>>
      %dma_wait3A_558 = tpu.memref_squeeze %dma_wait3A_557 : memref<1x1x!tpu.dma_semaphore, #tpu.memory_space<semaphore_mem>> -> memref<!tpu.dma_semaphore, #tpu.memory_space<semaphore_mem>>
      %dma_wait3A_559 = arith.constant 240 : i32
      %dma_wait3A_560 = arith.constant 0 : i32
      %dma_wait3A_561 = tpu.memref_slice %arg7[%rem3A_420, %dma_wait3A_559, %dma_wait3A_560] : memref<2x320x32xf32, #tpu.memory_space<vmem>> -> memref<1x80x32xf32, #tpu.memory_space<vmem>>
      %dma_wait3A_562 = tpu.memref_squeeze %dma_wait3A_561 : memref<1x80x32xf32, #tpu.memory_space<vmem>> -> memref<80x32xf32, #tpu.memory_space<vmem>>
      %dma_wait3A_563 = arith.constant 0 : i32
      %dma_wait3A_564 = arith.constant 0 : i32
      %dma_wait3A_565 = tpu.memref_slice %arg2[%dma_wait3A_563, %dma_wait3A_564] : memref<100000x32xf32, #tpu.memory_space<hbm>> -> memref<80x32xf32, #tpu.memory_space<hbm>>
      tpu.wait_dma2 semaphore(%dma_wait3A_558 : memref<!tpu.dma_semaphore, #tpu.memory_space<semaphore_mem>>) src(%dma_wait3A_565 : memref<80x32xf32, #tpu.memory_space<hbm>>) dst(%dma_wait3A_562 : memref<80x32xf32, #tpu.memory_space<vmem>>)
      %dma_wait3A_566 = arith.constant 3 : i32
      %dma_wait3A_567 = arith.constant 240 : i32
      %dma_wait3A_568 = arith.constant 0 : i32
      %dma_wait3A_569 = tpu.memref_slice %arg7[%rem3A_420, %dma_wait3A_567, %dma_wait3A_568] : memref<2x320x32xf32, #tpu.memory_space<vmem>> -> memref<1x80x32xf32, #tpu.memory_space<vmem>>
      %dma_wait3A_570 = tpu.memref_squeeze %dma_wait3A_569 : memref<1x80x32xf32, #tpu.memory_space<vmem>> -> memref<80x32xf32, #tpu.memory_space<vmem>>
      %dma_wait3A_571 = arith.constant 0 : i32
      %dma_wait3A_572 = arith.constant 0 : i32
      %dma_wait3A_573 = tpu.memref_slice %arg2[%dma_wait3A_571, %dma_wait3A_572] : memref<100000x32xf32, #tpu.memory_space<hbm>> -> memref<80x32xf32, #tpu.memory_space<hbm>>
      %dma_wait3A_574 = tpu.memref_slice %arg10[%rem3A_420, %dma_wait3A_566] : memref<2x4x!tpu.dma_semaphore, #tpu.memory_space<semaphore_mem>> -> memref<1x1x!tpu.dma_semaphore, #tpu.memory_space<semaphore_mem>>
      %dma_wait3A_575 = tpu.memref_squeeze %dma_wait3A_574 : memref<1x1x!tpu.dma_semaphore, #tpu.memory_space<semaphore_mem>> -> memref<!tpu.dma_semaphore, #tpu.memory_space<semaphore_mem>>
      %dma_wait3A_576 = arith.constant 240 : i32
      %dma_wait3A_577 = arith.constant 0 : i32
      %dma_wait3A_578 = tpu.memref_slice %arg7[%rem3A_420, %dma_wait3A_576, %dma_wait3A_577] : memref<2x320x32xf32, #tpu.memory_space<vmem>> -> memref<1x80x32xf32, #tpu.memory_space<vmem>>
      %dma_wait3A_579 = tpu.memref_squeeze %dma_wait3A_578 : memref<1x80x32xf32, #tpu.memory_space<vmem>> -> memref<80x32xf32, #tpu.memory_space<vmem>>
      %dma_wait3A_580 = arith.constant 0 : i32
      %dma_wait3A_581 = arith.constant 0 : i32
      %dma_wait3A_582 = tpu.memref_slice %arg2[%dma_wait3A_580, %dma_wait3A_581] : memref<100000x32xf32, #tpu.memory_space<hbm>> -> memref<80x32xf32, #tpu.memory_space<hbm>>
      tpu.wait_dma2 semaphore(%dma_wait3A_575 : memref<!tpu.dma_semaphore, #tpu.memory_space<semaphore_mem>>) src(%dma_wait3A_582 : memref<80x32xf32, #tpu.memory_space<hbm>>) dst(%dma_wait3A_579 : memref<80x32xf32, #tpu.memory_space<vmem>>)
      %scan3A_583 = arith.constant 0 : i32
      %scan3A_584 = arith.constant 15 : i32
      %scan3A_585 = arith.constant 5 : i32
      %scan3A_586 = arith.addi %scan3A_584, %scan3A_585 : i32
      %scan3A_587 = arith.constant 1 : i32
      scf.for %scan3A_592 = %scan3A_584 to %scan3A_586 step %scan3A_587  : i32 {
        %mul3A_593 = arith.constant 16 : i32
        %mul3A_594 = arith.muli %mul3A_593, %scan3A_592 : i32
        %add3A_595 = vector.broadcast %mul3A_594 : i32 to vector<16xi32>
        %add3A_596 = arith.addi %iota3A, %add3A_595 : vector<16xi32>
        %broadcast_in_dim3A = arith.constant 0.000000e+00 : f32
        %broadcast_in_dim3A_597 = vector.broadcast %broadcast_in_dim3A : f32 to vector<16xf32>
        %broadcast_in_dim3A_598 = arith.constant 0.000000e+00 : f32
        %broadcast_in_dim3A_599 = vector.broadcast %broadcast_in_dim3A_598 : f32 to vector<16xf32>
        %broadcast_in_dim3A_600 = arith.constant 0.000000e+00 : f32
        %broadcast_in_dim3A_601 = vector.broadcast %broadcast_in_dim3A_600 : f32 to vector<16xf32>
        %broadcast_in_dim3A_602 = arith.constant 0.000000e+00 : f32
        %broadcast_in_dim3A_603 = vector.broadcast %broadcast_in_dim3A_602 : f32 to vector<16xf32>
        %gather3A = arith.constant 0 : i32
        %gather3A_604 = arith.constant 0 : i32
        %gather3A_605 = tpu.memref_slice %arg7[%rem3A_420, %gather3A, %gather3A_604] : memref<2x320x32xf32, #tpu.memory_space<vmem>> -> memref<1x320x32xf32, #tpu.memory_space<vmem>>
        %gather3A_606 = tpu.memref_squeeze %gather3A_605 : memref<1x320x32xf32, #tpu.memory_space<vmem>> -> memref<320x32xf32, #tpu.memory_space<vmem>>
        %gather3A_607 = tpu.vector_load_idx %gather3A_606[%add3A_596, %and3A_227] : memref<320x32xf32, #tpu.memory_space<vmem>>[vector<16xi32>, vector<16xi32>], vector<16xf32>,
        %gather3A_608 = arith.constant 0 : i32
        %gather3A_609 = arith.constant 0 : i32
        %gather3A_610 = tpu.memref_slice %arg8[%rem3A_420, %gather3A_608, %gather3A_609] : memref<2x320x32xf32, #tpu.memory_space<vmem>> -> memref<1x320x32xf32, #tpu.memory_space<vmem>>
        %gather3A_611 = tpu.memref_squeeze %gather3A_610 : memref<1x320x32xf32, #tpu.memory_space<vmem>> -> memref<320x32xf32, #tpu.memory_space<vmem>>
        %gather3A_612 = tpu.vector_load_idx %gather3A_611[%add3A_596, %and3A_227] : memref<320x32xf32, #tpu.memory_space<vmem>>[vector<16xi32>, vector<16xi32>], vector<16xf32>,
        %mul3A_613 = arith.mulf %gather3A_607, %gather3A_612 : vector<16xf32>
        %add3A_614 = arith.addf %broadcast_in_dim3A_597, %mul3A_613 : vector<16xf32>
        %gather3A_615 = arith.constant 0 : i32
        %gather3A_616 = arith.constant 0 : i32
        %gather3A_617 = tpu.memref_slice %arg7[%rem3A_420, %gather3A_615, %gather3A_616] : memref<2x320x32xf32, #tpu.memory_space<vmem>> -> memref<1x320x32xf32, #tpu.memory_space<vmem>>
        %gather3A_618 = tpu.memref_squeeze %gather3A_617 : memref<1x320x32xf32, #tpu.memory_space<vmem>> -> memref<320x32xf32, #tpu.memory_space<vmem>>
        %gather3A_619 = tpu.vector_load_idx %gather3A_618[%add3A_596, %and3A_233] : memref<320x32xf32, #tpu.memory_space<vmem>>[vector<16xi32>, vector<16xi32>], vector<16xf32>,
        %gather3A_620 = arith.constant 0 : i32
        %gather3A_621 = arith.constant 0 : i32
        %gather3A_622 = tpu.memref_slice %arg8[%rem3A_420, %gather3A_620, %gather3A_621] : memref<2x320x32xf32, #tpu.memory_space<vmem>> -> memref<1x320x32xf32, #tpu.memory_space<vmem>>
        %gather3A_623 = tpu.memref_squeeze %gather3A_622 : memref<1x320x32xf32, #tpu.memory_space<vmem>> -> memref<320x32xf32, #tpu.memory_space<vmem>>
        %gather3A_624 = tpu.vector_load_idx %gather3A_623[%add3A_596, %and3A_233] : memref<320x32xf32, #tpu.memory_space<vmem>>[vector<16xi32>, vector<16xi32>], vector<16xf32>,
        %mul3A_625 = arith.mulf %gather3A_619, %gather3A_624 : vector<16xf32>
        %add3A_626 = arith.addf %broadcast_in_dim3A_599, %mul3A_625 : vector<16xf32>
        %gather3A_627 = arith.constant 0 : i32
        %gather3A_628 = arith.constant 0 : i32
        %gather3A_629 = tpu.memref_slice %arg7[%rem3A_420, %gather3A_627, %gather3A_628] : memref<2x320x32xf32, #tpu.memory_space<vmem>> -> memref<1x320x32xf32, #tpu.memory_space<vmem>>
        %gather3A_630 = tpu.memref_squeeze %gather3A_629 : memref<1x320x32xf32, #tpu.memory_space<vmem>> -> memref<320x32xf32, #tpu.memory_space<vmem>>
        %gather3A_631 = tpu.vector_load_idx %gather3A_630[%add3A_596, %and3A_239] : memref<320x32xf32, #tpu.memory_space<vmem>>[vector<16xi32>, vector<16xi32>], vector<16xf32>,
        %gather3A_632 = arith.constant 0 : i32
        %gather3A_633 = arith.constant 0 : i32
        %gather3A_634 = tpu.memref_slice %arg8[%rem3A_420, %gather3A_632, %gather3A_633] : memref<2x320x32xf32, #tpu.memory_space<vmem>> -> memref<1x320x32xf32, #tpu.memory_space<vmem>>
        %gather3A_635 = tpu.memref_squeeze %gather3A_634 : memref<1x320x32xf32, #tpu.memory_space<vmem>> -> memref<320x32xf32, #tpu.memory_space<vmem>>
        %gather3A_636 = tpu.vector_load_idx %gather3A_635[%add3A_596, %and3A_239] : memref<320x32xf32, #tpu.memory_space<vmem>>[vector<16xi32>, vector<16xi32>], vector<16xf32>,
        %mul3A_637 = arith.mulf %gather3A_631, %gather3A_636 : vector<16xf32>
        %add3A_638 = arith.addf %broadcast_in_dim3A_601, %mul3A_637 : vector<16xf32>
        %gather3A_639 = arith.constant 0 : i32
        %gather3A_640 = arith.constant 0 : i32
        %gather3A_641 = tpu.memref_slice %arg7[%rem3A_420, %gather3A_639, %gather3A_640] : memref<2x320x32xf32, #tpu.memory_space<vmem>> -> memref<1x320x32xf32, #tpu.memory_space<vmem>>
        %gather3A_642 = tpu.memref_squeeze %gather3A_641 : memref<1x320x32xf32, #tpu.memory_space<vmem>> -> memref<320x32xf32, #tpu.memory_space<vmem>>
        %gather3A_643 = tpu.vector_load_idx %gather3A_642[%add3A_596, %and3A_245] : memref<320x32xf32, #tpu.memory_space<vmem>>[vector<16xi32>, vector<16xi32>], vector<16xf32>,
        %gather3A_644 = arith.constant 0 : i32
        %gather3A_645 = arith.constant 0 : i32
        %gather3A_646 = tpu.memref_slice %arg8[%rem3A_420, %gather3A_644, %gather3A_645] : memref<2x320x32xf32, #tpu.memory_space<vmem>> -> memref<1x320x32xf32, #tpu.memory_space<vmem>>
        %gather3A_647 = tpu.memref_squeeze %gather3A_646 : memref<1x320x32xf32, #tpu.memory_space<vmem>> -> memref<320x32xf32, #tpu.memory_space<vmem>>
        %gather3A_648 = tpu.vector_load_idx %gather3A_647[%add3A_596, %and3A_245] : memref<320x32xf32, #tpu.memory_space<vmem>>[vector<16xi32>, vector<16xi32>], vector<16xf32>,
        %mul3A_649 = arith.mulf %gather3A_643, %gather3A_648 : vector<16xf32>
        %add3A_650 = arith.addf %broadcast_in_dim3A_603, %mul3A_649 : vector<16xf32>
        %gather3A_651 = arith.constant 0 : i32
        %gather3A_652 = arith.constant 0 : i32
        %gather3A_653 = tpu.memref_slice %arg7[%rem3A_420, %gather3A_651, %gather3A_652] : memref<2x320x32xf32, #tpu.memory_space<vmem>> -> memref<1x320x32xf32, #tpu.memory_space<vmem>>
        %gather3A_654 = tpu.memref_squeeze %gather3A_653 : memref<1x320x32xf32, #tpu.memory_space<vmem>> -> memref<320x32xf32, #tpu.memory_space<vmem>>
        %gather3A_655 = tpu.vector_load_idx %gather3A_654[%add3A_596, %and3A_251] : memref<320x32xf32, #tpu.memory_space<vmem>>[vector<16xi32>, vector<16xi32>], vector<16xf32>,
        %gather3A_656 = arith.constant 0 : i32
        %gather3A_657 = arith.constant 0 : i32
        %gather3A_658 = tpu.memref_slice %arg8[%rem3A_420, %gather3A_656, %gather3A_657] : memref<2x320x32xf32, #tpu.memory_space<vmem>> -> memref<1x320x32xf32, #tpu.memory_space<vmem>>
        %gather3A_659 = tpu.memref_squeeze %gather3A_658 : memref<1x320x32xf32, #tpu.memory_space<vmem>> -> memref<320x32xf32, #tpu.memory_space<vmem>>
        %gather3A_660 = tpu.vector_load_idx %gather3A_659[%add3A_596, %and3A_251] : memref<320x32xf32, #tpu.memory_space<vmem>>[vector<16xi32>, vector<16xi32>], vector<16xf32>,
        %mul3A_661 = arith.mulf %gather3A_655, %gather3A_660 : vector<16xf32>
        %add3A_662 = arith.addf %add3A_614, %mul3A_661 : vector<16xf32>
        %gather3A_663 = arith.constant 0 : i32
        %gather3A_664 = arith.constant 0 : i32
        %gather3A_665 = tpu.memref_slice %arg7[%rem3A_420, %gather3A_663, %gather3A_664] : memref<2x320x32xf32, #tpu.memory_space<vmem>> -> memref<1x320x32xf32, #tpu.memory_space<vmem>>
        %gather3A_666 = tpu.memref_squeeze %gather3A_665 : memref<1x320x32xf32, #tpu.memory_space<vmem>> -> memref<320x32xf32, #tpu.memory_space<vmem>>
        %gather3A_667 = tpu.vector_load_idx %gather3A_666[%add3A_596, %and3A_257] : memref<320x32xf32, #tpu.memory_space<vmem>>[vector<16xi32>, vector<16xi32>], vector<16xf32>,
        %gather3A_668 = arith.constant 0 : i32
        %gather3A_669 = arith.constant 0 : i32
        %gather3A_670 = tpu.memref_slice %arg8[%rem3A_420, %gather3A_668, %gather3A_669] : memref<2x320x32xf32, #tpu.memory_space<vmem>> -> memref<1x320x32xf32, #tpu.memory_space<vmem>>
        %gather3A_671 = tpu.memref_squeeze %gather3A_670 : memref<1x320x32xf32, #tpu.memory_space<vmem>> -> memref<320x32xf32, #tpu.memory_space<vmem>>
        %gather3A_672 = tpu.vector_load_idx %gather3A_671[%add3A_596, %and3A_257] : memref<320x32xf32, #tpu.memory_space<vmem>>[vector<16xi32>, vector<16xi32>], vector<16xf32>,
        %mul3A_673 = arith.mulf %gather3A_667, %gather3A_672 : vector<16xf32>
        %add3A_674 = arith.addf %add3A_626, %mul3A_673 : vector<16xf32>
        %gather3A_675 = arith.constant 0 : i32
        %gather3A_676 = arith.constant 0 : i32
        %gather3A_677 = tpu.memref_slice %arg7[%rem3A_420, %gather3A_675, %gather3A_676] : memref<2x320x32xf32, #tpu.memory_space<vmem>> -> memref<1x320x32xf32, #tpu.memory_space<vmem>>
        %gather3A_678 = tpu.memref_squeeze %gather3A_677 : memref<1x320x32xf32, #tpu.memory_space<vmem>> -> memref<320x32xf32, #tpu.memory_space<vmem>>
        %gather3A_679 = tpu.vector_load_idx %gather3A_678[%add3A_596, %and3A_263] : memref<320x32xf32, #tpu.memory_space<vmem>>[vector<16xi32>, vector<16xi32>], vector<16xf32>,
        %gather3A_680 = arith.constant 0 : i32
        %gather3A_681 = arith.constant 0 : i32
        %gather3A_682 = tpu.memref_slice %arg8[%rem3A_420, %gather3A_680, %gather3A_681] : memref<2x320x32xf32, #tpu.memory_space<vmem>> -> memref<1x320x32xf32, #tpu.memory_space<vmem>>
        %gather3A_683 = tpu.memref_squeeze %gather3A_682 : memref<1x320x32xf32, #tpu.memory_space<vmem>> -> memref<320x32xf32, #tpu.memory_space<vmem>>
        %gather3A_684 = tpu.vector_load_idx %gather3A_683[%add3A_596, %and3A_263] : memref<320x32xf32, #tpu.memory_space<vmem>>[vector<16xi32>, vector<16xi32>], vector<16xf32>,
        %mul3A_685 = arith.mulf %gather3A_679, %gather3A_684 : vector<16xf32>
        %add3A_686 = arith.addf %add3A_638, %mul3A_685 : vector<16xf32>
        %gather3A_687 = arith.constant 0 : i32
        %gather3A_688 = arith.constant 0 : i32
        %gather3A_689 = tpu.memref_slice %arg7[%rem3A_420, %gather3A_687, %gather3A_688] : memref<2x320x32xf32, #tpu.memory_space<vmem>> -> memref<1x320x32xf32, #tpu.memory_space<vmem>>
        %gather3A_690 = tpu.memref_squeeze %gather3A_689 : memref<1x320x32xf32, #tpu.memory_space<vmem>> -> memref<320x32xf32, #tpu.memory_space<vmem>>
        %gather3A_691 = tpu.vector_load_idx %gather3A_690[%add3A_596, %and3A_269] : memref<320x32xf32, #tpu.memory_space<vmem>>[vector<16xi32>, vector<16xi32>], vector<16xf32>,
        %gather3A_692 = arith.constant 0 : i32
        %gather3A_693 = arith.constant 0 : i32
        %gather3A_694 = tpu.memref_slice %arg8[%rem3A_420, %gather3A_692, %gather3A_693] : memref<2x320x32xf32, #tpu.memory_space<vmem>> -> memref<1x320x32xf32, #tpu.memory_space<vmem>>
        %gather3A_695 = tpu.memref_squeeze %gather3A_694 : memref<1x320x32xf32, #tpu.memory_space<vmem>> -> memref<320x32xf32, #tpu.memory_space<vmem>>
        %gather3A_696 = tpu.vector_load_idx %gather3A_695[%add3A_596, %and3A_269] : memref<320x32xf32, #tpu.memory_space<vmem>>[vector<16xi32>, vector<16xi32>], vector<16xf32>,
        %mul3A_697 = arith.mulf %gather3A_691, %gather3A_696 : vector<16xf32>
        %add3A_698 = arith.addf %add3A_650, %mul3A_697 : vector<16xf32>
        %gather3A_699 = arith.constant 0 : i32
        %gather3A_700 = arith.constant 0 : i32
        %gather3A_701 = tpu.memref_slice %arg7[%rem3A_420, %gather3A_699, %gather3A_700] : memref<2x320x32xf32, #tpu.memory_space<vmem>> -> memref<1x320x32xf32, #tpu.memory_space<vmem>>
        %gather3A_702 = tpu.memref_squeeze %gather3A_701 : memref<1x320x32xf32, #tpu.memory_space<vmem>> -> memref<320x32xf32, #tpu.memory_space<vmem>>
        %gather3A_703 = tpu.vector_load_idx %gather3A_702[%add3A_596, %and3A_275] : memref<320x32xf32, #tpu.memory_space<vmem>>[vector<16xi32>, vector<16xi32>], vector<16xf32>,
        %gather3A_704 = arith.constant 0 : i32
        %gather3A_705 = arith.constant 0 : i32
        %gather3A_706 = tpu.memref_slice %arg8[%rem3A_420, %gather3A_704, %gather3A_705] : memref<2x320x32xf32, #tpu.memory_space<vmem>> -> memref<1x320x32xf32, #tpu.memory_space<vmem>>
        %gather3A_707 = tpu.memref_squeeze %gather3A_706 : memref<1x320x32xf32, #tpu.memory_space<vmem>> -> memref<320x32xf32, #tpu.memory_space<vmem>>
        %gather3A_708 = tpu.vector_load_idx %gather3A_707[%add3A_596, %and3A_275] : memref<320x32xf32, #tpu.memory_space<vmem>>[vector<16xi32>, vector<16xi32>], vector<16xf32>,
        %mul3A_709 = arith.mulf %gather3A_703, %gather3A_708 : vector<16xf32>
        %add3A_710 = arith.addf %add3A_662, %mul3A_709 : vector<16xf32>
        %gather3A_711 = arith.constant 0 : i32
        %gather3A_712 = arith.constant 0 : i32
        %gather3A_713 = tpu.memref_slice %arg7[%rem3A_420, %gather3A_711, %gather3A_712] : memref<2x320x32xf32, #tpu.memory_space<vmem>> -> memref<1x320x32xf32, #tpu.memory_space<vmem>>
        %gather3A_714 = tpu.memref_squeeze %gather3A_713 : memref<1x320x32xf32, #tpu.memory_space<vmem>> -> memref<320x32xf32, #tpu.memory_space<vmem>>
        %gather3A_715 = tpu.vector_load_idx %gather3A_714[%add3A_596, %and3A_281] : memref<320x32xf32, #tpu.memory_space<vmem>>[vector<16xi32>, vector<16xi32>], vector<16xf32>,
        %gather3A_716 = arith.constant 0 : i32
        %gather3A_717 = arith.constant 0 : i32
        %gather3A_718 = tpu.memref_slice %arg8[%rem3A_420, %gather3A_716, %gather3A_717] : memref<2x320x32xf32, #tpu.memory_space<vmem>> -> memref<1x320x32xf32, #tpu.memory_space<vmem>>
        %gather3A_719 = tpu.memref_squeeze %gather3A_718 : memref<1x320x32xf32, #tpu.memory_space<vmem>> -> memref<320x32xf32, #tpu.memory_space<vmem>>
        %gather3A_720 = tpu.vector_load_idx %gather3A_719[%add3A_596, %and3A_281] : memref<320x32xf32, #tpu.memory_space<vmem>>[vector<16xi32>, vector<16xi32>], vector<16xf32>,
        %mul3A_721 = arith.mulf %gather3A_715, %gather3A_720 : vector<16xf32>
        %add3A_722 = arith.addf %add3A_674, %mul3A_721 : vector<16xf32>
        %gather3A_723 = arith.constant 0 : i32
        %gather3A_724 = arith.constant 0 : i32
        %gather3A_725 = tpu.memref_slice %arg7[%rem3A_420, %gather3A_723, %gather3A_724] : memref<2x320x32xf32, #tpu.memory_space<vmem>> -> memref<1x320x32xf32, #tpu.memory_space<vmem>>
        %gather3A_726 = tpu.memref_squeeze %gather3A_725 : memref<1x320x32xf32, #tpu.memory_space<vmem>> -> memref<320x32xf32, #tpu.memory_space<vmem>>
        %gather3A_727 = tpu.vector_load_idx %gather3A_726[%add3A_596, %and3A_287] : memref<320x32xf32, #tpu.memory_space<vmem>>[vector<16xi32>, vector<16xi32>], vector<16xf32>,
        %gather3A_728 = arith.constant 0 : i32
        %gather3A_729 = arith.constant 0 : i32
        %gather3A_730 = tpu.memref_slice %arg8[%rem3A_420, %gather3A_728, %gather3A_729] : memref<2x320x32xf32, #tpu.memory_space<vmem>> -> memref<1x320x32xf32, #tpu.memory_space<vmem>>
        %gather3A_731 = tpu.memref_squeeze %gather3A_730 : memref<1x320x32xf32, #tpu.memory_space<vmem>> -> memref<320x32xf32, #tpu.memory_space<vmem>>
        %gather3A_732 = tpu.vector_load_idx %gather3A_731[%add3A_596, %and3A_287] : memref<320x32xf32, #tpu.memory_space<vmem>>[vector<16xi32>, vector<16xi32>], vector<16xf32>,
        %mul3A_733 = arith.mulf %gather3A_727, %gather3A_732 : vector<16xf32>
        %add3A_734 = arith.addf %add3A_686, %mul3A_733 : vector<16xf32>
        %gather3A_735 = arith.constant 0 : i32
        %gather3A_736 = arith.constant 0 : i32
        %gather3A_737 = tpu.memref_slice %arg7[%rem3A_420, %gather3A_735, %gather3A_736] : memref<2x320x32xf32, #tpu.memory_space<vmem>> -> memref<1x320x32xf32, #tpu.memory_space<vmem>>
        %gather3A_738 = tpu.memref_squeeze %gather3A_737 : memref<1x320x32xf32, #tpu.memory_space<vmem>> -> memref<320x32xf32, #tpu.memory_space<vmem>>
        %gather3A_739 = tpu.vector_load_idx %gather3A_738[%add3A_596, %and3A_293] : memref<320x32xf32, #tpu.memory_space<vmem>>[vector<16xi32>, vector<16xi32>], vector<16xf32>,
        %gather3A_740 = arith.constant 0 : i32
        %gather3A_741 = arith.constant 0 : i32
        %gather3A_742 = tpu.memref_slice %arg8[%rem3A_420, %gather3A_740, %gather3A_741] : memref<2x320x32xf32, #tpu.memory_space<vmem>> -> memref<1x320x32xf32, #tpu.memory_space<vmem>>
        %gather3A_743 = tpu.memref_squeeze %gather3A_742 : memref<1x320x32xf32, #tpu.memory_space<vmem>> -> memref<320x32xf32, #tpu.memory_space<vmem>>
        %gather3A_744 = tpu.vector_load_idx %gather3A_743[%add3A_596, %and3A_293] : memref<320x32xf32, #tpu.memory_space<vmem>>[vector<16xi32>, vector<16xi32>], vector<16xf32>,
        %mul3A_745 = arith.mulf %gather3A_739, %gather3A_744 : vector<16xf32>
        %add3A_746 = arith.addf %add3A_698, %mul3A_745 : vector<16xf32>
        %gather3A_747 = arith.constant 0 : i32
        %gather3A_748 = arith.constant 0 : i32
        %gather3A_749 = tpu.memref_slice %arg7[%rem3A_420, %gather3A_747, %gather3A_748] : memref<2x320x32xf32, #tpu.memory_space<vmem>> -> memref<1x320x32xf32, #tpu.memory_space<vmem>>
        %gather3A_750 = tpu.memref_squeeze %gather3A_749 : memref<1x320x32xf32, #tpu.memory_space<vmem>> -> memref<320x32xf32, #tpu.memory_space<vmem>>
        %gather3A_751 = tpu.vector_load_idx %gather3A_750[%add3A_596, %and3A_299] : memref<320x32xf32, #tpu.memory_space<vmem>>[vector<16xi32>, vector<16xi32>], vector<16xf32>,
        %gather3A_752 = arith.constant 0 : i32
        %gather3A_753 = arith.constant 0 : i32
        %gather3A_754 = tpu.memref_slice %arg8[%rem3A_420, %gather3A_752, %gather3A_753] : memref<2x320x32xf32, #tpu.memory_space<vmem>> -> memref<1x320x32xf32, #tpu.memory_space<vmem>>
        %gather3A_755 = tpu.memref_squeeze %gather3A_754 : memref<1x320x32xf32, #tpu.memory_space<vmem>> -> memref<320x32xf32, #tpu.memory_space<vmem>>
        %gather3A_756 = tpu.vector_load_idx %gather3A_755[%add3A_596, %and3A_299] : memref<320x32xf32, #tpu.memory_space<vmem>>[vector<16xi32>, vector<16xi32>], vector<16xf32>,
        %mul3A_757 = arith.mulf %gather3A_751, %gather3A_756 : vector<16xf32>
        %add3A_758 = arith.addf %add3A_710, %mul3A_757 : vector<16xf32>
        %gather3A_759 = arith.constant 0 : i32
        %gather3A_760 = arith.constant 0 : i32
        %gather3A_761 = tpu.memref_slice %arg7[%rem3A_420, %gather3A_759, %gather3A_760] : memref<2x320x32xf32, #tpu.memory_space<vmem>> -> memref<1x320x32xf32, #tpu.memory_space<vmem>>
        %gather3A_762 = tpu.memref_squeeze %gather3A_761 : memref<1x320x32xf32, #tpu.memory_space<vmem>> -> memref<320x32xf32, #tpu.memory_space<vmem>>
        %gather3A_763 = tpu.vector_load_idx %gather3A_762[%add3A_596, %and3A_305] : memref<320x32xf32, #tpu.memory_space<vmem>>[vector<16xi32>, vector<16xi32>], vector<16xf32>,
        %gather3A_764 = arith.constant 0 : i32
        %gather3A_765 = arith.constant 0 : i32
        %gather3A_766 = tpu.memref_slice %arg8[%rem3A_420, %gather3A_764, %gather3A_765] : memref<2x320x32xf32, #tpu.memory_space<vmem>> -> memref<1x320x32xf32, #tpu.memory_space<vmem>>
        %gather3A_767 = tpu.memref_squeeze %gather3A_766 : memref<1x320x32xf32, #tpu.memory_space<vmem>> -> memref<320x32xf32, #tpu.memory_space<vmem>>
        %gather3A_768 = tpu.vector_load_idx %gather3A_767[%add3A_596, %and3A_305] : memref<320x32xf32, #tpu.memory_space<vmem>>[vector<16xi32>, vector<16xi32>], vector<16xf32>,
        %mul3A_769 = arith.mulf %gather3A_763, %gather3A_768 : vector<16xf32>
        %add3A_770 = arith.addf %add3A_722, %mul3A_769 : vector<16xf32>
        %gather3A_771 = arith.constant 0 : i32
        %gather3A_772 = arith.constant 0 : i32
        %gather3A_773 = tpu.memref_slice %arg7[%rem3A_420, %gather3A_771, %gather3A_772] : memref<2x320x32xf32, #tpu.memory_space<vmem>> -> memref<1x320x32xf32, #tpu.memory_space<vmem>>
        %gather3A_774 = tpu.memref_squeeze %gather3A_773 : memref<1x320x32xf32, #tpu.memory_space<vmem>> -> memref<320x32xf32, #tpu.memory_space<vmem>>
        %gather3A_775 = tpu.vector_load_idx %gather3A_774[%add3A_596, %and3A_311] : memref<320x32xf32, #tpu.memory_space<vmem>>[vector<16xi32>, vector<16xi32>], vector<16xf32>,
        %gather3A_776 = arith.constant 0 : i32
        %gather3A_777 = arith.constant 0 : i32
        %gather3A_778 = tpu.memref_slice %arg8[%rem3A_420, %gather3A_776, %gather3A_777] : memref<2x320x32xf32, #tpu.memory_space<vmem>> -> memref<1x320x32xf32, #tpu.memory_space<vmem>>
        %gather3A_779 = tpu.memref_squeeze %gather3A_778 : memref<1x320x32xf32, #tpu.memory_space<vmem>> -> memref<320x32xf32, #tpu.memory_space<vmem>>
        %gather3A_780 = tpu.vector_load_idx %gather3A_779[%add3A_596, %and3A_311] : memref<320x32xf32, #tpu.memory_space<vmem>>[vector<16xi32>, vector<16xi32>], vector<16xf32>,
        %mul3A_781 = arith.mulf %gather3A_775, %gather3A_780 : vector<16xf32>
        %add3A_782 = arith.addf %add3A_734, %mul3A_781 : vector<16xf32>
        %gather3A_783 = arith.constant 0 : i32
        %gather3A_784 = arith.constant 0 : i32
        %gather3A_785 = tpu.memref_slice %arg7[%rem3A_420, %gather3A_783, %gather3A_784] : memref<2x320x32xf32, #tpu.memory_space<vmem>> -> memref<1x320x32xf32, #tpu.memory_space<vmem>>
        %gather3A_786 = tpu.memref_squeeze %gather3A_785 : memref<1x320x32xf32, #tpu.memory_space<vmem>> -> memref<320x32xf32, #tpu.memory_space<vmem>>
        %gather3A_787 = tpu.vector_load_idx %gather3A_786[%add3A_596, %and3A_317] : memref<320x32xf32, #tpu.memory_space<vmem>>[vector<16xi32>, vector<16xi32>], vector<16xf32>,
        %gather3A_788 = arith.constant 0 : i32
        %gather3A_789 = arith.constant 0 : i32
        %gather3A_790 = tpu.memref_slice %arg8[%rem3A_420, %gather3A_788, %gather3A_789] : memref<2x320x32xf32, #tpu.memory_space<vmem>> -> memref<1x320x32xf32, #tpu.memory_space<vmem>>
        %gather3A_791 = tpu.memref_squeeze %gather3A_790 : memref<1x320x32xf32, #tpu.memory_space<vmem>> -> memref<320x32xf32, #tpu.memory_space<vmem>>
        %gather3A_792 = tpu.vector_load_idx %gather3A_791[%add3A_596, %and3A_317] : memref<320x32xf32, #tpu.memory_space<vmem>>[vector<16xi32>, vector<16xi32>], vector<16xf32>,
        %mul3A_793 = arith.mulf %gather3A_787, %gather3A_792 : vector<16xf32>
        %add3A_794 = arith.addf %add3A_746, %mul3A_793 : vector<16xf32>
        %gather3A_795 = arith.constant 0 : i32
        %gather3A_796 = arith.constant 0 : i32
        %gather3A_797 = tpu.memref_slice %arg7[%rem3A_420, %gather3A_795, %gather3A_796] : memref<2x320x32xf32, #tpu.memory_space<vmem>> -> memref<1x320x32xf32, #tpu.memory_space<vmem>>
        %gather3A_798 = tpu.memref_squeeze %gather3A_797 : memref<1x320x32xf32, #tpu.memory_space<vmem>> -> memref<320x32xf32, #tpu.memory_space<vmem>>
        %gather3A_799 = tpu.vector_load_idx %gather3A_798[%add3A_596, %and3A_323] : memref<320x32xf32, #tpu.memory_space<vmem>>[vector<16xi32>, vector<16xi32>], vector<16xf32>,
        %gather3A_800 = arith.constant 0 : i32
        %gather3A_801 = arith.constant 0 : i32
        %gather3A_802 = tpu.memref_slice %arg8[%rem3A_420, %gather3A_800, %gather3A_801] : memref<2x320x32xf32, #tpu.memory_space<vmem>> -> memref<1x320x32xf32, #tpu.memory_space<vmem>>
        %gather3A_803 = tpu.memref_squeeze %gather3A_802 : memref<1x320x32xf32, #tpu.memory_space<vmem>> -> memref<320x32xf32, #tpu.memory_space<vmem>>
        %gather3A_804 = tpu.vector_load_idx %gather3A_803[%add3A_596, %and3A_323] : memref<320x32xf32, #tpu.memory_space<vmem>>[vector<16xi32>, vector<16xi32>], vector<16xf32>,
        %mul3A_805 = arith.mulf %gather3A_799, %gather3A_804 : vector<16xf32>
        %add3A_806 = arith.addf %add3A_758, %mul3A_805 : vector<16xf32>
        %gather3A_807 = arith.constant 0 : i32
        %gather3A_808 = arith.constant 0 : i32
        %gather3A_809 = tpu.memref_slice %arg7[%rem3A_420, %gather3A_807, %gather3A_808] : memref<2x320x32xf32, #tpu.memory_space<vmem>> -> memref<1x320x32xf32, #tpu.memory_space<vmem>>
        %gather3A_810 = tpu.memref_squeeze %gather3A_809 : memref<1x320x32xf32, #tpu.memory_space<vmem>> -> memref<320x32xf32, #tpu.memory_space<vmem>>
        %gather3A_811 = tpu.vector_load_idx %gather3A_810[%add3A_596, %and3A_329] : memref<320x32xf32, #tpu.memory_space<vmem>>[vector<16xi32>, vector<16xi32>], vector<16xf32>,
        %gather3A_812 = arith.constant 0 : i32
        %gather3A_813 = arith.constant 0 : i32
        %gather3A_814 = tpu.memref_slice %arg8[%rem3A_420, %gather3A_812, %gather3A_813] : memref<2x320x32xf32, #tpu.memory_space<vmem>> -> memref<1x320x32xf32, #tpu.memory_space<vmem>>
        %gather3A_815 = tpu.memref_squeeze %gather3A_814 : memref<1x320x32xf32, #tpu.memory_space<vmem>> -> memref<320x32xf32, #tpu.memory_space<vmem>>
        %gather3A_816 = tpu.vector_load_idx %gather3A_815[%add3A_596, %and3A_329] : memref<320x32xf32, #tpu.memory_space<vmem>>[vector<16xi32>, vector<16xi32>], vector<16xf32>,
        %mul3A_817 = arith.mulf %gather3A_811, %gather3A_816 : vector<16xf32>
        %add3A_818 = arith.addf %add3A_770, %mul3A_817 : vector<16xf32>
        %gather3A_819 = arith.constant 0 : i32
        %gather3A_820 = arith.constant 0 : i32
        %gather3A_821 = tpu.memref_slice %arg7[%rem3A_420, %gather3A_819, %gather3A_820] : memref<2x320x32xf32, #tpu.memory_space<vmem>> -> memref<1x320x32xf32, #tpu.memory_space<vmem>>
        %gather3A_822 = tpu.memref_squeeze %gather3A_821 : memref<1x320x32xf32, #tpu.memory_space<vmem>> -> memref<320x32xf32, #tpu.memory_space<vmem>>
        %gather3A_823 = tpu.vector_load_idx %gather3A_822[%add3A_596, %and3A_335] : memref<320x32xf32, #tpu.memory_space<vmem>>[vector<16xi32>, vector<16xi32>], vector<16xf32>,
        %gather3A_824 = arith.constant 0 : i32
        %gather3A_825 = arith.constant 0 : i32
        %gather3A_826 = tpu.memref_slice %arg8[%rem3A_420, %gather3A_824, %gather3A_825] : memref<2x320x32xf32, #tpu.memory_space<vmem>> -> memref<1x320x32xf32, #tpu.memory_space<vmem>>
        %gather3A_827 = tpu.memref_squeeze %gather3A_826 : memref<1x320x32xf32, #tpu.memory_space<vmem>> -> memref<320x32xf32, #tpu.memory_space<vmem>>
        %gather3A_828 = tpu.vector_load_idx %gather3A_827[%add3A_596, %and3A_335] : memref<320x32xf32, #tpu.memory_space<vmem>>[vector<16xi32>, vector<16xi32>], vector<16xf32>,
        %mul3A_829 = arith.mulf %gather3A_823, %gather3A_828 : vector<16xf32>
        %add3A_830 = arith.addf %add3A_782, %mul3A_829 : vector<16xf32>
        %gather3A_831 = arith.constant 0 : i32
        %gather3A_832 = arith.constant 0 : i32
        %gather3A_833 = tpu.memref_slice %arg7[%rem3A_420, %gather3A_831, %gather3A_832] : memref<2x320x32xf32, #tpu.memory_space<vmem>> -> memref<1x320x32xf32, #tpu.memory_space<vmem>>
        %gather3A_834 = tpu.memref_squeeze %gather3A_833 : memref<1x320x32xf32, #tpu.memory_space<vmem>> -> memref<320x32xf32, #tpu.memory_space<vmem>>
        %gather3A_835 = tpu.vector_load_idx %gather3A_834[%add3A_596, %and3A_341] : memref<320x32xf32, #tpu.memory_space<vmem>>[vector<16xi32>, vector<16xi32>], vector<16xf32>,
        %gather3A_836 = arith.constant 0 : i32
        %gather3A_837 = arith.constant 0 : i32
        %gather3A_838 = tpu.memref_slice %arg8[%rem3A_420, %gather3A_836, %gather3A_837] : memref<2x320x32xf32, #tpu.memory_space<vmem>> -> memref<1x320x32xf32, #tpu.memory_space<vmem>>
        %gather3A_839 = tpu.memref_squeeze %gather3A_838 : memref<1x320x32xf32, #tpu.memory_space<vmem>> -> memref<320x32xf32, #tpu.memory_space<vmem>>
        %gather3A_840 = tpu.vector_load_idx %gather3A_839[%add3A_596, %and3A_341] : memref<320x32xf32, #tpu.memory_space<vmem>>[vector<16xi32>, vector<16xi32>], vector<16xf32>,
        %mul3A_841 = arith.mulf %gather3A_835, %gather3A_840 : vector<16xf32>
        %add3A_842 = arith.addf %add3A_794, %mul3A_841 : vector<16xf32>
        %gather3A_843 = arith.constant 0 : i32
        %gather3A_844 = arith.constant 0 : i32
        %gather3A_845 = tpu.memref_slice %arg7[%rem3A_420, %gather3A_843, %gather3A_844] : memref<2x320x32xf32, #tpu.memory_space<vmem>> -> memref<1x320x32xf32, #tpu.memory_space<vmem>>
        %gather3A_846 = tpu.memref_squeeze %gather3A_845 : memref<1x320x32xf32, #tpu.memory_space<vmem>> -> memref<320x32xf32, #tpu.memory_space<vmem>>
        %gather3A_847 = tpu.vector_load_idx %gather3A_846[%add3A_596, %and3A_347] : memref<320x32xf32, #tpu.memory_space<vmem>>[vector<16xi32>, vector<16xi32>], vector<16xf32>,
        %gather3A_848 = arith.constant 0 : i32
        %gather3A_849 = arith.constant 0 : i32
        %gather3A_850 = tpu.memref_slice %arg8[%rem3A_420, %gather3A_848, %gather3A_849] : memref<2x320x32xf32, #tpu.memory_space<vmem>> -> memref<1x320x32xf32, #tpu.memory_space<vmem>>
        %gather3A_851 = tpu.memref_squeeze %gather3A_850 : memref<1x320x32xf32, #tpu.memory_space<vmem>> -> memref<320x32xf32, #tpu.memory_space<vmem>>
        %gather3A_852 = tpu.vector_load_idx %gather3A_851[%add3A_596, %and3A_347] : memref<320x32xf32, #tpu.memory_space<vmem>>[vector<16xi32>, vector<16xi32>], vector<16xf32>,
        %mul3A_853 = arith.mulf %gather3A_847, %gather3A_852 : vector<16xf32>
        %add3A_854 = arith.addf %add3A_806, %mul3A_853 : vector<16xf32>
        %gather3A_855 = arith.constant 0 : i32
        %gather3A_856 = arith.constant 0 : i32
        %gather3A_857 = tpu.memref_slice %arg7[%rem3A_420, %gather3A_855, %gather3A_856] : memref<2x320x32xf32, #tpu.memory_space<vmem>> -> memref<1x320x32xf32, #tpu.memory_space<vmem>>
        %gather3A_858 = tpu.memref_squeeze %gather3A_857 : memref<1x320x32xf32, #tpu.memory_space<vmem>> -> memref<320x32xf32, #tpu.memory_space<vmem>>
        %gather3A_859 = tpu.vector_load_idx %gather3A_858[%add3A_596, %and3A_353] : memref<320x32xf32, #tpu.memory_space<vmem>>[vector<16xi32>, vector<16xi32>], vector<16xf32>,
        %gather3A_860 = arith.constant 0 : i32
        %gather3A_861 = arith.constant 0 : i32
        %gather3A_862 = tpu.memref_slice %arg8[%rem3A_420, %gather3A_860, %gather3A_861] : memref<2x320x32xf32, #tpu.memory_space<vmem>> -> memref<1x320x32xf32, #tpu.memory_space<vmem>>
        %gather3A_863 = tpu.memref_squeeze %gather3A_862 : memref<1x320x32xf32, #tpu.memory_space<vmem>> -> memref<320x32xf32, #tpu.memory_space<vmem>>
        %gather3A_864 = tpu.vector_load_idx %gather3A_863[%add3A_596, %and3A_353] : memref<320x32xf32, #tpu.memory_space<vmem>>[vector<16xi32>, vector<16xi32>], vector<16xf32>,
        %mul3A_865 = arith.mulf %gather3A_859, %gather3A_864 : vector<16xf32>
        %add3A_866 = arith.addf %add3A_818, %mul3A_865 : vector<16xf32>
        %gather3A_867 = arith.constant 0 : i32
        %gather3A_868 = arith.constant 0 : i32
        %gather3A_869 = tpu.memref_slice %arg7[%rem3A_420, %gather3A_867, %gather3A_868] : memref<2x320x32xf32, #tpu.memory_space<vmem>> -> memref<1x320x32xf32, #tpu.memory_space<vmem>>
        %gather3A_870 = tpu.memref_squeeze %gather3A_869 : memref<1x320x32xf32, #tpu.memory_space<vmem>> -> memref<320x32xf32, #tpu.memory_space<vmem>>
        %gather3A_871 = tpu.vector_load_idx %gather3A_870[%add3A_596, %and3A_359] : memref<320x32xf32, #tpu.memory_space<vmem>>[vector<16xi32>, vector<16xi32>], vector<16xf32>,
        %gather3A_872 = arith.constant 0 : i32
        %gather3A_873 = arith.constant 0 : i32
        %gather3A_874 = tpu.memref_slice %arg8[%rem3A_420, %gather3A_872, %gather3A_873] : memref<2x320x32xf32, #tpu.memory_space<vmem>> -> memref<1x320x32xf32, #tpu.memory_space<vmem>>
        %gather3A_875 = tpu.memref_squeeze %gather3A_874 : memref<1x320x32xf32, #tpu.memory_space<vmem>> -> memref<320x32xf32, #tpu.memory_space<vmem>>
        %gather3A_876 = tpu.vector_load_idx %gather3A_875[%add3A_596, %and3A_359] : memref<320x32xf32, #tpu.memory_space<vmem>>[vector<16xi32>, vector<16xi32>], vector<16xf32>,
        %mul3A_877 = arith.mulf %gather3A_871, %gather3A_876 : vector<16xf32>
        %add3A_878 = arith.addf %add3A_830, %mul3A_877 : vector<16xf32>
        %gather3A_879 = arith.constant 0 : i32
        %gather3A_880 = arith.constant 0 : i32
        %gather3A_881 = tpu.memref_slice %arg7[%rem3A_420, %gather3A_879, %gather3A_880] : memref<2x320x32xf32, #tpu.memory_space<vmem>> -> memref<1x320x32xf32, #tpu.memory_space<vmem>>
        %gather3A_882 = tpu.memref_squeeze %gather3A_881 : memref<1x320x32xf32, #tpu.memory_space<vmem>> -> memref<320x32xf32, #tpu.memory_space<vmem>>
        %gather3A_883 = tpu.vector_load_idx %gather3A_882[%add3A_596, %and3A_365] : memref<320x32xf32, #tpu.memory_space<vmem>>[vector<16xi32>, vector<16xi32>], vector<16xf32>,
        %gather3A_884 = arith.constant 0 : i32
        %gather3A_885 = arith.constant 0 : i32
        %gather3A_886 = tpu.memref_slice %arg8[%rem3A_420, %gather3A_884, %gather3A_885] : memref<2x320x32xf32, #tpu.memory_space<vmem>> -> memref<1x320x32xf32, #tpu.memory_space<vmem>>
        %gather3A_887 = tpu.memref_squeeze %gather3A_886 : memref<1x320x32xf32, #tpu.memory_space<vmem>> -> memref<320x32xf32, #tpu.memory_space<vmem>>
        %gather3A_888 = tpu.vector_load_idx %gather3A_887[%add3A_596, %and3A_365] : memref<320x32xf32, #tpu.memory_space<vmem>>[vector<16xi32>, vector<16xi32>], vector<16xf32>,
        %mul3A_889 = arith.mulf %gather3A_883, %gather3A_888 : vector<16xf32>
        %add3A_890 = arith.addf %add3A_842, %mul3A_889 : vector<16xf32>
        %gather3A_891 = arith.constant 0 : i32
        %gather3A_892 = arith.constant 0 : i32
        %gather3A_893 = tpu.memref_slice %arg7[%rem3A_420, %gather3A_891, %gather3A_892] : memref<2x320x32xf32, #tpu.memory_space<vmem>> -> memref<1x320x32xf32, #tpu.memory_space<vmem>>
        %gather3A_894 = tpu.memref_squeeze %gather3A_893 : memref<1x320x32xf32, #tpu.memory_space<vmem>> -> memref<320x32xf32, #tpu.memory_space<vmem>>
        %gather3A_895 = tpu.vector_load_idx %gather3A_894[%add3A_596, %and3A_371] : memref<320x32xf32, #tpu.memory_space<vmem>>[vector<16xi32>, vector<16xi32>], vector<16xf32>,
        %gather3A_896 = arith.constant 0 : i32
        %gather3A_897 = arith.constant 0 : i32
        %gather3A_898 = tpu.memref_slice %arg8[%rem3A_420, %gather3A_896, %gather3A_897] : memref<2x320x32xf32, #tpu.memory_space<vmem>> -> memref<1x320x32xf32, #tpu.memory_space<vmem>>
        %gather3A_899 = tpu.memref_squeeze %gather3A_898 : memref<1x320x32xf32, #tpu.memory_space<vmem>> -> memref<320x32xf32, #tpu.memory_space<vmem>>
        %gather3A_900 = tpu.vector_load_idx %gather3A_899[%add3A_596, %and3A_371] : memref<320x32xf32, #tpu.memory_space<vmem>>[vector<16xi32>, vector<16xi32>], vector<16xf32>,
        %mul3A_901 = arith.mulf %gather3A_895, %gather3A_900 : vector<16xf32>
        %add3A_902 = arith.addf %add3A_854, %mul3A_901 : vector<16xf32>
        %gather3A_903 = arith.constant 0 : i32
        %gather3A_904 = arith.constant 0 : i32
        %gather3A_905 = tpu.memref_slice %arg7[%rem3A_420, %gather3A_903, %gather3A_904] : memref<2x320x32xf32, #tpu.memory_space<vmem>> -> memref<1x320x32xf32, #tpu.memory_space<vmem>>
        %gather3A_906 = tpu.memref_squeeze %gather3A_905 : memref<1x320x32xf32, #tpu.memory_space<vmem>> -> memref<320x32xf32, #tpu.memory_space<vmem>>
        %gather3A_907 = tpu.vector_load_idx %gather3A_906[%add3A_596, %and3A_377] : memref<320x32xf32, #tpu.memory_space<vmem>>[vector<16xi32>, vector<16xi32>], vector<16xf32>,
        %gather3A_908 = arith.constant 0 : i32
        %gather3A_909 = arith.constant 0 : i32
        %gather3A_910 = tpu.memref_slice %arg8[%rem3A_420, %gather3A_908, %gather3A_909] : memref<2x320x32xf32, #tpu.memory_space<vmem>> -> memref<1x320x32xf32, #tpu.memory_space<vmem>>
        %gather3A_911 = tpu.memref_squeeze %gather3A_910 : memref<1x320x32xf32, #tpu.memory_space<vmem>> -> memref<320x32xf32, #tpu.memory_space<vmem>>
        %gather3A_912 = tpu.vector_load_idx %gather3A_911[%add3A_596, %and3A_377] : memref<320x32xf32, #tpu.memory_space<vmem>>[vector<16xi32>, vector<16xi32>], vector<16xf32>,
        %mul3A_913 = arith.mulf %gather3A_907, %gather3A_912 : vector<16xf32>
        %add3A_914 = arith.addf %add3A_866, %mul3A_913 : vector<16xf32>
        %gather3A_915 = arith.constant 0 : i32
        %gather3A_916 = arith.constant 0 : i32
        %gather3A_917 = tpu.memref_slice %arg7[%rem3A_420, %gather3A_915, %gather3A_916] : memref<2x320x32xf32, #tpu.memory_space<vmem>> -> memref<1x320x32xf32, #tpu.memory_space<vmem>>
        %gather3A_918 = tpu.memref_squeeze %gather3A_917 : memref<1x320x32xf32, #tpu.memory_space<vmem>> -> memref<320x32xf32, #tpu.memory_space<vmem>>
        %gather3A_919 = tpu.vector_load_idx %gather3A_918[%add3A_596, %and3A_383] : memref<320x32xf32, #tpu.memory_space<vmem>>[vector<16xi32>, vector<16xi32>], vector<16xf32>,
        %gather3A_920 = arith.constant 0 : i32
        %gather3A_921 = arith.constant 0 : i32
        %gather3A_922 = tpu.memref_slice %arg8[%rem3A_420, %gather3A_920, %gather3A_921] : memref<2x320x32xf32, #tpu.memory_space<vmem>> -> memref<1x320x32xf32, #tpu.memory_space<vmem>>
        %gather3A_923 = tpu.memref_squeeze %gather3A_922 : memref<1x320x32xf32, #tpu.memory_space<vmem>> -> memref<320x32xf32, #tpu.memory_space<vmem>>
        %gather3A_924 = tpu.vector_load_idx %gather3A_923[%add3A_596, %and3A_383] : memref<320x32xf32, #tpu.memory_space<vmem>>[vector<16xi32>, vector<16xi32>], vector<16xf32>,
        %mul3A_925 = arith.mulf %gather3A_919, %gather3A_924 : vector<16xf32>
        %add3A_926 = arith.addf %add3A_878, %mul3A_925 : vector<16xf32>
        %gather3A_927 = arith.constant 0 : i32
        %gather3A_928 = arith.constant 0 : i32
        %gather3A_929 = tpu.memref_slice %arg7[%rem3A_420, %gather3A_927, %gather3A_928] : memref<2x320x32xf32, #tpu.memory_space<vmem>> -> memref<1x320x32xf32, #tpu.memory_space<vmem>>
        %gather3A_930 = tpu.memref_squeeze %gather3A_929 : memref<1x320x32xf32, #tpu.memory_space<vmem>> -> memref<320x32xf32, #tpu.memory_space<vmem>>
        %gather3A_931 = tpu.vector_load_idx %gather3A_930[%add3A_596, %and3A_389] : memref<320x32xf32, #tpu.memory_space<vmem>>[vector<16xi32>, vector<16xi32>], vector<16xf32>,
        %gather3A_932 = arith.constant 0 : i32
        %gather3A_933 = arith.constant 0 : i32
        %gather3A_934 = tpu.memref_slice %arg8[%rem3A_420, %gather3A_932, %gather3A_933] : memref<2x320x32xf32, #tpu.memory_space<vmem>> -> memref<1x320x32xf32, #tpu.memory_space<vmem>>
        %gather3A_935 = tpu.memref_squeeze %gather3A_934 : memref<1x320x32xf32, #tpu.memory_space<vmem>> -> memref<320x32xf32, #tpu.memory_space<vmem>>
        %gather3A_936 = tpu.vector_load_idx %gather3A_935[%add3A_596, %and3A_389] : memref<320x32xf32, #tpu.memory_space<vmem>>[vector<16xi32>, vector<16xi32>], vector<16xf32>,
        %mul3A_937 = arith.mulf %gather3A_931, %gather3A_936 : vector<16xf32>
        %add3A_938 = arith.addf %add3A_890, %mul3A_937 : vector<16xf32>
        %gather3A_939 = arith.constant 0 : i32
        %gather3A_940 = arith.constant 0 : i32
        %gather3A_941 = tpu.memref_slice %arg7[%rem3A_420, %gather3A_939, %gather3A_940] : memref<2x320x32xf32, #tpu.memory_space<vmem>> -> memref<1x320x32xf32, #tpu.memory_space<vmem>>
        %gather3A_942 = tpu.memref_squeeze %gather3A_941 : memref<1x320x32xf32, #tpu.memory_space<vmem>> -> memref<320x32xf32, #tpu.memory_space<vmem>>
        %gather3A_943 = tpu.vector_load_idx %gather3A_942[%add3A_596, %and3A_395] : memref<320x32xf32, #tpu.memory_space<vmem>>[vector<16xi32>, vector<16xi32>], vector<16xf32>,
        %gather3A_944 = arith.constant 0 : i32
        %gather3A_945 = arith.constant 0 : i32
        %gather3A_946 = tpu.memref_slice %arg8[%rem3A_420, %gather3A_944, %gather3A_945] : memref<2x320x32xf32, #tpu.memory_space<vmem>> -> memref<1x320x32xf32, #tpu.memory_space<vmem>>
        %gather3A_947 = tpu.memref_squeeze %gather3A_946 : memref<1x320x32xf32, #tpu.memory_space<vmem>> -> memref<320x32xf32, #tpu.memory_space<vmem>>
        %gather3A_948 = tpu.vector_load_idx %gather3A_947[%add3A_596, %and3A_395] : memref<320x32xf32, #tpu.memory_space<vmem>>[vector<16xi32>, vector<16xi32>], vector<16xf32>,
        %mul3A_949 = arith.mulf %gather3A_943, %gather3A_948 : vector<16xf32>
        %add3A_950 = arith.addf %add3A_902, %mul3A_949 : vector<16xf32>
        %gather3A_951 = arith.constant 0 : i32
        %gather3A_952 = arith.constant 0 : i32
        %gather3A_953 = tpu.memref_slice %arg7[%rem3A_420, %gather3A_951, %gather3A_952] : memref<2x320x32xf32, #tpu.memory_space<vmem>> -> memref<1x320x32xf32, #tpu.memory_space<vmem>>
        %gather3A_954 = tpu.memref_squeeze %gather3A_953 : memref<1x320x32xf32, #tpu.memory_space<vmem>> -> memref<320x32xf32, #tpu.memory_space<vmem>>
        %gather3A_955 = tpu.vector_load_idx %gather3A_954[%add3A_596, %and3A_401] : memref<320x32xf32, #tpu.memory_space<vmem>>[vector<16xi32>, vector<16xi32>], vector<16xf32>,
        %gather3A_956 = arith.constant 0 : i32
        %gather3A_957 = arith.constant 0 : i32
        %gather3A_958 = tpu.memref_slice %arg8[%rem3A_420, %gather3A_956, %gather3A_957] : memref<2x320x32xf32, #tpu.memory_space<vmem>> -> memref<1x320x32xf32, #tpu.memory_space<vmem>>
        %gather3A_959 = tpu.memref_squeeze %gather3A_958 : memref<1x320x32xf32, #tpu.memory_space<vmem>> -> memref<320x32xf32, #tpu.memory_space<vmem>>
        %gather3A_960 = tpu.vector_load_idx %gather3A_959[%add3A_596, %and3A_401] : memref<320x32xf32, #tpu.memory_space<vmem>>[vector<16xi32>, vector<16xi32>], vector<16xf32>,
        %mul3A_961 = arith.mulf %gather3A_955, %gather3A_960 : vector<16xf32>
        %add3A_962 = arith.addf %add3A_914, %mul3A_961 : vector<16xf32>
        %gather3A_963 = arith.constant 0 : i32
        %gather3A_964 = arith.constant 0 : i32
        %gather3A_965 = tpu.memref_slice %arg7[%rem3A_420, %gather3A_963, %gather3A_964] : memref<2x320x32xf32, #tpu.memory_space<vmem>> -> memref<1x320x32xf32, #tpu.memory_space<vmem>>
        %gather3A_966 = tpu.memref_squeeze %gather3A_965 : memref<1x320x32xf32, #tpu.memory_space<vmem>> -> memref<320x32xf32, #tpu.memory_space<vmem>>
        %gather3A_967 = tpu.vector_load_idx %gather3A_966[%add3A_596, %and3A_407] : memref<320x32xf32, #tpu.memory_space<vmem>>[vector<16xi32>, vector<16xi32>], vector<16xf32>,
        %gather3A_968 = arith.constant 0 : i32
        %gather3A_969 = arith.constant 0 : i32
        %gather3A_970 = tpu.memref_slice %arg8[%rem3A_420, %gather3A_968, %gather3A_969] : memref<2x320x32xf32, #tpu.memory_space<vmem>> -> memref<1x320x32xf32, #tpu.memory_space<vmem>>
        %gather3A_971 = tpu.memref_squeeze %gather3A_970 : memref<1x320x32xf32, #tpu.memory_space<vmem>> -> memref<320x32xf32, #tpu.memory_space<vmem>>
        %gather3A_972 = tpu.vector_load_idx %gather3A_971[%add3A_596, %and3A_407] : memref<320x32xf32, #tpu.memory_space<vmem>>[vector<16xi32>, vector<16xi32>], vector<16xf32>,
        %mul3A_973 = arith.mulf %gather3A_967, %gather3A_972 : vector<16xf32>
        %add3A_974 = arith.addf %add3A_926, %mul3A_973 : vector<16xf32>
        %gather3A_975 = arith.constant 0 : i32
        %gather3A_976 = arith.constant 0 : i32
        %gather3A_977 = tpu.memref_slice %arg7[%rem3A_420, %gather3A_975, %gather3A_976] : memref<2x320x32xf32, #tpu.memory_space<vmem>> -> memref<1x320x32xf32, #tpu.memory_space<vmem>>
        %gather3A_978 = tpu.memref_squeeze %gather3A_977 : memref<1x320x32xf32, #tpu.memory_space<vmem>> -> memref<320x32xf32, #tpu.memory_space<vmem>>
        %gather3A_979 = tpu.vector_load_idx %gather3A_978[%add3A_596, %and3A_413] : memref<320x32xf32, #tpu.memory_space<vmem>>[vector<16xi32>, vector<16xi32>], vector<16xf32>,
        %gather3A_980 = arith.constant 0 : i32
        %gather3A_981 = arith.constant 0 : i32
        %gather3A_982 = tpu.memref_slice %arg8[%rem3A_420, %gather3A_980, %gather3A_981] : memref<2x320x32xf32, #tpu.memory_space<vmem>> -> memref<1x320x32xf32, #tpu.memory_space<vmem>>
        %gather3A_983 = tpu.memref_squeeze %gather3A_982 : memref<1x320x32xf32, #tpu.memory_space<vmem>> -> memref<320x32xf32, #tpu.memory_space<vmem>>
        %gather3A_984 = tpu.vector_load_idx %gather3A_983[%add3A_596, %and3A_413] : memref<320x32xf32, #tpu.memory_space<vmem>>[vector<16xi32>, vector<16xi32>], vector<16xf32>,
        %mul3A_985 = arith.mulf %gather3A_979, %gather3A_984 : vector<16xf32>
        %add3A_986 = arith.addf %add3A_938, %mul3A_985 : vector<16xf32>
        %add3A_987 = arith.addf %add3A_950, %add3A_962 : vector<16xf32>
        %add3A_988 = arith.addf %add3A_974, %add3A_986 : vector<16xf32>
        %add3A_989 = arith.addf %add3A_987, %add3A_988 : vector<16xf32>
        %mul3A_990 = arith.constant 16 : i32
        %mul3A_991 = arith.muli %mul3A_990, %scan3A_592 : i32
        %swap3A = arith.index_cast %rem3A_420 : i32 to index
        %swap3A_992 = arith.index_cast %mul3A_991 : i32 to index
        %swap3A_993 = tpu.vector_load %arg9[%swap3A, %swap3A_992] {strides = array<i32>} : memref<2x320xf32, #tpu.memory_space<vmem>>, vector<16xf32>,
        tpu.vector_store %arg9[%swap3A, %swap3A_992], %add3A_989 {strides = array<i32>} : memref<2x320xf32, #tpu.memory_space<vmem>>, vector<16xf32>,
      }
      %scan3A_588 = arith.constant 5 : i32
      %mul3A_589 = arith.constant 320 : i32
      %mul3A_590 = arith.muli %scan3A_419, %mul3A_589 : i32
      %add3A_591 = arith.addi %mul3A_2, %mul3A_590 : i32
      "tpu.region"() ({
        %run_scoped3A = tpu.sem_alloc : memref<!tpu.dma_semaphore, #tpu.memory_space<semaphore_mem>>
        %dma_start3A_592 = arith.constant 0 : i32
        %dma_start3A_593 = tpu.memref_slice %arg9[%rem3A_420, %dma_start3A_592] : memref<2x320xf32, #tpu.memory_space<vmem>> -> memref<1x320xf32, #tpu.memory_space<vmem>>
        %dma_start3A_594 = tpu.memref_squeeze %dma_start3A_593 : memref<1x320xf32, #tpu.memory_space<vmem>> -> memref<320xf32, #tpu.memory_space<vmem>>
        %dma_start3A_595 = tpu.memref_slice %arg5[%add3A_591] : memref<1280000xf32, #tpu.memory_space<hbm>> -> memref<320xf32, #tpu.memory_space<hbm>>
        %dma_start3A_596 = tpu.memref_slice %arg5[%add3A_591] : memref<1280000xf32, #tpu.memory_space<hbm>> -> memref<320xf32, #tpu.memory_space<hbm>>
        %dma_start3A_597 = arith.constant 0 : i32
        %dma_start3A_598 = tpu.memref_slice %arg9[%rem3A_420, %dma_start3A_597] : memref<2x320xf32, #tpu.memory_space<vmem>> -> memref<1x320xf32, #tpu.memory_space<vmem>>
        %dma_start3A_599 = tpu.memref_squeeze %dma_start3A_598 : memref<1x320xf32, #tpu.memory_space<vmem>> -> memref<320xf32, #tpu.memory_space<vmem>>
        tpu.enqueue_dma source(%dma_start3A_599 : memref<320xf32, #tpu.memory_space<vmem>>) target(%dma_start3A_596 : memref<320xf32, #tpu.memory_space<hbm>>) target_semaphore(%run_scoped3A : memref<!tpu.dma_semaphore, #tpu.memory_space<semaphore_mem>>)
        %dma_wait3A_600 = arith.constant 0 : i32
        %dma_wait3A_601 = tpu.memref_slice %arg9[%rem3A_420, %dma_wait3A_600] : memref<2x320xf32, #tpu.memory_space<vmem>> -> memref<1x320xf32, #tpu.memory_space<vmem>>
        %dma_wait3A_602 = tpu.memref_squeeze %dma_wait3A_601 : memref<1x320xf32, #tpu.memory_space<vmem>> -> memref<320xf32, #tpu.memory_space<vmem>>
        %dma_wait3A_603 = tpu.memref_slice %arg5[%add3A_591] : memref<1280000xf32, #tpu.memory_space<hbm>> -> memref<320xf32, #tpu.memory_space<hbm>>
        %dma_wait3A_604 = tpu.memref_slice %arg5[%add3A_591] : memref<1280000xf32, #tpu.memory_space<hbm>> -> memref<320xf32, #tpu.memory_space<hbm>>
        %dma_wait3A_605 = arith.constant 0 : i32
        %dma_wait3A_606 = tpu.memref_slice %arg9[%rem3A_420, %dma_wait3A_605] : memref<2x320xf32, #tpu.memory_space<vmem>> -> memref<1x320xf32, #tpu.memory_space<vmem>>
        %dma_wait3A_607 = tpu.memref_squeeze %dma_wait3A_606 : memref<1x320xf32, #tpu.memory_space<vmem>> -> memref<320xf32, #tpu.memory_space<vmem>>
        tpu.wait_dma2 semaphore(%run_scoped3A : memref<!tpu.dma_semaphore, #tpu.memory_space<semaphore_mem>>) src(%dma_wait3A_607 : memref<320xf32, #tpu.memory_space<vmem>>) dst(%dma_wait3A_604 : memref<320xf32, #tpu.memory_space<hbm>>)
        tpu.yield
      }) : () -> ()
    }
    %scan3A_418 = arith.constant 125 : i32
    return
  }
}

module attributes {stable_mosaic.version = 14 : i64} {
  func.func @body(%arg0: i32, %arg1: memref<1000x128xf32, #tpu.memory_space<vmem>>, %arg2: memref<128000xf32, #tpu.memory_space<vmem>>) attributes {dimension_semantics = [#tpu.dimension_semantics<arbitrary>], iteration_bounds = array<i64: 25>, scalar_prefetch = 0 : i64, scratch_operands = 0 : i64, tpu.core_type = #tpu.core_type<tc>, window_params = [{transform_indices = @transform_0, window_bounds = array<i64: 1000, 128>}, {transform_indices = @transform_1, window_bounds = array<i64: 128000>}]} {
    %get3A = arith.constant 0 : index
    %get3A_0 = arith.constant 0 : index
    %get3A_1 = vector.load %arg1[%get3A, %get3A_0] : memref<1000x128xf32, #tpu.memory_space<vmem>>, vector<1000x128xf32>
    %iota3A = tpu.iota {dimensions = array<i32: 0>} : vector<128x128xi32>
    %jit3A = arith.constant 32 : i32
    %div3A = vector.broadcast %jit3A : i32 to vector<128x128xi32>
    %div3A_2 = arith.divsi %iota3A, %div3A : vector<128x128xi32>
    %sign3A = arith.constant 0 : i32
    %sign3A_3 = vector.broadcast %sign3A : i32 to vector<128x128xi32>
    %sign3A_4 = arith.cmpi sgt, %iota3A, %sign3A_3 : vector<128x128xi32>
    %sign3A_5 = arith.extui %sign3A_4 : vector<128x128xi1> to vector<128x128xi32>
    %sign3A_6 = arith.constant 0 : i32
    %sign3A_7 = vector.broadcast %sign3A_6 : i32 to vector<128x128xi32>
    %sign3A_8 = arith.cmpi slt, %iota3A, %sign3A_7 : vector<128x128xi32>
    %sign3A_9 = arith.extui %sign3A_8 : vector<128x128xi1> to vector<128x128xi32>
    %sign3A_10 = arith.subi %sign3A_5, %sign3A_9 : vector<128x128xi32>
    %sign3A_11 = arith.constant 0 : i32
    %sign3A_12 = arith.cmpi sgt, %jit3A, %sign3A_11 : i32
    %sign3A_13 = arith.extui %sign3A_12 : i1 to i32
    %sign3A_14 = arith.constant 0 : i32
    %sign3A_15 = arith.cmpi slt, %jit3A, %sign3A_14 : i32
    %sign3A_16 = arith.extui %sign3A_15 : i1 to i32
    %sign3A_17 = arith.subi %sign3A_13, %sign3A_16 : i32
    %ne3A = vector.broadcast %sign3A_17 : i32 to vector<128x128xi32>
    %ne3A_18 = arith.cmpi ne, %sign3A_10, %ne3A : vector<128x128xi32>
    %rem3A = vector.broadcast %jit3A : i32 to vector<128x128xi32>
    %rem3A_19 = arith.remsi %iota3A, %rem3A : vector<128x128xi32>
    %ne3A_20 = arith.constant 0 : i32
    %ne3A_21 = vector.broadcast %ne3A_20 : i32 to vector<128x128xi32>
    %ne3A_22 = arith.cmpi ne, %rem3A_19, %ne3A_21 : vector<128x128xi32>
    %and3A = arith.andi %ne3A_18, %ne3A_22 : vector<128x128xi1>
    %sub3A = arith.constant 1 : i32
    %sub3A_23 = vector.broadcast %sub3A : i32 to vector<128x128xi32>
    %sub3A_24 = arith.subi %div3A_2, %sub3A_23 : vector<128x128xi32>
    %select_n3A = arith.select %and3A, %sub3A_24, %div3A_2 : vector<128x128xi1>, vector<128x128xi32>
    %iota3A_25 = tpu.iota {dimensions = array<i32: 1>} : vector<128x128xi32>
    %jit3A_26 = arith.constant 32 : i32
    %div3A_27 = vector.broadcast %jit3A_26 : i32 to vector<128x128xi32>
    %div3A_28 = arith.divsi %iota3A_25, %div3A_27 : vector<128x128xi32>
    %sign3A_29 = arith.constant 0 : i32
    %sign3A_30 = vector.broadcast %sign3A_29 : i32 to vector<128x128xi32>
    %sign3A_31 = arith.cmpi sgt, %iota3A_25, %sign3A_30 : vector<128x128xi32>
    %sign3A_32 = arith.extui %sign3A_31 : vector<128x128xi1> to vector<128x128xi32>
    %sign3A_33 = arith.constant 0 : i32
    %sign3A_34 = vector.broadcast %sign3A_33 : i32 to vector<128x128xi32>
    %sign3A_35 = arith.cmpi slt, %iota3A_25, %sign3A_34 : vector<128x128xi32>
    %sign3A_36 = arith.extui %sign3A_35 : vector<128x128xi1> to vector<128x128xi32>
    %sign3A_37 = arith.subi %sign3A_32, %sign3A_36 : vector<128x128xi32>
    %sign3A_38 = arith.constant 0 : i32
    %sign3A_39 = arith.cmpi sgt, %jit3A_26, %sign3A_38 : i32
    %sign3A_40 = arith.extui %sign3A_39 : i1 to i32
    %sign3A_41 = arith.constant 0 : i32
    %sign3A_42 = arith.cmpi slt, %jit3A_26, %sign3A_41 : i32
    %sign3A_43 = arith.extui %sign3A_42 : i1 to i32
    %sign3A_44 = arith.subi %sign3A_40, %sign3A_43 : i32
    %ne3A_45 = vector.broadcast %sign3A_44 : i32 to vector<128x128xi32>
    %ne3A_46 = arith.cmpi ne, %sign3A_37, %ne3A_45 : vector<128x128xi32>
    %rem3A_47 = vector.broadcast %jit3A_26 : i32 to vector<128x128xi32>
    %rem3A_48 = arith.remsi %iota3A_25, %rem3A_47 : vector<128x128xi32>
    %ne3A_49 = arith.constant 0 : i32
    %ne3A_50 = vector.broadcast %ne3A_49 : i32 to vector<128x128xi32>
    %ne3A_51 = arith.cmpi ne, %rem3A_48, %ne3A_50 : vector<128x128xi32>
    %and3A_52 = arith.andi %ne3A_46, %ne3A_51 : vector<128x128xi1>
    %sub3A_53 = arith.constant 1 : i32
    %sub3A_54 = vector.broadcast %sub3A_53 : i32 to vector<128x128xi32>
    %sub3A_55 = arith.subi %div3A_28, %sub3A_54 : vector<128x128xi32>
    %select_n3A_56 = arith.select %and3A_52, %sub3A_55, %div3A_28 : vector<128x128xi1>, vector<128x128xi32>
    %eq3A = arith.cmpi eq, %select_n3A, %select_n3A_56 : vector<128x128xi32>
    %convert_element_type3A = arith.extui %eq3A : vector<128x128xi1> to vector<128x128xi32>
    %convert_element_type3A_57 = arith.sitofp %convert_element_type3A : vector<128x128xi32> to vector<128x128xf32>
    %mul3A = arith.mulf %get3A_1, %get3A_1 : vector<1000x128xf32>
    %dot_general3A = arith.constant dense<0.000000e+00> : vector<1000x128xf32>
    %dot_general3A_58 = tpu.matmul %mul3A, %convert_element_type3A_57, %dot_general3A {dimension_numbers = #tpu.dot_dimension_numbers<[1], [0], [0], [1], [0, 0, 1, 1], [], []>, transpose_lhs_hint = false} : vector<1000x128xf32>, vector<128x128xf32>, vector<1000x128xf32> -> vector<1000x128xf32>
    %sqrt3A = math.sqrt %dot_general3A_58 : vector<1000x128xf32>
    %max3A = arith.constant 9.99999996E-13 : f32
    %max3A_59 = vector.broadcast %max3A : f32 to vector<1000x128xf32>
    %max3A_60 = arith.maximumf %sqrt3A, %max3A_59 : vector<1000x128xf32>
    %div3A_61 = arith.divf %get3A_1, %max3A_60 : vector<1000x128xf32>
    %reshape3A = vector.shape_cast %div3A_61 : vector<1000x128xf32> to vector<128000xf32>
    %swap3A = arith.constant 0 : index
    %swap3A_62 = vector.load %arg2[%swap3A] : memref<128000xf32, #tpu.memory_space<vmem>>, vector<128000xf32>
    tpu.vector_store %arg2[%swap3A], %reshape3A {strides = array<i32>} : memref<128000xf32, #tpu.memory_space<vmem>>, vector<128000xf32>,
    return
  }
  func.func @transform_0(%arg0: i32) -> (i32, i32) {
    %c0_i32 = arith.constant 0 : i32
    %c0_i32_0 = arith.constant 0 : i32
    return %arg0, %c0_i32 : i32, i32
  }
  func.func @transform_1(%arg0: i32) -> i32 {
    %c0_i32 = arith.constant 0 : i32
    return %arg0 : i32
  }
}

</mosaic_0001>

<sc_bundles>
// kernel: kernel.4.cloned.1.call-start
scs
__scs_entry_jumppad:
0x0: {  	(pc) =	sbr.rel $0x88, $3  }
0x1: {  	(tag) =	ssettag $0x0;
	lr =	simm.s32 $0x1  }
0x2: {  	[smem:$0x3F9E] =	sst lr;
	_ =	strace $0xD0000000  }
0x3: {  	_ = 	snop  }
0x4: {  	_ = 	snop  }
0x5: {  	_ = 	snop  }
0x6: {  	_ = 	snop  }
0x7: {  	_ = 	snop  }
__scs_overlays_trampoline_lowered:
0x8: {  	[smem:$0x3FAD] =	sst s0  }
0x9: {  	[smem:$0x3FAE] =	sst s1  }
0xa: {  	[smem:$0x3FAF] =	sst s2  }
0xb: {  	[smem:$0x3FB0] =	sst s3  }
0xc: {  	[smem:$0x3FB1] =	sst s4  }
0xd: {  	[smem:$0x3FB2] =	sst s5  }
0xe: {  	[smem:$0x3FB3] =	sst s6  }
0xf: {  	[smem:$0x3FB4] =	sst s7  }
0x10: {  	[smem:$0x3FB5] =	sst s8  }
0x11: {  	[smem:$0x3FB6] =	sst s9;
	s0 =	simm.s32 @!p0 $0x0  }
0x12: {  	s1 =	sld [smem:$0x3F9C];
	s0 =	simm.s32 @p0 $0x1  }
0x13: {  	[smem:$0x3FB7] =	sst s0;
	s0 =	simm.s32 @!p1 $0x0  }
0x14: {  	s2 =	sld [smem:$0x3F9B];
	s0 =	simm.s32 @p1 $0x1  }
0x15: {  	[smem:$0x3FB8] =	sst s0;
	s0 =	simm.s32 @!p2 $0x0  }
0x16: {  	s3 =	sld [smem:$0x3FDB];
	s0 =	simm.s32 @p2 $0x1  }
0x17: {  	s4 =	simm.s32 $0x1BF5;
	[smem:$0x3FBA] =	sst s0  }
0x18: {  	s0 =	sld [smem:$0x3F9D];
	_ =	swait.ge [sflag:s4], $0x0  }
0x19: {  	s7 =	sld [smem:$0x3F9E]  }
0x1a: {  	s8 =	sadd.s32 $0xFFFFE003, lr  }
0x1b: {  	s9 =	sadd.s32 $0xFFFFFEF7, lr;
	s5 =	simm.s32 $0xFFFFFFFF;
	p2 =	slt.u32 s8, $0xFFFFF086  }
0x1c: {  	p1 =	slt.u32 s9, $0xF7A;
	s5 =	simm.s32 @!p2 $0x0  }
0x1d: {  	s5 =	simm.s32 @p1 $0x1;
	p0 =	seq.s32 s7, s2  }
0x1e: {  	s7 =	smul.u32 @!p0 $0xF7A, s2;
	p2 =	seq.s32 @!p0 s5, $0x0  }
0x1f: {  	s9 =	smul.u32 $0xF7A, s1;
	s8 =	simm.s32 @!p0 $0x1BF5;
	p2 =	por !p2, p0  }
0x20: {  	[sflag:s8] =	ssyncset.s32 @!p0 $0xFFFFF086;
	s6 =	sadd.s32 @!p0 s3, s7;
	s7 =	simm.s32 @!p0 $0x108  }
0x21: {  	s3 =	sadd.s32 s3, s9;
	s6 =	sadd.s32 @!p0 $0x88, s6;
	s7 =	simm.s32 @p2 $0x1082  }
0x22: {  	[simem:s7], [sflag:s8] =	dma.local @!p0 [hbm:s6], $0xF7A  }
0x23: {  	s9 =	sor.u32 $0xD0000000, s2;
	s6 =	simm.s32 $0x108;
	_ =	swait.ge @!p0 [sflag:s8], $0x0  }
0x24: {  	s3 =	sadd.s32 $0x88, s3;
	s6 =	simm.s32 @!p1 $0x1082;
	[sflag:s4] =	ssyncset.s32 $0xFFFFF086  }
0x25: {  	[simem:s6], [sflag:s4] =	dma.local [hbm:s3], $0xF7A  }
0x26: {  	[smem:$0x3F9E] =	sst s1;
	(tag) =	ssettag s2;
	_ =	strace s9  }
0x27: {  	s1 =	sld [smem:$0x3FAE]  }
0x28: {  	s2 =	sld [smem:$0x3FAF]  }
0x29: {  	s4 =	sld [smem:$0x3FB1]  }
0x2a: {  	p0 =	seq.s32 s5, $0x0;
	s5 =	sld [smem:$0x3FB2]  }
0x2b: {  	s6 =	sld [smem:$0x3FB3]  }
0x2c: {  	s7 =	sld [smem:$0x3FB4]  }
0x2d: {  	s3 =	simm.s32 $0x108;
	s8 =	sld [smem:$0x3FB5]  }
0x2e: {  	s3 =	simm.s32 @!p0 $0x1082;
	s9 =	sld [smem:$0x3FB6]  }
0x2f: {  	lr =	sadd.s32 s0, s3;
	s0 =	sld [smem:$0x3FAD]  }
0x30: {  	s3 =	sld [smem:$0x3FB0]  }
0x31: {  	[smem:$0x3FB9] =	sst s10  }
0x32: {  	s10 =	sld [smem:$0x3FB7];
	_ =	sdelay $0x3  }
0x33: {  	p0 =	seq.s32 s10, $0x1;
	s10 =	sld [smem:$0x3FB9];
	_ =	sdelay $0x3  }
0x34: {  	[smem:$0x3FB9] =	sst s10  }
0x35: {  	s10 =	sld [smem:$0x3FB8];
	_ =	sdelay $0x3  }
0x36: {  	p1 =	seq.s32 s10, $0x1;
	s10 =	sld [smem:$0x3FB9];
	_ =	sdelay $0x3  }
0x37: {  	[smem:$0x3FB9] =	sst s10  }
0x38: {  	s10 =	sld [smem:$0x3FBA]  }
0x39: {  	_ = 	snop;
	(pc) =	sbr.ind lr, $3  }
0x3a: {  	_ = 	snop  }
0x3b: {  	_ = 	snop  }
0x3c: {  	p2 =	seq.s32 s10, $0x1;
	s10 =	sld [smem:$0x3FB9]  }
0x3d: {  	_ =	shalt  }
0x3e: {  	_ =	shalt  }
0x3f: {  	_ =	shalt  }
0x40: {  	_ =	shalt  }
0x41: {  	_ =	shalt  }
0x42: {  	_ =	shalt  }
0x43: {  	_ =	shalt  }
0x44: {  	_ =	shalt  }
0x45: {  	_ =	shalt  }
0x46: {  	_ =	shalt  }
0x47: {  	_ =	shalt  }
0x48: {  	_ =	shalt  }
0x49: {  	_ =	shalt  }
0x4a: {  	_ =	shalt  }
0x4b: {  	_ =	shalt  }
0x4c: {  	_ =	shalt  }
0x4d: {  	_ =	shalt  }
0x4e: {  	_ =	shalt  }
0x4f: {  	_ =	shalt  }
0x50: {  	_ =	shalt  }
0x51: {  	_ =	shalt  }
0x52: {  	_ =	shalt  }
0x53: {  	_ =	shalt  }
0x54: {  	_ =	shalt  }
0x55: {  	_ =	shalt  }
0x56: {  	_ =	shalt  }
0x57: {  	_ =	shalt  }
0x58: {  	_ =	shalt  }
0x59: {  	_ =	shalt  }
0x5a: {  	_ =	shalt  }
0x5b: {  	_ =	shalt  }
0x5c: {  	_ =	shalt  }
0x5d: {  	_ =	shalt  }
0x5e: {  	_ =	shalt  }
0x5f: {  	_ =	shalt  }
0x60: {  	_ =	shalt  }
0x61: {  	_ =	shalt  }
0x62: {  	_ =	shalt  }
0x63: {  	_ =	shalt  }
0x64: {  	_ =	shalt  }
0x65: {  	_ =	shalt  }
0x66: {  	_ =	shalt  }
0x67: {  	_ =	shalt  }
0x68: {  	_ =	shalt  }
0x69: {  	_ =	shalt  }
0x6a: {  	_ =	shalt  }
0x6b: {  	_ =	shalt  }
0x6c: {  	_ =	shalt  }
0x6d: {  	_ =	shalt  }
0x6e: {  	_ =	shalt  }
0x6f: {  	_ =	shalt  }
0x70: {  	_ =	shalt  }
0x71: {  	_ =	shalt  }
0x72: {  	_ =	shalt  }
0x73: {  	_ =	shalt  }
0x74: {  	_ =	shalt  }
0x75: {  	_ =	shalt  }
0x76: {  	_ =	shalt  }
0x77: {  	_ =	shalt  }
0x78: {  	_ =	shalt  }
0x79: {  	_ =	shalt  }
0x7a: {  	_ =	shalt  }
0x7b: {  	_ =	shalt  }
0x7c: {  	_ =	shalt  }
0x7d: {  	_ =	shalt  }
0x7e: {  	_ =	shalt  }
0x7f: {  	_ =	shalt  }
0x80: {  	_ =	shalt  }
0x81: {  	_ =	shalt  }
0x82: {  	_ =	shalt  }
0x83: {  	_ =	shalt  }
0x84: {  	_ =	shalt  }
0x85: {  	_ =	shalt  }
0x86: {  	_ =	shalt  }
0x87: {  	_ =	shalt  }
.Lfunc_end0:
.L_simem_size_0:
called_computation_lowered:
.L_overlay_start_0:
0x88: {  	s2 =	sld [smem:$0x3FD9]  }
0x89: {  	s3 =	sld [smem:$0x3FFE];
	_ =	sdelay $0x1  }
0x8a: {  	s1 =	srdreg.scid  }
0x8b: {  	s0 =	sand.u32 $0x1, s1  }
0x8c: {  	s17 =	sshll.u32 s0, $0xA;
	s2 =	sadd.s32 s3, s2  }
0x8d: {  	s2 =	sadd.s32 s2, s17  }
0x8e: {  	[smem:$0x3FC5] =	sst s2  }
0x8f: {  	_ = 	snop  }
0x90: {  	s2 =	sld [smem:$0x3FD0];
	(tm) =	ssettm $0x1  }
0x91: {  	s18 =	sld [smem:$0x3FFB];
	_ =	sdelay $0x3  }
0x92: {  	_ =	strace s18  }
0x93: {  	s3 =	sld [smem:$0x3FFC];
	_ =	sdelay $0x3  }
0x94: {  	_ =	strace s3  }
0x95: {  	s3 =	sld [smem:$0x3FFD];
	_ =	sdelay $0x3  }
0x96: {  	_ =	strace s3  }
0x97: {  	_ =	strace $0x8FFFFFFF  }
0x98: {  	s19 =	sld [smem:$0x3FDB];
	_ =	sdelay $0x1  }
0x99: {  	s4 =	simm.s32 $_scs_section_size  }
0x9a: {  	s5 =	simm.s32 $_size__tile_overlayer_lowered;
	s6 =	simm.s32 $_tile_overlayer_lowered  }
0x9b: {  	s22 =	simm.s32 $0x1BFF;
	s21 =	sshll.u32 s6, $0x1;
	s3 =	sadd.s32 s4, s19  }
0x9c: {  	s7 =	simm.s32 $0x0;
	s20 =	sshll.u32 s5, $0x1;
	s5 =	sadd.s32 s21, s3  }
0x9d: {  	[timem:s7], [sflag:s22] =	dma.local [hbm:s5], s20  }
0x9e: {  	_ =	swait.ge [sflag:s22], s20  }
0x9f: {  	s4 =	ssub.s32 $0x0, s20;
	[sflag:s22] =	ssyncset.done $0x0  }
0xa0: {  	[sflag:s22] =	ssyncadd.s32 s4;
	_ =	sdelay $0x1  }
0xa1: {  	s23 =	simm.s32 $0x1B8B  }
0xa2: {  	_ =	swait.ge [sflag:s23], $0x1  }
0xa3: {  	[sflag:s23] =	ssyncset.done $0x0  }
0xa4: {  	s25 =	simm.s32 $0x1B8E;
	s24 =	sld [smem:$0x3FFE];
	[sflag:s23] =	ssyncadd.s32 $0xFFFFFFFF  }
0xa5: {  	s26 =	simm.s32 $execute0_lowered;
	[smem:$0x3FD2] =	sst s25  }
0xa6: {  	s5 =	sshll.u32 s26, $0x1;
	_ =	strace $0x80000046;
	[dreg:$0x1] =	wrdreg $0xFFFFFFFF  }
0xa7: {  	s28 =	simm.s32 $_size_execute0_lowered;
	s3 =	sadd.s32 s3, s5;
	[dreg:$0x0] =	wrdreg $0x0  }
0xa8: {  	s5 =	sshll.u32 s28, $0x1;
	[dreg:$0x2] =	wrdreg s3  }
0xa9: {  	[dreg:$0x3] =	wrdreg s5  }
0xaa: {  	[dreg:$0x4] =	wrdreg $0xC0  }
0xab: {  	_ =	task [dreg:s7], $0x5FFFF  }
0xac: {  	[dreg:$0x1] =	wrdreg $0xFFFFFFFF  }
0xad: {  	[dreg:$0x0] =	wrdreg $0x60  }
0xae: {  	[dreg:$0x2] =	wrdreg s24  }
0xaf: {  	[dreg:$0x3] =	wrdreg s2  }
0xb0: {  	[dreg:$0x4] =	wrdreg $0x9  }
0xb1: {  	_ =	task.clear_ibuf [dreg:s7], $0x5FFFF;
	_ =	strace $0x90000046  }
0xb2: {  	s29 =	simm.s32 $0x9;
	_ =	strace $0x80000048  }
0xb3: {  	_ =	swait.ge [sflag:s29], $0x1  }
0xb4: {  	[sflag:s29] =	ssyncadd.s32 $0xFFFFFFFF  }
0xb5: {  	_ =	strace $0x90000048  }
0xb6: {  	_ =	sfence  }
0xb7: {  	s30 =	sld [smem:$0x0];
	_ =	sdelay $0x2  }
0xb8: {  	s31 =	sshll.u32 s1, $0xD;
	s1 =	sshrl.u32 s1, $0x2  }
0xb9: {  	s3 =	sand.u32 $0x4000, s31;
	s1 =	sadd.s32 s1, s30  }
0xba: {  	s0 =	sor.u32 s3, s0;
	s1 =	sshll.u32 s1, $0x11  }
0xbb: {  	s0 =	sor.u32 s1, s0  }
0xbc: {  	s0 =	sadd.s32 $0x8F2B, s0  }
0xbd: {  	[sflag:s0] =	ssyncadd.remote.s32 $0x1  }
0xbe: {  	_ =	sfence.sel $0xFFFF  }
0xbf: {  	[dreg:$0x0] =	wrdreg $0xFFFFFFFF;
	(pc) =	sbr.abs _section_cstart, $3  }
0xc0: {  	[dreg:$0x1] =	wrdreg $0xFFFFFFFF  }
0xc1: {  	_ =	task.clear_ibuf [dreg:s7], $0x2FFFF;
	_ =	strace $0x9FFFFFFF  }
0xc2: {  	(tm) =	ssettm $0x7FFFFFFF  }
0xc3: {  	_ =	shalt  }
tec
execute0_lowered:
.L_overlay_start_1:
0x0: {  	(tag) =	ssettag $0x1  }
0x1: {  	v15 =	vlaneseq.u32;
	v1 =	vimm.s32 $0x18171615  }
0x2: {  	v2 =	vimm.s32 $0x1C1B1A19;
	v3 =	vimm.s32 $0x1F1E1D;
	v4 =	vimm.s32 $0x15141312  }
0x3: {  	v5 =	vimm.s32 $0x19181716;
	vm0 =	vcmask $0x1F10;
	v7 =	vimm.s32 $0x1D1C1B1A  }
0x4: {  	v59 =	vimm.s32 $0x1001F1E;
	v8 =	vimm.s32 $0x16151413;
	v9 =	vimm.s32 $0x1A191817  }
0x5: {  	v10 =	vimm.s32 $0x1E1D1C1B;
	v11 =	vimm.s32 $0x201001F;
	v12 =	vimm.s32 $0x3020100  }
0x6: {  	v13 =	vimm.s32 $0x1F1E1D1C;
	v14 =	vimm.s32 $0x17161514;
	v18 =	vimm.s32 $0x1B1A1918  }
0x7: {  	v19 =	vimm.s32 $0x4030201;
	vm15 =	vcmask $0x2F10;
	v60 =	vimm.s32 $0xB0A0908  }
0x8: {  	vm1 =	vcmask $0x3F30;
	v20 =	vmul.u32 $0x20, v15;
	v61 =	vadd.s32 $0x1, v15  }
0x9: {  	v63 =	vadd.s32 $0x2, v15;
	v0 =	vadd.s32 $0x3, v15;
	v53 =	vadd.s32 $0x4, v15  }
0xa: {  	v55 =	vadd.s32 $0x5, v15;
	v57 =	vadd.s32 $0x6, v15;
	v47 =	vadd.s32 $0x8, v15  }
0xb: {  	v49 =	vadd.s32 $0x9, v15;
	v51 =	vadd.s32 $0xA, v15;
	v32 =	vadd.s32 $0xB, v15  }
0xc: {  	v41 =	vadd.s32 $0xC, v15;
	v43 =	vadd.s32 $0xD, v15;
	v45 =	vadd.s32 $0xE, v15  }
0xd: {  	v17 =	vadd.s32 $0xF, v15;
	v1 =	vunpack.c.0.s8.s32 v1;
	v2 =	vunpack.c.0.s8.s32 v2  }
0xe: {  	v3 =	vunpack.c.0.s8.s32 v3;
	v4 =	vunpack.c.0.s8.s32 v4;
	v5 =	vunpack.c.0.s8.s32 v5  }
0xf: {  	v8 =	vunpack.c.0.s8.s32 v8;
	v9 =	vunpack.c.0.s8.s32 v9;
	v10 =	vunpack.c.0.s8.s32 v10  }
0x10: {  	s0 =	rddreg [dreg:$0x0];
	s3 =	simm.s32 $0x0;
	v11 =	vunpack.c.0.s8.s32 v11;
	v12 =	vunpack.c.0.s8.s32 v12;
	[tilespmem:$0x1FE00] =	vst v0;
	v0 =	vadd.s32 $0x7, v15  }
0x11: {  	v13 =	vunpack.c.0.s8.s32 v13;
	v14 =	vunpack.c.0.s8.s32 v14;
	v24 =	vunpack.c.0.s8.s32 v18;
	[smem:$0x7FF] =	sst s3;
	[tilespmem:$0x1FE10] =	vst v0  }
0x12: {  	s1 =	rddreg [dreg:$0x1];
	v23 =	vor.u32 $0x10, v15;
	v0 =	vimm.s32 $0x14131211;
	v6 =	vsel vm0, v3, v2;
	_ =	strace $0x80000047;
	[tilespmem:$0x1FE60] =	vst v20  }
0x13: {  	v12 =	vsel vm0, v12, v13;
	v14 =	vsel vm0, v24, v14;
	v0 =	vunpack.c.0.s8.s32 v0;
	[tilespmem:$0x1FEE0] =	vst v17  }
0x14: {  	v8 =	vsel vm0, v9, v8;
	v27 =	vsel vm0, v11, v10;
	v18 =	vcombine.low v14, v12;
	[tilespmem:$0x1FF10] =	vst v23  }
0x15: {  	v12 =	vunpack.c.0.s8.s32 v19;
	v14 =	vimm.s32 $0x5040302;
	[tilespmem:$0x1FF40] =	vst v41;
	v0 =	vsel vm0, v1, v0  }
0x16: {  	[tilespmem:$0x1FF50] =	vst v43;
	v1 =	vsel vm0, v2, v1;
	v2 =	vunpack.c.0.s8.s32 v14;
	v37 =	vcombine.low v0, v6  }
0x17: {  	[tilespmem:$0x1FF60] =	vst v32;
	v0 =	vsel vm0, v5, v4;
	v4 =	vunpack.c.0.s8.s32 v7;
	v7 =	vunpack.c.0.s8.s32 v59  }
0x18: {  	v16 =	vcombine.low v8, v27;
	[tilespmem:$0x1FF70] =	vst v61;
	v14 =	vimm.s32 $0x6050403;
	v8 =	vsel vm0, v12, v3  }
0x19: {  	[tilespmem:$0x1FF80] =	vst v63;
	v26 =	vsel vm0, v7, v4;
	v2 =	vsel vm0, v2, v7;
	v4 =	vsel vm0, v4, v5  }
0x1a: {  	[tilespmem:$0x1FF90] =	vst v53;
	v5 =	vimm.s32 $0x98765432;
	v21 =	vcombine.low v0, v26;
	v0 =	vunpack.c.0.s8.s32 v14  }
0x1b: {  	[tilespmem:$0x1FFA0] =	vst v55;
	v14 =	vcombine.low v1, v8;
	v35 =	vcombine.low v4, v2;
	v2 =	vimm.s32 $0x76543210  }
0x1c: {  	[tilespmem:$0x1FFB0] =	vst v45;
	v1 =	vsel vm0, v10, v9;
	v4 =	vimm.s32 $0x87654321;
	v2 =	vunpack.c.l.s4.s8 v2  }
0x1d: {  	[tilespmem:$0x1FFC0] =	vst v47;
	v8 =	vimm.s32 $0x32107654;
	v4 =	vunpack.c.l.s4.s8 v4;
	v0 =	vsel vm0, v0, v11  }
0x1e: {  	[tilespmem:$0x1FFD0] =	vst v49;
	v12 =	vcombine.low v1, v0;
	v1 =	vunpack.c.l.s4.s8 v5;
	v2 =	vunpack.c.0.s8.s32 v2  }
0x1f: {  	[tilespmem:$0x1FFE0] =	vst v51;
	v0 =	vsel vm0, v13, v24;
	v4 =	vunpack.c.0.s8.s32 v4;
	v5 =	vimm.s32 $0xA9876543  }
0x20: {  	[tilespmem:$0x1FFF0] =	vst v57;
	v5 =	vunpack.c.l.s4.s8 v5;
	v1 =	vunpack.c.0.s8.s32 v1;
	v9 =	vcombine.low v0, v2  }
0x21: {  	[tilespmem:$0x1FEC0] =	vst v16;
	v0 =	vand.u32 $0xF, v4;
	v2 =	vunpack.c.l.s4.s8 v8;
	v4 =	vimm.s32 $0x54329876  }
0x22: {  	[tilespmem:$0x1FED0] =	vst v18;
	v8 =	vimm.s32 $0xE0D0C0B;
	v30 =	vcombine.low v6, v0;
	v0 =	vand.u32 $0xF, v1  }
0x23: {  	[tilespmem:$0x1FF20] =	vst v37;
	v1 =	vunpack.c.0.s8.s32 v5;
	v5 =	vimm.s32 $0x6543A987;
	v29 =	vcombine.low v26, v0  }
0x24: {  	[tilespmem:$0x1FEF0] =	vst v14;
	v0 =	vunpack.c.0.s8.s32 v2;
	v2 =	vimm.s32 $0x43218765;
	v5 =	vunpack.c.l.s4.s8 v5  }
0x25: {  	[tilespmem:$0x1FF00] =	vst v35;
	v4 =	vunpack.c.l.s4.s8 v4;
	v6 =	vunpack.c.0.s8.s32 v60;
	v2 =	vunpack.c.l.s4.s8 v2  }
0x26: {  	s2 =	srdreg.scid;
	s4 =	stileid.u32;
	[tilespmem:$0x1FF30] =	vst v21;
	v8 =	vunpack.c.0.s8.s32 v8;
	v0 =	vand.u32 $0xF, v0;
	v5 =	vunpack.c.0.s8.s32 v5  }
0x27: {  	s11 =	simm.s32 $0x140;
	s14 =	simm.s32 $0x9;
	s15 =	simm.s32 $0x50;
	[tilespmem:$0x1FEA0] =	vst v12;
	v4 =	vunpack.c.0.s8.s32 v4;
	v2 =	vunpack.c.0.s8.s32 v2;
	v0 =	vsel vm15, v0, v13  }
0x28: {  	s28 =	simm.s32 $0xF0;
	s29 =	simm.s32 $0x2580;
	s30 =	simm.s32 $0x230;
	[tilespmem:$0x1FE70] =	vst v9;
	v1 =	vand.u32 $0xF, v1;
	v5 =	vand.u32 $0xF, v5;
	v31 =	vsel vm1, v6, v0  }
0x29: {  	s31 =	simm.s32 $0x7580;
	s2 =	sand.u32 $0x1, s2;
	s4 =	sshll.u32 s4, $0x1;
	[tilespmem:$0x1FE90] =	vst v30;
	v2 =	vand.u32 $0xF, v2;
	v5 =	vsel vm15, v5, v11;
	v11 =	vcombine.low v27, v1  }
0x2a: {  	s5 =	sadd.s32 $0x1A00, s0;
	s4 =	sor.u32 s2, s4;
	s2 =	ssub.s32 $0x2, s2;
	[tilespmem:$0x1FEB0] =	vst v29;
	v2 =	vsel vm15, v2, v3;
	v3 =	vand.u32 $0xF, v4;
	v4 =	vimm.s32 $0xC0B0A09  }
0x2b: {  	v62 =	vimm.s32 $0xD0C0B0A;
	s6 =	sadd.s32 $0x63600, s0;
	s4 =	smul.u32 $0x9C40, s4;
	s25 =	sshrl.u32 s2, $0x1;
	[tilespmem:$0x1FE20] =	vst v31;
	v4 =	vunpack.c.0.s8.s32 v4  }
0x2c: {  	s7 =	sadd.s32 $0x8A800, s0;
	s0 =	ssub.s32 s2, s25;
	s2 =	simm.s32 $0x0;
	v0 =	vsel vm1, v8, v5;
	v3 =	vsel vm15, v3, v7;
	v7 =	vunpack.c.0.s8.s32 v62;
	[tilespmem:$0x1FE50] =	vst v11  }
0x2d: {  	s9 =	sshrl.u32 s4, $0x3;
	s21 =	smax.u32 s0, $0x1;
	s0 =	simm.s32 $0xC;
	[tilespmem:$0x1FE80] =	vst v0;
	v22 =	vsel vm1, v4, v2  }
0x2e: {  	s8 =	sadd.s32 s6, s9;
	s26 =	sadd.s32 $0x28, s9;
	s9 =	sadd.s32 s7, s9;
	v3 =	vsel vm1, v7, v3;
	[tilespmem:$0x1FE30] =	vst v22  }
0x2f: {  	s10 =	sadd.s32 s6, s26;
	s18 =	sadd.s32 s7, s26;
	s26 =	simm.s32 $0x6B80;
	[tilespmem:$0x1FE40] =	vst v3  }
.LBB2_1:
0x30: {  	[tilespmem:s3], [sflag:$0x9] =	stream.linear.gather [hbm4b:s8+s3], $0x140, $0x38;
	[tilespmem:$0xAA00] =	vst v63  }
0x31: {  	_ = 	snop  }
0x32: {  	[tilespmem:s11], [sflag:$0x9] =	stream.linear.gather [hbm4b:s9+s3], $0x140, $0x38;
	[tilespmem:$0xAA00] =	vst v63  }
0x33: {  	s12 =	simm.s32 $0x280  }
0x34: {  	[tilespmem:s12], [sflag:$0xA] =	stream.linear.gather [hbm4b:s10+s3], $0x140, $0x38;
	[tilespmem:$0xAA00] =	vst v63  }
0x35: {  	s16 =	simm.s32 $0x3C0  }
0x36: {  	[tilespmem:s16], [sflag:$0xA] =	stream.linear.gather [hbm4b:s18+s3], $0x140, $0x38;
	[tilespmem:$0xAA00] =	vst v63  }
0x37: {  	_ =	swait.ge [sflag:s14], $0x140  }
0x38: {  	[sflag:s14] =	ssyncset.done $0x0  }
0x39: {  	[sflag:s14] =	ssyncadd.s32 $0xFFFFFEC0  }
0x3a: {  	_ =	swait.ge [sflag:s14], $0x140  }
0x3b: {  	[sflag:s14] =	ssyncset.done $0x0  }
0x3c: {  	s17 =	simm.s32 $0x780;
	[sflag:s14] =	ssyncadd.s32 $0xFFFFFEC0  }
0x3d: {  	[tilespmem:s17], [sflag:$0x1] =	stream.indirect.gather [hbm4b:s5+s15], $0x20, s3, s15, $0xb8;
	[tilespmem:$0xAA00] =	vst v63  }
0x3e: {  	s19 =	simm.s32 $0x5780  }
0x3f: {  	[tilespmem:s19], [sflag:$0x1] =	stream.indirect.gather [hbm4b:s5+s15], $0x20, s11, s15, $0xb8;
	[tilespmem:$0xAA00] =	vst v63  }
0x40: {  	s20 =	simm.s32 $0x1180  }
0x41: {  	[tilespmem:s20], [sflag:$0x2] =	stream.indirect.gather [hbm4b:s5+s15], $0x20, s15, s15, $0xb8;
	[tilespmem:$0xAA00] =	vst v63  }
0x42: {  	s22 =	simm.s32 $0x190;
	s13 =	simm.s32 $0x6180  }
0x43: {  	[tilespmem:s13], [sflag:$0x2] =	stream.indirect.gather [hbm4b:s5+s15], $0x20, s22, s15, $0xb8;
	[tilespmem:$0xAA00] =	vst v63  }
0x44: {  	s23 =	simm.s32 $0xA0;
	s24 =	simm.s32 $0x1B80  }
0x45: {  	[tilespmem:s24], [sflag:$0x3] =	stream.indirect.gather [hbm4b:s5+s15], $0x20, s23, s15, $0xb8;
	[tilespmem:$0xAA00] =	vst v63  }
0x46: {  	s25 =	simm.s32 $0x1E0  }
0x47: {  	[tilespmem:s26], [sflag:$0x3] =	stream.indirect.gather [hbm4b:s5+s15], $0x20, s25, s15, $0xb8;
	[tilespmem:$0xAA00] =	vst v63  }
0x48: {  	_ = 	snop  }
0x49: {  	[tilespmem:s29], [sflag:$0x4] =	stream.indirect.gather [hbm4b:s5+s15], $0x20, s28, s15, $0xb8;
	[tilespmem:$0xAA00] =	vst v63  }
0x4a: {  	p0 =	por $0x0, $0x0;
	s12 =	simm.s32 $0x0  }
0x4b: {  	[tilespmem:s31], [sflag:$0x4] =	stream.indirect.gather [hbm4b:s5+s15], $0x20, s30, s15, $0xb8;
	[tilespmem:$0xAA00] =	vst v63  }
.LBB2_2:
0x4c: {  	p1 =	seq.s32 s12, $0x7C  }
.Ltmp0:
0x4d: {  	_ = 	snop;
	(pc) =	sbr.rel @p1 .LBB2_4-.Ltmp0, $2  }
0x4e: {  	_ =	sdelay $0x2  }
0x4f: {  	s17 =	sand.u32 $0x1, s12  }
0x50: {  	s13 =	sadd.s32 $0x1, s12  }
0x51: {  	s16 =	sand.u32 $0xFF, s13  }
0x52: {  	s16 =	smul.u32 $0xAB, s16;
	_ =	sdelay $0x1  }
0x53: {  	s16 =	sshrl.u32 s16, $0x9  }
0x54: {  	s16 =	smul.u32 $0x3, s16;
	_ =	sdelay $0x1  }
0x55: {  	s13 =	ssub.s32 s13, s16  }
0x56: {  	s13 =	sand.u32 $0xFF, s13  }
0x57: {  	s24 =	sadd.s32 $0x9, s13  }
0x58: {  	_ =	swait.ge [sflag:s24], $0x140  }
0x59: {  	s19 =	sxor.u32 $0x1, s17;
	[sflag:s24] =	ssyncset.done $0x0  }
0x5a: {  	s20 =	smul.u32 $0x2800, s19;
	[sflag:s24] =	ssyncadd.s32 $0xFFFFFEC0  }
0x5b: {  	s13 =	smul.u32 $0xA00, s13;
	_ =	swait.ge [sflag:s24], $0x140  }
0x5c: {  	s22 =	sor.u32 $0x780, s20;
	s16 =	sshll.u32 s19, $0x2;
	[sflag:s24] =	ssyncset.done $0x0  }
0x5d: {  	s23 =	sor.u32 $0x1, s16;
	s13 =	sshrl.u32 s13, $0x2;
	[sflag:s24] =	ssyncadd.s32 $0xFFFFFEC0  }
0x5e: {  	[tilespmem:s22], [sflag:s23] =	stream.indirect.gather [hbm4b:s5+s15], $0x20, s13, s15, $0xb8;
	[tilespmem:$0xAA00] =	vst v63  }
0x5f: {  	p1 =	sgt.u32 s12, $0x7A;
	s25 =	sadd.s32 $0x5780, s20;
	s24 =	sadd.s32 $0x140, s13  }
0x60: {  	[tilespmem:s25], [sflag:s23] =	stream.indirect.gather [hbm4b:s5+s15], $0x20, s24, s15, $0xb8;
	[tilespmem:$0xAA00] =	vst v63  }
0x61: {  	s23 =	sadd.s32 $0x1180, s20;
	s25 =	sor.u32 $0x50, s13;
	s24 =	sor.u32 $0x2, s16  }
0x62: {  	[tilespmem:s23], [sflag:s24] =	stream.indirect.gather [hbm4b:s5+s15], $0x20, s25, s15, $0xb8;
	[tilespmem:$0xAA00] =	vst v63  }
0x63: {  	s19 =	sshllo.u32 s19, $0x2;
	s23 =	sadd.s32 $0x6180, s20;
	s25 =	sadd.s32 $0x190, s13  }
0x64: {  	[tilespmem:s23], [sflag:s24] =	stream.indirect.gather [hbm4b:s5+s15], $0x20, s25, s15, $0xb8;
	[tilespmem:$0xAA00] =	vst v63  }
0x65: {  	s22 =	sadd.s32 @!p1 $0x2, s12;
	s24 =	sadd.s32 $0x1B80, s20;
	s25 =	sadd.s32 $0xA0, s13  }
0x66: {  	[tilespmem:s24], [sflag:s19] =	stream.indirect.gather [hbm4b:s5+s15], $0x20, s25, s15, $0xb8;
	[tilespmem:$0xAA00] =	vst v63  }
0x67: {  	s16 =	sadd.s32 $0x4, s16;
	s24 =	sadd.s32 $0x6B80, s20;
	s25 =	sadd.s32 $0x1E0, s13  }
0x68: {  	[tilespmem:s24], [sflag:s19] =	stream.indirect.gather [hbm4b:s5+s15], $0x20, s25, s15, $0xb8;
	[tilespmem:$0xAA00] =	vst v63  }
0x69: {  	s23 =	sadd.s32 $0x2580, s20;
	s25 =	sadd.s32 $0xF0, s13;
	s24 =	smul.u32 @!p1 $0xAB, s22  }
0x6a: {  	[tilespmem:s23], [sflag:s16] =	stream.indirect.gather [hbm4b:s5+s15], $0x20, s25, s15, $0xb8;
	[tilespmem:$0xAA00] =	vst v63  }
0x6b: {  	s19 =	sshrl.u32 @!p1 s24, $0x9  }
0x6c: {  	s19 =	sand.u32 @!p1 $0x7F, s19  }
0x6d: {  	s20 =	sadd.s32 $0x7580, s20;
	s13 =	sadd.s32 $0x230, s13;
	s19 =	smul.u32 @!p1 $0x3, s19  }
0x6e: {  	[tilespmem:s20], [sflag:s16] =	stream.indirect.gather [hbm4b:s5+s15], $0x20, s13, s15, $0xb8;
	[tilespmem:$0xAA00] =	vst v63  }
0x6f: {  	s16 =	smul.u32 @!p1 $0x140, s22;
	s13 =	ssub.s32 @!p1 s22, s19  }
0x70: {  	s13 =	sand.u32 @!p1 $0xFF, s13  }
0x71: {  	s16 =	sadd.s32 @!p1 s4, s16;
	s19 =	smul.u32 @!p1 $0xA00, s13  }
0x72: {  	s22 =	simm.s32 @!p1 $0x0;
	s16 =	sshrl.u32 @!p1 s16, $0x3  }
0x73: {  	s13 =	sadd.s32 @!p1 $0x9, s13;
	s20 =	sadd.s32 @!p1 s6, s16;
	s19 =	sshrl.u32 @!p1 s19, $0x2  }
0x74: {  	[tilespmem:s19], [sflag:s13] =	stream.linear.gather @!p1 [hbm4b:s20+s22], $0x140, $0x38;
	[tilespmem:$0xAA00] =	vst v63  }
0x75: {  	s16 =	sadd.s32 @!p1 s7, s16;
	s19 =	sadd.s32 @!p1 $0x140, s19  }
0x76: {  	[tilespmem:s19], [sflag:s13] =	stream.linear.gather @!p1 [hbm4b:s16+s22], $0x140, $0x38;
	[tilespmem:$0xAA00] =	vst v63  }
.LBB2_4:
0x77: {  	s13 =	simm.s32 $0x0  }
0x78: {  	s20 =	sshll.u32 s17, $0x2;
	v0 =	vmov s13  }
0x79: {  	s24 =	sor.u32 $0x1, s20;
	v0 =	vshll.u32 v0, $0x5  }
0x7a: {  	_ =	swait.ge [sflag:s24], $0xA00;
	v0 =	vor.u32 v20, v0  }
0x7b: {  	[sflag:s24] =	ssyncset.done $0x0;
	v1 =	vor.u32 v31, v0  }
0x7c: {  	[sflag:s24] =	ssyncadd.s32 $0xFFFFF600  }
0x7d: {  	s19 =	smul.u32 $0x2800, s17;
	v2 =	vor.u32 v22, v0;
	_ =	swait.ge [sflag:s24], $0xA00  }
0x7e: {  	[sflag:s24] =	ssyncset.done $0x0  }
0x7f: {  	v17 =	vmov v3;
	s16 =	sor.u32 $0x780, s19;
	v3 =	vor.u32 v3, v0;
	[sflag:s24] =	ssyncadd.s32 $0xFFFFF600  }
0x80: {  	s13 =	sadd.s32 $0x5780, s19;
	v5 =	vor.u32 v9, v0;
	v38 =	vld.idx.msk [tilespmem:v1+s16+$0x0], $0xffff  }
0x81: {  	v34 =	vld.idx.msk [tilespmem:v1+s13+$0x0], $0xffff  }
0x82: {  	v7 =	vor.u32 v30, v0;
	v33 =	vld.idx.msk [tilespmem:v2+s16+$0x0], $0xffff  }
0x83: {  	v16 =	vld.idx.msk [tilespmem:v2+s13+$0x0], $0xffff  }
0x84: {  	v26 =	vmov v9;
	v9 =	vor.u32 v18, v0;
	v1 =	vld.idx.msk [tilespmem:v3+s16+$0x0], $0xffff  }
0x85: {  	v12 =	vld.idx.msk [tilespmem:v5+s16+$0x0], $0xffff  }
0x86: {  	v11 =	vor.u32 v14, v0;
	v6 =	vld.idx.msk [tilespmem:v5+s13+$0x0], $0xffff  }
0x87: {  	v10 =	vld.idx.msk [tilespmem:v7+s16+$0x0], $0xffff  }
0x88: {  	v50 =	vor.u32 v23, v0;
	v7 =	vld.idx.msk [tilespmem:v7+s13+$0x0], $0xffff  }
0x89: {  	v14 =	vld.idx.msk [tilespmem:v9+s16+$0x0], $0xffff  }
0x8a: {  	v52 =	vor.u32 v37, v0;
	v9 =	vld.idx.msk [tilespmem:v9+s13+$0x0], $0xffff  }
0x8b: {  	v36 =	vld.idx.msk [tilespmem:v11+s16+$0x0], $0xffff  }
0x8c: {  	v39 =	vor.u32 v21, v0;
	v11 =	vld.idx.msk [tilespmem:v11+s13+$0x0], $0xffff  }
0x8d: {  	v40 =	vld.idx.msk [tilespmem:v50+s16+$0x0], $0xffff  }
0x8e: {  	v13 =	vor.u32 v35, v0;
	v35 =	vld.idx.msk [tilespmem:v50+s13+$0x0], $0xffff  }
0x8f: {  	v54 =	vor.u32 v41, v0;
	v42 =	vld.idx.msk [tilespmem:v52+s16+$0x0], $0xffff  }
0x90: {  	v32 =	vmov v37;
	v56 =	vor.u32 v43, v0;
	v37 =	vld.idx.msk [tilespmem:v52+s13+$0x0], $0xffff  }
0x91: {  	v44 =	vld.idx.msk [tilespmem:v39+s16+$0x0], $0xffff  }
0x92: {  	v58 =	vor.u32 v45, v0;
	v39 =	vld.idx.msk [tilespmem:v39+s13+$0x0], $0xffff  }
0x93: {  	v8 =	vor.u32 v29, v0;
	[tilespmem:$0x1FDE0] =	vst v1;
	v1 =	vld.idx.msk [tilespmem:v3+s13+$0x0], $0xffff  }
0x94: {  	v46 =	vld.idx.msk [tilespmem:v54+s16+$0x0], $0xffff  }
0x95: {  	v59 =	vor.u32 v47, v0;
	v48 =	vld.idx.msk [tilespmem:v56+s16+$0x0], $0xffff  }
0x96: {  	v27 =	vmov v18;
	v18 =	vmov v43;
	v43 =	vld.idx.msk [tilespmem:v56+s13+$0x0], $0xffff  }
0x97: {  	v60 =	vor.u32 v49, v0;
	v50 =	vld.idx.msk [tilespmem:v58+s16+$0x0], $0xffff  }
0x98: {  	[tilespmem:$0x1FDF0] =	vst v1;
	v1 =	vld.idx.msk [tilespmem:v8+s16+$0x0], $0xffff  }
0x99: {  	v19 =	vmov v45;
	v62 =	vor.u32 v51, v0;
	v45 =	vld.idx.msk [tilespmem:v58+s13+$0x0], $0xffff  }
0x9a: {  	v52 =	vld.idx.msk [tilespmem:v59+s16+$0x0], $0xffff  }
0x9b: {  	v25 =	vmov v20;
	v20 =	vmov v47;
	v53 =	vor.u32 v53, v0;
	v47 =	vld.idx.msk [tilespmem:v59+s13+$0x0], $0xffff  }
0x9c: {  	v24 =	vmov v49;
	v49 =	vld.idx.msk [tilespmem:v60+s13+$0x0], $0xffff  }
0x9d: {  	[tilespmem:$0x1FDC0] =	vst v1;
	v1 =	vld.idx.msk [tilespmem:v8+s13+$0x0], $0xffff  }
0x9e: {  	v15 =	vmov v57;
	v57 =	vor.u32 v57, v0;
	v56 =	vld.idx.msk [tilespmem:v62+s16+$0x0], $0xffff  }
0x9f: {  	v28 =	vmov v51;
	v51 =	vld.idx.msk [tilespmem:v62+s13+$0x0], $0xffff  }
0xa0: {  	v61 =	vor.u32 v61, v0;
	v58 =	vld.idx.msk [tilespmem:v53+s16+$0x0], $0xffff  }
0xa1: {  	v53 =	vld.idx.msk [tilespmem:v53+s13+$0x0], $0xffff  }
0xa2: {  	v63 =	vor.u32 v63, v0;
	[tilespmem:$0x1FDD0] =	vst v1;
	v1 =	vld.idx.msk [tilespmem:v13+s16+$0x0], $0xffff  }
0xa3: {  	v62 =	vld.idx.msk [tilespmem:v57+s16+$0x0], $0xffff  }
0xa4: {  	v57 =	vld.idx.msk [tilespmem:v57+s13+$0x0], $0xffff  }
0xa5: {  	v5 =	vld.idx.msk [tilespmem:v61+s16+$0x0], $0xffff  }
0xa6: {  	v61 =	vld.idx.msk [tilespmem:v61+s13+$0x0], $0xffff  }
0xa7: {  	v16 =	vmul.f32 v16, v33;
	v33 =	vld.idx.msk [tilespmem:v63+s16+$0x0], $0xffff;
	[tilespmem:$0x1FDB0] =	vst v1;
	v1 =	vlaneseq.u32  }
0xa8: {  	v59 =	vor.u32 v1, v0;
	v1 =	vld [tilespmem:$0x1FE00]  }
0xa9: {  	v12 =	vmul.f32 v6, v12;
	v6 =	vld.idx.msk [tilespmem:v63+s13+$0x0], $0xffff  }
0xaa: {  	v55 =	vor.u32 v55, v0;
	v11 =	vmul.f32 v11, v36;
	v36 =	vmul.f32 v37, v42;
	v42 =	vld [tilespmem:$0x1FEE0]  }
0xab: {  	v8 =	vld.idx.msk [tilespmem:v13+s13+$0x0], $0xffff  }
0xac: {  	v13 =	vmov v41;
	v41 =	vld.idx.msk [tilespmem:v54+s13+$0x0], $0xffff  }
0xad: {  	v2 =	vor.u32 v1, v0;
	v1 =	vld [tilespmem:$0x1FE10]  }
0xae: {  	v54 =	vld.idx.msk [tilespmem:v60+s16+$0x0], $0xffff  }
0xaf: {  	v60 =	vld.idx.msk [tilespmem:v55+s16+$0x0], $0xffff  }
0xb0: {  	v34 =	vmul.f32 v34, v38;
	v37 =	vor.u32 v42, v0;
	v55 =	vld.idx.msk [tilespmem:v55+s13+$0x0], $0xffff  }
0xb1: {  	v38 =	vmul.f32 v41, v46;
	v41 =	vmul.f32 v43, v48;
	v48 =	vld [tilespmem:$0x1FEC0]  }
0xb2: {  	v3 =	vor.u32 v1, v0;
	v1 =	vld [tilespmem:$0x1FF60]  }
0xb3: {  	v4 =	vld.idx.msk [tilespmem:v59+s13+$0x0], $0xffff  }
0xb4: {  	v59 =	vld.idx.msk [tilespmem:v59+s16+$0x0], $0xffff  }
0xb5: {  	v46 =	vmul.f32 v49, v54;
	v54 =	vld.idx.msk [tilespmem:v37+s16+$0x0], $0xffff  }
0xb6: {  	v9 =	vmul.f32 v9, v14;
	v14 =	vld.idx.msk [tilespmem:v2+s16+$0x0], $0xffff  }
0xb7: {  	v7 =	vmul.f32 v7, v10;
	v10 =	vor.u32 v1, v0;
	v1 =	vld.idx.msk [tilespmem:v2+s13+$0x0], $0xffff  }
0xb8: {  	v42 =	vor.u32 v48, v0;
	v48 =	vmul.f32 v53, v58;
	v58 =	vmul.f32 v55, v60;
	v60 =	vld [tilespmem:$0x1FEA0]  }
0xb9: {  	v35 =	vmul.f32 v35, v40;
	v4 =	vmul.f32 v4, v59;
	v40 =	vld.idx.msk [tilespmem:v3+s16+$0x0], $0xffff  }
0xba: {  	v2 =	vld.idx.msk [tilespmem:v3+s13+$0x0], $0xffff  }
0xbb: {  	v4 =	vadd.f32 $0.0e+00, v4;
	v3 =	vmul.f32 v61, v5;
	v61 =	vld [tilespmem:$0x1FE80]  }
0xbc: {  	v1 =	vmul.f32 v1, v14;
	v14 =	vld [tilespmem:$0x1FE50]  }
0xbd: {  	v43 =	vmul.f32 v47, v52;
	v4 =	vadd.f32 v48, v4;
	v5 =	vld [tilespmem:$0x1FDB0]  }
0xbe: {  	v52 =	vor.u32 v60, v0;
	v47 =	vld.idx.msk [tilespmem:v10+s16+$0x0], $0xffff  }
0xbf: {  	v4 =	vadd.f32 v43, v4;
	v10 =	vld.idx.msk [tilespmem:v10+s13+$0x0], $0xffff  }
0xc0: {  	v63 =	vmul.f32 v57, v62;
	v6 =	vmul.f32 v6, v33;
	v55 =	vld.idx.msk [tilespmem:v42+s16+$0x0], $0xffff  }
0xc1: {  	v4 =	vadd.f32 v38, v4;
	v53 =	vor.u32 v61, v0;
	v0 =	vor.u32 v14, v0;
	v14 =	vld.idx.msk [tilespmem:v37+s13+$0x0], $0xffff  }
0xc2: {  	v6 =	vadd.f32 $0.0e+00, v6;
	v57 =	vld.idx.msk [tilespmem:v42+s13+$0x0], $0xffff;
	v2 =	vmul.f32 v2, v40;
	v1 =	vadd.f32 $0.0e+00, v1  }
0xc3: {  	v59 =	vld.idx.msk [tilespmem:v52+s16+$0x0], $0xffff;
	v3 =	vadd.f32 $0.0e+00, v3;
	v4 =	vadd.f32 v35, v4  }
0xc4: {  	v8 =	vmul.f32 v8, v5;
	v5 =	vld [tilespmem:$0x1FDC0];
	v1 =	vadd.f32 v2, v1;
	v2 =	vmul.f32 v10, v47  }
0xc5: {  	v6 =	vadd.f32 v63, v6;
	v3 =	vadd.f32 v58, v3;
	v58 =	vmul.f32 v51, v56;
	v10 =	vld.idx.msk [tilespmem:v52+s13+$0x0], $0xffff  }
0xc6: {  	v4 =	vadd.f32 v9, v4;
	v9 =	vld [tilespmem:$0x1FDD0];
	v1 =	vadd.f32 v2, v1;
	v2 =	vmul.f32 v14, v54  }
0xc7: {  	v60 =	vmul.f32 v45, v50;
	v3 =	vadd.f32 v46, v3;
	v62 =	vld.idx.msk [tilespmem:v53+s16+$0x0], $0xffff  }
0xc8: {  	v6 =	vadd.f32 v58, v6;
	v61 =	vld.idx.msk [tilespmem:v0+s16+$0x0], $0xffff;
	v1 =	vadd.f32 v2, v1;
	v2 =	vmul.f32 v57, v55  }
0xc9: {  	v3 =	vadd.f32 v41, v3;
	v0 =	vld.idx.msk [tilespmem:v0+s13+$0x0], $0xffff  }
0xca: {  	v6 =	vadd.f32 v60, v6;
	v63 =	vld.idx.msk [tilespmem:v53+s13+$0x0], $0xffff;
	v1 =	vadd.f32 v2, v1;
	v2 =	vmul.f32 v10, v59  }
0xcb: {  	v3 =	vadd.f32 v36, v3;
	v9 =	vmul.f32 v9, v5;
	v5 =	vld [tilespmem:$0x1FDF0];
	v14 =	vmul.f32 v39, v44  }
0xcc: {  	v1 =	vadd.f32 v2, v1;
	v2 =	vadd.f32 v12, v4;
	v4 =	vld [tilespmem:$0x1FDE0]  }
0xcd: {  	v6 =	vadd.f32 v14, v6  }
0xce: {  	v3 =	vadd.f32 v11, v3;
	v0 =	vmul.f32 v0, v61  }
0xcf: {  	v6 =	vadd.f32 v8, v6  }
0xd0: {  	v3 =	vadd.f32 v7, v3;
	v0 =	vadd.f32 v0, v1  }
0xd1: {  	s25 =	simm.s32 $0x10;
	v1 =	vmul.f32 v63, v62;
	v4 =	vmul.f32 v5, v4;
	v5 =	vadd.f32 v9, v6  }
0xd2: {  	v3 =	vadd.f32 v16, v3;
	v2 =	vadd.f32 v34, v2;
	v6 =	vmov s25  }
0xd3: {  	s19 =	simm.s32 $0x1;
	v0 =	vadd.f32 v1, v0;
	v6 =	vshll.u32 v6, $0x5;
	v4 =	vadd.f32 v4, v5  }
0xd4: {  	s19 =	simm.s32 @!p0 $0x0;
	v37 =	vor.u32 v25, v6  }
0xd5: {  	s19 =	smul.u32 $0x500, s19;
	v2 =	vadd.f32 v3, v2;
	v1 =	vor.u32 v31, v37;
	v0 =	vadd.f32 v0, v4  }
0xd6: {  	v8 =	vld [tilespmem:$0x1FFA0]  }
0xd7: {  	s19 =	sshrl.u32 s19, $0x2;
	v3 =	vor.u32 v22, v37;
	v0 =	vadd.f32 v0, v2  }
0xd8: {  	s24 =	sadd.s32 $0xA780, s19  }
0xd9: {  	v5 =	vld [tilespmem:$0x1FF90];
	v6 =	vor.u32 v24, v37;
	[tilespmem:s24+$0x0] =	vst v0  }
0xda: {  	v43 =	vld.idx.msk [tilespmem:v1+s16+$0x0], $0xffff  }
0xdb: {  	v11 =	vor.u32 v8, v37;
	v45 =	vld.idx.msk [tilespmem:v1+s13+$0x0], $0xffff  }
0xdc: {  	v46 =	vld.idx.msk [tilespmem:v3+s16+$0x0], $0xffff  }
0xdd: {  	v2 =	vor.u32 v17, v37;
	v47 =	vld.idx.msk [tilespmem:v3+s13+$0x0], $0xffff  }
0xde: {  	v7 =	vor.u32 v5, v37;
	v3 =	vor.u32 v29, v37;
	v29 =	vmov v5;
	v5 =	vld.idx.msk [tilespmem:v6+s16+$0x0], $0xffff  }
0xdf: {  	v6 =	vld.idx.msk [tilespmem:v6+s13+$0x0], $0xffff  }
0xe0: {  	v10 =	vld.idx.msk [tilespmem:v11+s16+$0x0], $0xffff  }
0xe1: {  	v11 =	vld.idx.msk [tilespmem:v11+s13+$0x0], $0xffff  }
0xe2: {  	v0 =	vor.u32 v26, v37;
	v1 =	vor.u32 v30, v37;
	v30 =	vmov v24;
	v24 =	vld [tilespmem:$0x1FE00]  }
0xe3: {  	v33 =	vld.idx.msk [tilespmem:v2+s16+$0x0], $0xffff  }
0xe4: {  	v34 =	vld.idx.msk [tilespmem:v2+s13+$0x0], $0xffff  }
0xe5: {  	v2 =	vor.u32 v27, v37;
	v27 =	vmov v8;
	v8 =	vld.idx.msk [tilespmem:v7+s16+$0x0], $0xffff  }
0xe6: {  	v9 =	vld.idx.msk [tilespmem:v7+s13+$0x0], $0xffff  }
0xe7: {  	v48 =	vld.idx.msk [tilespmem:v0+s16+$0x0], $0xffff  }
0xe8: {  	v49 =	vld.idx.msk [tilespmem:v0+s13+$0x0], $0xffff  }
0xe9: {  	v0 =	vld [tilespmem:$0x1FEF0]  }
0xea: {  	v50 =	vld.idx.msk [tilespmem:v1+s16+$0x0], $0xffff  }
0xeb: {  	v51 =	vld.idx.msk [tilespmem:v1+s13+$0x0], $0xffff  }
0xec: {  	v35 =	vld.idx.msk [tilespmem:v3+s16+$0x0], $0xffff  }
0xed: {  	v1 =	vld [tilespmem:$0x1FF00]  }
0xee: {  	v36 =	vld.idx.msk [tilespmem:v3+s13+$0x0], $0xffff;
	v3 =	vor.u32 v23, v37  }
0xef: {  	v52 =	vld.idx.msk [tilespmem:v2+s16+$0x0], $0xffff  }
0xf0: {  	v7 =	vlaneseq.u32;
	v53 =	vld.idx.msk [tilespmem:v2+s13+$0x0], $0xffff;
	v2 =	vor.u32 v32, v37  }
0xf1: {  	v14 =	vor.u32 v7, v37;
	v7 =	vld [tilespmem:$0x1FF70]  }
0xf2: {  	v32 =	vld [tilespmem:$0x1FF60];
	v0 =	vor.u32 v0, v37  }
0xf3: {  	v58 =	vld.idx.msk [tilespmem:v3+s16+$0x0], $0xffff  }
0xf4: {  	v1 =	vor.u32 v1, v37;
	v59 =	vld.idx.msk [tilespmem:v3+s13+$0x0], $0xffff  }
0xf5: {  	v60 =	vld.idx.msk [tilespmem:v2+s16+$0x0], $0xffff  }
0xf6: {  	v61 =	vld.idx.msk [tilespmem:v2+s13+$0x0], $0xffff  }
0xf7: {  	v2 =	vor.u32 v19, v37;
	v54 =	vld.idx.msk [tilespmem:v0+s16+$0x0], $0xffff  }
0xf8: {  	v56 =	vld.idx.msk [tilespmem:v0+s13+$0x0], $0xffff  }
0xf9: {  	v0 =	vor.u32 v21, v37;
	v38 =	vld.idx.msk [tilespmem:v1+s16+$0x0], $0xffff  }
0xfa: {  	v39 =	vld.idx.msk [tilespmem:v1+s13+$0x0], $0xffff  }
0xfb: {  	v23 =	vmovc v7;
	v3 =	vor.u32 v18, v37;
	v1 =	vor.u32 v13, v37;
	v13 =	vor.u32 v7, v37;
	v7 =	vld [tilespmem:$0x1FF80]  }
0xfc: {  	v42 =	vld.idx.msk [tilespmem:v2+s16+$0x0], $0xffff  }
0xfd: {  	v44 =	vld.idx.msk [tilespmem:v2+s13+$0x0], $0xffff  }
0xfe: {  	v40 =	vld.idx.msk [tilespmem:v0+s16+$0x0], $0xffff  }
0xff: {  	v4 =	vor.u32 v20, v37;
	v41 =	vld.idx.msk [tilespmem:v0+s13+$0x0], $0xffff  }
0x100: {  	v0 =	vld.idx.msk [tilespmem:v3+s16+$0x0], $0xffff  }
0x101: {  	v25 =	vmov v15;
	v15 =	vor.u32 v15, v37;
	v62 =	vld.idx.msk [tilespmem:v1+s16+$0x0], $0xffff  }
0x102: {  	v63 =	vld.idx.msk [tilespmem:v1+s13+$0x0], $0xffff  }
0x103: {  	v1 =	vld.idx.msk [tilespmem:v3+s13+$0x0], $0xffff;
	v3 =	vor.u32 v28, v37  }
0x104: {  	v2 =	vld.idx.msk [tilespmem:v4+s16+$0x0], $0xffff  }
0x105: {  	v4 =	vld.idx.msk [tilespmem:v4+s13+$0x0], $0xffff  }
0x106: {  	v22 =	vmov v7;
	v12 =	vor.u32 v7, v37;
	v7 =	vld.idx.msk [tilespmem:v15+s13+$0x0], $0xffff  }
0x107: {  	s23 =	smul.u32 $0x500, s17;
	v21 =	vmov v28;
	v28 =	vld [tilespmem:$0x1FE10]  }
0x108: {  	v55 =	vld.idx.msk [tilespmem:v3+s16+$0x0], $0xffff  }
0x109: {  	s17 =	sadd.s32 $0xA870, s19;
	s22 =	sor.u32 $0xA820, s19;
	s25 =	sshrl.u32 s23, $0x2;
	v57 =	vld.idx.msk [tilespmem:v3+s13+$0x0], $0xffff  }
0x10a: {  	s23 =	sadd.s32 $0xA7D0, s19;
	s19 =	sadd.s32 $0xA780, s25;
	s25 =	simm.s32 $0x20;
	v31 =	vmov v20;
	v26 =	vmov v19;
	v3 =	vld.idx.msk [tilespmem:v15+s16+$0x0], $0xffff  }
.LBB2_5:
0x10b: {  	_ =	sdelay $0x3  }
0x10c: {  	v15 =	vld.idx.msk [tilespmem:v14+s13+$0x0], $0xffff  }
0x10d: {  	v14 =	vld.idx.msk [tilespmem:v14+s16+$0x0], $0xffff  }
0x10e: {  	v17 =	vld.idx.msk [tilespmem:v13+s16+$0x0], $0xffff  }
0x10f: {  	v13 =	vld.idx.msk [tilespmem:v13+s13+$0x0], $0xffff  }
0x110: {  	v19 =	vld.idx.msk [tilespmem:v12+s16+$0x0], $0xffff  }
0x111: {  	v16 =	vor.u32 v24, v37;
	v12 =	vld.idx.msk [tilespmem:v12+s13+$0x0], $0xffff;
	v43 =	vmul.f32 v45, v43;
	v45 =	vmul.f32 v47, v46  }
0x112: {  	v47 =	vmul.f32 v49, v48;
	v49 =	vld [tilespmem:$0x1FEE0];
	v60 =	vmul.f32 v61, v60  }
0x113: {  	v18 =	vor.u32 v28, v37;
	v61 =	vmul.f32 v63, v62;
	v0 =	vmul.f32 v1, v0;
	v1 =	vld [tilespmem:$0x1FEC0]  }
0x114: {  	v2 =	vmul.f32 v4, v2;
	v4 =	vmul.f32 v6, v5;
	v63 =	vld [tilespmem:$0x1FE50]  }
0x115: {  	v20 =	vor.u32 v32, v37;
	v6 =	vmul.f32 v9, v8;
	v8 =	vmul.f32 v11, v10;
	v10 =	vld [tilespmem:$0x1FEA0]  }
0x116: {  	v46 =	vld.idx.msk [tilespmem:v16+s16+$0x0], $0xffff  }
0x117: {  	v16 =	vld.idx.msk [tilespmem:v16+s13+$0x0], $0xffff  }
0x118: {  	v48 =	vmul.f32 v51, v50;
	v50 =	vmul.f32 v53, v52;
	v49 =	vor.u32 v49, v37;
	v52 =	vld.idx.msk [tilespmem:v18+s16+$0x0], $0xffff  }
0x119: {  	v18 =	vld.idx.msk [tilespmem:v18+s13+$0x0], $0xffff  }
0x11a: {  	v5 =	vld.idx.msk [tilespmem:v20+s16+$0x0], $0xffff;
	v1 =	vor.u32 v1, v37  }
0x11b: {  	v53 =	vmul.f32 v59, v58;
	v11 =	vmul.f32 v15, v14;
	v15 =	vld [tilespmem:$0x1FE80]  }
0x11c: {  	v9 =	vld.idx.msk [tilespmem:v20+s13+$0x0], $0xffff;
	v13 =	vmul.f32 v13, v17;
	v12 =	vmul.f32 v12, v19;
	v10 =	vor.u32 v10, v37  }
0x11d: {  	v3 =	vmul.f32 v7, v3;
	v11 =	vadd.f32 $0.0e+00, v11;
	v14 =	vld.idx.msk [tilespmem:v49+s16+$0x0], $0xffff;
	v16 =	vmul.f32 v16, v46  }
0x11e: {  	v13 =	vadd.f32 $0.0e+00, v13;
	v12 =	vadd.f32 $0.0e+00, v12;
	v19 =	vor.u32 v63, v37;
	v62 =	vld.idx.msk [tilespmem:v49+s13+$0x0], $0xffff  }
0x11f: {  	v6 =	vadd.f32 v6, v11;
	v18 =	vmul.f32 v18, v52;
	v16 =	vadd.f32 $0.0e+00, v16;
	v7 =	vld.idx.msk [tilespmem:v1+s16+$0x0], $0xffff  }
0x120: {  	v8 =	vadd.f32 v8, v13;
	v11 =	vmul.f32 v57, v55;
	v15 =	vor.u32 v15, v37;
	v1 =	vld.idx.msk [tilespmem:v1+s13+$0x0], $0xffff  }
0x121: {  	v3 =	vadd.f32 v3, v12;
	v5 =	vmul.f32 v9, v5;
	v13 =	vld.idx.msk [tilespmem:v10+s16+$0x0], $0xffff;
	v12 =	vadd.f32 v18, v16  }
0x122: {  	v2 =	vadd.f32 v2, v6;
	v4 =	vadd.f32 v4, v8;
	v6 =	vmul.f32 v44, v42;
	v9 =	vld.idx.msk [tilespmem:v10+s13+$0x0], $0xffff  }
0x123: {  	v3 =	vadd.f32 v11, v3;
	v8 =	vld.idx.msk [tilespmem:v19+s16+$0x0], $0xffff;
	v10 =	vmul.f32 v62, v14;
	v5 =	vadd.f32 v5, v12  }
0x124: {  	v11 =	vld.idx.msk [tilespmem:v19+s13+$0x0], $0xffff;
	v2 =	vadd.f32 v61, v2;
	v0 =	vadd.f32 v0, v4;
	v4 =	vmul.f32 v41, v40  }
0x125: {  	v3 =	vadd.f32 v6, v3;
	v6 =	vld.idx.msk [tilespmem:v15+s13+$0x0], $0xffff;
	v5 =	vadd.f32 v10, v5;
	v1 =	vmul.f32 v1, v7  }
0x126: {  	v51 =	vmul.f32 v56, v54;
	v2 =	vadd.f32 v53, v2;
	v0 =	vadd.f32 v60, v0;
	v12 =	vld.idx.msk [tilespmem:v15+s16+$0x0], $0xffff  }
0x127: {  	v3 =	vadd.f32 v4, v3;
	v4 =	vmul.f32 v9, v13;
	v1 =	vadd.f32 v1, v5  }
0x128: {  	v2 =	vadd.f32 v50, v2;
	v0 =	vadd.f32 v51, v0  }
0x129: {  	v1 =	vadd.f32 v4, v1;
	v4 =	vmul.f32 v11, v8  }
0x12a: {  	v2 =	vadd.f32 v47, v2;
	v0 =	vadd.f32 v48, v0  }
0x12b: {  	v7 =	vmul.f32 v39, v38;
	v1 =	vadd.f32 v4, v1;
	v4 =	vmul.f32 v6, v12  }
0x12c: {  	v2 =	vadd.f32 v43, v2;
	v0 =	vadd.f32 v45, v0  }
0x12d: {  	v5 =	vmul.f32 v36, v35;
	v3 =	vadd.f32 v7, v3;
	v1 =	vadd.f32 v4, v1;
	v4 =	vld [tilespmem:$0x1FE60]  }
0x12e: {  	v0 =	vadd.f32 v0, v2;
	v2 =	vld [tilespmem:$0x1FE30]  }
0x12f: {  	v7 =	vmul.f32 v34, v33;
	v3 =	vadd.f32 v5, v3  }
0x130: {  	v5 =	vmov s25  }
0x131: {  	v5 =	vshll.u32 v5, $0x5;
	v3 =	vadd.f32 v7, v3  }
0x132: {  	v37 =	vor.u32 v4, v5  }
0x133: {  	v1 =	vadd.f32 v1, v3;
	v2 =	vor.u32 v2, v37  }
0x134: {  	v3 =	vld [tilespmem:$0x1FE90]  }
0x135: {  	v0 =	vadd.f32 v1, v0;
	v1 =	vld [tilespmem:$0x1FE40]  }
0x136: {  	s24 =	sadd.s32 $0x10, s24;
	v4 =	vld [tilespmem:$0x1FE20];
	v7 =	vor.u32 v21, v37  }
0x137: {  	[tilespmem:s24+$0x0] =	vst v0;
	v0 =	vld [tilespmem:$0x1FE70]  }
0x138: {  	v9 =	vor.u32 v29, v37;
	v46 =	vld.idx.msk [tilespmem:v2+s16+$0x0], $0xffff  }
0x139: {  	v47 =	vld.idx.msk [tilespmem:v2+s13+$0x0], $0xffff  }
0x13a: {  	v11 =	vor.u32 v27, v37;
	v2 =	vld [tilespmem:$0x1FEB0]  }
0x13b: {  	v55 =	vld.idx.msk [tilespmem:v7+s16+$0x0], $0xffff  }
0x13c: {  	v15 =	vor.u32 v25, v37;
	v57 =	vld.idx.msk [tilespmem:v7+s13+$0x0], $0xffff  }
0x13d: {  	v3 =	vor.u32 v3, v37;
	v8 =	vld.idx.msk [tilespmem:v9+s16+$0x0], $0xffff  }
0x13e: {  	v9 =	vld.idx.msk [tilespmem:v9+s13+$0x0], $0xffff  }
0x13f: {  	v10 =	vld.idx.msk [tilespmem:v11+s16+$0x0], $0xffff  }
0x140: {  	v1 =	vor.u32 v1, v37;
	v11 =	vld.idx.msk [tilespmem:v11+s13+$0x0], $0xffff  }
0x141: {  	v7 =	vld.idx.msk [tilespmem:v15+s13+$0x0], $0xffff  }
0x142: {  	v4 =	vor.u32 v4, v37;
	v50 =	vld.idx.msk [tilespmem:v3+s16+$0x0], $0xffff  }
0x143: {  	v51 =	vld.idx.msk [tilespmem:v3+s13+$0x0], $0xffff  }
0x144: {  	v3 =	vld [tilespmem:$0x1FF00]  }
0x145: {  	v0 =	vor.u32 v0, v37;
	v33 =	vld.idx.msk [tilespmem:v1+s16+$0x0], $0xffff  }
0x146: {  	v34 =	vld.idx.msk [tilespmem:v1+s13+$0x0], $0xffff  }
0x147: {  	v43 =	vld.idx.msk [tilespmem:v4+s16+$0x0], $0xffff  }
0x148: {  	v45 =	vld.idx.msk [tilespmem:v4+s13+$0x0], $0xffff;
	v4 =	vor.u32 v26, v37  }
0x149: {  	v1 =	vld [tilespmem:$0x1FED0];
	v2 =	vor.u32 v2, v37  }
0x14a: {  	v48 =	vld.idx.msk [tilespmem:v0+s16+$0x0], $0xffff  }
0x14b: {  	v49 =	vld.idx.msk [tilespmem:v0+s13+$0x0], $0xffff  }
0x14c: {  	v0 =	vld [tilespmem:$0x1FEF0];
	v3 =	vor.u32 v3, v37  }
0x14d: {  	v42 =	vld.idx.msk [tilespmem:v4+s16+$0x0], $0xffff  }
0x14e: {  	v35 =	vld.idx.msk [tilespmem:v2+s16+$0x0], $0xffff  }
0x14f: {  	v1 =	vor.u32 v1, v37;
	v36 =	vld.idx.msk [tilespmem:v2+s13+$0x0], $0xffff  }
0x150: {  	v2 =	vld [tilespmem:$0x1FF10]  }
0x151: {  	v38 =	vld.idx.msk [tilespmem:v3+s16+$0x0], $0xffff  }
0x152: {  	v0 =	vor.u32 v0, v37;
	v39 =	vld.idx.msk [tilespmem:v3+s13+$0x0], $0xffff  }
0x153: {  	v3 =	vld [tilespmem:$0x1FF40]  }
0x154: {  	v52 =	vld.idx.msk [tilespmem:v1+s16+$0x0], $0xffff  }
0x155: {  	v53 =	vld.idx.msk [tilespmem:v1+s13+$0x0], $0xffff;
	v2 =	vor.u32 v2, v37  }
0x156: {  	v1 =	vld [tilespmem:$0x1FF20]  }
0x157: {  	v54 =	vld.idx.msk [tilespmem:v0+s16+$0x0], $0xffff  }
0x158: {  	v56 =	vld.idx.msk [tilespmem:v0+s13+$0x0], $0xffff  }
0x159: {  	v5 =	vor.u32 v31, v37;
	v0 =	vld [tilespmem:$0x1FF30]  }
0x15a: {  	v3 =	vor.u32 v3, v37;
	v58 =	vld.idx.msk [tilespmem:v2+s16+$0x0], $0xffff  }
0x15b: {  	v59 =	vld.idx.msk [tilespmem:v2+s13+$0x0], $0xffff  }
0x15c: {  	v1 =	vor.u32 v1, v37;
	v2 =	vld [tilespmem:$0x1FF50]  }
0x15d: {  	v44 =	vld.idx.msk [tilespmem:v4+s13+$0x0], $0xffff  }
0x15e: {  	v4 =	vld.idx.msk [tilespmem:v5+s13+$0x0], $0xffff;
	v0 =	vor.u32 v0, v37  }
0x15f: {  	v62 =	vld.idx.msk [tilespmem:v3+s16+$0x0], $0xffff  }
0x160: {  	v63 =	vld.idx.msk [tilespmem:v3+s13+$0x0], $0xffff;
	v3 =	vor.u32 v30, v37  }
0x161: {  	v60 =	vld.idx.msk [tilespmem:v1+s16+$0x0], $0xffff;
	v2 =	vor.u32 v2, v37  }
0x162: {  	v61 =	vld.idx.msk [tilespmem:v1+s13+$0x0], $0xffff  }
0x163: {  	v40 =	vld.idx.msk [tilespmem:v0+s16+$0x0], $0xffff  }
0x164: {  	v41 =	vld.idx.msk [tilespmem:v0+s13+$0x0], $0xffff  }
0x165: {  	p1 =	sne.s32 s25, $0x40;
	v6 =	vld.idx.msk [tilespmem:v3+s13+$0x0], $0xffff  }
.Ltmp1:
0x166: {  	v0 =	vld.idx.msk [tilespmem:v2+s16+$0x0], $0xffff;
	(pc) =	sbr.rel @p1 .LBB2_5-.Ltmp1, $4  }
0x167: {  	v1 =	vld.idx.msk [tilespmem:v2+s13+$0x0], $0xffff  }
0x168: {  	v2 =	vld.idx.msk [tilespmem:v5+s16+$0x0], $0xffff  }
0x169: {  	v5 =	vld.idx.msk [tilespmem:v3+s16+$0x0], $0xffff;
	v3 =	vlaneseq.u32  }
0x16a: {  	s25 =	sadd.s32 $0x10, s25;
	v13 =	vor.u32 v23, v37;
	v12 =	vor.u32 v22, v37;
	v14 =	vor.u32 v3, v37;
	v3 =	vld.idx.msk [tilespmem:v15+s16+$0x0], $0xffff  }
0x16b: {  	_ =	sdelay $0x3  }
0x16c: {  	v15 =	vld.idx.msk [tilespmem:v14+s13+$0x0], $0xffff  }
0x16d: {  	v14 =	vld.idx.msk [tilespmem:v14+s16+$0x0], $0xffff  }
0x16e: {  	v16 =	vor.u32 v24, v37;
	v17 =	vld.idx.msk [tilespmem:v13+s16+$0x0], $0xffff  }
0x16f: {  	v13 =	vld.idx.msk [tilespmem:v13+s13+$0x0], $0xffff  }
0x170: {  	v20 =	vld.idx.msk [tilespmem:v12+s16+$0x0], $0xffff  }
0x171: {  	v19 =	vmul.f32 v45, v43;
	v43 =	vmul.f32 v47, v46;
	v12 =	vld.idx.msk [tilespmem:v12+s13+$0x0], $0xffff  }
0x172: {  	v18 =	vor.u32 v28, v37;
	v47 =	vmul.f32 v51, v50;
	v50 =	vmul.f32 v56, v54;
	v56 =	vld [tilespmem:$0x1FEE0]  }
0x173: {  	v46 =	vmul.f32 v49, v48;
	v48 =	vld.idx.msk [tilespmem:v16+s16+$0x0], $0xffff  }
0x174: {  	v16 =	vld.idx.msk [tilespmem:v16+s13+$0x0], $0xffff  }
0x175: {  	v45 =	vor.u32 v32, v37;
	v62 =	vmul.f32 v63, v62;
	v63 =	vld [tilespmem:$0x1FEC0];
	v2 =	vmul.f32 v4, v2  }
0x176: {  	v4 =	vmul.f32 v6, v5;
	v6 =	vmul.f32 v9, v8;
	v9 =	vld [tilespmem:$0x1FEA0]  }
0x177: {  	v60 =	vmul.f32 v61, v60;
	v61 =	vld.idx.msk [tilespmem:v18+s16+$0x0], $0xffff  }
0x178: {  	v0 =	vmul.f32 v1, v0;
	v51 =	vor.u32 v56, v37;
	v1 =	vld.idx.msk [tilespmem:v18+s13+$0x0], $0xffff  }
0x179: {  	v16 =	vmul.f32 v16, v48;
	v48 =	vld [tilespmem:$0x1FE50]  }
0x17a: {  	v8 =	vmul.f32 v11, v10;
	v18 =	vor.u32 v63, v37;
	v5 =	vld.idx.msk [tilespmem:v45+s16+$0x0], $0xffff;
	v11 =	vmul.f32 v15, v14  }
0x17b: {  	v49 =	vmul.f32 v53, v52;
	v13 =	vmul.f32 v13, v17;
	v14 =	vld [tilespmem:$0x1FE80]  }
0x17c: {  	v10 =	vld.idx.msk [tilespmem:v45+s13+$0x0], $0xffff;
	v12 =	vmul.f32 v12, v20;
	v11 =	vadd.f32 $0.0e+00, v11;
	v9 =	vor.u32 v9, v37  }
0x17d: {  	v52 =	vmul.f32 v59, v58;
	v3 =	vmul.f32 v7, v3;
	v13 =	vadd.f32 $0.0e+00, v13;
	v15 =	vld.idx.msk [tilespmem:v51+s16+$0x0], $0xffff  }
0x17e: {  	v12 =	vadd.f32 $0.0e+00, v12;
	v6 =	vadd.f32 v6, v11;
	v20 =	vld.idx.msk [tilespmem:v51+s13+$0x0], $0xffff;
	v17 =	vor.u32 v48, v37  }
0x17f: {  	v8 =	vadd.f32 v8, v13;
	v7 =	vld.idx.msk [tilespmem:v18+s16+$0x0], $0xffff;
	v1 =	vmul.f32 v1, v61;
	v16 =	vadd.f32 $0.0e+00, v16  }
0x180: {  	v11 =	vmul.f32 v57, v55;
	v3 =	vadd.f32 v3, v12;
	v14 =	vor.u32 v14, v37;
	v18 =	vld.idx.msk [tilespmem:v18+s13+$0x0], $0xffff  }
0x181: {  	v5 =	vmul.f32 v10, v5;
	v2 =	vadd.f32 v2, v6;
	v13 =	vld.idx.msk [tilespmem:v9+s16+$0x0], $0xffff;
	v1 =	vadd.f32 v1, v16  }
0x182: {  	v4 =	vadd.f32 v4, v8;
	v6 =	vmul.f32 v44, v42;
	v3 =	vadd.f32 v11, v3;
	v9 =	vld.idx.msk [tilespmem:v9+s13+$0x0], $0xffff  }
0x183: {  	v2 =	vadd.f32 v62, v2;
	v1 =	vadd.f32 v5, v1;
	v5 =	vmul.f32 v20, v15;
	v8 =	vld.idx.msk [tilespmem:v17+s16+$0x0], $0xffff  }
0x184: {  	v0 =	vadd.f32 v0, v4;
	v4 =	vmul.f32 v41, v40;
	v3 =	vadd.f32 v6, v3;
	v10 =	vld.idx.msk [tilespmem:v17+s13+$0x0], $0xffff  }
0x185: {  	v11 =	vld.idx.msk [tilespmem:v14+s16+$0x0], $0xffff;
	v2 =	vadd.f32 v52, v2;
	v1 =	vadd.f32 v5, v1;
	v5 =	vmul.f32 v18, v7  }
0x186: {  	v6 =	vld.idx.msk [tilespmem:v14+s13+$0x0], $0xffff;
	v0 =	vadd.f32 v60, v0;
	v3 =	vadd.f32 v4, v3  }
0x187: {  	v7 =	vmul.f32 v39, v38;
	v4 =	vmul.f32 v9, v13;
	v1 =	vadd.f32 v5, v1  }
0x188: {  	v2 =	vadd.f32 v49, v2;
	v0 =	vadd.f32 v50, v0;
	v5 =	vmul.f32 v36, v35  }
0x189: {  	v3 =	vadd.f32 v7, v3;
	v1 =	vadd.f32 v4, v1;
	v4 =	vmul.f32 v10, v8  }
0x18a: {  	v2 =	vadd.f32 v46, v2;
	v0 =	vadd.f32 v47, v0;
	v7 =	vmul.f32 v34, v33  }
0x18b: {  	v3 =	vadd.f32 v5, v3;
	v1 =	vadd.f32 v4, v1;
	v4 =	vmul.f32 v6, v11  }
0x18c: {  	v2 =	vadd.f32 v19, v2;
	v0 =	vadd.f32 v43, v0  }
0x18d: {  	v3 =	vadd.f32 v7, v3;
	v1 =	vadd.f32 v4, v1;
	_ =	sdelay $0x1  }
0x18e: {  	v0 =	vadd.f32 v0, v2;
	v1 =	vadd.f32 v1, v3;
	_ =	sdelay $0x1  }
0x18f: {  	v0 =	vadd.f32 v1, v0  }
0x190: {  	s25 =	simm.s32 $0x50;
	s24 =	sadd.s32 $0x10, s24  }
0x191: {  	v1 =	vmov s25;
	s25 =	sadd.s32 $0x2, s20;
	[tilespmem:s24+$0x0] =	vst v0  }
0x192: {  	_ =	swait.ge [sflag:s25], $0xA00  }
0x193: {  	[sflag:s25] =	ssyncset.done $0x0  }
0x194: {  	v0 =	vshll.u32 v1, $0x5;
	v1 =	vld [tilespmem:$0x1FE60];
	[sflag:s25] =	ssyncadd.s32 $0xFFFFF600  }
0x195: {  	v62 =	vld [tilespmem:$0x1FE20];
	_ =	swait.ge [sflag:s25], $0xA00  }
0x196: {  	v63 =	vld [tilespmem:$0x1FE30]  }
0x197: {  	v12 =	vld [tilespmem:$0x1FE40]  }
0x198: {  	v18 =	vld [tilespmem:$0x1FE70]  }
0x199: {  	v33 =	vld [tilespmem:$0x1FE90]  }
0x19a: {  	v34 =	vld [tilespmem:$0x1FEB0];
	v0 =	vor.u32 v1, v0  }
0x19b: {  	v9 =	vld [tilespmem:$0x1FED0];
	v1 =	vor.u32 v62, v0  }
0x19c: {  	v11 =	vld [tilespmem:$0x1FEF0]  }
0x19d: {  	v52 =	vld [tilespmem:$0x1FF30];
	v55 =	vor.u32 v26, v0  }
0x19e: {  	[sflag:s25] =	ssyncset.done $0x0;
	v53 =	vld [tilespmem:$0x1FF40]  }
0x19f: {  	v54 =	vld [tilespmem:$0x1FF50];
	[sflag:s25] =	ssyncadd.s32 $0xFFFFF600;
	v56 =	vor.u32 v31, v0  }
0x1a0: {  	v4 =	vld.idx.msk [tilespmem:v1+s16+$0x0], $0xffff  }
0x1a1: {  	v57 =	vor.u32 v30, v0;
	v1 =	vld.idx.msk [tilespmem:v1+s13+$0x0], $0xffff  }
0x1a2: {  	v44 =	vld.idx.msk [tilespmem:v55+s16+$0x0], $0xffff  }
0x1a3: {  	v58 =	vor.u32 v21, v0;
	v39 =	vld.idx.msk [tilespmem:v55+s13+$0x0], $0xffff  }
0x1a4: {  	v46 =	vld.idx.msk [tilespmem:v56+s16+$0x0], $0xffff  }
0x1a5: {  	v59 =	vor.u32 v29, v0;
	v41 =	vld.idx.msk [tilespmem:v56+s13+$0x0], $0xffff  }
0x1a6: {  	v48 =	vld.idx.msk [tilespmem:v57+s16+$0x0], $0xffff  }
0x1a7: {  	v60 =	vor.u32 v27, v0;
	v43 =	vld.idx.msk [tilespmem:v57+s13+$0x0], $0xffff  }
0x1a8: {  	v50 =	vld.idx.msk [tilespmem:v58+s16+$0x0], $0xffff  }
0x1a9: {  	v3 =	vor.u32 v12, v0;
	v45 =	vld.idx.msk [tilespmem:v58+s13+$0x0], $0xffff  }
0x1aa: {  	v61 =	vor.u32 v25, v0;
	v19 =	vor.u32 v52, v0;
	v52 =	vld.idx.msk [tilespmem:v59+s16+$0x0], $0xffff  }
0x1ab: {  	v2 =	vor.u32 v63, v0;
	v47 =	vld.idx.msk [tilespmem:v59+s13+$0x0], $0xffff  }
0x1ac: {  	v37 =	vor.u32 v54, v0;
	v54 =	vld.idx.msk [tilespmem:v60+s16+$0x0], $0xffff  }
0x1ad: {  	v49 =	vld.idx.msk [tilespmem:v60+s13+$0x0], $0xffff  }
0x1ae: {  	v7 =	vor.u32 v33, v0;
	v8 =	vld.idx.msk [tilespmem:v3+s16+$0x0], $0xffff  }
0x1af: {  	v56 =	vld.idx.msk [tilespmem:v61+s16+$0x0], $0xffff  }
0x1b0: {  	v9 =	vor.u32 v9, v0;
	v6 =	vld.idx.msk [tilespmem:v2+s16+$0x0], $0xffff  }
0x1b1: {  	v2 =	vld.idx.msk [tilespmem:v2+s13+$0x0], $0xffff  }
0x1b2: {  	v11 =	vor.u32 v11, v0;
	v3 =	vld.idx.msk [tilespmem:v3+s13+$0x0], $0xffff  }
0x1b3: {  	v10 =	vld.idx.msk [tilespmem:v7+s16+$0x0], $0xffff;
	[tilespmem:$0x1FD90] =	vst v8;
	v8 =	vor.u32 v34, v0  }
0x1b4: {  	v7 =	vld.idx.msk [tilespmem:v7+s13+$0x0], $0xffff  }
0x1b5: {  	v14 =	vld.idx.msk [tilespmem:v9+s16+$0x0], $0xffff  }
0x1b6: {  	v9 =	vld.idx.msk [tilespmem:v9+s13+$0x0], $0xffff  }
0x1b7: {  	v16 =	vld.idx.msk [tilespmem:v11+s16+$0x0], $0xffff  }
0x1b8: {  	v35 =	vor.u32 v53, v0;
	v13 =	vld.idx.msk [tilespmem:v8+s16+$0x0], $0xffff  }
0x1b9: {  	v8 =	vld.idx.msk [tilespmem:v8+s13+$0x0], $0xffff  }
0x1ba: {  	v11 =	vld.idx.msk [tilespmem:v11+s13+$0x0], $0xffff  }
0x1bb: {  	v38 =	vld.idx.msk [tilespmem:v19+s16+$0x0], $0xffff  }
0x1bc: {  	v19 =	vld.idx.msk [tilespmem:v19+s13+$0x0], $0xffff  }
0x1bd: {  	v55 =	vor.u32 v23, v0;
	v40 =	vld.idx.msk [tilespmem:v35+s16+$0x0], $0xffff  }
0x1be: {  	[tilespmem:$0x1FD80] =	vst v8;
	v8 =	vld [tilespmem:$0x1FF10]  }
0x1bf: {  	v35 =	vld.idx.msk [tilespmem:v35+s13+$0x0], $0xffff  }
0x1c0: {  	v57 =	vor.u32 v22, v0;
	v42 =	vld.idx.msk [tilespmem:v37+s16+$0x0], $0xffff  }
0x1c1: {  	v58 =	vlaneseq.u32;
	v37 =	vld.idx.msk [tilespmem:v37+s13+$0x0], $0xffff  }
0x1c2: {  	v53 =	vor.u32 v58, v0;
	v60 =	vld.idx.msk [tilespmem:v55+s16+$0x0], $0xffff  }
0x1c3: {  	v5 =	vor.u32 v18, v0;
	v15 =	vor.u32 v8, v0;
	v8 =	vld [tilespmem:$0x1FF20]  }
0x1c4: {  	v55 =	vld.idx.msk [tilespmem:v55+s13+$0x0], $0xffff  }
0x1c5: {  	v1 =	vmul.f32 v1, v4;
	v4 =	vld.idx.msk [tilespmem:v57+s16+$0x0], $0xffff;
	v41 =	vmul.f32 v41, v46  }
0x1c6: {  	v46 =	vmul.f32 v47, v52;
	v47 =	vmul.f32 v49, v54;
	v54 =	vld [tilespmem:$0x1FEA0]  }
0x1c7: {  	v58 =	vld.idx.msk [tilespmem:v53+s13+$0x0], $0xffff  }
0x1c8: {  	[tilespmem:$0x1FDA0] =	vst v3;
	v3 =	vld.idx.msk [tilespmem:v5+s16+$0x0], $0xffff;
	v51 =	vor.u32 v8, v0  }
0x1c9: {  	v5 =	vld.idx.msk [tilespmem:v5+s13+$0x0], $0xffff  }
0x1ca: {  	[tilespmem:$0x1FD70] =	vst v13;
	v13 =	vld [tilespmem:$0x1FF00]  }
0x1cb: {  	v59 =	vor.u32 v24, v0;
	v20 =	vld.idx.msk [tilespmem:v15+s16+$0x0], $0xffff  }
0x1cc: {  	v15 =	vld.idx.msk [tilespmem:v15+s13+$0x0], $0xffff  }
0x1cd: {  	v36 =	vld.idx.msk [tilespmem:v51+s16+$0x0], $0xffff  }
0x1ce: {  	v17 =	vld.idx.msk [tilespmem:v51+s13+$0x0], $0xffff  }
0x1cf: {  	v2 =	vmul.f32 v2, v6;
	v51 =	vld.idx.msk [tilespmem:v61+s13+$0x0], $0xffff;
	v61 =	vor.u32 v28, v0  }
0x1d0: {  	v6 =	vmul.f32 v7, v10;
	v10 =	vmul.f32 v11, v16;
	v11 =	vld.idx.msk [tilespmem:v59+s16+$0x0], $0xffff  }
0x1d1: {  	v3 =	vmul.f32 v5, v3;
	v5 =	vld.idx.msk [tilespmem:v57+s13+$0x0], $0xffff  }
0x1d2: {  	v9 =	vmul.f32 v9, v14;
	v14 =	vmul.f32 v15, v20;
	v15 =	vld.idx.msk [tilespmem:v59+s13+$0x0], $0xffff  }
0x1d3: {  	v13 =	vor.u32 v13, v0;
	v59 =	vld [tilespmem:$0x1FEE0]  }
0x1d4: {  	v20 =	vmul.f32 v35, v40;
	v35 =	vld.idx.msk [tilespmem:v61+s16+$0x0], $0xffff  }
0x1d5: {  	v16 =	vmul.f32 v17, v36;
	v36 =	vmul.f32 v37, v42;
	v37 =	vld.idx.msk [tilespmem:v61+s13+$0x0], $0xffff  }
0x1d6: {  	v61 =	vld [tilespmem:$0x1FEC0]  }
0x1d7: {  	v53 =	vld.idx.msk [tilespmem:v53+s16+$0x0], $0xffff;
	v7 =	vor.u32 v32, v0  }
0x1d8: {  	v8 =	vld.idx.msk [tilespmem:v13+s16+$0x0], $0xffff  }
0x1d9: {  	v17 =	vor.u32 v59, v0;
	v59 =	vld [tilespmem:$0x1FE80]  }
0x1da: {  	v4 =	vmul.f32 v5, v4;
	v5 =	vmul.f32 v15, v11;
	v11 =	vld [tilespmem:$0x1FE50]  }
0x1db: {  	v13 =	vld.idx.msk [tilespmem:v13+s13+$0x0], $0xffff;
	v40 =	vor.u32 v61, v0  }
0x1dc: {  	v57 =	vmul.f32 v58, v53;
	v42 =	vmul.f32 v43, v48;
	v43 =	vld.idx.msk [tilespmem:v7+s16+$0x0], $0xffff  }
0x1dd: {  	v48 =	vor.u32 v54, v0;
	v7 =	vld.idx.msk [tilespmem:v7+s13+$0x0], $0xffff  }
0x1de: {  	v15 =	vadd.f32 $0.0e+00, v57;
	v54 =	vld.idx.msk [tilespmem:v17+s16+$0x0], $0xffff  }
0x1df: {  	v5 =	vadd.f32 $0.0e+00, v5;
	v53 =	vor.u32 v59, v0;
	v0 =	vor.u32 v11, v0;
	v11 =	vld.idx.msk [tilespmem:v17+s13+$0x0], $0xffff  }
0x1e0: {  	v15 =	vadd.f32 v46, v15;
	v61 =	vmul.f32 v51, v56;
	v35 =	vmul.f32 v37, v35;
	v51 =	vld.idx.msk [tilespmem:v40+s16+$0x0], $0xffff  }
0x1e1: {  	v58 =	vmul.f32 v55, v60;
	v55 =	vld.idx.msk [tilespmem:v40+s13+$0x0], $0xffff  }
0x1e2: {  	v15 =	vadd.f32 v41, v15;
	v57 =	vld.idx.msk [tilespmem:v48+s16+$0x0], $0xffff;
	v7 =	vmul.f32 v7, v43;
	v5 =	vadd.f32 v35, v5  }
0x1e3: {  	v39 =	vmul.f32 v39, v44;
	v60 =	vadd.f32 $0.0e+00, v58;
	v4 =	vadd.f32 $0.0e+00, v4;
	v58 =	vld.idx.msk [tilespmem:v48+s13+$0x0], $0xffff  }
0x1e4: {  	v5 =	vadd.f32 v7, v5;
	v59 =	vld.idx.msk [tilespmem:v0+s16+$0x0], $0xffff;
	v7 =	vmul.f32 v11, v54;
	v11 =	vadd.f32 v20, v15  }
0x1e5: {  	v17 =	vadd.f32 v47, v60;
	v56 =	vmul.f32 v45, v50;
	v4 =	vadd.f32 v61, v4;
	v0 =	vld.idx.msk [tilespmem:v0+s13+$0x0], $0xffff  }
0x1e6: {  	v61 =	vld.idx.msk [tilespmem:v53+s16+$0x0], $0xffff;
	v5 =	vadd.f32 v7, v5;
	v11 =	vadd.f32 v14, v11;
	v7 =	vmul.f32 v55, v51  }
0x1e7: {  	v13 =	vmul.f32 v13, v8;
	v17 =	vadd.f32 v42, v17;
	v4 =	vadd.f32 v56, v4;
	v20 =	vld.idx.msk [tilespmem:v53+s13+$0x0], $0xffff  }
0x1e8: {  	v8 =	vld [tilespmem:$0x1FD70];
	v9 =	vadd.f32 v9, v11;
	v5 =	vadd.f32 v7, v5;
	v7 =	vmul.f32 v58, v57  }
0x1e9: {  	v60 =	vmul.f32 v19, v38;
	v15 =	vadd.f32 v36, v17;
	v4 =	vadd.f32 v39, v4;
	v11 =	vld [tilespmem:$0x1FD80]  }
0x1ea: {  	v0 =	vmul.f32 v0, v59;
	v3 =	vadd.f32 v3, v9;
	v9 =	vld [tilespmem:$0x1FDA0];
	v5 =	vadd.f32 v7, v5  }
0x1eb: {  	v14 =	vadd.f32 v16, v15;
	v7 =	vld [tilespmem:$0x1FD90]  }
0x1ec: {  	v4 =	vadd.f32 v60, v4;
	v0 =	vadd.f32 v0, v5;
	v5 =	vmul.f32 v20, v61  }
0x1ed: {  	v10 =	vadd.f32 v10, v14  }
0x1ee: {  	v4 =	vadd.f32 v13, v4;
	v8 =	vmul.f32 v11, v8;
	v0 =	vadd.f32 v5, v0;
	v5 =	vld [tilespmem:$0x1FE60];
	_ =	sdelay $0x1  }
0x1ef: {  	s25 =	simm.s32 $0x60;
	v6 =	vadd.f32 v6, v10;
	v4 =	vadd.f32 v8, v4;
	v7 =	vmul.f32 v9, v7  }
0x1f0: {  	v1 =	vadd.f32 v1, v3;
	v8 =	vmov s25  }
0x1f1: {  	v2 =	vadd.f32 v2, v6;
	v3 =	vshll.u32 v8, $0x5;
	v4 =	vadd.f32 v7, v4  }
0x1f2: {  	v37 =	vor.u32 v5, v3  }
0x1f3: {  	v1 =	vadd.f32 v2, v1;
	v0 =	vadd.f32 v0, v4;
	v3 =	vor.u32 v62, v37;
	_ =	sdelay $0x1  }
0x1f4: {  	v2 =	vor.u32 v63, v37;
	v0 =	vadd.f32 v0, v1;
	_ =	sdelay $0x1  }
0x1f5: {  	v1 =	vor.u32 v12, v37;
	[tilespmem:s23+$0x0] =	vst v0  }
0x1f6: {  	v43 =	vld.idx.msk [tilespmem:v3+s16+$0x0], $0xffff  }
0x1f7: {  	v45 =	vld.idx.msk [tilespmem:v3+s13+$0x0], $0xffff  }
0x1f8: {  	v46 =	vld.idx.msk [tilespmem:v2+s16+$0x0], $0xffff  }
0x1f9: {  	v47 =	vld.idx.msk [tilespmem:v2+s13+$0x0], $0xffff  }
0x1fa: {  	v3 =	vor.u32 v33, v37;
	v33 =	vld.idx.msk [tilespmem:v1+s16+$0x0], $0xffff  }
0x1fb: {  	v0 =	vor.u32 v18, v37;
	v2 =	vor.u32 v34, v37;
	v34 =	vld.idx.msk [tilespmem:v1+s13+$0x0], $0xffff  }
0x1fc: {  	v1 =	vld [tilespmem:$0x1FED0];
	_ =	sdelay $0x3  }
0x1fd: {  	v48 =	vld.idx.msk [tilespmem:v0+s16+$0x0], $0xffff  }
0x1fe: {  	v49 =	vld.idx.msk [tilespmem:v0+s13+$0x0], $0xffff;
	v1 =	vor.u32 v1, v37  }
0x1ff: {  	v0 =	vld [tilespmem:$0x1FEF0]  }
0x200: {  	v50 =	vld.idx.msk [tilespmem:v3+s16+$0x0], $0xffff  }
0x201: {  	v51 =	vld.idx.msk [tilespmem:v3+s13+$0x0], $0xffff  }
0x202: {  	v3 =	vld [tilespmem:$0x1FF00]  }
0x203: {  	v52 =	vld.idx.msk [tilespmem:v1+s16+$0x0], $0xffff  }
0x204: {  	v0 =	vor.u32 v0, v37;
	v53 =	vld.idx.msk [tilespmem:v1+s13+$0x0], $0xffff  }
0x205: {  	v1 =	vld [tilespmem:$0x1FF20];
	_ =	sdelay $0x1  }
0x206: {  	v3 =	vor.u32 v3, v37  }
0x207: {  	v8 =	vld [tilespmem:$0x1FFA0]  }
0x208: {  	v54 =	vld.idx.msk [tilespmem:v0+s16+$0x0], $0xffff  }
0x209: {  	v56 =	vld.idx.msk [tilespmem:v0+s13+$0x0], $0xffff;
	v1 =	vor.u32 v1, v37  }
0x20a: {  	v0 =	vld [tilespmem:$0x1FF30]  }
0x20b: {  	v38 =	vld.idx.msk [tilespmem:v3+s16+$0x0], $0xffff  }
0x20c: {  	v39 =	vld.idx.msk [tilespmem:v3+s13+$0x0], $0xffff  }
0x20d: {  	v3 =	vld [tilespmem:$0x1FF40]  }
0x20e: {  	v60 =	vld.idx.msk [tilespmem:v1+s16+$0x0], $0xffff  }
0x20f: {  	v61 =	vld.idx.msk [tilespmem:v1+s13+$0x0], $0xffff  }
0x210: {  	v1 =	vld [tilespmem:$0x1FFB0]  }
0x211: {  	v12 =	vor.u32 v8, v37;
	v35 =	vld.idx.msk [tilespmem:v2+s16+$0x0], $0xffff  }
0x212: {  	v36 =	vld.idx.msk [tilespmem:v2+s13+$0x0], $0xffff;
	v0 =	vor.u32 v0, v37  }
0x213: {  	v2 =	vld [tilespmem:$0x1FF10]  }
0x214: {  	v3 =	vor.u32 v3, v37  }
0x215: {  	v4 =	vor.u32 v1, v37;
	v1 =	vld [tilespmem:$0x1FFC0]  }
0x216: {  	v11 =	vld.idx.msk [tilespmem:v12+s16+$0x0], $0xffff  }
0x217: {  	v40 =	vld.idx.msk [tilespmem:v0+s16+$0x0], $0xffff  }
0x218: {  	v2 =	vor.u32 v2, v37;
	v41 =	vld.idx.msk [tilespmem:v0+s13+$0x0], $0xffff  }
0x219: {  	v0 =	vld.idx.msk [tilespmem:v3+s16+$0x0], $0xffff  }
0x21a: {  	v5 =	vor.u32 v1, v37;
	v1 =	vld.idx.msk [tilespmem:v3+s13+$0x0], $0xffff  }
0x21b: {  	v3 =	vld [tilespmem:$0x1FFD0]  }
0x21c: {  	v63 =	vld.idx.msk [tilespmem:v12+s13+$0x0], $0xffff  }
0x21d: {  	v58 =	vld.idx.msk [tilespmem:v2+s16+$0x0], $0xffff  }
0x21e: {  	v59 =	vld.idx.msk [tilespmem:v2+s13+$0x0], $0xffff  }
0x21f: {  	v12 =	vlaneseq.u32;
	v2 =	vld [tilespmem:$0x1FF50]  }
0x220: {  	v14 =	vor.u32 v12, v37;
	v12 =	vld [tilespmem:$0x1FF70];
	v7 =	vor.u32 v3, v37  }
0x221: {  	v42 =	vld.idx.msk [tilespmem:v4+s16+$0x0], $0xffff  }
0x222: {  	v44 =	vld.idx.msk [tilespmem:v4+s13+$0x0], $0xffff  }
0x223: {  	v4 =	vld [tilespmem:$0x1FF90]  }
0x224: {  	v2 =	vor.u32 v2, v37;
	v3 =	vld [tilespmem:$0x1FFE0]  }
0x225: {  	v6 =	vld.idx.msk [tilespmem:v7+s16+$0x0], $0xffff  }
0x226: {  	v8 =	vld.idx.msk [tilespmem:v7+s13+$0x0], $0xffff  }
0x227: {  	v7 =	vld [tilespmem:$0x1FFF0]  }
0x228: {  	v13 =	vor.u32 v12, v37;
	v12 =	vld [tilespmem:$0x1FF80];
	v4 =	vor.u32 v4, v37  }
0x229: {  	v62 =	vld.idx.msk [tilespmem:v2+s16+$0x0], $0xffff;
	v9 =	vor.u32 v3, v37  }
0x22a: {  	v2 =	vld.idx.msk [tilespmem:v2+s13+$0x0], $0xffff  }
0x22b: {  	v3 =	vld.idx.msk [tilespmem:v5+s16+$0x0], $0xffff  }
0x22c: {  	v5 =	vld.idx.msk [tilespmem:v5+s13+$0x0], $0xffff;
	v7 =	vor.u32 v7, v37  }
0x22d: {  	v10 =	vld.idx.msk [tilespmem:v4+s13+$0x0], $0xffff  }
0x22e: {  	v55 =	vld.idx.msk [tilespmem:v9+s16+$0x0], $0xffff  }
0x22f: {  	v57 =	vld.idx.msk [tilespmem:v9+s13+$0x0], $0xffff  }
0x230: {  	v9 =	vld.idx.msk [tilespmem:v4+s16+$0x0], $0xffff  }
0x231: {  	v4 =	vld.idx.msk [tilespmem:v7+s16+$0x0], $0xffff  }
0x232: {  	s24 =	simm.s32 $0x70;
	v12 =	vor.u32 v12, v37;
	v7 =	vld.idx.msk [tilespmem:v7+s13+$0x0], $0xffff  }
.LBB2_7:
0x233: {  	_ =	sdelay $0x1  }
0x234: {  	v15 =	vld.idx.msk [tilespmem:v14+s13+$0x0], $0xffff  }
0x235: {  	v14 =	vld.idx.msk [tilespmem:v14+s16+$0x0], $0xffff  }
0x236: {  	v17 =	vld.idx.msk [tilespmem:v13+s16+$0x0], $0xffff  }
0x237: {  	v13 =	vld.idx.msk [tilespmem:v13+s13+$0x0], $0xffff  }
0x238: {  	v19 =	vld.idx.msk [tilespmem:v12+s16+$0x0], $0xffff;
	v43 =	vmul.f32 v45, v43  }
0x239: {  	v16 =	vor.u32 v24, v37;
	v12 =	vld.idx.msk [tilespmem:v12+s13+$0x0], $0xffff;
	v45 =	vmul.f32 v47, v46;
	v47 =	vmul.f32 v49, v48  }
0x23a: {  	v49 =	vld [tilespmem:$0x1FEE0];
	v0 =	vmul.f32 v1, v0;
	v1 =	vmul.f32 v2, v62  }
0x23b: {  	v18 =	vor.u32 v28, v37;
	v2 =	vld [tilespmem:$0x1FEC0];
	v3 =	vmul.f32 v5, v3;
	v5 =	vmul.f32 v8, v6  }
0x23c: {  	v20 =	vor.u32 v32, v37;
	v8 =	vmul.f32 v10, v9;
	v9 =	vmul.f32 v63, v11;
	v11 =	vld [tilespmem:$0x1FEA0]  }
0x23d: {  	v62 =	vld [tilespmem:$0x1FE80]  }
0x23e: {  	v46 =	vld.idx.msk [tilespmem:v16+s16+$0x0], $0xffff  }
0x23f: {  	v16 =	vld.idx.msk [tilespmem:v16+s13+$0x0], $0xffff  }
0x240: {  	v48 =	vmul.f32 v51, v50;
	v50 =	vmul.f32 v53, v52;
	v52 =	vld.idx.msk [tilespmem:v18+s16+$0x0], $0xffff  }
0x241: {  	v6 =	vld.idx.msk [tilespmem:v20+s16+$0x0], $0xffff  }
0x242: {  	v49 =	vor.u32 v49, v37;
	v10 =	vld.idx.msk [tilespmem:v20+s13+$0x0], $0xffff  }
0x243: {  	v20 =	vld [tilespmem:$0x1FE50]  }
0x244: {  	v18 =	vld.idx.msk [tilespmem:v18+s13+$0x0], $0xffff;
	v2 =	vor.u32 v2, v37  }
0x245: {  	v14 =	vmul.f32 v15, v14  }
0x246: {  	v13 =	vmul.f32 v13, v17;
	v12 =	vmul.f32 v12, v19;
	v11 =	vor.u32 v11, v37  }
0x247: {  	v4 =	vmul.f32 v7, v4;
	v14 =	vadd.f32 $0.0e+00, v14;
	v15 =	vld.idx.msk [tilespmem:v49+s16+$0x0], $0xffff;
	v16 =	vmul.f32 v16, v46  }
0x248: {  	v13 =	vadd.f32 $0.0e+00, v13;
	v12 =	vadd.f32 $0.0e+00, v12;
	v63 =	vld.idx.msk [tilespmem:v49+s13+$0x0], $0xffff;
	v20 =	vor.u32 v20, v37  }
0x249: {  	v17 =	vor.u32 v62, v37;
	v18 =	vmul.f32 v18, v52;
	v16 =	vadd.f32 $0.0e+00, v16;
	v7 =	vld.idx.msk [tilespmem:v2+s16+$0x0], $0xffff  }
0x24a: {  	v8 =	vadd.f32 v8, v14;
	v9 =	vadd.f32 v9, v13;
	v13 =	vmul.f32 v57, v55;
	v2 =	vld.idx.msk [tilespmem:v2+s13+$0x0], $0xffff  }
0x24b: {  	v4 =	vadd.f32 v4, v12;
	v6 =	vmul.f32 v10, v6;
	v14 =	vld.idx.msk [tilespmem:v11+s16+$0x0], $0xffff;
	v12 =	vadd.f32 v18, v16  }
0x24c: {  	v3 =	vadd.f32 v3, v8;
	v5 =	vadd.f32 v5, v9;
	v8 =	vmul.f32 v44, v42;
	v10 =	vld.idx.msk [tilespmem:v11+s13+$0x0], $0xffff  }
0x24d: {  	v4 =	vadd.f32 v13, v4;
	v9 =	vld.idx.msk [tilespmem:v20+s16+$0x0], $0xffff;
	v11 =	vmul.f32 v63, v15;
	v6 =	vadd.f32 v6, v12  }
0x24e: {  	v0 =	vadd.f32 v0, v3;
	v1 =	vadd.f32 v1, v5;
	v3 =	vmul.f32 v41, v40;
	v12 =	vld.idx.msk [tilespmem:v20+s13+$0x0], $0xffff  }
0x24f: {  	v4 =	vadd.f32 v8, v4;
	v5 =	vld.idx.msk [tilespmem:v17+s16+$0x0], $0xffff;
	v6 =	vadd.f32 v11, v6;
	v2 =	vmul.f32 v2, v7  }
0x250: {  	v7 =	vld.idx.msk [tilespmem:v17+s13+$0x0], $0xffff  }
0x251: {  	v3 =	vadd.f32 v3, v4;
	v4 =	vmul.f32 v10, v14;
	v2 =	vadd.f32 v2, v6  }
0x252: {  	v59 =	vmul.f32 v59, v58;
	v61 =	vmul.f32 v61, v60  }
0x253: {  	v2 =	vadd.f32 v4, v2;
	v4 =	vmul.f32 v12, v9  }
0x254: {  	v51 =	vmul.f32 v56, v54;
	v0 =	vadd.f32 v59, v0;
	v1 =	vadd.f32 v61, v1  }
0x255: {  	v8 =	vmul.f32 v39, v38;
	v2 =	vadd.f32 v4, v2;
	v4 =	vmul.f32 v7, v5  }
0x256: {  	v0 =	vadd.f32 v50, v0;
	v1 =	vadd.f32 v51, v1  }
0x257: {  	v3 =	vadd.f32 v8, v3;
	v6 =	vmul.f32 v36, v35;
	v2 =	vadd.f32 v4, v2;
	v4 =	vld [tilespmem:$0x1FE60]  }
0x258: {  	v0 =	vadd.f32 v47, v0  }
0x259: {  	v8 =	vmul.f32 v34, v33;
	v1 =	vadd.f32 v48, v1;
	v3 =	vadd.f32 v6, v3  }
0x25a: {  	v0 =	vadd.f32 v43, v0;
	v5 =	vmov s24  }
0x25b: {  	v1 =	vadd.f32 v45, v1;
	v3 =	vadd.f32 v8, v3;
	v5 =	vshll.u32 v5, $0x5  }
0x25c: {  	v37 =	vor.u32 v4, v5  }
0x25d: {  	v0 =	vadd.f32 v1, v0;
	v1 =	vadd.f32 v2, v3;
	v2 =	vld [tilespmem:$0x1FE30];
	v7 =	vor.u32 v30, v37  }
0x25e: {  	v3 =	vld [tilespmem:$0x1FE90]  }
0x25f: {  	v0 =	vadd.f32 v1, v0;
	v1 =	vld [tilespmem:$0x1FE40];
	v9 =	vor.u32 v21, v37  }
0x260: {  	s23 =	sadd.s32 $0x10, s23;
	v4 =	vld [tilespmem:$0x1FE20]  }
0x261: {  	[tilespmem:s23+$0x0] =	vst v0;
	v0 =	vld [tilespmem:$0x1FE70];
	v12 =	vor.u32 v27, v37  }
0x262: {  	v6 =	vld.idx.msk [tilespmem:v7+s16+$0x0], $0xffff  }
0x263: {  	v2 =	vor.u32 v2, v37;
	v8 =	vld.idx.msk [tilespmem:v7+s13+$0x0], $0xffff  }
0x264: {  	v55 =	vld.idx.msk [tilespmem:v9+s16+$0x0], $0xffff  }
0x265: {  	v57 =	vld.idx.msk [tilespmem:v9+s13+$0x0], $0xffff  }
0x266: {  	v3 =	vor.u32 v3, v37;
	v11 =	vld.idx.msk [tilespmem:v12+s16+$0x0], $0xffff  }
0x267: {  	v63 =	vld.idx.msk [tilespmem:v12+s13+$0x0], $0xffff  }
0x268: {  	v46 =	vld.idx.msk [tilespmem:v2+s16+$0x0], $0xffff  }
0x269: {  	v1 =	vor.u32 v1, v37;
	v47 =	vld.idx.msk [tilespmem:v2+s13+$0x0], $0xffff  }
0x26a: {  	v2 =	vld [tilespmem:$0x1FEB0]  }
0x26b: {  	v4 =	vor.u32 v4, v37;
	v50 =	vld.idx.msk [tilespmem:v3+s16+$0x0], $0xffff  }
0x26c: {  	v51 =	vld.idx.msk [tilespmem:v3+s13+$0x0], $0xffff  }
0x26d: {  	v3 =	vld [tilespmem:$0x1FF00]  }
0x26e: {  	v0 =	vor.u32 v0, v37;
	v33 =	vld.idx.msk [tilespmem:v1+s16+$0x0], $0xffff  }
0x26f: {  	v34 =	vld.idx.msk [tilespmem:v1+s13+$0x0], $0xffff  }
0x270: {  	v43 =	vld.idx.msk [tilespmem:v4+s16+$0x0], $0xffff  }
0x271: {  	v45 =	vld.idx.msk [tilespmem:v4+s13+$0x0], $0xffff;
	v4 =	vor.u32 v26, v37  }
0x272: {  	v1 =	vld [tilespmem:$0x1FED0]  }
0x273: {  	v48 =	vld.idx.msk [tilespmem:v0+s16+$0x0], $0xffff;
	v2 =	vor.u32 v2, v37  }
0x274: {  	v49 =	vld.idx.msk [tilespmem:v0+s13+$0x0], $0xffff  }
0x275: {  	v0 =	vld [tilespmem:$0x1FEF0]  }
0x276: {  	v3 =	vor.u32 v3, v37;
	v42 =	vld.idx.msk [tilespmem:v4+s16+$0x0], $0xffff  }
0x277: {  	v44 =	vld.idx.msk [tilespmem:v4+s13+$0x0], $0xffff  }
0x278: {  	v35 =	vld.idx.msk [tilespmem:v2+s16+$0x0], $0xffff  }
0x279: {  	v1 =	vor.u32 v1, v37;
	v36 =	vld.idx.msk [tilespmem:v2+s13+$0x0], $0xffff  }
0x27a: {  	v2 =	vld [tilespmem:$0x1FF10]  }
0x27b: {  	v38 =	vld.idx.msk [tilespmem:v3+s16+$0x0], $0xffff  }
0x27c: {  	v4 =	vor.u32 v29, v37;
	v39 =	vld.idx.msk [tilespmem:v3+s13+$0x0], $0xffff  }
0x27d: {  	v0 =	vor.u32 v0, v37;
	v3 =	vld [tilespmem:$0x1FF40]  }
0x27e: {  	v52 =	vld.idx.msk [tilespmem:v1+s16+$0x0], $0xffff  }
0x27f: {  	v53 =	vld.idx.msk [tilespmem:v1+s13+$0x0], $0xffff  }
0x280: {  	v1 =	vld [tilespmem:$0x1FF20]  }
0x281: {  	v7 =	vor.u32 v25, v37;
	v9 =	vld.idx.msk [tilespmem:v4+s16+$0x0], $0xffff  }
0x282: {  	v54 =	vld.idx.msk [tilespmem:v0+s16+$0x0], $0xffff;
	v2 =	vor.u32 v2, v37  }
0x283: {  	v56 =	vld.idx.msk [tilespmem:v0+s13+$0x0], $0xffff  }
0x284: {  	v10 =	vlaneseq.u32;
	v0 =	vld [tilespmem:$0x1FF30]  }
0x285: {  	v14 =	vor.u32 v10, v37;
	v10 =	vld.idx.msk [tilespmem:v4+s13+$0x0], $0xffff  }
0x286: {  	v4 =	vld.idx.msk [tilespmem:v7+s16+$0x0], $0xffff;
	v1 =	vor.u32 v1, v37  }
0x287: {  	v58 =	vld.idx.msk [tilespmem:v2+s16+$0x0], $0xffff  }
0x288: {  	v3 =	vor.u32 v3, v37;
	v59 =	vld.idx.msk [tilespmem:v2+s13+$0x0], $0xffff  }
0x289: {  	v0 =	vor.u32 v0, v37;
	v2 =	vld [tilespmem:$0x1FF50]  }
0x28a: {  	v7 =	vld.idx.msk [tilespmem:v7+s13+$0x0], $0xffff  }
0x28b: {  	v60 =	vld.idx.msk [tilespmem:v1+s16+$0x0], $0xffff  }
0x28c: {  	v5 =	vor.u32 v31, v37;
	v61 =	vld.idx.msk [tilespmem:v1+s13+$0x0], $0xffff  }
0x28d: {  	v1 =	vld.idx.msk [tilespmem:v3+s13+$0x0], $0xffff  }
0x28e: {  	v40 =	vld.idx.msk [tilespmem:v0+s16+$0x0], $0xffff;
	v2 =	vor.u32 v2, v37  }
0x28f: {  	p1 =	sne.s32 s24, $0x90;
	v41 =	vld.idx.msk [tilespmem:v0+s13+$0x0], $0xffff  }
.Ltmp2:
0x290: {  	v0 =	vld.idx.msk [tilespmem:v3+s16+$0x0], $0xffff;
	(pc) =	sbr.rel @p1 .LBB2_7-.Ltmp2, $4  }
0x291: {  	v3 =	vld.idx.msk [tilespmem:v5+s16+$0x0], $0xffff  }
0x292: {  	v5 =	vld.idx.msk [tilespmem:v5+s13+$0x0], $0xffff  }
0x293: {  	v62 =	vld.idx.msk [tilespmem:v2+s16+$0x0], $0xffff  }
0x294: {  	s24 =	sadd.s32 $0x10, s24;
	v13 =	vor.u32 v23, v37;
	v12 =	vor.u32 v22, v37;
	v2 =	vld.idx.msk [tilespmem:v2+s13+$0x0], $0xffff  }
0x295: {  	_ =	sdelay $0x3  }
0x296: {  	v15 =	vld.idx.msk [tilespmem:v14+s13+$0x0], $0xffff  }
0x297: {  	v14 =	vld.idx.msk [tilespmem:v14+s16+$0x0], $0xffff  }
0x298: {  	v17 =	vld.idx.msk [tilespmem:v13+s16+$0x0], $0xffff  }
0x299: {  	v13 =	vld.idx.msk [tilespmem:v13+s13+$0x0], $0xffff  }
0x29a: {  	v16 =	vor.u32 v24, v37;
	v19 =	vmul.f32 v45, v43;
	v20 =	vld.idx.msk [tilespmem:v12+s16+$0x0], $0xffff  }
0x29b: {  	v43 =	vmul.f32 v47, v46;
	v12 =	vld.idx.msk [tilespmem:v12+s13+$0x0], $0xffff;
	v47 =	vmul.f32 v51, v50  }
0x29c: {  	v18 =	vor.u32 v28, v37;
	v50 =	vmul.f32 v56, v54;
	v56 =	vld [tilespmem:$0x1FEE0];
	v3 =	vmul.f32 v5, v3  }
0x29d: {  	v5 =	vmul.f32 v8, v6;
	v8 =	vmul.f32 v10, v9;
	v10 =	vld [tilespmem:$0x1FEA0]  }
0x29e: {  	v0 =	vmul.f32 v1, v0;
	v1 =	vmul.f32 v2, v62;
	v62 =	vld [tilespmem:$0x1FEC0]  }
0x29f: {  	v45 =	vor.u32 v32, v37;
	v46 =	vmul.f32 v49, v48;
	v48 =	vld.idx.msk [tilespmem:v16+s16+$0x0], $0xffff  }
0x2a0: {  	v16 =	vld.idx.msk [tilespmem:v16+s13+$0x0], $0xffff  }
0x2a1: {  	v60 =	vmul.f32 v61, v60;
	v61 =	vld.idx.msk [tilespmem:v18+s16+$0x0], $0xffff  }
0x2a2: {  	v51 =	vor.u32 v56, v37;
	v2 =	vld.idx.msk [tilespmem:v18+s13+$0x0], $0xffff  }
0x2a3: {  	v12 =	vmul.f32 v12, v20;
	v20 =	vld [tilespmem:$0x1FE50]  }
0x2a4: {  	v49 =	vmul.f32 v53, v52;
	v6 =	vld.idx.msk [tilespmem:v45+s16+$0x0], $0xffff;
	v14 =	vmul.f32 v15, v14;
	v18 =	vor.u32 v62, v37  }
0x2a5: {  	v59 =	vmul.f32 v59, v58;
	v13 =	vmul.f32 v13, v17;
	v15 =	vld [tilespmem:$0x1FE80]  }
0x2a6: {  	v9 =	vmul.f32 v63, v11;
	v11 =	vld.idx.msk [tilespmem:v45+s13+$0x0], $0xffff;
	v10 =	vor.u32 v10, v37;
	v14 =	vadd.f32 $0.0e+00, v14  }
0x2a7: {  	v4 =	vmul.f32 v7, v4;
	v13 =	vadd.f32 $0.0e+00, v13;
	v45 =	vld.idx.msk [tilespmem:v51+s16+$0x0], $0xffff;
	v16 =	vmul.f32 v16, v48  }
0x2a8: {  	v12 =	vadd.f32 $0.0e+00, v12;
	v8 =	vadd.f32 v8, v14;
	v20 =	vor.u32 v20, v37;
	v48 =	vld.idx.msk [tilespmem:v51+s13+$0x0], $0xffff  }
0x2a9: {  	v9 =	vadd.f32 v9, v13;
	v2 =	vmul.f32 v2, v61;
	v16 =	vadd.f32 $0.0e+00, v16;
	v7 =	vld.idx.msk [tilespmem:v18+s16+$0x0], $0xffff  }
0x2aa: {  	v13 =	vmul.f32 v57, v55;
	v4 =	vadd.f32 v4, v12;
	v15 =	vor.u32 v15, v37;
	v18 =	vld.idx.msk [tilespmem:v18+s13+$0x0], $0xffff  }
0x2ab: {  	v6 =	vmul.f32 v11, v6;
	v3 =	vadd.f32 v3, v8;
	v14 =	vld.idx.msk [tilespmem:v10+s16+$0x0], $0xffff;
	v2 =	vadd.f32 v2, v16  }
0x2ac: {  	v5 =	vadd.f32 v5, v9;
	v8 =	vmul.f32 v44, v42;
	v4 =	vadd.f32 v13, v4;
	v10 =	vld.idx.msk [tilespmem:v10+s13+$0x0], $0xffff  }
0x2ad: {  	v0 =	vadd.f32 v0, v3;
	v9 =	vld.idx.msk [tilespmem:v20+s16+$0x0], $0xffff;
	v2 =	vadd.f32 v6, v2;
	v6 =	vmul.f32 v48, v45  }
0x2ae: {  	v1 =	vadd.f32 v1, v5;
	v3 =	vmul.f32 v41, v40;
	v4 =	vadd.f32 v8, v4;
	v11 =	vld.idx.msk [tilespmem:v20+s13+$0x0], $0xffff  }
0x2af: {  	v5 =	vld.idx.msk [tilespmem:v15+s16+$0x0], $0xffff;
	v0 =	vadd.f32 v59, v0;
	v2 =	vadd.f32 v6, v2;
	v6 =	vmul.f32 v18, v7  }
0x2b0: {  	v8 =	vmul.f32 v39, v38;
	v1 =	vadd.f32 v60, v1;
	v3 =	vadd.f32 v3, v4;
	v7 =	vld.idx.msk [tilespmem:v15+s13+$0x0], $0xffff  }
0x2b1: {  	v4 =	vmul.f32 v10, v14;
	v0 =	vadd.f32 v49, v0;
	v2 =	vadd.f32 v6, v2  }
0x2b2: {  	v1 =	vadd.f32 v50, v1;
	v3 =	vadd.f32 v8, v3  }
0x2b3: {  	v6 =	vmul.f32 v36, v35;
	v2 =	vadd.f32 v4, v2;
	v4 =	vmul.f32 v11, v9  }
0x2b4: {  	v8 =	vmul.f32 v34, v33;
	v0 =	vadd.f32 v46, v0;
	v1 =	vadd.f32 v47, v1  }
0x2b5: {  	v3 =	vadd.f32 v6, v3;
	v2 =	vadd.f32 v4, v2;
	v4 =	vmul.f32 v7, v5  }
0x2b6: {  	v0 =	vadd.f32 v19, v0;
	v1 =	vadd.f32 v43, v1  }
0x2b7: {  	v3 =	vadd.f32 v8, v3;
	v2 =	vadd.f32 v4, v2;
	_ =	sdelay $0x1  }
0x2b8: {  	v0 =	vadd.f32 v1, v0;
	v1 =	vadd.f32 v2, v3;
	_ =	sdelay $0x1  }
0x2b9: {  	v0 =	vadd.f32 v1, v0  }
0x2ba: {  	s24 =	simm.s32 $0xA0;
	s23 =	sadd.s32 $0x10, s23  }
0x2bb: {  	v1 =	vmov s24;
	s24 =	sadd.s32 $0x3, s20;
	[tilespmem:s23+$0x0] =	vst v0  }
0x2bc: {  	_ =	swait.ge [sflag:s24], $0xA00  }
0x2bd: {  	[sflag:s24] =	ssyncset.done $0x0  }
0x2be: {  	v0 =	vshll.u32 v1, $0x5;
	v1 =	vld [tilespmem:$0x1FE60];
	[sflag:s24] =	ssyncadd.s32 $0xFFFFF600  }
0x2bf: {  	v62 =	vld [tilespmem:$0x1FE20];
	_ =	swait.ge [sflag:s24], $0xA00  }
0x2c0: {  	v63 =	vld [tilespmem:$0x1FE30]  }
0x2c1: {  	v12 =	vld [tilespmem:$0x1FE40]  }
0x2c2: {  	v18 =	vld [tilespmem:$0x1FE70]  }
0x2c3: {  	v33 =	vld [tilespmem:$0x1FE90]  }
0x2c4: {  	v34 =	vld [tilespmem:$0x1FEB0];
	v0 =	vor.u32 v1, v0  }
0x2c5: {  	v9 =	vld [tilespmem:$0x1FED0];
	v1 =	vor.u32 v62, v0  }
0x2c6: {  	v11 =	vld [tilespmem:$0x1FEF0]  }
0x2c7: {  	v52 =	vld [tilespmem:$0x1FF30];
	v55 =	vor.u32 v26, v0  }
0x2c8: {  	[sflag:s24] =	ssyncset.done $0x0;
	v53 =	vld [tilespmem:$0x1FF40]  }
0x2c9: {  	v54 =	vld [tilespmem:$0x1FF50];
	[sflag:s24] =	ssyncadd.s32 $0xFFFFF600;
	v56 =	vor.u32 v31, v0  }
0x2ca: {  	v4 =	vld.idx.msk [tilespmem:v1+s16+$0x0], $0xffff  }
0x2cb: {  	v57 =	vor.u32 v30, v0;
	v1 =	vld.idx.msk [tilespmem:v1+s13+$0x0], $0xffff  }
0x2cc: {  	v44 =	vld.idx.msk [tilespmem:v55+s16+$0x0], $0xffff  }
0x2cd: {  	v58 =	vor.u32 v21, v0;
	v39 =	vld.idx.msk [tilespmem:v55+s13+$0x0], $0xffff  }
0x2ce: {  	v46 =	vld.idx.msk [tilespmem:v56+s16+$0x0], $0xffff  }
0x2cf: {  	v59 =	vor.u32 v29, v0;
	v41 =	vld.idx.msk [tilespmem:v56+s13+$0x0], $0xffff  }
0x2d0: {  	v48 =	vld.idx.msk [tilespmem:v57+s16+$0x0], $0xffff  }
0x2d1: {  	v60 =	vor.u32 v27, v0;
	v43 =	vld.idx.msk [tilespmem:v57+s13+$0x0], $0xffff  }
0x2d2: {  	v50 =	vld.idx.msk [tilespmem:v58+s16+$0x0], $0xffff  }
0x2d3: {  	v3 =	vor.u32 v12, v0;
	v45 =	vld.idx.msk [tilespmem:v58+s13+$0x0], $0xffff  }
0x2d4: {  	v61 =	vor.u32 v25, v0;
	v19 =	vor.u32 v52, v0;
	v52 =	vld.idx.msk [tilespmem:v59+s16+$0x0], $0xffff  }
0x2d5: {  	v2 =	vor.u32 v63, v0;
	v47 =	vld.idx.msk [tilespmem:v59+s13+$0x0], $0xffff  }
0x2d6: {  	v37 =	vor.u32 v54, v0;
	v54 =	vld.idx.msk [tilespmem:v60+s16+$0x0], $0xffff  }
0x2d7: {  	v49 =	vld.idx.msk [tilespmem:v60+s13+$0x0], $0xffff  }
0x2d8: {  	v7 =	vor.u32 v33, v0;
	v8 =	vld.idx.msk [tilespmem:v3+s16+$0x0], $0xffff  }
0x2d9: {  	v56 =	vld.idx.msk [tilespmem:v61+s16+$0x0], $0xffff  }
0x2da: {  	v9 =	vor.u32 v9, v0;
	v6 =	vld.idx.msk [tilespmem:v2+s16+$0x0], $0xffff  }
0x2db: {  	v2 =	vld.idx.msk [tilespmem:v2+s13+$0x0], $0xffff  }
0x2dc: {  	v11 =	vor.u32 v11, v0;
	v3 =	vld.idx.msk [tilespmem:v3+s13+$0x0], $0xffff  }
0x2dd: {  	v10 =	vld.idx.msk [tilespmem:v7+s16+$0x0], $0xffff;
	[tilespmem:$0x1FD50] =	vst v8;
	v8 =	vor.u32 v34, v0  }
0x2de: {  	v7 =	vld.idx.msk [tilespmem:v7+s13+$0x0], $0xffff  }
0x2df: {  	v14 =	vld.idx.msk [tilespmem:v9+s16+$0x0], $0xffff  }
0x2e0: {  	v9 =	vld.idx.msk [tilespmem:v9+s13+$0x0], $0xffff  }
0x2e1: {  	v16 =	vld.idx.msk [tilespmem:v11+s16+$0x0], $0xffff  }
0x2e2: {  	v35 =	vor.u32 v53, v0;
	v13 =	vld.idx.msk [tilespmem:v8+s16+$0x0], $0xffff  }
0x2e3: {  	v8 =	vld.idx.msk [tilespmem:v8+s13+$0x0], $0xffff  }
0x2e4: {  	v11 =	vld.idx.msk [tilespmem:v11+s13+$0x0], $0xffff  }
0x2e5: {  	v38 =	vld.idx.msk [tilespmem:v19+s16+$0x0], $0xffff  }
0x2e6: {  	v19 =	vld.idx.msk [tilespmem:v19+s13+$0x0], $0xffff  }
0x2e7: {  	v55 =	vor.u32 v23, v0;
	v40 =	vld.idx.msk [tilespmem:v35+s16+$0x0], $0xffff  }
0x2e8: {  	[tilespmem:$0x1FD40] =	vst v8;
	v8 =	vld [tilespmem:$0x1FF10]  }
0x2e9: {  	v35 =	vld.idx.msk [tilespmem:v35+s13+$0x0], $0xffff  }
0x2ea: {  	v57 =	vor.u32 v22, v0;
	v42 =	vld.idx.msk [tilespmem:v37+s16+$0x0], $0xffff  }
0x2eb: {  	v58 =	vlaneseq.u32;
	v37 =	vld.idx.msk [tilespmem:v37+s13+$0x0], $0xffff  }
0x2ec: {  	v53 =	vor.u32 v58, v0;
	v60 =	vld.idx.msk [tilespmem:v55+s16+$0x0], $0xffff  }
0x2ed: {  	v5 =	vor.u32 v18, v0;
	v15 =	vor.u32 v8, v0;
	v8 =	vld [tilespmem:$0x1FF20]  }
0x2ee: {  	v55 =	vld.idx.msk [tilespmem:v55+s13+$0x0], $0xffff  }
0x2ef: {  	v1 =	vmul.f32 v1, v4;
	v4 =	vld.idx.msk [tilespmem:v57+s16+$0x0], $0xffff;
	v41 =	vmul.f32 v41, v46  }
0x2f0: {  	v46 =	vmul.f32 v47, v52;
	v47 =	vmul.f32 v49, v54;
	v54 =	vld [tilespmem:$0x1FEA0]  }
0x2f1: {  	v58 =	vld.idx.msk [tilespmem:v53+s13+$0x0], $0xffff  }
0x2f2: {  	[tilespmem:$0x1FD60] =	vst v3;
	v3 =	vld.idx.msk [tilespmem:v5+s16+$0x0], $0xffff;
	v51 =	vor.u32 v8, v0  }
0x2f3: {  	v5 =	vld.idx.msk [tilespmem:v5+s13+$0x0], $0xffff  }
0x2f4: {  	[tilespmem:$0x1FD30] =	vst v13;
	v13 =	vld [tilespmem:$0x1FF00]  }
0x2f5: {  	v59 =	vor.u32 v24, v0;
	v20 =	vld.idx.msk [tilespmem:v15+s16+$0x0], $0xffff  }
0x2f6: {  	v15 =	vld.idx.msk [tilespmem:v15+s13+$0x0], $0xffff  }
0x2f7: {  	v36 =	vld.idx.msk [tilespmem:v51+s16+$0x0], $0xffff  }
0x2f8: {  	v17 =	vld.idx.msk [tilespmem:v51+s13+$0x0], $0xffff  }
0x2f9: {  	v2 =	vmul.f32 v2, v6;
	v51 =	vld.idx.msk [tilespmem:v61+s13+$0x0], $0xffff;
	v61 =	vor.u32 v28, v0  }
0x2fa: {  	v6 =	vmul.f32 v7, v10;
	v10 =	vmul.f32 v11, v16;
	v11 =	vld.idx.msk [tilespmem:v59+s16+$0x0], $0xffff  }
0x2fb: {  	v3 =	vmul.f32 v5, v3;
	v5 =	vld.idx.msk [tilespmem:v57+s13+$0x0], $0xffff  }
0x2fc: {  	v9 =	vmul.f32 v9, v14;
	v14 =	vmul.f32 v15, v20;
	v15 =	vld.idx.msk [tilespmem:v59+s13+$0x0], $0xffff  }
0x2fd: {  	v13 =	vor.u32 v13, v0;
	v59 =	vld [tilespmem:$0x1FEE0]  }
0x2fe: {  	v20 =	vmul.f32 v35, v40;
	v35 =	vld.idx.msk [tilespmem:v61+s16+$0x0], $0xffff  }
0x2ff: {  	v16 =	vmul.f32 v17, v36;
	v36 =	vmul.f32 v37, v42;
	v37 =	vld.idx.msk [tilespmem:v61+s13+$0x0], $0xffff  }
0x300: {  	v61 =	vld [tilespmem:$0x1FEC0]  }
0x301: {  	v53 =	vld.idx.msk [tilespmem:v53+s16+$0x0], $0xffff;
	v7 =	vor.u32 v32, v0  }
0x302: {  	v8 =	vld.idx.msk [tilespmem:v13+s16+$0x0], $0xffff  }
0x303: {  	v17 =	vor.u32 v59, v0;
	v59 =	vld [tilespmem:$0x1FE80]  }
0x304: {  	v4 =	vmul.f32 v5, v4;
	v5 =	vmul.f32 v15, v11;
	v11 =	vld [tilespmem:$0x1FE50]  }
0x305: {  	v13 =	vld.idx.msk [tilespmem:v13+s13+$0x0], $0xffff;
	v40 =	vor.u32 v61, v0  }
0x306: {  	v57 =	vmul.f32 v58, v53;
	v42 =	vmul.f32 v43, v48;
	v43 =	vld.idx.msk [tilespmem:v7+s16+$0x0], $0xffff  }
0x307: {  	v48 =	vor.u32 v54, v0;
	v7 =	vld.idx.msk [tilespmem:v7+s13+$0x0], $0xffff  }
0x308: {  	v15 =	vadd.f32 $0.0e+00, v57;
	v54 =	vld.idx.msk [tilespmem:v17+s16+$0x0], $0xffff  }
0x309: {  	v5 =	vadd.f32 $0.0e+00, v5;
	v53 =	vor.u32 v59, v0;
	v0 =	vor.u32 v11, v0;
	v11 =	vld.idx.msk [tilespmem:v17+s13+$0x0], $0xffff  }
0x30a: {  	v15 =	vadd.f32 v46, v15;
	v61 =	vmul.f32 v51, v56;
	v35 =	vmul.f32 v37, v35;
	v51 =	vld.idx.msk [tilespmem:v40+s16+$0x0], $0xffff  }
0x30b: {  	v58 =	vmul.f32 v55, v60;
	v55 =	vld.idx.msk [tilespmem:v40+s13+$0x0], $0xffff  }
0x30c: {  	v15 =	vadd.f32 v41, v15;
	v57 =	vld.idx.msk [tilespmem:v48+s16+$0x0], $0xffff;
	v7 =	vmul.f32 v7, v43;
	v5 =	vadd.f32 v35, v5  }
0x30d: {  	v39 =	vmul.f32 v39, v44;
	v60 =	vadd.f32 $0.0e+00, v58;
	v4 =	vadd.f32 $0.0e+00, v4;
	v58 =	vld.idx.msk [tilespmem:v48+s13+$0x0], $0xffff  }
0x30e: {  	v5 =	vadd.f32 v7, v5;
	v59 =	vld.idx.msk [tilespmem:v0+s16+$0x0], $0xffff;
	v7 =	vmul.f32 v11, v54;
	v11 =	vadd.f32 v20, v15  }
0x30f: {  	v17 =	vadd.f32 v47, v60;
	v56 =	vmul.f32 v45, v50;
	v4 =	vadd.f32 v61, v4;
	v0 =	vld.idx.msk [tilespmem:v0+s13+$0x0], $0xffff  }
0x310: {  	v61 =	vld.idx.msk [tilespmem:v53+s16+$0x0], $0xffff;
	v5 =	vadd.f32 v7, v5;
	v11 =	vadd.f32 v14, v11;
	v7 =	vmul.f32 v55, v51  }
0x311: {  	v13 =	vmul.f32 v13, v8;
	v17 =	vadd.f32 v42, v17;
	v4 =	vadd.f32 v56, v4;
	v20 =	vld.idx.msk [tilespmem:v53+s13+$0x0], $0xffff  }
0x312: {  	v8 =	vld [tilespmem:$0x1FD30];
	v9 =	vadd.f32 v9, v11;
	v5 =	vadd.f32 v7, v5;
	v7 =	vmul.f32 v58, v57  }
0x313: {  	v60 =	vmul.f32 v19, v38;
	v15 =	vadd.f32 v36, v17;
	v4 =	vadd.f32 v39, v4;
	v11 =	vld [tilespmem:$0x1FD40]  }
0x314: {  	v0 =	vmul.f32 v0, v59;
	v3 =	vadd.f32 v3, v9;
	v9 =	vld [tilespmem:$0x1FD60];
	v5 =	vadd.f32 v7, v5  }
0x315: {  	v14 =	vadd.f32 v16, v15;
	v7 =	vld [tilespmem:$0x1FD50]  }
0x316: {  	v4 =	vadd.f32 v60, v4;
	v0 =	vadd.f32 v0, v5;
	v5 =	vmul.f32 v20, v61  }
0x317: {  	v10 =	vadd.f32 v10, v14  }
0x318: {  	v4 =	vadd.f32 v13, v4;
	v8 =	vmul.f32 v11, v8;
	v0 =	vadd.f32 v5, v0;
	v5 =	vld [tilespmem:$0x1FE60];
	_ =	sdelay $0x1  }
0x319: {  	s25 =	simm.s32 $0xB0;
	v6 =	vadd.f32 v6, v10;
	v4 =	vadd.f32 v8, v4;
	v7 =	vmul.f32 v9, v7  }
0x31a: {  	v1 =	vadd.f32 v1, v3;
	v8 =	vmov s25  }
0x31b: {  	v2 =	vadd.f32 v2, v6;
	v3 =	vshll.u32 v8, $0x5;
	v4 =	vadd.f32 v7, v4  }
0x31c: {  	v37 =	vor.u32 v5, v3  }
0x31d: {  	v1 =	vadd.f32 v2, v1;
	v0 =	vadd.f32 v0, v4;
	v3 =	vor.u32 v62, v37;
	_ =	sdelay $0x1  }
0x31e: {  	v2 =	vor.u32 v63, v37;
	v0 =	vadd.f32 v0, v1;
	_ =	sdelay $0x1  }
0x31f: {  	v1 =	vor.u32 v12, v37;
	[tilespmem:s22+$0x0] =	vst v0  }
0x320: {  	v43 =	vld.idx.msk [tilespmem:v3+s16+$0x0], $0xffff  }
0x321: {  	v45 =	vld.idx.msk [tilespmem:v3+s13+$0x0], $0xffff  }
0x322: {  	v46 =	vld.idx.msk [tilespmem:v2+s16+$0x0], $0xffff  }
0x323: {  	v47 =	vld.idx.msk [tilespmem:v2+s13+$0x0], $0xffff  }
0x324: {  	v3 =	vor.u32 v33, v37;
	v33 =	vld.idx.msk [tilespmem:v1+s16+$0x0], $0xffff  }
0x325: {  	v0 =	vor.u32 v18, v37;
	v2 =	vor.u32 v34, v37;
	v34 =	vld.idx.msk [tilespmem:v1+s13+$0x0], $0xffff  }
0x326: {  	v1 =	vld [tilespmem:$0x1FED0];
	_ =	sdelay $0x3  }
0x327: {  	v48 =	vld.idx.msk [tilespmem:v0+s16+$0x0], $0xffff  }
0x328: {  	v49 =	vld.idx.msk [tilespmem:v0+s13+$0x0], $0xffff;
	v1 =	vor.u32 v1, v37  }
0x329: {  	v0 =	vld [tilespmem:$0x1FEF0]  }
0x32a: {  	v50 =	vld.idx.msk [tilespmem:v3+s16+$0x0], $0xffff  }
0x32b: {  	v51 =	vld.idx.msk [tilespmem:v3+s13+$0x0], $0xffff  }
0x32c: {  	v3 =	vld [tilespmem:$0x1FF00]  }
0x32d: {  	v52 =	vld.idx.msk [tilespmem:v1+s16+$0x0], $0xffff  }
0x32e: {  	v0 =	vor.u32 v0, v37;
	v53 =	vld.idx.msk [tilespmem:v1+s13+$0x0], $0xffff  }
0x32f: {  	v1 =	vld [tilespmem:$0x1FF20];
	_ =	sdelay $0x1  }
0x330: {  	v3 =	vor.u32 v3, v37  }
0x331: {  	v8 =	vld [tilespmem:$0x1FFA0]  }
0x332: {  	v54 =	vld.idx.msk [tilespmem:v0+s16+$0x0], $0xffff  }
0x333: {  	v56 =	vld.idx.msk [tilespmem:v0+s13+$0x0], $0xffff;
	v1 =	vor.u32 v1, v37  }
0x334: {  	v0 =	vld [tilespmem:$0x1FF30]  }
0x335: {  	v38 =	vld.idx.msk [tilespmem:v3+s16+$0x0], $0xffff  }
0x336: {  	v39 =	vld.idx.msk [tilespmem:v3+s13+$0x0], $0xffff  }
0x337: {  	v3 =	vld [tilespmem:$0x1FF40]  }
0x338: {  	v60 =	vld.idx.msk [tilespmem:v1+s16+$0x0], $0xffff  }
0x339: {  	v61 =	vld.idx.msk [tilespmem:v1+s13+$0x0], $0xffff  }
0x33a: {  	v1 =	vld [tilespmem:$0x1FFB0]  }
0x33b: {  	v12 =	vor.u32 v8, v37;
	v35 =	vld.idx.msk [tilespmem:v2+s16+$0x0], $0xffff  }
0x33c: {  	v36 =	vld.idx.msk [tilespmem:v2+s13+$0x0], $0xffff;
	v0 =	vor.u32 v0, v37  }
0x33d: {  	v2 =	vld [tilespmem:$0x1FF10]  }
0x33e: {  	v3 =	vor.u32 v3, v37  }
0x33f: {  	v4 =	vor.u32 v1, v37;
	v1 =	vld [tilespmem:$0x1FFC0]  }
0x340: {  	v11 =	vld.idx.msk [tilespmem:v12+s16+$0x0], $0xffff  }
0x341: {  	v40 =	vld.idx.msk [tilespmem:v0+s16+$0x0], $0xffff  }
0x342: {  	v2 =	vor.u32 v2, v37;
	v41 =	vld.idx.msk [tilespmem:v0+s13+$0x0], $0xffff  }
0x343: {  	v0 =	vld.idx.msk [tilespmem:v3+s16+$0x0], $0xffff  }
0x344: {  	v5 =	vor.u32 v1, v37;
	v1 =	vld.idx.msk [tilespmem:v3+s13+$0x0], $0xffff  }
0x345: {  	v3 =	vld [tilespmem:$0x1FFD0]  }
0x346: {  	v63 =	vld.idx.msk [tilespmem:v12+s13+$0x0], $0xffff  }
0x347: {  	v58 =	vld.idx.msk [tilespmem:v2+s16+$0x0], $0xffff  }
0x348: {  	v59 =	vld.idx.msk [tilespmem:v2+s13+$0x0], $0xffff  }
0x349: {  	v12 =	vlaneseq.u32;
	v2 =	vld [tilespmem:$0x1FF50]  }
0x34a: {  	v14 =	vor.u32 v12, v37;
	v12 =	vld [tilespmem:$0x1FF70];
	v7 =	vor.u32 v3, v37  }
0x34b: {  	v42 =	vld.idx.msk [tilespmem:v4+s16+$0x0], $0xffff  }
0x34c: {  	v44 =	vld.idx.msk [tilespmem:v4+s13+$0x0], $0xffff  }
0x34d: {  	v4 =	vld [tilespmem:$0x1FF90]  }
0x34e: {  	v2 =	vor.u32 v2, v37;
	v3 =	vld [tilespmem:$0x1FFE0]  }
0x34f: {  	v6 =	vld.idx.msk [tilespmem:v7+s16+$0x0], $0xffff  }
0x350: {  	v8 =	vld.idx.msk [tilespmem:v7+s13+$0x0], $0xffff  }
0x351: {  	v7 =	vld [tilespmem:$0x1FFF0]  }
0x352: {  	v13 =	vor.u32 v12, v37;
	v12 =	vld [tilespmem:$0x1FF80];
	v4 =	vor.u32 v4, v37  }
0x353: {  	v62 =	vld.idx.msk [tilespmem:v2+s16+$0x0], $0xffff;
	v9 =	vor.u32 v3, v37  }
0x354: {  	v2 =	vld.idx.msk [tilespmem:v2+s13+$0x0], $0xffff  }
0x355: {  	v3 =	vld.idx.msk [tilespmem:v5+s16+$0x0], $0xffff  }
0x356: {  	v5 =	vld.idx.msk [tilespmem:v5+s13+$0x0], $0xffff;
	v7 =	vor.u32 v7, v37  }
0x357: {  	v10 =	vld.idx.msk [tilespmem:v4+s13+$0x0], $0xffff  }
0x358: {  	v55 =	vld.idx.msk [tilespmem:v9+s16+$0x0], $0xffff  }
0x359: {  	v57 =	vld.idx.msk [tilespmem:v9+s13+$0x0], $0xffff  }
0x35a: {  	v9 =	vld.idx.msk [tilespmem:v4+s16+$0x0], $0xffff  }
0x35b: {  	v4 =	vld.idx.msk [tilespmem:v7+s16+$0x0], $0xffff  }
0x35c: {  	s23 =	simm.s32 $0xC0;
	v12 =	vor.u32 v12, v37;
	v7 =	vld.idx.msk [tilespmem:v7+s13+$0x0], $0xffff  }
.LBB2_9:
0x35d: {  	_ =	sdelay $0x1  }
0x35e: {  	v15 =	vld.idx.msk [tilespmem:v14+s13+$0x0], $0xffff  }
0x35f: {  	v14 =	vld.idx.msk [tilespmem:v14+s16+$0x0], $0xffff  }
0x360: {  	v17 =	vld.idx.msk [tilespmem:v13+s16+$0x0], $0xffff  }
0x361: {  	v13 =	vld.idx.msk [tilespmem:v13+s13+$0x0], $0xffff  }
0x362: {  	v19 =	vld.idx.msk [tilespmem:v12+s16+$0x0], $0xffff;
	v43 =	vmul.f32 v45, v43  }
0x363: {  	v16 =	vor.u32 v24, v37;
	v12 =	vld.idx.msk [tilespmem:v12+s13+$0x0], $0xffff;
	v45 =	vmul.f32 v47, v46;
	v47 =	vmul.f32 v49, v48  }
0x364: {  	v49 =	vld [tilespmem:$0x1FEE0];
	v0 =	vmul.f32 v1, v0;
	v1 =	vmul.f32 v2, v62  }
0x365: {  	v18 =	vor.u32 v28, v37;
	v2 =	vld [tilespmem:$0x1FEC0];
	v3 =	vmul.f32 v5, v3;
	v5 =	vmul.f32 v8, v6  }
0x366: {  	v20 =	vor.u32 v32, v37;
	v8 =	vmul.f32 v10, v9;
	v9 =	vmul.f32 v63, v11;
	v11 =	vld [tilespmem:$0x1FEA0]  }
0x367: {  	v62 =	vld [tilespmem:$0x1FE80]  }
0x368: {  	v46 =	vld.idx.msk [tilespmem:v16+s16+$0x0], $0xffff  }
0x369: {  	v16 =	vld.idx.msk [tilespmem:v16+s13+$0x0], $0xffff  }
0x36a: {  	v48 =	vmul.f32 v51, v50;
	v50 =	vmul.f32 v53, v52;
	v52 =	vld.idx.msk [tilespmem:v18+s16+$0x0], $0xffff  }
0x36b: {  	v6 =	vld.idx.msk [tilespmem:v20+s16+$0x0], $0xffff  }
0x36c: {  	v49 =	vor.u32 v49, v37;
	v10 =	vld.idx.msk [tilespmem:v20+s13+$0x0], $0xffff  }
0x36d: {  	v20 =	vld [tilespmem:$0x1FE50]  }
0x36e: {  	v18 =	vld.idx.msk [tilespmem:v18+s13+$0x0], $0xffff;
	v2 =	vor.u32 v2, v37  }
0x36f: {  	v14 =	vmul.f32 v15, v14  }
0x370: {  	v13 =	vmul.f32 v13, v17;
	v12 =	vmul.f32 v12, v19;
	v11 =	vor.u32 v11, v37  }
0x371: {  	v4 =	vmul.f32 v7, v4;
	v14 =	vadd.f32 $0.0e+00, v14;
	v15 =	vld.idx.msk [tilespmem:v49+s16+$0x0], $0xffff;
	v16 =	vmul.f32 v16, v46  }
0x372: {  	v13 =	vadd.f32 $0.0e+00, v13;
	v12 =	vadd.f32 $0.0e+00, v12;
	v63 =	vld.idx.msk [tilespmem:v49+s13+$0x0], $0xffff;
	v20 =	vor.u32 v20, v37  }
0x373: {  	v17 =	vor.u32 v62, v37;
	v18 =	vmul.f32 v18, v52;
	v16 =	vadd.f32 $0.0e+00, v16;
	v7 =	vld.idx.msk [tilespmem:v2+s16+$0x0], $0xffff  }
0x374: {  	v8 =	vadd.f32 v8, v14;
	v9 =	vadd.f32 v9, v13;
	v13 =	vmul.f32 v57, v55;
	v2 =	vld.idx.msk [tilespmem:v2+s13+$0x0], $0xffff  }
0x375: {  	v4 =	vadd.f32 v4, v12;
	v6 =	vmul.f32 v10, v6;
	v14 =	vld.idx.msk [tilespmem:v11+s16+$0x0], $0xffff;
	v12 =	vadd.f32 v18, v16  }
0x376: {  	v3 =	vadd.f32 v3, v8;
	v5 =	vadd.f32 v5, v9;
	v8 =	vmul.f32 v44, v42;
	v10 =	vld.idx.msk [tilespmem:v11+s13+$0x0], $0xffff  }
0x377: {  	v4 =	vadd.f32 v13, v4;
	v9 =	vld.idx.msk [tilespmem:v20+s16+$0x0], $0xffff;
	v11 =	vmul.f32 v63, v15;
	v6 =	vadd.f32 v6, v12  }
0x378: {  	v0 =	vadd.f32 v0, v3;
	v1 =	vadd.f32 v1, v5;
	v3 =	vmul.f32 v41, v40;
	v12 =	vld.idx.msk [tilespmem:v20+s13+$0x0], $0xffff  }
0x379: {  	v4 =	vadd.f32 v8, v4;
	v5 =	vld.idx.msk [tilespmem:v17+s16+$0x0], $0xffff;
	v6 =	vadd.f32 v11, v6;
	v2 =	vmul.f32 v2, v7  }
0x37a: {  	v7 =	vld.idx.msk [tilespmem:v17+s13+$0x0], $0xffff  }
0x37b: {  	v3 =	vadd.f32 v3, v4;
	v4 =	vmul.f32 v10, v14;
	v2 =	vadd.f32 v2, v6  }
0x37c: {  	v59 =	vmul.f32 v59, v58;
	v61 =	vmul.f32 v61, v60  }
0x37d: {  	v2 =	vadd.f32 v4, v2;
	v4 =	vmul.f32 v12, v9  }
0x37e: {  	v51 =	vmul.f32 v56, v54;
	v0 =	vadd.f32 v59, v0;
	v1 =	vadd.f32 v61, v1  }
0x37f: {  	v8 =	vmul.f32 v39, v38;
	v2 =	vadd.f32 v4, v2;
	v4 =	vmul.f32 v7, v5  }
0x380: {  	v0 =	vadd.f32 v50, v0;
	v1 =	vadd.f32 v51, v1  }
0x381: {  	v3 =	vadd.f32 v8, v3;
	v6 =	vmul.f32 v36, v35;
	v2 =	vadd.f32 v4, v2;
	v4 =	vld [tilespmem:$0x1FE60]  }
0x382: {  	v0 =	vadd.f32 v47, v0  }
0x383: {  	v8 =	vmul.f32 v34, v33;
	v1 =	vadd.f32 v48, v1;
	v3 =	vadd.f32 v6, v3  }
0x384: {  	v0 =	vadd.f32 v43, v0;
	v5 =	vmov s23  }
0x385: {  	v1 =	vadd.f32 v45, v1;
	v3 =	vadd.f32 v8, v3;
	v5 =	vshll.u32 v5, $0x5  }
0x386: {  	v37 =	vor.u32 v4, v5  }
0x387: {  	v0 =	vadd.f32 v1, v0;
	v1 =	vadd.f32 v2, v3;
	v2 =	vld [tilespmem:$0x1FE30];
	v7 =	vor.u32 v30, v37  }
0x388: {  	v3 =	vld [tilespmem:$0x1FE90]  }
0x389: {  	v0 =	vadd.f32 v1, v0;
	v1 =	vld [tilespmem:$0x1FE40];
	v9 =	vor.u32 v21, v37  }
0x38a: {  	s22 =	sadd.s32 $0x10, s22;
	v4 =	vld [tilespmem:$0x1FE20]  }
0x38b: {  	[tilespmem:s22+$0x0] =	vst v0;
	v0 =	vld [tilespmem:$0x1FE70];
	v12 =	vor.u32 v27, v37  }
0x38c: {  	v6 =	vld.idx.msk [tilespmem:v7+s16+$0x0], $0xffff  }
0x38d: {  	v2 =	vor.u32 v2, v37;
	v8 =	vld.idx.msk [tilespmem:v7+s13+$0x0], $0xffff  }
0x38e: {  	v55 =	vld.idx.msk [tilespmem:v9+s16+$0x0], $0xffff  }
0x38f: {  	v57 =	vld.idx.msk [tilespmem:v9+s13+$0x0], $0xffff  }
0x390: {  	v3 =	vor.u32 v3, v37;
	v11 =	vld.idx.msk [tilespmem:v12+s16+$0x0], $0xffff  }
0x391: {  	v63 =	vld.idx.msk [tilespmem:v12+s13+$0x0], $0xffff  }
0x392: {  	v46 =	vld.idx.msk [tilespmem:v2+s16+$0x0], $0xffff  }
0x393: {  	v1 =	vor.u32 v1, v37;
	v47 =	vld.idx.msk [tilespmem:v2+s13+$0x0], $0xffff  }
0x394: {  	v2 =	vld [tilespmem:$0x1FEB0]  }
0x395: {  	v4 =	vor.u32 v4, v37;
	v50 =	vld.idx.msk [tilespmem:v3+s16+$0x0], $0xffff  }
0x396: {  	v51 =	vld.idx.msk [tilespmem:v3+s13+$0x0], $0xffff  }
0x397: {  	v3 =	vld [tilespmem:$0x1FF00]  }
0x398: {  	v0 =	vor.u32 v0, v37;
	v33 =	vld.idx.msk [tilespmem:v1+s16+$0x0], $0xffff  }
0x399: {  	v34 =	vld.idx.msk [tilespmem:v1+s13+$0x0], $0xffff  }
0x39a: {  	v43 =	vld.idx.msk [tilespmem:v4+s16+$0x0], $0xffff  }
0x39b: {  	v45 =	vld.idx.msk [tilespmem:v4+s13+$0x0], $0xffff;
	v4 =	vor.u32 v26, v37  }
0x39c: {  	v1 =	vld [tilespmem:$0x1FED0]  }
0x39d: {  	v48 =	vld.idx.msk [tilespmem:v0+s16+$0x0], $0xffff;
	v2 =	vor.u32 v2, v37  }
0x39e: {  	v49 =	vld.idx.msk [tilespmem:v0+s13+$0x0], $0xffff  }
0x39f: {  	v0 =	vld [tilespmem:$0x1FEF0]  }
0x3a0: {  	v3 =	vor.u32 v3, v37;
	v42 =	vld.idx.msk [tilespmem:v4+s16+$0x0], $0xffff  }
0x3a1: {  	v44 =	vld.idx.msk [tilespmem:v4+s13+$0x0], $0xffff  }
0x3a2: {  	v35 =	vld.idx.msk [tilespmem:v2+s16+$0x0], $0xffff  }
0x3a3: {  	v1 =	vor.u32 v1, v37;
	v36 =	vld.idx.msk [tilespmem:v2+s13+$0x0], $0xffff  }
0x3a4: {  	v2 =	vld [tilespmem:$0x1FF10]  }
0x3a5: {  	v38 =	vld.idx.msk [tilespmem:v3+s16+$0x0], $0xffff  }
0x3a6: {  	v4 =	vor.u32 v29, v37;
	v39 =	vld.idx.msk [tilespmem:v3+s13+$0x0], $0xffff  }
0x3a7: {  	v0 =	vor.u32 v0, v37;
	v3 =	vld [tilespmem:$0x1FF40]  }
0x3a8: {  	v52 =	vld.idx.msk [tilespmem:v1+s16+$0x0], $0xffff  }
0x3a9: {  	v53 =	vld.idx.msk [tilespmem:v1+s13+$0x0], $0xffff  }
0x3aa: {  	v1 =	vld [tilespmem:$0x1FF20]  }
0x3ab: {  	v7 =	vor.u32 v25, v37;
	v9 =	vld.idx.msk [tilespmem:v4+s16+$0x0], $0xffff  }
0x3ac: {  	v54 =	vld.idx.msk [tilespmem:v0+s16+$0x0], $0xffff;
	v2 =	vor.u32 v2, v37  }
0x3ad: {  	v56 =	vld.idx.msk [tilespmem:v0+s13+$0x0], $0xffff  }
0x3ae: {  	v10 =	vlaneseq.u32;
	v0 =	vld [tilespmem:$0x1FF30]  }
0x3af: {  	v14 =	vor.u32 v10, v37;
	v10 =	vld.idx.msk [tilespmem:v4+s13+$0x0], $0xffff  }
0x3b0: {  	v4 =	vld.idx.msk [tilespmem:v7+s16+$0x0], $0xffff;
	v1 =	vor.u32 v1, v37  }
0x3b1: {  	v58 =	vld.idx.msk [tilespmem:v2+s16+$0x0], $0xffff  }
0x3b2: {  	v3 =	vor.u32 v3, v37;
	v59 =	vld.idx.msk [tilespmem:v2+s13+$0x0], $0xffff  }
0x3b3: {  	v0 =	vor.u32 v0, v37;
	v2 =	vld [tilespmem:$0x1FF50]  }
0x3b4: {  	v7 =	vld.idx.msk [tilespmem:v7+s13+$0x0], $0xffff  }
0x3b5: {  	v60 =	vld.idx.msk [tilespmem:v1+s16+$0x0], $0xffff  }
0x3b6: {  	v5 =	vor.u32 v31, v37;
	v61 =	vld.idx.msk [tilespmem:v1+s13+$0x0], $0xffff  }
0x3b7: {  	v1 =	vld.idx.msk [tilespmem:v3+s13+$0x0], $0xffff  }
0x3b8: {  	v40 =	vld.idx.msk [tilespmem:v0+s16+$0x0], $0xffff;
	v2 =	vor.u32 v2, v37  }
0x3b9: {  	p1 =	sne.s32 s23, $0xE0;
	v41 =	vld.idx.msk [tilespmem:v0+s13+$0x0], $0xffff  }
.Ltmp3:
0x3ba: {  	v0 =	vld.idx.msk [tilespmem:v3+s16+$0x0], $0xffff;
	(pc) =	sbr.rel @p1 .LBB2_9-.Ltmp3, $4  }
0x3bb: {  	v3 =	vld.idx.msk [tilespmem:v5+s16+$0x0], $0xffff  }
0x3bc: {  	v5 =	vld.idx.msk [tilespmem:v5+s13+$0x0], $0xffff  }
0x3bd: {  	v62 =	vld.idx.msk [tilespmem:v2+s16+$0x0], $0xffff  }
0x3be: {  	s23 =	sadd.s32 $0x10, s23;
	v13 =	vor.u32 v23, v37;
	v12 =	vor.u32 v22, v37;
	v2 =	vld.idx.msk [tilespmem:v2+s13+$0x0], $0xffff  }
0x3bf: {  	_ =	sdelay $0x3  }
0x3c0: {  	v15 =	vld.idx.msk [tilespmem:v14+s13+$0x0], $0xffff  }
0x3c1: {  	v14 =	vld.idx.msk [tilespmem:v14+s16+$0x0], $0xffff  }
0x3c2: {  	v17 =	vld.idx.msk [tilespmem:v13+s16+$0x0], $0xffff  }
0x3c3: {  	v13 =	vld.idx.msk [tilespmem:v13+s13+$0x0], $0xffff  }
0x3c4: {  	v16 =	vor.u32 v24, v37;
	v19 =	vmul.f32 v45, v43;
	v20 =	vld.idx.msk [tilespmem:v12+s16+$0x0], $0xffff  }
0x3c5: {  	v43 =	vmul.f32 v47, v46;
	v12 =	vld.idx.msk [tilespmem:v12+s13+$0x0], $0xffff;
	v47 =	vmul.f32 v51, v50  }
0x3c6: {  	v18 =	vor.u32 v28, v37;
	v50 =	vmul.f32 v56, v54;
	v56 =	vld [tilespmem:$0x1FEE0];
	v3 =	vmul.f32 v5, v3  }
0x3c7: {  	v5 =	vmul.f32 v8, v6;
	v8 =	vmul.f32 v10, v9;
	v10 =	vld [tilespmem:$0x1FEA0]  }
0x3c8: {  	v0 =	vmul.f32 v1, v0;
	v1 =	vmul.f32 v2, v62;
	v62 =	vld [tilespmem:$0x1FEC0]  }
0x3c9: {  	v45 =	vor.u32 v32, v37;
	v46 =	vmul.f32 v49, v48;
	v48 =	vld.idx.msk [tilespmem:v16+s16+$0x0], $0xffff  }
0x3ca: {  	v16 =	vld.idx.msk [tilespmem:v16+s13+$0x0], $0xffff  }
0x3cb: {  	v60 =	vmul.f32 v61, v60;
	v61 =	vld.idx.msk [tilespmem:v18+s16+$0x0], $0xffff  }
0x3cc: {  	v51 =	vor.u32 v56, v37;
	v2 =	vld.idx.msk [tilespmem:v18+s13+$0x0], $0xffff  }
0x3cd: {  	v12 =	vmul.f32 v12, v20;
	v20 =	vld [tilespmem:$0x1FE50]  }
0x3ce: {  	v49 =	vmul.f32 v53, v52;
	v6 =	vld.idx.msk [tilespmem:v45+s16+$0x0], $0xffff;
	v14 =	vmul.f32 v15, v14;
	v18 =	vor.u32 v62, v37  }
0x3cf: {  	v59 =	vmul.f32 v59, v58;
	v13 =	vmul.f32 v13, v17;
	v15 =	vld [tilespmem:$0x1FE80]  }
0x3d0: {  	v9 =	vmul.f32 v63, v11;
	v11 =	vld.idx.msk [tilespmem:v45+s13+$0x0], $0xffff;
	v10 =	vor.u32 v10, v37;
	v14 =	vadd.f32 $0.0e+00, v14  }
0x3d1: {  	v4 =	vmul.f32 v7, v4;
	v13 =	vadd.f32 $0.0e+00, v13;
	v45 =	vld.idx.msk [tilespmem:v51+s16+$0x0], $0xffff;
	v16 =	vmul.f32 v16, v48  }
0x3d2: {  	v12 =	vadd.f32 $0.0e+00, v12;
	v8 =	vadd.f32 v8, v14;
	v20 =	vor.u32 v20, v37;
	v48 =	vld.idx.msk [tilespmem:v51+s13+$0x0], $0xffff  }
0x3d3: {  	v9 =	vadd.f32 v9, v13;
	v2 =	vmul.f32 v2, v61;
	v16 =	vadd.f32 $0.0e+00, v16;
	v7 =	vld.idx.msk [tilespmem:v18+s16+$0x0], $0xffff  }
0x3d4: {  	v13 =	vmul.f32 v57, v55;
	v4 =	vadd.f32 v4, v12;
	v15 =	vor.u32 v15, v37;
	v18 =	vld.idx.msk [tilespmem:v18+s13+$0x0], $0xffff  }
0x3d5: {  	v6 =	vmul.f32 v11, v6;
	v3 =	vadd.f32 v3, v8;
	v14 =	vld.idx.msk [tilespmem:v10+s16+$0x0], $0xffff;
	v2 =	vadd.f32 v2, v16  }
0x3d6: {  	v5 =	vadd.f32 v5, v9;
	v8 =	vmul.f32 v44, v42;
	v4 =	vadd.f32 v13, v4;
	v10 =	vld.idx.msk [tilespmem:v10+s13+$0x0], $0xffff  }
0x3d7: {  	v0 =	vadd.f32 v0, v3;
	v9 =	vld.idx.msk [tilespmem:v20+s16+$0x0], $0xffff;
	v2 =	vadd.f32 v6, v2;
	v6 =	vmul.f32 v48, v45  }
0x3d8: {  	v1 =	vadd.f32 v1, v5;
	v3 =	vmul.f32 v41, v40;
	v4 =	vadd.f32 v8, v4;
	v11 =	vld.idx.msk [tilespmem:v20+s13+$0x0], $0xffff  }
0x3d9: {  	v5 =	vld.idx.msk [tilespmem:v15+s16+$0x0], $0xffff;
	v0 =	vadd.f32 v59, v0;
	v2 =	vadd.f32 v6, v2;
	v6 =	vmul.f32 v18, v7  }
0x3da: {  	v8 =	vmul.f32 v39, v38;
	v1 =	vadd.f32 v60, v1;
	v3 =	vadd.f32 v3, v4;
	v7 =	vld.idx.msk [tilespmem:v15+s13+$0x0], $0xffff  }
0x3db: {  	v4 =	vmul.f32 v10, v14;
	v0 =	vadd.f32 v49, v0;
	v2 =	vadd.f32 v6, v2  }
0x3dc: {  	v1 =	vadd.f32 v50, v1;
	v3 =	vadd.f32 v8, v3  }
0x3dd: {  	v6 =	vmul.f32 v36, v35;
	v2 =	vadd.f32 v4, v2;
	v4 =	vmul.f32 v11, v9  }
0x3de: {  	v8 =	vmul.f32 v34, v33;
	v0 =	vadd.f32 v46, v0;
	v1 =	vadd.f32 v47, v1  }
0x3df: {  	v3 =	vadd.f32 v6, v3;
	v2 =	vadd.f32 v4, v2;
	v4 =	vmul.f32 v7, v5  }
0x3e0: {  	v0 =	vadd.f32 v19, v0;
	v1 =	vadd.f32 v43, v1  }
0x3e1: {  	v3 =	vadd.f32 v8, v3;
	v2 =	vadd.f32 v4, v2;
	_ =	sdelay $0x1  }
0x3e2: {  	v0 =	vadd.f32 v1, v0;
	v1 =	vadd.f32 v2, v3;
	_ =	sdelay $0x1  }
0x3e3: {  	v0 =	vadd.f32 v1, v0  }
0x3e4: {  	s22 =	sadd.s32 $0x10, s22  }
0x3e5: {  	s20 =	sadd.s32 $0x4, s20;
	[tilespmem:s22+$0x0] =	vst v0  }
0x3e6: {  	s23 =	simm.s32 $0xF0;
	_ =	swait.ge [sflag:s20], $0xA00  }
0x3e7: {  	v1 =	vmov s23;
	[sflag:s20] =	ssyncset.done $0x0  }
0x3e8: {  	v0 =	vshll.u32 v1, $0x5;
	v1 =	vld [tilespmem:$0x1FE60];
	[sflag:s20] =	ssyncadd.s32 $0xFFFFF600  }
0x3e9: {  	v62 =	vld [tilespmem:$0x1FE20];
	_ =	swait.ge [sflag:s20], $0xA00  }
0x3ea: {  	v63 =	vld [tilespmem:$0x1FE30]  }
0x3eb: {  	v12 =	vld [tilespmem:$0x1FE40]  }
0x3ec: {  	v18 =	vld [tilespmem:$0x1FE70]  }
0x3ed: {  	v33 =	vld [tilespmem:$0x1FE90]  }
0x3ee: {  	v34 =	vld [tilespmem:$0x1FEB0];
	v0 =	vor.u32 v1, v0  }
0x3ef: {  	v9 =	vld [tilespmem:$0x1FED0];
	v1 =	vor.u32 v62, v0  }
0x3f0: {  	v11 =	vld [tilespmem:$0x1FEF0]  }
0x3f1: {  	v52 =	vld [tilespmem:$0x1FF30];
	v55 =	vor.u32 v26, v0  }
0x3f2: {  	[sflag:s20] =	ssyncset.done $0x0;
	v53 =	vld [tilespmem:$0x1FF40]  }
0x3f3: {  	v54 =	vld [tilespmem:$0x1FF50];
	[sflag:s20] =	ssyncadd.s32 $0xFFFFF600;
	v56 =	vor.u32 v31, v0  }
0x3f4: {  	v4 =	vld.idx.msk [tilespmem:v1+s16+$0x0], $0xffff  }
0x3f5: {  	v57 =	vor.u32 v30, v0;
	v1 =	vld.idx.msk [tilespmem:v1+s13+$0x0], $0xffff  }
0x3f6: {  	v44 =	vld.idx.msk [tilespmem:v55+s16+$0x0], $0xffff  }
0x3f7: {  	v58 =	vor.u32 v21, v0;
	v39 =	vld.idx.msk [tilespmem:v55+s13+$0x0], $0xffff  }
0x3f8: {  	v46 =	vld.idx.msk [tilespmem:v56+s16+$0x0], $0xffff  }
0x3f9: {  	v59 =	vor.u32 v29, v0;
	v41 =	vld.idx.msk [tilespmem:v56+s13+$0x0], $0xffff  }
0x3fa: {  	v48 =	vld.idx.msk [tilespmem:v57+s16+$0x0], $0xffff  }
0x3fb: {  	v60 =	vor.u32 v27, v0;
	v43 =	vld.idx.msk [tilespmem:v57+s13+$0x0], $0xffff  }
0x3fc: {  	v50 =	vld.idx.msk [tilespmem:v58+s16+$0x0], $0xffff  }
0x3fd: {  	v3 =	vor.u32 v12, v0;
	v45 =	vld.idx.msk [tilespmem:v58+s13+$0x0], $0xffff  }
0x3fe: {  	v61 =	vor.u32 v25, v0;
	v19 =	vor.u32 v52, v0;
	v52 =	vld.idx.msk [tilespmem:v59+s16+$0x0], $0xffff  }
0x3ff: {  	v2 =	vor.u32 v63, v0;
	v47 =	vld.idx.msk [tilespmem:v59+s13+$0x0], $0xffff  }
0x400: {  	v37 =	vor.u32 v54, v0;
	v54 =	vld.idx.msk [tilespmem:v60+s16+$0x0], $0xffff  }
0x401: {  	v49 =	vld.idx.msk [tilespmem:v60+s13+$0x0], $0xffff  }
0x402: {  	v7 =	vor.u32 v33, v0;
	v8 =	vld.idx.msk [tilespmem:v3+s16+$0x0], $0xffff  }
0x403: {  	v56 =	vld.idx.msk [tilespmem:v61+s16+$0x0], $0xffff  }
0x404: {  	v9 =	vor.u32 v9, v0;
	v6 =	vld.idx.msk [tilespmem:v2+s16+$0x0], $0xffff  }
0x405: {  	v2 =	vld.idx.msk [tilespmem:v2+s13+$0x0], $0xffff  }
0x406: {  	v11 =	vor.u32 v11, v0;
	v3 =	vld.idx.msk [tilespmem:v3+s13+$0x0], $0xffff  }
0x407: {  	v10 =	vld.idx.msk [tilespmem:v7+s16+$0x0], $0xffff;
	[tilespmem:$0x1FD10] =	vst v8;
	v8 =	vor.u32 v34, v0  }
0x408: {  	v7 =	vld.idx.msk [tilespmem:v7+s13+$0x0], $0xffff  }
0x409: {  	v14 =	vld.idx.msk [tilespmem:v9+s16+$0x0], $0xffff  }
0x40a: {  	v9 =	vld.idx.msk [tilespmem:v9+s13+$0x0], $0xffff  }
0x40b: {  	v16 =	vld.idx.msk [tilespmem:v11+s16+$0x0], $0xffff  }
0x40c: {  	v35 =	vor.u32 v53, v0;
	v13 =	vld.idx.msk [tilespmem:v8+s16+$0x0], $0xffff  }
0x40d: {  	v8 =	vld.idx.msk [tilespmem:v8+s13+$0x0], $0xffff  }
0x40e: {  	v11 =	vld.idx.msk [tilespmem:v11+s13+$0x0], $0xffff  }
0x40f: {  	v38 =	vld.idx.msk [tilespmem:v19+s16+$0x0], $0xffff  }
0x410: {  	v19 =	vld.idx.msk [tilespmem:v19+s13+$0x0], $0xffff  }
0x411: {  	v55 =	vor.u32 v23, v0;
	v40 =	vld.idx.msk [tilespmem:v35+s16+$0x0], $0xffff  }
0x412: {  	[tilespmem:$0x1FD00] =	vst v8;
	v8 =	vld [tilespmem:$0x1FF10]  }
0x413: {  	v35 =	vld.idx.msk [tilespmem:v35+s13+$0x0], $0xffff  }
0x414: {  	v57 =	vor.u32 v22, v0;
	v42 =	vld.idx.msk [tilespmem:v37+s16+$0x0], $0xffff  }
0x415: {  	v58 =	vlaneseq.u32;
	v37 =	vld.idx.msk [tilespmem:v37+s13+$0x0], $0xffff  }
0x416: {  	v53 =	vor.u32 v58, v0;
	v60 =	vld.idx.msk [tilespmem:v55+s16+$0x0], $0xffff  }
0x417: {  	v5 =	vor.u32 v18, v0;
	v15 =	vor.u32 v8, v0;
	v8 =	vld [tilespmem:$0x1FF20]  }
0x418: {  	v55 =	vld.idx.msk [tilespmem:v55+s13+$0x0], $0xffff  }
0x419: {  	v1 =	vmul.f32 v1, v4;
	v4 =	vld.idx.msk [tilespmem:v57+s16+$0x0], $0xffff;
	v41 =	vmul.f32 v41, v46  }
0x41a: {  	v46 =	vmul.f32 v47, v52;
	v47 =	vmul.f32 v49, v54;
	v54 =	vld [tilespmem:$0x1FEA0]  }
0x41b: {  	v58 =	vld.idx.msk [tilespmem:v53+s13+$0x0], $0xffff  }
0x41c: {  	[tilespmem:$0x1FD20] =	vst v3;
	v3 =	vld.idx.msk [tilespmem:v5+s16+$0x0], $0xffff;
	v51 =	vor.u32 v8, v0  }
0x41d: {  	v5 =	vld.idx.msk [tilespmem:v5+s13+$0x0], $0xffff  }
0x41e: {  	[tilespmem:$0x1FCF0] =	vst v13;
	v13 =	vld [tilespmem:$0x1FF00]  }
0x41f: {  	v59 =	vor.u32 v24, v0;
	v20 =	vld.idx.msk [tilespmem:v15+s16+$0x0], $0xffff  }
0x420: {  	v15 =	vld.idx.msk [tilespmem:v15+s13+$0x0], $0xffff  }
0x421: {  	v36 =	vld.idx.msk [tilespmem:v51+s16+$0x0], $0xffff  }
0x422: {  	v17 =	vld.idx.msk [tilespmem:v51+s13+$0x0], $0xffff  }
0x423: {  	v2 =	vmul.f32 v2, v6;
	v51 =	vld.idx.msk [tilespmem:v61+s13+$0x0], $0xffff;
	v61 =	vor.u32 v28, v0  }
0x424: {  	v6 =	vmul.f32 v7, v10;
	v10 =	vmul.f32 v11, v16;
	v11 =	vld.idx.msk [tilespmem:v59+s16+$0x0], $0xffff  }
0x425: {  	v3 =	vmul.f32 v5, v3;
	v5 =	vld.idx.msk [tilespmem:v57+s13+$0x0], $0xffff  }
0x426: {  	v9 =	vmul.f32 v9, v14;
	v14 =	vmul.f32 v15, v20;
	v15 =	vld.idx.msk [tilespmem:v59+s13+$0x0], $0xffff  }
0x427: {  	v13 =	vor.u32 v13, v0;
	v59 =	vld [tilespmem:$0x1FEE0]  }
0x428: {  	v20 =	vmul.f32 v35, v40;
	v35 =	vld.idx.msk [tilespmem:v61+s16+$0x0], $0xffff  }
0x429: {  	v16 =	vmul.f32 v17, v36;
	v36 =	vmul.f32 v37, v42;
	v37 =	vld.idx.msk [tilespmem:v61+s13+$0x0], $0xffff  }
0x42a: {  	v61 =	vld [tilespmem:$0x1FEC0]  }
0x42b: {  	v53 =	vld.idx.msk [tilespmem:v53+s16+$0x0], $0xffff;
	v7 =	vor.u32 v32, v0  }
0x42c: {  	v8 =	vld.idx.msk [tilespmem:v13+s16+$0x0], $0xffff  }
0x42d: {  	v17 =	vor.u32 v59, v0;
	v59 =	vld [tilespmem:$0x1FE80]  }
0x42e: {  	v4 =	vmul.f32 v5, v4;
	v5 =	vmul.f32 v15, v11;
	v11 =	vld [tilespmem:$0x1FE50]  }
0x42f: {  	v13 =	vld.idx.msk [tilespmem:v13+s13+$0x0], $0xffff;
	v40 =	vor.u32 v61, v0  }
0x430: {  	v57 =	vmul.f32 v58, v53;
	v42 =	vmul.f32 v43, v48;
	v43 =	vld.idx.msk [tilespmem:v7+s16+$0x0], $0xffff  }
0x431: {  	v48 =	vor.u32 v54, v0;
	v7 =	vld.idx.msk [tilespmem:v7+s13+$0x0], $0xffff  }
0x432: {  	v15 =	vadd.f32 $0.0e+00, v57;
	v54 =	vld.idx.msk [tilespmem:v17+s16+$0x0], $0xffff  }
0x433: {  	v5 =	vadd.f32 $0.0e+00, v5;
	v53 =	vor.u32 v59, v0;
	v0 =	vor.u32 v11, v0;
	v11 =	vld.idx.msk [tilespmem:v17+s13+$0x0], $0xffff  }
0x434: {  	v15 =	vadd.f32 v46, v15;
	v61 =	vmul.f32 v51, v56;
	v35 =	vmul.f32 v37, v35;
	v51 =	vld.idx.msk [tilespmem:v40+s16+$0x0], $0xffff  }
0x435: {  	v58 =	vmul.f32 v55, v60;
	v55 =	vld.idx.msk [tilespmem:v40+s13+$0x0], $0xffff  }
0x436: {  	v15 =	vadd.f32 v41, v15;
	v57 =	vld.idx.msk [tilespmem:v48+s16+$0x0], $0xffff;
	v7 =	vmul.f32 v7, v43;
	v5 =	vadd.f32 v35, v5  }
0x437: {  	v39 =	vmul.f32 v39, v44;
	v60 =	vadd.f32 $0.0e+00, v58;
	v4 =	vadd.f32 $0.0e+00, v4;
	v58 =	vld.idx.msk [tilespmem:v48+s13+$0x0], $0xffff  }
0x438: {  	v5 =	vadd.f32 v7, v5;
	v59 =	vld.idx.msk [tilespmem:v0+s16+$0x0], $0xffff;
	v7 =	vmul.f32 v11, v54;
	v11 =	vadd.f32 v20, v15  }
0x439: {  	v17 =	vadd.f32 v47, v60;
	v56 =	vmul.f32 v45, v50;
	v4 =	vadd.f32 v61, v4;
	v0 =	vld.idx.msk [tilespmem:v0+s13+$0x0], $0xffff  }
0x43a: {  	v61 =	vld.idx.msk [tilespmem:v53+s16+$0x0], $0xffff;
	v5 =	vadd.f32 v7, v5;
	v11 =	vadd.f32 v14, v11;
	v7 =	vmul.f32 v55, v51  }
0x43b: {  	v13 =	vmul.f32 v13, v8;
	v17 =	vadd.f32 v42, v17;
	v4 =	vadd.f32 v56, v4;
	v20 =	vld.idx.msk [tilespmem:v53+s13+$0x0], $0xffff  }
0x43c: {  	v8 =	vld [tilespmem:$0x1FCF0];
	v9 =	vadd.f32 v9, v11;
	v5 =	vadd.f32 v7, v5;
	v7 =	vmul.f32 v58, v57  }
0x43d: {  	v60 =	vmul.f32 v19, v38;
	v15 =	vadd.f32 v36, v17;
	v4 =	vadd.f32 v39, v4;
	v11 =	vld [tilespmem:$0x1FD00]  }
0x43e: {  	v0 =	vmul.f32 v0, v59;
	v3 =	vadd.f32 v3, v9;
	v9 =	vld [tilespmem:$0x1FD20];
	v5 =	vadd.f32 v7, v5  }
0x43f: {  	v14 =	vadd.f32 v16, v15;
	v7 =	vld [tilespmem:$0x1FD10]  }
0x440: {  	v4 =	vadd.f32 v60, v4;
	v0 =	vadd.f32 v0, v5;
	v5 =	vmul.f32 v20, v61  }
0x441: {  	v10 =	vadd.f32 v10, v14  }
0x442: {  	v4 =	vadd.f32 v13, v4;
	v8 =	vmul.f32 v11, v8;
	v0 =	vadd.f32 v5, v0;
	v5 =	vld [tilespmem:$0x1FE60];
	_ =	sdelay $0x1  }
0x443: {  	s25 =	simm.s32 $0x100;
	v6 =	vadd.f32 v6, v10;
	v4 =	vadd.f32 v8, v4;
	v7 =	vmul.f32 v9, v7  }
0x444: {  	v1 =	vadd.f32 v1, v3;
	v8 =	vmov s25  }
0x445: {  	v2 =	vadd.f32 v2, v6;
	v3 =	vshll.u32 v8, $0x5;
	v4 =	vadd.f32 v7, v4  }
0x446: {  	v37 =	vor.u32 v5, v3  }
0x447: {  	v1 =	vadd.f32 v2, v1;
	v0 =	vadd.f32 v0, v4;
	v3 =	vor.u32 v62, v37;
	_ =	sdelay $0x1  }
0x448: {  	v2 =	vor.u32 v63, v37;
	v0 =	vadd.f32 v0, v1;
	_ =	sdelay $0x1  }
0x449: {  	v1 =	vor.u32 v12, v37;
	[tilespmem:s17+$0x0] =	vst v0  }
0x44a: {  	v43 =	vld.idx.msk [tilespmem:v3+s16+$0x0], $0xffff  }
0x44b: {  	v45 =	vld.idx.msk [tilespmem:v3+s13+$0x0], $0xffff  }
0x44c: {  	v46 =	vld.idx.msk [tilespmem:v2+s16+$0x0], $0xffff  }
0x44d: {  	v47 =	vld.idx.msk [tilespmem:v2+s13+$0x0], $0xffff  }
0x44e: {  	v3 =	vor.u32 v33, v37;
	v33 =	vld.idx.msk [tilespmem:v1+s16+$0x0], $0xffff  }
0x44f: {  	v0 =	vor.u32 v18, v37;
	v2 =	vor.u32 v34, v37;
	v34 =	vld.idx.msk [tilespmem:v1+s13+$0x0], $0xffff  }
0x450: {  	v1 =	vld [tilespmem:$0x1FED0];
	_ =	sdelay $0x3  }
0x451: {  	v48 =	vld.idx.msk [tilespmem:v0+s16+$0x0], $0xffff  }
0x452: {  	v49 =	vld.idx.msk [tilespmem:v0+s13+$0x0], $0xffff;
	v1 =	vor.u32 v1, v37  }
0x453: {  	v0 =	vld [tilespmem:$0x1FEF0]  }
0x454: {  	v50 =	vld.idx.msk [tilespmem:v3+s16+$0x0], $0xffff  }
0x455: {  	v51 =	vld.idx.msk [tilespmem:v3+s13+$0x0], $0xffff  }
0x456: {  	v3 =	vld [tilespmem:$0x1FF00]  }
0x457: {  	v52 =	vld.idx.msk [tilespmem:v1+s16+$0x0], $0xffff  }
0x458: {  	v0 =	vor.u32 v0, v37;
	v53 =	vld.idx.msk [tilespmem:v1+s13+$0x0], $0xffff  }
0x459: {  	v1 =	vld [tilespmem:$0x1FF20];
	_ =	sdelay $0x1  }
0x45a: {  	v3 =	vor.u32 v3, v37  }
0x45b: {  	v8 =	vld [tilespmem:$0x1FFA0]  }
0x45c: {  	v54 =	vld.idx.msk [tilespmem:v0+s16+$0x0], $0xffff  }
0x45d: {  	v56 =	vld.idx.msk [tilespmem:v0+s13+$0x0], $0xffff;
	v1 =	vor.u32 v1, v37  }
0x45e: {  	v0 =	vld [tilespmem:$0x1FF30]  }
0x45f: {  	v38 =	vld.idx.msk [tilespmem:v3+s16+$0x0], $0xffff  }
0x460: {  	v39 =	vld.idx.msk [tilespmem:v3+s13+$0x0], $0xffff  }
0x461: {  	v3 =	vld [tilespmem:$0x1FF40]  }
0x462: {  	v60 =	vld.idx.msk [tilespmem:v1+s16+$0x0], $0xffff  }
0x463: {  	v61 =	vld.idx.msk [tilespmem:v1+s13+$0x0], $0xffff  }
0x464: {  	v1 =	vld [tilespmem:$0x1FFB0]  }
0x465: {  	v12 =	vor.u32 v8, v37;
	v35 =	vld.idx.msk [tilespmem:v2+s16+$0x0], $0xffff  }
0x466: {  	v36 =	vld.idx.msk [tilespmem:v2+s13+$0x0], $0xffff;
	v0 =	vor.u32 v0, v37  }
0x467: {  	v2 =	vld [tilespmem:$0x1FF10]  }
0x468: {  	v3 =	vor.u32 v3, v37  }
0x469: {  	v4 =	vor.u32 v1, v37;
	v1 =	vld [tilespmem:$0x1FFC0]  }
0x46a: {  	v11 =	vld.idx.msk [tilespmem:v12+s16+$0x0], $0xffff  }
0x46b: {  	v40 =	vld.idx.msk [tilespmem:v0+s16+$0x0], $0xffff  }
0x46c: {  	v2 =	vor.u32 v2, v37;
	v41 =	vld.idx.msk [tilespmem:v0+s13+$0x0], $0xffff  }
0x46d: {  	v0 =	vld.idx.msk [tilespmem:v3+s16+$0x0], $0xffff  }
0x46e: {  	v5 =	vor.u32 v1, v37;
	v1 =	vld.idx.msk [tilespmem:v3+s13+$0x0], $0xffff  }
0x46f: {  	v3 =	vld [tilespmem:$0x1FFD0]  }
0x470: {  	v63 =	vld.idx.msk [tilespmem:v12+s13+$0x0], $0xffff  }
0x471: {  	v58 =	vld.idx.msk [tilespmem:v2+s16+$0x0], $0xffff  }
0x472: {  	v59 =	vld.idx.msk [tilespmem:v2+s13+$0x0], $0xffff  }
0x473: {  	v12 =	vlaneseq.u32;
	v2 =	vld [tilespmem:$0x1FF50]  }
0x474: {  	v14 =	vor.u32 v12, v37;
	v12 =	vld [tilespmem:$0x1FF70];
	v7 =	vor.u32 v3, v37  }
0x475: {  	v42 =	vld.idx.msk [tilespmem:v4+s16+$0x0], $0xffff  }
0x476: {  	v44 =	vld.idx.msk [tilespmem:v4+s13+$0x0], $0xffff  }
0x477: {  	v4 =	vld [tilespmem:$0x1FF90]  }
0x478: {  	v2 =	vor.u32 v2, v37;
	v3 =	vld [tilespmem:$0x1FFE0]  }
0x479: {  	v6 =	vld.idx.msk [tilespmem:v7+s16+$0x0], $0xffff  }
0x47a: {  	v8 =	vld.idx.msk [tilespmem:v7+s13+$0x0], $0xffff  }
0x47b: {  	v7 =	vld [tilespmem:$0x1FFF0]  }
0x47c: {  	v13 =	vor.u32 v12, v37;
	v12 =	vld [tilespmem:$0x1FF80];
	v4 =	vor.u32 v4, v37  }
0x47d: {  	v62 =	vld.idx.msk [tilespmem:v2+s16+$0x0], $0xffff;
	v9 =	vor.u32 v3, v37  }
0x47e: {  	v2 =	vld.idx.msk [tilespmem:v2+s13+$0x0], $0xffff  }
0x47f: {  	v3 =	vld.idx.msk [tilespmem:v5+s16+$0x0], $0xffff  }
0x480: {  	v5 =	vld.idx.msk [tilespmem:v5+s13+$0x0], $0xffff;
	v7 =	vor.u32 v7, v37  }
0x481: {  	v10 =	vld.idx.msk [tilespmem:v4+s13+$0x0], $0xffff  }
0x482: {  	v55 =	vld.idx.msk [tilespmem:v9+s16+$0x0], $0xffff  }
0x483: {  	v57 =	vld.idx.msk [tilespmem:v9+s13+$0x0], $0xffff  }
0x484: {  	v9 =	vld.idx.msk [tilespmem:v4+s16+$0x0], $0xffff  }
0x485: {  	v4 =	vld.idx.msk [tilespmem:v7+s16+$0x0], $0xffff  }
0x486: {  	s20 =	simm.s32 $0x110;
	v12 =	vor.u32 v12, v37;
	v7 =	vld.idx.msk [tilespmem:v7+s13+$0x0], $0xffff  }
.LBB2_11:
0x487: {  	_ =	sdelay $0x1  }
0x488: {  	v15 =	vld.idx.msk [tilespmem:v14+s13+$0x0], $0xffff  }
0x489: {  	v14 =	vld.idx.msk [tilespmem:v14+s16+$0x0], $0xffff  }
0x48a: {  	v17 =	vld.idx.msk [tilespmem:v13+s16+$0x0], $0xffff  }
0x48b: {  	v13 =	vld.idx.msk [tilespmem:v13+s13+$0x0], $0xffff  }
0x48c: {  	v19 =	vld.idx.msk [tilespmem:v12+s16+$0x0], $0xffff;
	v43 =	vmul.f32 v45, v43  }
0x48d: {  	v16 =	vor.u32 v24, v37;
	v12 =	vld.idx.msk [tilespmem:v12+s13+$0x0], $0xffff;
	v45 =	vmul.f32 v47, v46;
	v47 =	vmul.f32 v49, v48  }
0x48e: {  	v49 =	vld [tilespmem:$0x1FEE0];
	v0 =	vmul.f32 v1, v0;
	v1 =	vmul.f32 v2, v62  }
0x48f: {  	v18 =	vor.u32 v28, v37;
	v2 =	vld [tilespmem:$0x1FEC0];
	v3 =	vmul.f32 v5, v3;
	v5 =	vmul.f32 v8, v6  }
0x490: {  	v20 =	vor.u32 v32, v37;
	v8 =	vmul.f32 v10, v9;
	v9 =	vmul.f32 v63, v11;
	v11 =	vld [tilespmem:$0x1FEA0]  }
0x491: {  	v62 =	vld [tilespmem:$0x1FE80]  }
0x492: {  	v46 =	vld.idx.msk [tilespmem:v16+s16+$0x0], $0xffff  }
0x493: {  	v16 =	vld.idx.msk [tilespmem:v16+s13+$0x0], $0xffff  }
0x494: {  	v48 =	vmul.f32 v51, v50;
	v50 =	vmul.f32 v53, v52;
	v52 =	vld.idx.msk [tilespmem:v18+s16+$0x0], $0xffff  }
0x495: {  	v6 =	vld.idx.msk [tilespmem:v20+s16+$0x0], $0xffff  }
0x496: {  	v49 =	vor.u32 v49, v37;
	v10 =	vld.idx.msk [tilespmem:v20+s13+$0x0], $0xffff  }
0x497: {  	v20 =	vld [tilespmem:$0x1FE50]  }
0x498: {  	v18 =	vld.idx.msk [tilespmem:v18+s13+$0x0], $0xffff;
	v2 =	vor.u32 v2, v37  }
0x499: {  	v14 =	vmul.f32 v15, v14  }
0x49a: {  	v13 =	vmul.f32 v13, v17;
	v12 =	vmul.f32 v12, v19;
	v11 =	vor.u32 v11, v37  }
0x49b: {  	v4 =	vmul.f32 v7, v4;
	v14 =	vadd.f32 $0.0e+00, v14;
	v15 =	vld.idx.msk [tilespmem:v49+s16+$0x0], $0xffff;
	v16 =	vmul.f32 v16, v46  }
0x49c: {  	v13 =	vadd.f32 $0.0e+00, v13;
	v12 =	vadd.f32 $0.0e+00, v12;
	v63 =	vld.idx.msk [tilespmem:v49+s13+$0x0], $0xffff;
	v20 =	vor.u32 v20, v37  }
0x49d: {  	v17 =	vor.u32 v62, v37;
	v18 =	vmul.f32 v18, v52;
	v16 =	vadd.f32 $0.0e+00, v16;
	v7 =	vld.idx.msk [tilespmem:v2+s16+$0x0], $0xffff  }
0x49e: {  	v8 =	vadd.f32 v8, v14;
	v9 =	vadd.f32 v9, v13;
	v13 =	vmul.f32 v57, v55;
	v2 =	vld.idx.msk [tilespmem:v2+s13+$0x0], $0xffff  }
0x49f: {  	v4 =	vadd.f32 v4, v12;
	v6 =	vmul.f32 v10, v6;
	v14 =	vld.idx.msk [tilespmem:v11+s16+$0x0], $0xffff;
	v12 =	vadd.f32 v18, v16  }
0x4a0: {  	v3 =	vadd.f32 v3, v8;
	v5 =	vadd.f32 v5, v9;
	v8 =	vmul.f32 v44, v42;
	v10 =	vld.idx.msk [tilespmem:v11+s13+$0x0], $0xffff  }
0x4a1: {  	v4 =	vadd.f32 v13, v4;
	v9 =	vld.idx.msk [tilespmem:v20+s16+$0x0], $0xffff;
	v11 =	vmul.f32 v63, v15;
	v6 =	vadd.f32 v6, v12  }
0x4a2: {  	v0 =	vadd.f32 v0, v3;
	v1 =	vadd.f32 v1, v5;
	v3 =	vmul.f32 v41, v40;
	v12 =	vld.idx.msk [tilespmem:v20+s13+$0x0], $0xffff  }
0x4a3: {  	v4 =	vadd.f32 v8, v4;
	v5 =	vld.idx.msk [tilespmem:v17+s16+$0x0], $0xffff;
	v6 =	vadd.f32 v11, v6;
	v2 =	vmul.f32 v2, v7  }
0x4a4: {  	v7 =	vld.idx.msk [tilespmem:v17+s13+$0x0], $0xffff  }
0x4a5: {  	v3 =	vadd.f32 v3, v4;
	v4 =	vmul.f32 v10, v14;
	v2 =	vadd.f32 v2, v6  }
0x4a6: {  	v59 =	vmul.f32 v59, v58;
	v61 =	vmul.f32 v61, v60  }
0x4a7: {  	v2 =	vadd.f32 v4, v2;
	v4 =	vmul.f32 v12, v9  }
0x4a8: {  	v51 =	vmul.f32 v56, v54;
	v0 =	vadd.f32 v59, v0;
	v1 =	vadd.f32 v61, v1  }
0x4a9: {  	v8 =	vmul.f32 v39, v38;
	v2 =	vadd.f32 v4, v2;
	v4 =	vmul.f32 v7, v5  }
0x4aa: {  	v0 =	vadd.f32 v50, v0;
	v1 =	vadd.f32 v51, v1  }
0x4ab: {  	v3 =	vadd.f32 v8, v3;
	v6 =	vmul.f32 v36, v35;
	v2 =	vadd.f32 v4, v2;
	v4 =	vld [tilespmem:$0x1FE60]  }
0x4ac: {  	v0 =	vadd.f32 v47, v0  }
0x4ad: {  	v8 =	vmul.f32 v34, v33;
	v1 =	vadd.f32 v48, v1;
	v3 =	vadd.f32 v6, v3  }
0x4ae: {  	v0 =	vadd.f32 v43, v0;
	v5 =	vmov s20  }
0x4af: {  	v1 =	vadd.f32 v45, v1;
	v3 =	vadd.f32 v8, v3;
	v5 =	vshll.u32 v5, $0x5  }
0x4b0: {  	v37 =	vor.u32 v4, v5  }
0x4b1: {  	v0 =	vadd.f32 v1, v0;
	v1 =	vadd.f32 v2, v3;
	v2 =	vld [tilespmem:$0x1FE30];
	v7 =	vor.u32 v30, v37  }
0x4b2: {  	v3 =	vld [tilespmem:$0x1FE90]  }
0x4b3: {  	v0 =	vadd.f32 v1, v0;
	v1 =	vld [tilespmem:$0x1FE40];
	v9 =	vor.u32 v21, v37  }
0x4b4: {  	s17 =	sadd.s32 $0x10, s17;
	v4 =	vld [tilespmem:$0x1FE20]  }
0x4b5: {  	[tilespmem:s17+$0x0] =	vst v0;
	v0 =	vld [tilespmem:$0x1FE70];
	v12 =	vor.u32 v27, v37  }
0x4b6: {  	v6 =	vld.idx.msk [tilespmem:v7+s16+$0x0], $0xffff  }
0x4b7: {  	v2 =	vor.u32 v2, v37;
	v8 =	vld.idx.msk [tilespmem:v7+s13+$0x0], $0xffff  }
0x4b8: {  	v55 =	vld.idx.msk [tilespmem:v9+s16+$0x0], $0xffff  }
0x4b9: {  	v57 =	vld.idx.msk [tilespmem:v9+s13+$0x0], $0xffff  }
0x4ba: {  	v3 =	vor.u32 v3, v37;
	v11 =	vld.idx.msk [tilespmem:v12+s16+$0x0], $0xffff  }
0x4bb: {  	v63 =	vld.idx.msk [tilespmem:v12+s13+$0x0], $0xffff  }
0x4bc: {  	v46 =	vld.idx.msk [tilespmem:v2+s16+$0x0], $0xffff  }
0x4bd: {  	v1 =	vor.u32 v1, v37;
	v47 =	vld.idx.msk [tilespmem:v2+s13+$0x0], $0xffff  }
0x4be: {  	v2 =	vld [tilespmem:$0x1FEB0]  }
0x4bf: {  	v4 =	vor.u32 v4, v37;
	v50 =	vld.idx.msk [tilespmem:v3+s16+$0x0], $0xffff  }
0x4c0: {  	v51 =	vld.idx.msk [tilespmem:v3+s13+$0x0], $0xffff  }
0x4c1: {  	v3 =	vld [tilespmem:$0x1FF00]  }
0x4c2: {  	v0 =	vor.u32 v0, v37;
	v33 =	vld.idx.msk [tilespmem:v1+s16+$0x0], $0xffff  }
0x4c3: {  	v34 =	vld.idx.msk [tilespmem:v1+s13+$0x0], $0xffff  }
0x4c4: {  	v43 =	vld.idx.msk [tilespmem:v4+s16+$0x0], $0xffff  }
0x4c5: {  	v45 =	vld.idx.msk [tilespmem:v4+s13+$0x0], $0xffff;
	v4 =	vor.u32 v26, v37  }
0x4c6: {  	v1 =	vld [tilespmem:$0x1FED0]  }
0x4c7: {  	v48 =	vld.idx.msk [tilespmem:v0+s16+$0x0], $0xffff;
	v2 =	vor.u32 v2, v37  }
0x4c8: {  	v49 =	vld.idx.msk [tilespmem:v0+s13+$0x0], $0xffff  }
0x4c9: {  	v0 =	vld [tilespmem:$0x1FEF0]  }
0x4ca: {  	v3 =	vor.u32 v3, v37;
	v42 =	vld.idx.msk [tilespmem:v4+s16+$0x0], $0xffff  }
0x4cb: {  	v44 =	vld.idx.msk [tilespmem:v4+s13+$0x0], $0xffff  }
0x4cc: {  	v35 =	vld.idx.msk [tilespmem:v2+s16+$0x0], $0xffff  }
0x4cd: {  	v1 =	vor.u32 v1, v37;
	v36 =	vld.idx.msk [tilespmem:v2+s13+$0x0], $0xffff  }
0x4ce: {  	v2 =	vld [tilespmem:$0x1FF10]  }
0x4cf: {  	v38 =	vld.idx.msk [tilespmem:v3+s16+$0x0], $0xffff  }
0x4d0: {  	v4 =	vor.u32 v29, v37;
	v39 =	vld.idx.msk [tilespmem:v3+s13+$0x0], $0xffff  }
0x4d1: {  	v0 =	vor.u32 v0, v37;
	v3 =	vld [tilespmem:$0x1FF40]  }
0x4d2: {  	v52 =	vld.idx.msk [tilespmem:v1+s16+$0x0], $0xffff  }
0x4d3: {  	v53 =	vld.idx.msk [tilespmem:v1+s13+$0x0], $0xffff  }
0x4d4: {  	v1 =	vld [tilespmem:$0x1FF20]  }
0x4d5: {  	v7 =	vor.u32 v25, v37;
	v9 =	vld.idx.msk [tilespmem:v4+s16+$0x0], $0xffff  }
0x4d6: {  	v54 =	vld.idx.msk [tilespmem:v0+s16+$0x0], $0xffff;
	v2 =	vor.u32 v2, v37  }
0x4d7: {  	v56 =	vld.idx.msk [tilespmem:v0+s13+$0x0], $0xffff  }
0x4d8: {  	v10 =	vlaneseq.u32;
	v0 =	vld [tilespmem:$0x1FF30]  }
0x4d9: {  	v14 =	vor.u32 v10, v37;
	v10 =	vld.idx.msk [tilespmem:v4+s13+$0x0], $0xffff  }
0x4da: {  	v4 =	vld.idx.msk [tilespmem:v7+s16+$0x0], $0xffff;
	v1 =	vor.u32 v1, v37  }
0x4db: {  	v58 =	vld.idx.msk [tilespmem:v2+s16+$0x0], $0xffff  }
0x4dc: {  	v3 =	vor.u32 v3, v37;
	v59 =	vld.idx.msk [tilespmem:v2+s13+$0x0], $0xffff  }
0x4dd: {  	v0 =	vor.u32 v0, v37;
	v2 =	vld [tilespmem:$0x1FF50]  }
0x4de: {  	v7 =	vld.idx.msk [tilespmem:v7+s13+$0x0], $0xffff  }
0x4df: {  	v60 =	vld.idx.msk [tilespmem:v1+s16+$0x0], $0xffff  }
0x4e0: {  	v5 =	vor.u32 v31, v37;
	v61 =	vld.idx.msk [tilespmem:v1+s13+$0x0], $0xffff  }
0x4e1: {  	v1 =	vld.idx.msk [tilespmem:v3+s13+$0x0], $0xffff  }
0x4e2: {  	v40 =	vld.idx.msk [tilespmem:v0+s16+$0x0], $0xffff;
	v2 =	vor.u32 v2, v37  }
0x4e3: {  	p1 =	sne.s32 s20, $0x130;
	v41 =	vld.idx.msk [tilespmem:v0+s13+$0x0], $0xffff  }
.Ltmp4:
0x4e4: {  	v0 =	vld.idx.msk [tilespmem:v3+s16+$0x0], $0xffff;
	(pc) =	sbr.rel @p1 .LBB2_11-.Ltmp4, $4  }
0x4e5: {  	v3 =	vld.idx.msk [tilespmem:v5+s16+$0x0], $0xffff  }
0x4e6: {  	v5 =	vld.idx.msk [tilespmem:v5+s13+$0x0], $0xffff  }
0x4e7: {  	v62 =	vld.idx.msk [tilespmem:v2+s16+$0x0], $0xffff  }
0x4e8: {  	s20 =	sadd.s32 $0x10, s20;
	v13 =	vor.u32 v23, v37;
	v12 =	vor.u32 v22, v37;
	v2 =	vld.idx.msk [tilespmem:v2+s13+$0x0], $0xffff  }
0x4e9: {  	_ =	sdelay $0x3  }
0x4ea: {  	v15 =	vld.idx.msk [tilespmem:v14+s13+$0x0], $0xffff  }
0x4eb: {  	v14 =	vld.idx.msk [tilespmem:v14+s16+$0x0], $0xffff  }
0x4ec: {  	v17 =	vld.idx.msk [tilespmem:v13+s16+$0x0], $0xffff  }
0x4ed: {  	v13 =	vld.idx.msk [tilespmem:v13+s13+$0x0], $0xffff  }
0x4ee: {  	v16 =	vor.u32 v24, v37;
	v19 =	vld.idx.msk [tilespmem:v12+s16+$0x0], $0xffff  }
0x4ef: {  	v20 =	vmul.f32 v45, v43;
	v43 =	vmul.f32 v47, v46;
	v12 =	vld.idx.msk [tilespmem:v12+s13+$0x0], $0xffff  }
0x4f0: {  	v18 =	vor.u32 v28, v37;
	v47 =	vmul.f32 v51, v50;
	v50 =	vmul.f32 v56, v54;
	v56 =	vld [tilespmem:$0x1FEE0]  }
0x4f1: {  	v28 =	vld [tilespmem:$0x1FEC0]  }
0x4f2: {  	v45 =	vor.u32 v32, v37;
	v32 =	vld [tilespmem:$0x1FEA0]  }
0x4f3: {  	v46 =	vmul.f32 v49, v48;
	v48 =	vld.idx.msk [tilespmem:v16+s16+$0x0], $0xffff  }
0x4f4: {  	v16 =	vld.idx.msk [tilespmem:v16+s13+$0x0], $0xffff  }
0x4f5: {  	v49 =	vmul.f32 v53, v52;
	v53 =	vmul.f32 v61, v60;
	v61 =	vld.idx.msk [tilespmem:v18+s16+$0x0], $0xffff  }
0x4f6: {  	v0 =	vmul.f32 v1, v0;
	v1 =	vmul.f32 v2, v62;
	v2 =	vld.idx.msk [tilespmem:v18+s13+$0x0], $0xffff  }
0x4f7: {  	v51 =	vor.u32 v56, v37;
	v24 =	vld.idx.msk [tilespmem:v45+s16+$0x0], $0xffff  }
0x4f8: {  	v3 =	vmul.f32 v5, v3;
	v5 =	vmul.f32 v8, v6;
	v56 =	vld [tilespmem:$0x1FE50]  }
0x4f9: {  	v8 =	vmul.f32 v10, v9;
	v9 =	vmul.f32 v63, v11;
	v18 =	vor.u32 v28, v37;
	v11 =	vld.idx.msk [tilespmem:v45+s13+$0x0], $0xffff  }
0x4fa: {  	v52 =	vmul.f32 v59, v58;
	v14 =	vmul.f32 v15, v14;
	v45 =	vld [tilespmem:$0x1FE80]  }
0x4fb: {  	v10 =	vor.u32 v32, v37;
	v13 =	vmul.f32 v13, v17;
	v12 =	vmul.f32 v12, v19  }
0x4fc: {  	v4 =	vmul.f32 v7, v4;
	v14 =	vadd.f32 $0.0e+00, v14;
	v17 =	vld.idx.msk [tilespmem:v51+s16+$0x0], $0xffff;
	v16 =	vmul.f32 v16, v48  }
0x4fd: {  	v13 =	vadd.f32 $0.0e+00, v13;
	v12 =	vadd.f32 $0.0e+00, v12;
	v19 =	vor.u32 v56, v37;
	v58 =	vld.idx.msk [tilespmem:v51+s13+$0x0], $0xffff  }
0x4fe: {  	v8 =	vadd.f32 v8, v14;
	v59 =	vld.idx.msk [tilespmem:v18+s16+$0x0], $0xffff;
	v2 =	vmul.f32 v2, v61;
	v16 =	vadd.f32 $0.0e+00, v16  }
0x4ff: {  	v9 =	vadd.f32 v9, v13;
	v13 =	vmul.f32 v57, v55;
	v15 =	vor.u32 v45, v37;
	v18 =	vld.idx.msk [tilespmem:v18+s13+$0x0], $0xffff  }
0x500: {  	v4 =	vadd.f32 v4, v12;
	v14 =	vld.idx.msk [tilespmem:v10+s16+$0x0], $0xffff;
	v6 =	vmul.f32 v11, v24;
	v2 =	vadd.f32 v2, v16  }
0x501: {  	v10 =	vld.idx.msk [tilespmem:v10+s13+$0x0], $0xffff;
	v3 =	vadd.f32 v3, v8;
	v5 =	vadd.f32 v5, v9;
	v8 =	vmul.f32 v44, v42  }
0x502: {  	v4 =	vadd.f32 v13, v4;
	v9 =	vld.idx.msk [tilespmem:v19+s16+$0x0], $0xffff;
	v60 =	vmul.f32 v58, v17;
	v2 =	vadd.f32 v6, v2  }
0x503: {  	v0 =	vadd.f32 v0, v3;
	v1 =	vadd.f32 v1, v5;
	v3 =	vmul.f32 v41, v40;
	v11 =	vld.idx.msk [tilespmem:v19+s13+$0x0], $0xffff  }
0x504: {  	v4 =	vadd.f32 v8, v4;
	v5 =	vld.idx.msk [tilespmem:v15+s16+$0x0], $0xffff;
	v61 =	vmul.f32 v18, v59;
	v2 =	vadd.f32 v60, v2  }
0x505: {  	v8 =	vmul.f32 v39, v38;
	v62 =	vld.idx.msk [tilespmem:v15+s13+$0x0], $0xffff;
	v0 =	vadd.f32 v52, v0;
	v1 =	vadd.f32 v53, v1  }
0x506: {  	v3 =	vadd.f32 v3, v4;
	v4 =	vmul.f32 v10, v14;
	v2 =	vadd.f32 v61, v2  }
0x507: {  	v63 =	vmul.f32 v36, v35;
	v0 =	vadd.f32 v49, v0;
	v1 =	vadd.f32 v50, v1  }
0x508: {  	v3 =	vadd.f32 v8, v3;
	v2 =	vadd.f32 v4, v2;
	v4 =	vmul.f32 v11, v9  }
0x509: {  	v8 =	vmul.f32 v34, v33;
	v0 =	vadd.f32 v46, v0;
	v1 =	vadd.f32 v47, v1  }
0x50a: {  	v3 =	vadd.f32 v63, v3;
	v2 =	vadd.f32 v4, v2;
	v4 =	vmul.f32 v62, v5  }
0x50b: {  	v0 =	vadd.f32 v20, v0;
	v1 =	vadd.f32 v43, v1  }
0x50c: {  	v3 =	vadd.f32 v8, v3;
	v2 =	vadd.f32 v4, v2;
	_ =	sdelay $0x1  }
0x50d: {  	s24 =	smul.u32 $0x140, s12;
	v0 =	vadd.f32 v1, v0;
	v1 =	vadd.f32 v2, v3;
	_ =	sdelay $0x1  }
0x50e: {  	s13 =	sadd.s32 s4, s24;
	v0 =	vadd.f32 v1, v0  }
0x50f: {  	s25 =	sadd.s32 $0x10, s17;
	s13 =	sshrl.u32 s13, $0x3  }
0x510: {  	s13 =	sadd.s32 s1, s13;
	[tilespmem:s25+$0x0] =	vst v0  }
0x511: {  	[hbm4b:s13+s3] =	stream.linear.scatter [tilespmem:s19], [sflag:$0xC], $0x140, $0x38;
	[tilespmem:$0xAA00] =	vst v63  }
0x512: {  	_ =	swait.ge [sflag:s0], $0x140  }
0x513: {  	v20 =	vld [tilespmem:$0x1FE60]  }
0x514: {  	v41 =	vld [tilespmem:$0x1FF40]  }
0x515: {  	v43 =	vld [tilespmem:$0x1FF50]  }
0x516: {  	v37 =	vld [tilespmem:$0x1FF20]  }
0x517: {  	v18 =	vld [tilespmem:$0x1FED0]  }
0x518: {  	v51 =	vmov v21;
	v21 =	vld [tilespmem:$0x1FF30]  }
0x519: {  	v14 =	vld [tilespmem:$0x1FEF0]  }
0x51a: {  	v35 =	vld [tilespmem:$0x1FF00]  }
0x51b: {  	s12 =	sadd.s32 $0x1, s12;
	v9 =	vld [tilespmem:$0x1FE70]  }
0x51c: {  	p1 =	sne.s32 s12, $0x7D;
	v49 =	vmov v30;
	v30 =	vld [tilespmem:$0x1FE90]  }
.Ltmp5:
0x51d: {  	v53 =	vmov v29;
	v29 =	vld [tilespmem:$0x1FEB0];
	(pc) =	sbr.rel @p1 .LBB2_2-.Ltmp5, $4  }
0x51e: {  	v61 =	vmov v23;
	v23 =	vld [tilespmem:$0x1FF10]  }
0x51f: {  	v47 =	vmov v31;
	v31 =	vld [tilespmem:$0x1FE20]  }
0x520: {  	v63 =	vmov v22;
	[sflag:s0] =	ssyncset.done $0x0;
	v22 =	vld [tilespmem:$0x1FE30]  }
0x521: {  	p0 =	por !p0, !p0;
	v55 =	vmov v27;
	v57 =	vmov v25;
	v45 =	vmov v26;
	v3 =	vld [tilespmem:$0x1FE40];
	[sflag:s0] =	ssyncadd.s32 $0xFFFFFEC0  }
0x522: {  	s2 =	sadd.s32 $0x1, s2  }
0x523: {  	p0 =	sne.s32 s2, s21  }
.Ltmp6:
0x524: {  	_ = 	snop;
	(pc) =	sbr.rel @p0 .LBB2_1-.Ltmp6, $1  }
0x525: {  	_ =	sdelay $0x3  }
0x526: {  	_ =	sfence.sel $0x180000  }
0x527: {  	[bflag:$0x0] =	sbarrier.arrive $0xFFFF  }
0x528: {  	_ =	strace $0x90000047  }
0x529: {  	s0 =	stileid.u32;
	[bflag:$0x2] =	sbarrier.arrive $0xFFFF  }
0x52a: {  	p0 =	sne.s32 s0, $0x0;
	s0 =	rddreg [dreg:$0x2]  }
0x52b: {  	s0 =	sadd.s32 @!p0 $0x100000, s0  }
0x52c: {  	[sflag:s0] =	ssyncadd.tile.s32 @!p0 $0x1;
	_ =	shalt  }
.Lfunc_end2:
_tile_overlayer_lowered:
.L_overlay_start_2:
0x52d: {  	(tag) =	ssettag $0x2  }
0x52e: {  	s0 =	rddreg [dreg:$0x0];
	s2 =	stileid.u32  }
0x52f: {  	s1 =	rddreg [dreg:$0x1];
	p0 =	sne.s32 s2, $0x0  }
0x530: {  	s3 =	rddreg [dreg:$0x2];
	[bflag:$0x3] =	sbarrier.arrive $0xFFFF;
	s2 =	simm.s32 @!p0 $0x1C0C  }
0x531: {  	[timem:s3], [sflag:s2] =	dma.local @!p0 [hbm:s0], s1  }
0x532: {  	s0 =	simm.s32 @!p0 $0xC  }
0x533: {  	_ =	swait.ge @!p0 [sflag:s0], s1  }
0x534: {  	s1 =	ssub.s32 @!p0 $0x0, s1;
	[sflag:s0] =	ssyncset.done @!p0 $0x0  }
0x535: {  	[sflag:s0] =	ssyncadd.s32 @!p0 s1  }
0x536: {  	[bflag:$0x3] =	sbarrier.arrive $0xFFFF  }
0x537: {  	_ =	shalt  }

</sc_bundles>
